<compile_context>
chip_gen: v7x
topology: tpu7x:2x2x1
jax: 0.10.2.dev20260603
libtpu: 0.0.44.dev20260713+nightly
codegen_flags: <defaults>
</compile_context>

<pallas_src>
import jax
import jax.numpy as jnp
from jax import lax
from jax.experimental import pallas as pl
from jax.experimental.pallas import tpu as pltpu
from jax.experimental.pallas import tpu_sc as plsc

NC = 2
NS = 16
L = 16
CH = 128

_f32 = jnp.float32


def _mesh():
    return plsc.VectorSubcoreMesh(
        core_axis_name="c", subcore_axis_name="s", num_cores=NC, num_subcores=NS
    )


def _zero_1d(ref, n):
    z = jnp.zeros((L,), _f32)

    def body(i, _):
        ref[pl.ds(i * L, L)] = z
        return 0

    lax.fori_loop(0, n // L, body, 0)


def _chunk_range(cid, sid, cpw0, cpw1):
    base = jnp.where(cid == 0, sid * cpw0, NS * cpw0 + sid * cpw1)
    cnt = jnp.where(cid == 0, cpw0, cpw1)
    return base, cnt


def _scalar_agg(Np, CPW0, CPW1, with_table):
    SL = Np // NS
    CPX = max(CPW0, CPW1)

    def body(*refs):
        if with_table:
            (src_hbm, dst_hbm, table_hbm, out_hbm,
             src_v, dst_v, table_v, acc_v, tmp_v, out_v, shared) = refs
        else:
            (dst_hbm, out_hbm, dst_v, acc_v, tmp_v, out_v, shared) = refs
        cid = lax.axis_index("c")
        sid = lax.axis_index("s")
        base, _ = _chunk_range(cid, sid, CPW0, CPW1)

        _zero_1d(acc_v, Np)
        pltpu.sync_copy(dst_hbm.at[pl.ds(base, CPX)], dst_v)
        if with_table:
            pltpu.sync_copy(src_hbm.at[pl.ds(base, CPX)], src_v)
            pltpu.sync_copy(table_hbm, table_v)
        ones = jnp.ones((L,), _f32)

        def edge_body(g, _):
            for r in range(CH // L):
                dv = dst_v[g, pl.ds(r * L, L)]
                if with_table:
                    sv = src_v[g, pl.ds(r * L, L)]
                    vals = plsc.load_gather(table_v, [sv])
                else:
                    vals = ones
                plsc.addupdate_scatter(acc_v, [dv], vals)
            return 0

        @pl.when(cid == 0)
        def _():
            lax.fori_loop(0, CPW0, edge_body, 0)

        @pl.when(cid != 0)
        def _():
            lax.fori_loop(0, CPW1, edge_body, 0)

        pltpu.sync_copy(acc_v, shared.at[sid])
        plsc.subcore_barrier()
        for t in range(NS):
            pltpu.sync_copy(shared.at[t, pl.ds(sid * SL, SL)], tmp_v.at[t])

        def merge_body(j, _):
            s = tmp_v[0, pl.ds(j * L, L)]
            for t in range(1, NS):
                s = s + tmp_v[t, pl.ds(j * L, L)]
            out_v[pl.ds(j * L, L)] = s
            return 0

        lax.fori_loop(0, SL // L, merge_body, 0)
        pltpu.sync_copy(out_v, out_hbm.at[cid, pl.ds(sid * SL, SL)])

    scratch = []
    if with_table:
        scratch.append(pltpu.VMEM((CPX, CH), jnp.int32))
    scratch.append(pltpu.VMEM((CPX, CH), jnp.int32))
    if with_table:
        scratch.append(pltpu.VMEM((Np,), _f32))
    scratch += [
        pltpu.VMEM((Np,), _f32),
        pltpu.VMEM((NS, SL), _f32),
        pltpu.VMEM((SL,), _f32),
        pltpu.VMEM_SHARED((NS, Np), _f32),
    ]
    return pl.kernel(
        body,
        out_type=jax.ShapeDtypeStruct((NC, Np), _f32),
        mesh=_mesh(),
        scratch_types=scratch,
        compiler_params=pltpu.CompilerParams(
            needs_layout_passes=False, use_tc_tiling_on_sc=False
        ),
    )


NB = 1


def _row_agg(Np, D, CPW0, CPW1):
    SL = Np // NS
    RB = SL // CH
    RING = 2 * NB
    assert CPW0 % RING == 0 and CPW1 % RING == 0 and min(CPW0, CPW1) >= RING
    CPX = max(CPW0, CPW1)

    def body(y_hbm, src_hbm, dst_hbm, out_hbm,
             src_v, dst_v, rows, gsems, ssems, shared):
        cid = lax.axis_index("c")
        sid = lax.axis_index("s")
        base, _ = _chunk_range(cid, sid, CPW0, CPW1)

        pltpu.sync_copy(src_hbm.at[pl.ds(base, CPX)], src_v)
        pltpu.sync_copy(dst_hbm.at[pl.ds(base, CPX)], dst_v)

        zrow = jnp.zeros((L,), _f32)

        def zbody(i, _):
            for j in range(D // L):
                rows.at[0][i, pl.ds(j * L, L)] = zrow
            return 0

        lax.fori_loop(0, CH, zbody, 0)
        for k in range(RB):
            pltpu.sync_copy(rows.at[0], shared.at[pl.ds(sid * SL + k * CH, CH)])
        plsc.subcore_barrier()

        def run_ring(cpw):
            for b in range(NB):
                pltpu.async_copy(y_hbm.at[src_v.at[b]], rows.at[b], gsems.at[b])

            def edge_body(g, _):
                for b in range(RING):
                    c = g * RING + b
                    b2 = (b + NB) % RING
                    pltpu.make_async_copy(
                        y_hbm.at[src_v.at[c]], rows.at[b], gsems.at[b]
                    ).wait()
                    pltpu.async_copy(
                        rows.at[b], shared.at[dst_v.at[c]], ssems.at[b], add=True
                    )

                    @pl.when(c >= NB)
                    def _():
                        pltpu.make_async_copy(
                            rows.at[b2], shared.at[dst_v.at[c - NB]], ssems.at[b2]
                        ).wait()

                    @pl.when(c + NB < cpw)
                    def _():
                        pltpu.async_copy(
                            y_hbm.at[src_v.at[c + NB]], rows.at[b2], gsems.at[b2]
                        )
                return 0

            lax.fori_loop(0, cpw // RING, edge_body, 0)
            for k in range(NB):
                c = cpw - NB + k
                b2 = c % RING
                pltpu.make_async_copy(
                    rows.at[b2], shared.at[dst_v.at[c]], ssems.at[b2]
                ).wait()

        @pl.when(cid == 0)
        def _():
            run_ring(CPW0)

        @pl.when(cid != 0)
        def _():
            run_ring(CPW1)

        plsc.subcore_barrier()

        for k in range(RB):
            pltpu.sync_copy(shared.at[pl.ds(sid * SL + k * CH, CH)], rows.at[0])
            pltpu.sync_copy(rows.at[0], out_hbm.at[cid, pl.ds(sid * SL + k * CH, CH)])

    return pl.kernel(
        body,
        out_type=jax.ShapeDtypeStruct((NC, Np, D), _f32),
        mesh=_mesh(),
        scratch_types=[
            pltpu.VMEM((CPX, CH), jnp.int32),
            pltpu.VMEM((CPX, CH), jnp.int32),
            pltpu.VMEM((2 * NB, CH, D), _f32),
            pltpu.SemaphoreType.DMA((2 * NB,)),
            pltpu.SemaphoreType.DMA((2 * NB,)),
            pltpu.VMEM_SHARED((Np, D), _f32),
        ],
        compiler_params=pltpu.CompilerParams(
            needs_layout_passes=False, use_tc_tiling_on_sc=False
        ),
    )


def _dis(deg_ref):
    deg = deg_ref[:, 0:1] + deg_ref[:, 1:2] + 1.0
    return lax.rsqrt(deg)


def _tc_y1(x_p, W1, degp_t, RB=2048):
    Np, DI = x_p.shape
    DH = W1.shape[1]

    def body(x_ref, w_ref, deg_ref, y_ref):
        dis = _dis(deg_ref)
        xw = jnp.dot(x_ref[...], w_ref[...], preferred_element_type=_f32)
        y_ref[...] = dis * xw

    return pl.pallas_call(
        body,
        grid=(Np // RB,),
        in_specs=[
            pl.BlockSpec((RB, DI), lambda i: (i, 0)),
            pl.BlockSpec((DI, DH), lambda i: (0, 0)),
            pl.BlockSpec((RB, 2), lambda i: (i, 0)),
        ],
        out_specs=pl.BlockSpec((RB, DH), lambda i: (i, 0)),
        out_shape=jax.ShapeDtypeStruct((Np, DH), _f32),
    )(x_p, W1, degp_t)


def _tc_y2(y1, aggp, degp_t, W2, b1, RB=2048):
    Np, DH = y1.shape

    def body(y_ref, agg_ref, deg_ref, w2_ref, b1_ref, y2_ref):
        dis = _dis(deg_ref)
        agg = agg_ref[0] + agg_ref[1]
        h = jnp.maximum(dis * (agg + y_ref[...]) + b1_ref[...], 0.0)
        z = jnp.dot(h, w2_ref[...], preferred_element_type=_f32)
        y2_ref[...] = dis * z

    return pl.pallas_call(
        body,
        grid=(Np // RB,),
        in_specs=[
            pl.BlockSpec((RB, DH), lambda i: (i, 0)),
            pl.BlockSpec((NC, RB, DH), lambda i: (0, i, 0)),
            pl.BlockSpec((RB, 2), lambda i: (i, 0)),
            pl.BlockSpec((DH, 1), lambda i: (0, 0)),
            pl.BlockSpec((1, DH), lambda i: (0, 0)),
        ],
        out_specs=pl.BlockSpec((RB, 1), lambda i: (i, 0)),
        out_shape=jax.ShapeDtypeStruct((Np, 1), _f32),
    )(y1, aggp, degp_t, W2, b1)


def _tc_out(agg2p_t, y2, degp_t, b2, RB=2048):
    Np = y2.shape[0]

    def body(a2_ref, y2_ref, deg_ref, b2_ref, o_ref):
        dis = _dis(deg_ref)
        agg2 = a2_ref[:, 0:1] + a2_ref[:, 1:2]
        o_ref[...] = dis * (agg2 + y2_ref[...]) + b2_ref[...]

    return pl.pallas_call(
        body,
        grid=(Np // RB,),
        in_specs=[
            pl.BlockSpec((RB, 2), lambda i: (i, 0)),
            pl.BlockSpec((RB, 1), lambda i: (i, 0)),
            pl.BlockSpec((RB, 2), lambda i: (i, 0)),
            pl.BlockSpec((1, 1), lambda i: (0, 0)),
        ],
        out_specs=pl.BlockSpec((RB, 1), lambda i: (i, 0)),
        out_shape=jax.ShapeDtypeStruct((Np, 1), _f32),
    )(agg2p_t, y2, degp_t, b2)


@jax.jit
def kernel(x, edge_index, W1, b1, W2, b2):
    N, DI = x.shape
    DH = W1.shape[1]
    E = edge_index.shape[1]

    Np = ((N + 1 + NS * L - 1) // (NS * L)) * (NS * L)
    RING = 2 * NB
    nch = (E + CH - 1) // CH
    PW = (nch + NS - 1) // NS
    PW = (PW + RING - 1) // RING * RING
    TCH = NS * PW
    Ep = TCH * CH
    RCPW0 = max(RING, (PW * 38 // 100 + RING - 1) // RING * RING)
    RCPW1 = PW - RCPW0
    SCPW0 = max(1, PW * 4 // 10)
    SCPW1 = PW - SCPW0

    pad = jnp.full((Ep - E,), N, jnp.int32)
    src2 = jnp.concatenate([edge_index[0], pad]).reshape(TCH, CH)
    dst2 = jnp.concatenate([edge_index[1], pad]).reshape(TCH, CH)
    x_p = jnp.pad(x, ((0, Np - N), (0, 0)))

    degp = _scalar_agg(Np, SCPW1, SCPW0, with_table=False)(dst2)
    degp_t = degp.T
    y1 = _tc_y1(x_p, W1, degp_t)
    aggp = _row_agg(Np, DH, RCPW1, RCPW0)(y1, src2, dst2)
    y2 = _tc_y2(y1, aggp, degp_t, W2, b1.reshape(1, DH))
    agg2p = _scalar_agg(Np, SCPW1, SCPW0, with_table=True)(
        src2, dst2, y2.reshape(Np))
    out = _tc_out(agg2p.T, y2, degp_t, b2.reshape(1, 1))
    return out[:N]

# --- scband reference (transcript-rebuilt; emitter-appended) ---
"""Pipeline reference for scband-multimodal-gnn-17068200034898 (READ-ONLY COPY).

The authoritative reference and input builder live on the scoring server;
editing this copy changes nothing except your own understanding.
"""

import jax, jax.numpy as jnp
import numpy as np

N = 10000
E = 320000
D_IN = 128
D_H = 64
D_OUT = 1


def setup_inputs(seed: int = 0) -> dict:
    key = jax.random.key(seed)
    k1, k2, k3, k4 = jax.random.split(key, 4)
    x = jax.random.normal(k1, (N, D_IN), dtype=jnp.float32)
    edge_index = jax.random.randint(k2, (2, E), 0, N, dtype=jnp.int32)
    # GCNConv layer 1 params (glorot-style scale)
    W1 = jax.random.normal(k3, (D_IN, D_H), dtype=jnp.float32) * (1.0 / np.sqrt(D_IN))
    b1 = jnp.zeros((D_H,), dtype=jnp.float32)
    # GCNConv layer 2 params
    W2 = jax.random.normal(k4, (D_H, D_OUT), dtype=jnp.float32) * (1.0 / np.sqrt(D_H))
    b2 = jnp.zeros((D_OUT,), dtype=jnp.float32)
    return {"x": x, "edge_index": edge_index, "W1": W1, "b1": b1, "W2": W2, "b2": b2}


def _gcn_conv(x, edge_index, W, b):
    # Faithful PyG GCNConv: add self-loops, symmetric normalization, linear transform, scatter-add aggregate, bias.
    n = x.shape[0]
    src = edge_index[0]
    dst = edge_index[1]
    loop = jnp.arange(n, dtype=src.dtype)
    src = jnp.concatenate([src, loop], axis=0)
    dst = jnp.concatenate([dst, loop], axis=0)
    xw = x @ W
    ones = jnp.ones((src.shape[0],), dtype=x.dtype)
    deg = jnp.zeros((n,), dtype=x.dtype).at[dst].add(ones)
    deg_inv_sqrt = jnp.where(deg > 0, 1.0 / jnp.sqrt(jnp.where(deg > 0, deg, 1.0)), 0.0)
    norm = deg_inv_sqrt[src] * deg_inv_sqrt[dst]
    msg = xw[src] * norm[:, None]
    out = jnp.zeros((n, xw.shape[1]), dtype=x.dtype).at[dst].add(msg)
    return out + b


def reference(x, edge_index, W1, b1, W2, b2):
    h = jax.nn.relu(_gcn_conv(x, edge_index, W1, b1))
    # F.dropout(training=...) treated as eval/identity for deterministic reference
    out = _gcn_conv(h, edge_index, W2, b2)
    return out

if __name__ == "__main__":
    import jax
    _d = setup_inputs()
    print(jax.jit(kernel)(*tuple(_d.values())))

</pallas_src>

<mosaic_0001>
#map = affine_map<(d0, d1) -> (0, 0)>
module attributes {stable_mosaic.version = 14 : i64} {
  func.func @body(%arg0: i32, %arg1: i32, %arg2: memref<2528x128xi32, #tpu.memory_space<hbm>>, %arg3: memref<2x10240xf32, #tpu.memory_space<hbm>>, %arg4: memref<95x128xi32, #tpu.memory_space<vmem>>, %arg5: memref<10240xf32, #tpu.memory_space<vmem>>, %arg6: memref<16x640xf32, #tpu.memory_space<vmem>>, %arg7: memref<640xf32, #tpu.memory_space<vmem>>, %arg8: memref<16x10240xf32, #tpu.memory_space<vmem_shared>>) attributes {dimension_semantics = [#tpu.dimension_semantics<core_parallel>, #tpu.dimension_semantics<subcore_parallel>], iteration_bounds = array<i64: 2, 16>, scalar_prefetch = 0 : i64, scratch_operands = 5 : i64, tpu.core_type = #tpu.core_type<sc_vector_subcore>, window_params = [{transform_indices = #map}, {transform_indices = #map}]} {
    %eq3A = arith.constant 0 : i32
    %eq3A_0 = arith.cmpi eq, %arg0, %eq3A : i32
    %mul3A = arith.constant 95 : i32
    %mul3A_1 = arith.muli %arg1, %mul3A : i32
    %mul3A_2 = arith.constant 63 : i32
    %mul3A_3 = arith.muli %arg1, %mul3A_2 : i32
    %add3A = arith.constant 1520 : i32
    %add3A_4 = arith.addi %add3A, %mul3A_3 : i32
    %select_n3A = arith.select %eq3A_0, %mul3A_1, %add3A_4 : i32
    %eq3A_5 = arith.constant 0 : i32
    %eq3A_6 = arith.cmpi eq, %arg0, %eq3A_5 : i32
    %jit3A = arith.constant 95 : i32
    %jit3A_7 = arith.constant 63 : i32
    %select_n3A_8 = arith.select %eq3A_6, %jit3A, %jit3A_7 : i32
    %broadcast_in_dim3A = arith.constant 0.000000e+00 : f32
    %broadcast_in_dim3A_9 = vector.broadcast %broadcast_in_dim3A : f32 to vector<16xf32>
    %scan3A = arith.constant 0 : i32
    %scan3A_10 = arith.constant 0 : i32
    %scan3A_11 = arith.constant 640 : i32
    %scan3A_12 = arith.addi %scan3A_10, %scan3A_11 : i32
    %scan3A_13 = arith.constant 1 : i32
    %scan3A_14 = scf.for %scan3A_97 = %scan3A_10 to %scan3A_12 step %scan3A_13 iter_args(%scan3A_98 = %scan3A) -> (i32)  : i32 {
      %mul3A_99 = arith.constant 16 : i32
      %mul3A_100 = arith.muli %scan3A_97, %mul3A_99 : i32
      %swap3A = arith.index_cast %mul3A_100 : i32 to index
      %swap3A_101 = tpu.vector_load %arg5[%swap3A] {strides = array<i32>} : memref<10240xf32, #tpu.memory_space<vmem>>, vector<16xf32>,
      tpu.vector_store %arg5[%swap3A], %broadcast_in_dim3A_9 {strides = array<i32>} : memref<10240xf32, #tpu.memory_space<vmem>>, vector<16xf32>,
      %scan3A_102 = arith.constant 0 : i32
      scf.yield %scan3A_102 : i32
    }
    %scan3A_15 = arith.constant 640 : i32
    "tpu.region"() ({
      %run_scoped3A_97 = tpu.sem_alloc : memref<!tpu.dma_semaphore, #tpu.memory_space<semaphore_mem>>
      %dma_start3A = arith.constant 0 : i32
      %dma_start3A_98 = tpu.memref_slice %arg2[%select_n3A, %dma_start3A] : memref<2528x128xi32, #tpu.memory_space<hbm>> -> memref<95x128xi32, #tpu.memory_space<hbm>>
      %dma_start3A_99 = arith.constant 0 : i32
      %dma_start3A_100 = tpu.memref_slice %arg2[%select_n3A, %dma_start3A_99] : memref<2528x128xi32, #tpu.memory_space<hbm>> -> memref<95x128xi32, #tpu.memory_space<hbm>>
      tpu.enqueue_dma source(%dma_start3A_100 : memref<95x128xi32, #tpu.memory_space<hbm>>) target(%arg4 : memref<95x128xi32, #tpu.memory_space<vmem>>) target_semaphore(%run_scoped3A_97 : memref<!tpu.dma_semaphore, #tpu.memory_space<semaphore_mem>>)
      %dma_wait3A = arith.constant 0 : i32
      %dma_wait3A_101 = tpu.memref_slice %arg2[%select_n3A, %dma_wait3A] : memref<2528x128xi32, #tpu.memory_space<hbm>> -> memref<95x128xi32, #tpu.memory_space<hbm>>
      %dma_wait3A_102 = arith.constant 0 : i32
      %dma_wait3A_103 = tpu.memref_slice %arg2[%select_n3A, %dma_wait3A_102] : memref<2528x128xi32, #tpu.memory_space<hbm>> -> memref<95x128xi32, #tpu.memory_space<hbm>>
      tpu.wait_dma2 semaphore(%run_scoped3A_97 : memref<!tpu.dma_semaphore, #tpu.memory_space<semaphore_mem>>) src(%dma_wait3A_103 : memref<95x128xi32, #tpu.memory_space<hbm>>) dst(%arg4 : memref<95x128xi32, #tpu.memory_space<vmem>>)
      tpu.yield
    }) : () -> ()
    %broadcast_in_dim3A_16 = arith.constant 1.000000e+00 : f32
    %broadcast_in_dim3A_17 = vector.broadcast %broadcast_in_dim3A_16 : f32 to vector<16xf32>
    %eq3A_18 = arith.constant 0 : i32
    %eq3A_19 = arith.cmpi eq, %arg0, %eq3A_18 : i32
    %convert_element_type3A = arith.extui %eq3A_19 : i1 to i32
    %cond3A = arith.constant 0 : i32
    %cond3A_20 = arith.cmpi ne, %convert_element_type3A, %cond3A : i32
    scf.if %cond3A_20 {
      %scan3A_97 = arith.constant 0 : i32
      %scan3A_98 = arith.constant 0 : i32
      %scan3A_99 = arith.constant 95 : i32
      %scan3A_100 = arith.addi %scan3A_98, %scan3A_99 : i32
      %scan3A_101 = arith.constant 1 : i32
      %scan3A_102 = scf.for %scan3A_104 = %scan3A_98 to %scan3A_100 step %scan3A_101 iter_args(%scan3A_105 = %scan3A_97) -> (i32)  : i32 {
        %get3A = arith.index_cast %scan3A_104 : i32 to index
        %get3A_106 = arith.constant 0 : index
        %get3A_107 = tpu.vector_load %arg4[%get3A, %get3A_106] {strides = array<i32>} : memref<95x128xi32, #tpu.memory_space<vmem>>, vector<16xi32>,
        tpu.vector_store_idx %arg5[%get3A_107], %broadcast_in_dim3A_17 {add = true} : memref<10240xf32, #tpu.memory_space<vmem>>[vector<16xi32>], vector<16xf32>,
        %get3A_108 = arith.index_cast %scan3A_104 : i32 to index
        %get3A_109 = arith.constant 16 : index
        %get3A_110 = tpu.vector_load %arg4[%get3A_108, %get3A_109] {strides = array<i32>} : memref<95x128xi32, #tpu.memory_space<vmem>>, vector<16xi32>,
        tpu.vector_store_idx %arg5[%get3A_110], %broadcast_in_dim3A_17 {add = true} : memref<10240xf32, #tpu.memory_space<vmem>>[vector<16xi32>], vector<16xf32>,
        %get3A_111 = arith.index_cast %scan3A_104 : i32 to index
        %get3A_112 = arith.constant 32 : index
        %get3A_113 = tpu.vector_load %arg4[%get3A_111, %get3A_112] {strides = array<i32>} : memref<95x128xi32, #tpu.memory_space<vmem>>, vector<16xi32>,
        tpu.vector_store_idx %arg5[%get3A_113], %broadcast_in_dim3A_17 {add = true} : memref<10240xf32, #tpu.memory_space<vmem>>[vector<16xi32>], vector<16xf32>,
        %get3A_114 = arith.index_cast %scan3A_104 : i32 to index
        %get3A_115 = arith.constant 48 : index
        %get3A_116 = tpu.vector_load %arg4[%get3A_114, %get3A_115] {strides = array<i32>} : memref<95x128xi32, #tpu.memory_space<vmem>>, vector<16xi32>,
        tpu.vector_store_idx %arg5[%get3A_116], %broadcast_in_dim3A_17 {add = true} : memref<10240xf32, #tpu.memory_space<vmem>>[vector<16xi32>], vector<16xf32>,
        %get3A_117 = arith.index_cast %scan3A_104 : i32 to index
        %get3A_118 = arith.constant 64 : index
        %get3A_119 = tpu.vector_load %arg4[%get3A_117, %get3A_118] {strides = array<i32>} : memref<95x128xi32, #tpu.memory_space<vmem>>, vector<16xi32>,
        tpu.vector_store_idx %arg5[%get3A_119], %broadcast_in_dim3A_17 {add = true} : memref<10240xf32, #tpu.memory_space<vmem>>[vector<16xi32>], vector<16xf32>,
        %get3A_120 = arith.index_cast %scan3A_104 : i32 to index
        %get3A_121 = arith.constant 80 : index
        %get3A_122 = tpu.vector_load %arg4[%get3A_120, %get3A_121] {strides = array<i32>} : memref<95x128xi32, #tpu.memory_space<vmem>>, vector<16xi32>,
        tpu.vector_store_idx %arg5[%get3A_122], %broadcast_in_dim3A_17 {add = true} : memref<10240xf32, #tpu.memory_space<vmem>>[vector<16xi32>], vector<16xf32>,
        %get3A_123 = arith.index_cast %scan3A_104 : i32 to index
        %get3A_124 = arith.constant 96 : index
        %get3A_125 = tpu.vector_load %arg4[%get3A_123, %get3A_124] {strides = array<i32>} : memref<95x128xi32, #tpu.memory_space<vmem>>, vector<16xi32>,
        tpu.vector_store_idx %arg5[%get3A_125], %broadcast_in_dim3A_17 {add = true} : memref<10240xf32, #tpu.memory_space<vmem>>[vector<16xi32>], vector<16xf32>,
        %get3A_126 = arith.index_cast %scan3A_104 : i32 to index
        %get3A_127 = arith.constant 112 : index
        %get3A_128 = tpu.vector_load %arg4[%get3A_126, %get3A_127] {strides = array<i32>} : memref<95x128xi32, #tpu.memory_space<vmem>>, vector<16xi32>,
        tpu.vector_store_idx %arg5[%get3A_128], %broadcast_in_dim3A_17 {add = true} : memref<10240xf32, #tpu.memory_space<vmem>>[vector<16xi32>], vector<16xf32>,
        %scan3A_129 = arith.constant 0 : i32
        scf.yield %scan3A_129 : i32
      }
      %scan3A_103 = arith.constant 95 : i32
    } else {
    }
    %ne3A = arith.constant 0 : i32
    %ne3A_21 = arith.cmpi ne, %arg0, %ne3A : i32
    %convert_element_type3A_22 = arith.extui %ne3A_21 : i1 to i32
    %cond3A_23 = arith.constant 0 : i32
    %cond3A_24 = arith.cmpi ne, %convert_element_type3A_22, %cond3A_23 : i32
    scf.if %cond3A_24 {
      %scan3A_97 = arith.constant 0 : i32
      %scan3A_98 = arith.constant 0 : i32
      %scan3A_99 = arith.constant 63 : i32
      %scan3A_100 = arith.addi %scan3A_98, %scan3A_99 : i32
      %scan3A_101 = arith.constant 1 : i32
      %scan3A_102 = scf.for %scan3A_104 = %scan3A_98 to %scan3A_100 step %scan3A_101 iter_args(%scan3A_105 = %scan3A_97) -> (i32)  : i32 {
        %get3A = arith.index_cast %scan3A_104 : i32 to index
        %get3A_106 = arith.constant 0 : index
        %get3A_107 = tpu.vector_load %arg4[%get3A, %get3A_106] {strides = array<i32>} : memref<95x128xi32, #tpu.memory_space<vmem>>, vector<16xi32>,
        tpu.vector_store_idx %arg5[%get3A_107], %broadcast_in_dim3A_17 {add = true} : memref<10240xf32, #tpu.memory_space<vmem>>[vector<16xi32>], vector<16xf32>,
        %get3A_108 = arith.index_cast %scan3A_104 : i32 to index
        %get3A_109 = arith.constant 16 : index
        %get3A_110 = tpu.vector_load %arg4[%get3A_108, %get3A_109] {strides = array<i32>} : memref<95x128xi32, #tpu.memory_space<vmem>>, vector<16xi32>,
        tpu.vector_store_idx %arg5[%get3A_110], %broadcast_in_dim3A_17 {add = true} : memref<10240xf32, #tpu.memory_space<vmem>>[vector<16xi32>], vector<16xf32>,
        %get3A_111 = arith.index_cast %scan3A_104 : i32 to index
        %get3A_112 = arith.constant 32 : index
        %get3A_113 = tpu.vector_load %arg4[%get3A_111, %get3A_112] {strides = array<i32>} : memref<95x128xi32, #tpu.memory_space<vmem>>, vector<16xi32>,
        tpu.vector_store_idx %arg5[%get3A_113], %broadcast_in_dim3A_17 {add = true} : memref<10240xf32, #tpu.memory_space<vmem>>[vector<16xi32>], vector<16xf32>,
        %get3A_114 = arith.index_cast %scan3A_104 : i32 to index
        %get3A_115 = arith.constant 48 : index
        %get3A_116 = tpu.vector_load %arg4[%get3A_114, %get3A_115] {strides = array<i32>} : memref<95x128xi32, #tpu.memory_space<vmem>>, vector<16xi32>,
        tpu.vector_store_idx %arg5[%get3A_116], %broadcast_in_dim3A_17 {add = true} : memref<10240xf32, #tpu.memory_space<vmem>>[vector<16xi32>], vector<16xf32>,
        %get3A_117 = arith.index_cast %scan3A_104 : i32 to index
        %get3A_118 = arith.constant 64 : index
        %get3A_119 = tpu.vector_load %arg4[%get3A_117, %get3A_118] {strides = array<i32>} : memref<95x128xi32, #tpu.memory_space<vmem>>, vector<16xi32>,
        tpu.vector_store_idx %arg5[%get3A_119], %broadcast_in_dim3A_17 {add = true} : memref<10240xf32, #tpu.memory_space<vmem>>[vector<16xi32>], vector<16xf32>,
        %get3A_120 = arith.index_cast %scan3A_104 : i32 to index
        %get3A_121 = arith.constant 80 : index
        %get3A_122 = tpu.vector_load %arg4[%get3A_120, %get3A_121] {strides = array<i32>} : memref<95x128xi32, #tpu.memory_space<vmem>>, vector<16xi32>,
        tpu.vector_store_idx %arg5[%get3A_122], %broadcast_in_dim3A_17 {add = true} : memref<10240xf32, #tpu.memory_space<vmem>>[vector<16xi32>], vector<16xf32>,
        %get3A_123 = arith.index_cast %scan3A_104 : i32 to index
        %get3A_124 = arith.constant 96 : index
        %get3A_125 = tpu.vector_load %arg4[%get3A_123, %get3A_124] {strides = array<i32>} : memref<95x128xi32, #tpu.memory_space<vmem>>, vector<16xi32>,
        tpu.vector_store_idx %arg5[%get3A_125], %broadcast_in_dim3A_17 {add = true} : memref<10240xf32, #tpu.memory_space<vmem>>[vector<16xi32>], vector<16xf32>,
        %get3A_126 = arith.index_cast %scan3A_104 : i32 to index
        %get3A_127 = arith.constant 112 : index
        %get3A_128 = tpu.vector_load %arg4[%get3A_126, %get3A_127] {strides = array<i32>} : memref<95x128xi32, #tpu.memory_space<vmem>>, vector<16xi32>,
        tpu.vector_store_idx %arg5[%get3A_128], %broadcast_in_dim3A_17 {add = true} : memref<10240xf32, #tpu.memory_space<vmem>>[vector<16xi32>], vector<16xf32>,
        %scan3A_129 = arith.constant 0 : i32
        scf.yield %scan3A_129 : i32
      }
      %scan3A_103 = arith.constant 63 : i32
    } else {
    }
    "tpu.region"() ({
      %run_scoped3A_97 = tpu.sem_alloc : memref<!tpu.dma_semaphore, #tpu.memory_space<semaphore_mem>>
      %dma_start3A = arith.constant 0 : i32
      %dma_start3A_98 = tpu.memref_slice %arg8[%arg1, %dma_start3A] : memref<16x10240xf32, #tpu.memory_space<vmem_shared>> -> memref<1x10240xf32, #tpu.memory_space<vmem_shared>>
      %dma_start3A_99 = tpu.memref_squeeze %dma_start3A_98 : memref<1x10240xf32, #tpu.memory_space<vmem_shared>> -> memref<10240xf32, #tpu.memory_space<vmem_shared>>
      %dma_start3A_100 = arith.constant 0 : i32
      %dma_start3A_101 = tpu.memref_slice %arg8[%arg1, %dma_start3A_100] : memref<16x10240xf32, #tpu.memory_space<vmem_shared>> -> memref<1x10240xf32, #tpu.memory_space<vmem_shared>>
      %dma_start3A_102 = tpu.memref_squeeze %dma_start3A_101 : memref<1x10240xf32, #tpu.memory_space<vmem_shared>> -> memref<10240xf32, #tpu.memory_space<vmem_shared>>
      tpu.enqueue_dma source(%arg5 : memref<10240xf32, #tpu.memory_space<vmem>>) target(%dma_start3A_102 : memref<10240xf32, #tpu.memory_space<vmem_shared>>) target_semaphore(%run_scoped3A_97 : memref<!tpu.dma_semaphore, #tpu.memory_space<semaphore_mem>>)
      %dma_wait3A = arith.constant 0 : i32
      %dma_wait3A_103 = tpu.memref_slice %arg8[%arg1, %dma_wait3A] : memref<16x10240xf32, #tpu.memory_space<vmem_shared>> -> memref<1x10240xf32, #tpu.memory_space<vmem_shared>>
      %dma_wait3A_104 = tpu.memref_squeeze %dma_wait3A_103 : memref<1x10240xf32, #tpu.memory_space<vmem_shared>> -> memref<10240xf32, #tpu.memory_space<vmem_shared>>
      %dma_wait3A_105 = arith.constant 0 : i32
      %dma_wait3A_106 = tpu.memref_slice %arg8[%arg1, %dma_wait3A_105] : memref<16x10240xf32, #tpu.memory_space<vmem_shared>> -> memref<1x10240xf32, #tpu.memory_space<vmem_shared>>
      %dma_wait3A_107 = tpu.memref_squeeze %dma_wait3A_106 : memref<1x10240xf32, #tpu.memory_space<vmem_shared>> -> memref<10240xf32, #tpu.memory_space<vmem_shared>>
      tpu.wait_dma2 semaphore(%run_scoped3A_97 : memref<!tpu.dma_semaphore, #tpu.memory_space<semaphore_mem>>) src(%arg5 : memref<10240xf32, #tpu.memory_space<vmem>>) dst(%dma_wait3A_107 : memref<10240xf32, #tpu.memory_space<vmem_shared>>)
      tpu.yield
    }) : () -> ()
    %barrier3A = arith.constant 0 : index
    tpu.barrier barrier_id(%barrier3A)
    %mul3A_25 = arith.constant 640 : i32
    %mul3A_26 = arith.muli %arg1, %mul3A_25 : i32
    %run_scoped3A = arith.constant 0 : i32
    %run_scoped3A_27 = arith.constant 0 : i32
    "tpu.region"() ({
      %run_scoped3A_97 = tpu.sem_alloc : memref<!tpu.dma_semaphore, #tpu.memory_space<semaphore_mem>>
      %dma_start3A = arith.constant 0 : i32
      %dma_start3A_98 = tpu.memref_slice %arg6[%run_scoped3A_27, %dma_start3A] : memref<16x640xf32, #tpu.memory_space<vmem>> -> memref<1x640xf32, #tpu.memory_space<vmem>>
      %dma_start3A_99 = tpu.memref_squeeze %dma_start3A_98 : memref<1x640xf32, #tpu.memory_space<vmem>> -> memref<640xf32, #tpu.memory_space<vmem>>
      %dma_start3A_100 = tpu.memref_slice %arg8[%run_scoped3A, %mul3A_26] : memref<16x10240xf32, #tpu.memory_space<vmem_shared>> -> memref<1x640xf32, #tpu.memory_space<vmem_shared>>
      %dma_start3A_101 = tpu.memref_squeeze %dma_start3A_100 : memref<1x640xf32, #tpu.memory_space<vmem_shared>> -> memref<640xf32, #tpu.memory_space<vmem_shared>>
      %dma_start3A_102 = arith.constant 0 : i32
      %dma_start3A_103 = tpu.memref_slice %arg6[%run_scoped3A_27, %dma_start3A_102] : memref<16x640xf32, #tpu.memory_space<vmem>> -> memref<1x640xf32, #tpu.memory_space<vmem>>
      %dma_start3A_104 = tpu.memref_squeeze %dma_start3A_103 : memref<1x640xf32, #tpu.memory_space<vmem>> -> memref<640xf32, #tpu.memory_space<vmem>>
      %dma_start3A_105 = tpu.memref_slice %arg8[%run_scoped3A, %mul3A_26] : memref<16x10240xf32, #tpu.memory_space<vmem_shared>> -> memref<1x640xf32, #tpu.memory_space<vmem_shared>>
      %dma_start3A_106 = tpu.memref_squeeze %dma_start3A_105 : memref<1x640xf32, #tpu.memory_space<vmem_shared>> -> memref<640xf32, #tpu.memory_space<vmem_shared>>
      tpu.enqueue_dma source(%dma_start3A_106 : memref<640xf32, #tpu.memory_space<vmem_shared>>) target(%dma_start3A_104 : memref<640xf32, #tpu.memory_space<vmem>>) target_semaphore(%run_scoped3A_97 : memref<!tpu.dma_semaphore, #tpu.memory_space<semaphore_mem>>)
      %dma_wait3A = arith.constant 0 : i32
      %dma_wait3A_107 = tpu.memref_slice %arg6[%run_scoped3A_27, %dma_wait3A] : memref<16x640xf32, #tpu.memory_space<vmem>> -> memref<1x640xf32, #tpu.memory_space<vmem>>
      %dma_wait3A_108 = tpu.memref_squeeze %dma_wait3A_107 : memref<1x640xf32, #tpu.memory_space<vmem>> -> memref<640xf32, #tpu.memory_space<vmem>>
      %dma_wait3A_109 = tpu.memref_slice %arg8[%run_scoped3A, %mul3A_26] : memref<16x10240xf32, #tpu.memory_space<vmem_shared>> -> memref<1x640xf32, #tpu.memory_space<vmem_shared>>
      %dma_wait3A_110 = tpu.memref_squeeze %dma_wait3A_109 : memref<1x640xf32, #tpu.memory_space<vmem_shared>> -> memref<640xf32, #tpu.memory_space<vmem_shared>>
      %dma_wait3A_111 = arith.constant 0 : i32
      %dma_wait3A_112 = tpu.memref_slice %arg6[%run_scoped3A_27, %dma_wait3A_111] : memref<16x640xf32, #tpu.memory_space<vmem>> -> memref<1x640xf32, #tpu.memory_space<vmem>>
      %dma_wait3A_113 = tpu.memref_squeeze %dma_wait3A_112 : memref<1x640xf32, #tpu.memory_space<vmem>> -> memref<640xf32, #tpu.memory_space<vmem>>
      %dma_wait3A_114 = tpu.memref_slice %arg8[%run_scoped3A, %mul3A_26] : memref<16x10240xf32, #tpu.memory_space<vmem_shared>> -> memref<1x640xf32, #tpu.memory_space<vmem_shared>>
      %dma_wait3A_115 = tpu.memref_squeeze %dma_wait3A_114 : memref<1x640xf32, #tpu.memory_space<vmem_shared>> -> memref<640xf32, #tpu.memory_space<vmem_shared>>
      tpu.wait_dma2 semaphore(%run_scoped3A_97 : memref<!tpu.dma_semaphore, #tpu.memory_space<semaphore_mem>>) src(%dma_wait3A_115 : memref<640xf32, #tpu.memory_space<vmem_shared>>) dst(%dma_wait3A_113 : memref<640xf32, #tpu.memory_space<vmem>>)
      tpu.yield
    }) : () -> ()
    %mul3A_28 = arith.constant 640 : i32
    %mul3A_29 = arith.muli %arg1, %mul3A_28 : i32
    %run_scoped3A_30 = arith.constant 1 : i32
    %run_scoped3A_31 = arith.constant 1 : i32
    "tpu.region"() ({
      %run_scoped3A_97 = tpu.sem_alloc : memref<!tpu.dma_semaphore, #tpu.memory_space<semaphore_mem>>
      %dma_start3A = arith.constant 0 : i32
      %dma_start3A_98 = tpu.memref_slice %arg6[%run_scoped3A_31, %dma_start3A] : memref<16x640xf32, #tpu.memory_space<vmem>> -> memref<1x640xf32, #tpu.memory_space<vmem>>
      %dma_start3A_99 = tpu.memref_squeeze %dma_start3A_98 : memref<1x640xf32, #tpu.memory_space<vmem>> -> memref<640xf32, #tpu.memory_space<vmem>>
      %dma_start3A_100 = tpu.memref_slice %arg8[%run_scoped3A_30, %mul3A_29] : memref<16x10240xf32, #tpu.memory_space<vmem_shared>> -> memref<1x640xf32, #tpu.memory_space<vmem_shared>>
      %dma_start3A_101 = tpu.memref_squeeze %dma_start3A_100 : memref<1x640xf32, #tpu.memory_space<vmem_shared>> -> memref<640xf32, #tpu.memory_space<vmem_shared>>
      %dma_start3A_102 = arith.constant 0 : i32
      %dma_start3A_103 = tpu.memref_slice %arg6[%run_scoped3A_31, %dma_start3A_102] : memref<16x640xf32, #tpu.memory_space<vmem>> -> memref<1x640xf32, #tpu.memory_space<vmem>>
      %dma_start3A_104 = tpu.memref_squeeze %dma_start3A_103 : memref<1x640xf32, #tpu.memory_space<vmem>> -> memref<640xf32, #tpu.memory_space<vmem>>
      %dma_start3A_105 = tpu.memref_slice %arg8[%run_scoped3A_30, %mul3A_29] : memref<16x10240xf32, #tpu.memory_space<vmem_shared>> -> memref<1x640xf32, #tpu.memory_space<vmem_shared>>
      %dma_start3A_106 = tpu.memref_squeeze %dma_start3A_105 : memref<1x640xf32, #tpu.memory_space<vmem_shared>> -> memref<640xf32, #tpu.memory_space<vmem_shared>>
      tpu.enqueue_dma source(%dma_start3A_106 : memref<640xf32, #tpu.memory_space<vmem_shared>>) target(%dma_start3A_104 : memref<640xf32, #tpu.memory_space<vmem>>) target_semaphore(%run_scoped3A_97 : memref<!tpu.dma_semaphore, #tpu.memory_space<semaphore_mem>>)
      %dma_wait3A = arith.constant 0 : i32
      %dma_wait3A_107 = tpu.memref_slice %arg6[%run_scoped3A_31, %dma_wait3A] : memref<16x640xf32, #tpu.memory_space<vmem>> -> memref<1x640xf32, #tpu.memory_space<vmem>>
      %dma_wait3A_108 = tpu.memref_squeeze %dma_wait3A_107 : memref<1x640xf32, #tpu.memory_space<vmem>> -> memref<640xf32, #tpu.memory_space<vmem>>
      %dma_wait3A_109 = tpu.memref_slice %arg8[%run_scoped3A_30, %mul3A_29] : memref<16x10240xf32, #tpu.memory_space<vmem_shared>> -> memref<1x640xf32, #tpu.memory_space<vmem_shared>>
      %dma_wait3A_110 = tpu.memref_squeeze %dma_wait3A_109 : memref<1x640xf32, #tpu.memory_space<vmem_shared>> -> memref<640xf32, #tpu.memory_space<vmem_shared>>
      %dma_wait3A_111 = arith.constant 0 : i32
      %dma_wait3A_112 = tpu.memref_slice %arg6[%run_scoped3A_31, %dma_wait3A_111] : memref<16x640xf32, #tpu.memory_space<vmem>> -> memref<1x640xf32, #tpu.memory_space<vmem>>
      %dma_wait3A_113 = tpu.memref_squeeze %dma_wait3A_112 : memref<1x640xf32, #tpu.memory_space<vmem>> -> memref<640xf32, #tpu.memory_space<vmem>>
      %dma_wait3A_114 = tpu.memref_slice %arg8[%run_scoped3A_30, %mul3A_29] : memref<16x10240xf32, #tpu.memory_space<vmem_shared>> -> memref<1x640xf32, #tpu.memory_space<vmem_shared>>
      %dma_wait3A_115 = tpu.memref_squeeze %dma_wait3A_114 : memref<1x640xf32, #tpu.memory_space<vmem_shared>> -> memref<640xf32, #tpu.memory_space<vmem_shared>>
      tpu.wait_dma2 semaphore(%run_scoped3A_97 : memref<!tpu.dma_semaphore, #tpu.memory_space<semaphore_mem>>) src(%dma_wait3A_115 : memref<640xf32, #tpu.memory_space<vmem_shared>>) dst(%dma_wait3A_113 : memref<640xf32, #tpu.memory_space<vmem>>)
      tpu.yield
    }) : () -> ()
    %mul3A_32 = arith.constant 640 : i32
    %mul3A_33 = arith.muli %arg1, %mul3A_32 : i32
    %run_scoped3A_34 = arith.constant 2 : i32
    %run_scoped3A_35 = arith.constant 2 : i32
    "tpu.region"() ({
      %run_scoped3A_97 = tpu.sem_alloc : memref<!tpu.dma_semaphore, #tpu.memory_space<semaphore_mem>>
      %dma_start3A = arith.constant 0 : i32
      %dma_start3A_98 = tpu.memref_slice %arg6[%run_scoped3A_35, %dma_start3A] : memref<16x640xf32, #tpu.memory_space<vmem>> -> memref<1x640xf32, #tpu.memory_space<vmem>>
      %dma_start3A_99 = tpu.memref_squeeze %dma_start3A_98 : memref<1x640xf32, #tpu.memory_space<vmem>> -> memref<640xf32, #tpu.memory_space<vmem>>
      %dma_start3A_100 = tpu.memref_slice %arg8[%run_scoped3A_34, %mul3A_33] : memref<16x10240xf32, #tpu.memory_space<vmem_shared>> -> memref<1x640xf32, #tpu.memory_space<vmem_shared>>
      %dma_start3A_101 = tpu.memref_squeeze %dma_start3A_100 : memref<1x640xf32, #tpu.memory_space<vmem_shared>> -> memref<640xf32, #tpu.memory_space<vmem_shared>>
      %dma_start3A_102 = arith.constant 0 : i32
      %dma_start3A_103 = tpu.memref_slice %arg6[%run_scoped3A_35, %dma_start3A_102] : memref<16x640xf32, #tpu.memory_space<vmem>> -> memref<1x640xf32, #tpu.memory_space<vmem>>
      %dma_start3A_104 = tpu.memref_squeeze %dma_start3A_103 : memref<1x640xf32, #tpu.memory_space<vmem>> -> memref<640xf32, #tpu.memory_space<vmem>>
      %dma_start3A_105 = tpu.memref_slice %arg8[%run_scoped3A_34, %mul3A_33] : memref<16x10240xf32, #tpu.memory_space<vmem_shared>> -> memref<1x640xf32, #tpu.memory_space<vmem_shared>>
      %dma_start3A_106 = tpu.memref_squeeze %dma_start3A_105 : memref<1x640xf32, #tpu.memory_space<vmem_shared>> -> memref<640xf32, #tpu.memory_space<vmem_shared>>
      tpu.enqueue_dma source(%dma_start3A_106 : memref<640xf32, #tpu.memory_space<vmem_shared>>) target(%dma_start3A_104 : memref<640xf32, #tpu.memory_space<vmem>>) target_semaphore(%run_scoped3A_97 : memref<!tpu.dma_semaphore, #tpu.memory_space<semaphore_mem>>)
      %dma_wait3A = arith.constant 0 : i32
      %dma_wait3A_107 = tpu.memref_slice %arg6[%run_scoped3A_35, %dma_wait3A] : memref<16x640xf32, #tpu.memory_space<vmem>> -> memref<1x640xf32, #tpu.memory_space<vmem>>
      %dma_wait3A_108 = tpu.memref_squeeze %dma_wait3A_107 : memref<1x640xf32, #tpu.memory_space<vmem>> -> memref<640xf32, #tpu.memory_space<vmem>>
      %dma_wait3A_109 = tpu.memref_slice %arg8[%run_scoped3A_34, %mul3A_33] : memref<16x10240xf32, #tpu.memory_space<vmem_shared>> -> memref<1x640xf32, #tpu.memory_space<vmem_shared>>
      %dma_wait3A_110 = tpu.memref_squeeze %dma_wait3A_109 : memref<1x640xf32, #tpu.memory_space<vmem_shared>> -> memref<640xf32, #tpu.memory_space<vmem_shared>>
      %dma_wait3A_111 = arith.constant 0 : i32
      %dma_wait3A_112 = tpu.memref_slice %arg6[%run_scoped3A_35, %dma_wait3A_111] : memref<16x640xf32, #tpu.memory_space<vmem>> -> memref<1x640xf32, #tpu.memory_space<vmem>>
      %dma_wait3A_113 = tpu.memref_squeeze %dma_wait3A_112 : memref<1x640xf32, #tpu.memory_space<vmem>> -> memref<640xf32, #tpu.memory_space<vmem>>
      %dma_wait3A_114 = tpu.memref_slice %arg8[%run_scoped3A_34, %mul3A_33] : memref<16x10240xf32, #tpu.memory_space<vmem_shared>> -> memref<1x640xf32, #tpu.memory_space<vmem_shared>>
      %dma_wait3A_115 = tpu.memref_squeeze %dma_wait3A_114 : memref<1x640xf32, #tpu.memory_space<vmem_shared>> -> memref<640xf32, #tpu.memory_space<vmem_shared>>
      tpu.wait_dma2 semaphore(%run_scoped3A_97 : memref<!tpu.dma_semaphore, #tpu.memory_space<semaphore_mem>>) src(%dma_wait3A_115 : memref<640xf32, #tpu.memory_space<vmem_shared>>) dst(%dma_wait3A_113 : memref<640xf32, #tpu.memory_space<vmem>>)
      tpu.yield
    }) : () -> ()
    %mul3A_36 = arith.constant 640 : i32
    %mul3A_37 = arith.muli %arg1, %mul3A_36 : i32
    %run_scoped3A_38 = arith.constant 3 : i32
    %run_scoped3A_39 = arith.constant 3 : i32
    "tpu.region"() ({
      %run_scoped3A_97 = tpu.sem_alloc : memref<!tpu.dma_semaphore, #tpu.memory_space<semaphore_mem>>
      %dma_start3A = arith.constant 0 : i32
      %dma_start3A_98 = tpu.memref_slice %arg6[%run_scoped3A_39, %dma_start3A] : memref<16x640xf32, #tpu.memory_space<vmem>> -> memref<1x640xf32, #tpu.memory_space<vmem>>
      %dma_start3A_99 = tpu.memref_squeeze %dma_start3A_98 : memref<1x640xf32, #tpu.memory_space<vmem>> -> memref<640xf32, #tpu.memory_space<vmem>>
      %dma_start3A_100 = tpu.memref_slice %arg8[%run_scoped3A_38, %mul3A_37] : memref<16x10240xf32, #tpu.memory_space<vmem_shared>> -> memref<1x640xf32, #tpu.memory_space<vmem_shared>>
      %dma_start3A_101 = tpu.memref_squeeze %dma_start3A_100 : memref<1x640xf32, #tpu.memory_space<vmem_shared>> -> memref<640xf32, #tpu.memory_space<vmem_shared>>
      %dma_start3A_102 = arith.constant 0 : i32
      %dma_start3A_103 = tpu.memref_slice %arg6[%run_scoped3A_39, %dma_start3A_102] : memref<16x640xf32, #tpu.memory_space<vmem>> -> memref<1x640xf32, #tpu.memory_space<vmem>>
      %dma_start3A_104 = tpu.memref_squeeze %dma_start3A_103 : memref<1x640xf32, #tpu.memory_space<vmem>> -> memref<640xf32, #tpu.memory_space<vmem>>
      %dma_start3A_105 = tpu.memref_slice %arg8[%run_scoped3A_38, %mul3A_37] : memref<16x10240xf32, #tpu.memory_space<vmem_shared>> -> memref<1x640xf32, #tpu.memory_space<vmem_shared>>
      %dma_start3A_106 = tpu.memref_squeeze %dma_start3A_105 : memref<1x640xf32, #tpu.memory_space<vmem_shared>> -> memref<640xf32, #tpu.memory_space<vmem_shared>>
      tpu.enqueue_dma source(%dma_start3A_106 : memref<640xf32, #tpu.memory_space<vmem_shared>>) target(%dma_start3A_104 : memref<640xf32, #tpu.memory_space<vmem>>) target_semaphore(%run_scoped3A_97 : memref<!tpu.dma_semaphore, #tpu.memory_space<semaphore_mem>>)
      %dma_wait3A = arith.constant 0 : i32
      %dma_wait3A_107 = tpu.memref_slice %arg6[%run_scoped3A_39, %dma_wait3A] : memref<16x640xf32, #tpu.memory_space<vmem>> -> memref<1x640xf32, #tpu.memory_space<vmem>>
      %dma_wait3A_108 = tpu.memref_squeeze %dma_wait3A_107 : memref<1x640xf32, #tpu.memory_space<vmem>> -> memref<640xf32, #tpu.memory_space<vmem>>
      %dma_wait3A_109 = tpu.memref_slice %arg8[%run_scoped3A_38, %mul3A_37] : memref<16x10240xf32, #tpu.memory_space<vmem_shared>> -> memref<1x640xf32, #tpu.memory_space<vmem_shared>>
      %dma_wait3A_110 = tpu.memref_squeeze %dma_wait3A_109 : memref<1x640xf32, #tpu.memory_space<vmem_shared>> -> memref<640xf32, #tpu.memory_space<vmem_shared>>
      %dma_wait3A_111 = arith.constant 0 : i32
      %dma_wait3A_112 = tpu.memref_slice %arg6[%run_scoped3A_39, %dma_wait3A_111] : memref<16x640xf32, #tpu.memory_space<vmem>> -> memref<1x640xf32, #tpu.memory_space<vmem>>
      %dma_wait3A_113 = tpu.memref_squeeze %dma_wait3A_112 : memref<1x640xf32, #tpu.memory_space<vmem>> -> memref<640xf32, #tpu.memory_space<vmem>>
      %dma_wait3A_114 = tpu.memref_slice %arg8[%run_scoped3A_38, %mul3A_37] : memref<16x10240xf32, #tpu.memory_space<vmem_shared>> -> memref<1x640xf32, #tpu.memory_space<vmem_shared>>
      %dma_wait3A_115 = tpu.memref_squeeze %dma_wait3A_114 : memref<1x640xf32, #tpu.memory_space<vmem_shared>> -> memref<640xf32, #tpu.memory_space<vmem_shared>>
      tpu.wait_dma2 semaphore(%run_scoped3A_97 : memref<!tpu.dma_semaphore, #tpu.memory_space<semaphore_mem>>) src(%dma_wait3A_115 : memref<640xf32, #tpu.memory_space<vmem_shared>>) dst(%dma_wait3A_113 : memref<640xf32, #tpu.memory_space<vmem>>)
      tpu.yield
    }) : () -> ()
    %mul3A_40 = arith.constant 640 : i32
    %mul3A_41 = arith.muli %arg1, %mul3A_40 : i32
    %run_scoped3A_42 = arith.constant 4 : i32
    %run_scoped3A_43 = arith.constant 4 : i32
    "tpu.region"() ({
      %run_scoped3A_97 = tpu.sem_alloc : memref<!tpu.dma_semaphore, #tpu.memory_space<semaphore_mem>>
      %dma_start3A = arith.constant 0 : i32
      %dma_start3A_98 = tpu.memref_slice %arg6[%run_scoped3A_43, %dma_start3A] : memref<16x640xf32, #tpu.memory_space<vmem>> -> memref<1x640xf32, #tpu.memory_space<vmem>>
      %dma_start3A_99 = tpu.memref_squeeze %dma_start3A_98 : memref<1x640xf32, #tpu.memory_space<vmem>> -> memref<640xf32, #tpu.memory_space<vmem>>
      %dma_start3A_100 = tpu.memref_slice %arg8[%run_scoped3A_42, %mul3A_41] : memref<16x10240xf32, #tpu.memory_space<vmem_shared>> -> memref<1x640xf32, #tpu.memory_space<vmem_shared>>
      %dma_start3A_101 = tpu.memref_squeeze %dma_start3A_100 : memref<1x640xf32, #tpu.memory_space<vmem_shared>> -> memref<640xf32, #tpu.memory_space<vmem_shared>>
      %dma_start3A_102 = arith.constant 0 : i32
      %dma_start3A_103 = tpu.memref_slice %arg6[%run_scoped3A_43, %dma_start3A_102] : memref<16x640xf32, #tpu.memory_space<vmem>> -> memref<1x640xf32, #tpu.memory_space<vmem>>
      %dma_start3A_104 = tpu.memref_squeeze %dma_start3A_103 : memref<1x640xf32, #tpu.memory_space<vmem>> -> memref<640xf32, #tpu.memory_space<vmem>>
      %dma_start3A_105 = tpu.memref_slice %arg8[%run_scoped3A_42, %mul3A_41] : memref<16x10240xf32, #tpu.memory_space<vmem_shared>> -> memref<1x640xf32, #tpu.memory_space<vmem_shared>>
      %dma_start3A_106 = tpu.memref_squeeze %dma_start3A_105 : memref<1x640xf32, #tpu.memory_space<vmem_shared>> -> memref<640xf32, #tpu.memory_space<vmem_shared>>
      tpu.enqueue_dma source(%dma_start3A_106 : memref<640xf32, #tpu.memory_space<vmem_shared>>) target(%dma_start3A_104 : memref<640xf32, #tpu.memory_space<vmem>>) target_semaphore(%run_scoped3A_97 : memref<!tpu.dma_semaphore, #tpu.memory_space<semaphore_mem>>)
      %dma_wait3A = arith.constant 0 : i32
      %dma_wait3A_107 = tpu.memref_slice %arg6[%run_scoped3A_43, %dma_wait3A] : memref<16x640xf32, #tpu.memory_space<vmem>> -> memref<1x640xf32, #tpu.memory_space<vmem>>
      %dma_wait3A_108 = tpu.memref_squeeze %dma_wait3A_107 : memref<1x640xf32, #tpu.memory_space<vmem>> -> memref<640xf32, #tpu.memory_space<vmem>>
      %dma_wait3A_109 = tpu.memref_slice %arg8[%run_scoped3A_42, %mul3A_41] : memref<16x10240xf32, #tpu.memory_space<vmem_shared>> -> memref<1x640xf32, #tpu.memory_space<vmem_shared>>
      %dma_wait3A_110 = tpu.memref_squeeze %dma_wait3A_109 : memref<1x640xf32, #tpu.memory_space<vmem_shared>> -> memref<640xf32, #tpu.memory_space<vmem_shared>>
      %dma_wait3A_111 = arith.constant 0 : i32
      %dma_wait3A_112 = tpu.memref_slice %arg6[%run_scoped3A_43, %dma_wait3A_111] : memref<16x640xf32, #tpu.memory_space<vmem>> -> memref<1x640xf32, #tpu.memory_space<vmem>>
      %dma_wait3A_113 = tpu.memref_squeeze %dma_wait3A_112 : memref<1x640xf32, #tpu.memory_space<vmem>> -> memref<640xf32, #tpu.memory_space<vmem>>
      %dma_wait3A_114 = tpu.memref_slice %arg8[%run_scoped3A_42, %mul3A_41] : memref<16x10240xf32, #tpu.memory_space<vmem_shared>> -> memref<1x640xf32, #tpu.memory_space<vmem_shared>>
      %dma_wait3A_115 = tpu.memref_squeeze %dma_wait3A_114 : memref<1x640xf32, #tpu.memory_space<vmem_shared>> -> memref<640xf32, #tpu.memory_space<vmem_shared>>
      tpu.wait_dma2 semaphore(%run_scoped3A_97 : memref<!tpu.dma_semaphore, #tpu.memory_space<semaphore_mem>>) src(%dma_wait3A_115 : memref<640xf32, #tpu.memory_space<vmem_shared>>) dst(%dma_wait3A_113 : memref<640xf32, #tpu.memory_space<vmem>>)
      tpu.yield
    }) : () -> ()
    %mul3A_44 = arith.constant 640 : i32
    %mul3A_45 = arith.muli %arg1, %mul3A_44 : i32
    %run_scoped3A_46 = arith.constant 5 : i32
    %run_scoped3A_47 = arith.constant 5 : i32
    "tpu.region"() ({
      %run_scoped3A_97 = tpu.sem_alloc : memref<!tpu.dma_semaphore, #tpu.memory_space<semaphore_mem>>
      %dma_start3A = arith.constant 0 : i32
      %dma_start3A_98 = tpu.memref_slice %arg6[%run_scoped3A_47, %dma_start3A] : memref<16x640xf32, #tpu.memory_space<vmem>> -> memref<1x640xf32, #tpu.memory_space<vmem>>
      %dma_start3A_99 = tpu.memref_squeeze %dma_start3A_98 : memref<1x640xf32, #tpu.memory_space<vmem>> -> memref<640xf32, #tpu.memory_space<vmem>>
      %dma_start3A_100 = tpu.memref_slice %arg8[%run_scoped3A_46, %mul3A_45] : memref<16x10240xf32, #tpu.memory_space<vmem_shared>> -> memref<1x640xf32, #tpu.memory_space<vmem_shared>>
      %dma_start3A_101 = tpu.memref_squeeze %dma_start3A_100 : memref<1x640xf32, #tpu.memory_space<vmem_shared>> -> memref<640xf32, #tpu.memory_space<vmem_shared>>
      %dma_start3A_102 = arith.constant 0 : i32
      %dma_start3A_103 = tpu.memref_slice %arg6[%run_scoped3A_47, %dma_start3A_102] : memref<16x640xf32, #tpu.memory_space<vmem>> -> memref<1x640xf32, #tpu.memory_space<vmem>>
      %dma_start3A_104 = tpu.memref_squeeze %dma_start3A_103 : memref<1x640xf32, #tpu.memory_space<vmem>> -> memref<640xf32, #tpu.memory_space<vmem>>
      %dma_start3A_105 = tpu.memref_slice %arg8[%run_scoped3A_46, %mul3A_45] : memref<16x10240xf32, #tpu.memory_space<vmem_shared>> -> memref<1x640xf32, #tpu.memory_space<vmem_shared>>
      %dma_start3A_106 = tpu.memref_squeeze %dma_start3A_105 : memref<1x640xf32, #tpu.memory_space<vmem_shared>> -> memref<640xf32, #tpu.memory_space<vmem_shared>>
      tpu.enqueue_dma source(%dma_start3A_106 : memref<640xf32, #tpu.memory_space<vmem_shared>>) target(%dma_start3A_104 : memref<640xf32, #tpu.memory_space<vmem>>) target_semaphore(%run_scoped3A_97 : memref<!tpu.dma_semaphore, #tpu.memory_space<semaphore_mem>>)
      %dma_wait3A = arith.constant 0 : i32
      %dma_wait3A_107 = tpu.memref_slice %arg6[%run_scoped3A_47, %dma_wait3A] : memref<16x640xf32, #tpu.memory_space<vmem>> -> memref<1x640xf32, #tpu.memory_space<vmem>>
      %dma_wait3A_108 = tpu.memref_squeeze %dma_wait3A_107 : memref<1x640xf32, #tpu.memory_space<vmem>> -> memref<640xf32, #tpu.memory_space<vmem>>
      %dma_wait3A_109 = tpu.memref_slice %arg8[%run_scoped3A_46, %mul3A_45] : memref<16x10240xf32, #tpu.memory_space<vmem_shared>> -> memref<1x640xf32, #tpu.memory_space<vmem_shared>>
      %dma_wait3A_110 = tpu.memref_squeeze %dma_wait3A_109 : memref<1x640xf32, #tpu.memory_space<vmem_shared>> -> memref<640xf32, #tpu.memory_space<vmem_shared>>
      %dma_wait3A_111 = arith.constant 0 : i32
      %dma_wait3A_112 = tpu.memref_slice %arg6[%run_scoped3A_47, %dma_wait3A_111] : memref<16x640xf32, #tpu.memory_space<vmem>> -> memref<1x640xf32, #tpu.memory_space<vmem>>
      %dma_wait3A_113 = tpu.memref_squeeze %dma_wait3A_112 : memref<1x640xf32, #tpu.memory_space<vmem>> -> memref<640xf32, #tpu.memory_space<vmem>>
      %dma_wait3A_114 = tpu.memref_slice %arg8[%run_scoped3A_46, %mul3A_45] : memref<16x10240xf32, #tpu.memory_space<vmem_shared>> -> memref<1x640xf32, #tpu.memory_space<vmem_shared>>
      %dma_wait3A_115 = tpu.memref_squeeze %dma_wait3A_114 : memref<1x640xf32, #tpu.memory_space<vmem_shared>> -> memref<640xf32, #tpu.memory_space<vmem_shared>>
      tpu.wait_dma2 semaphore(%run_scoped3A_97 : memref<!tpu.dma_semaphore, #tpu.memory_space<semaphore_mem>>) src(%dma_wait3A_115 : memref<640xf32, #tpu.memory_space<vmem_shared>>) dst(%dma_wait3A_113 : memref<640xf32, #tpu.memory_space<vmem>>)
      tpu.yield
    }) : () -> ()
    %mul3A_48 = arith.constant 640 : i32
    %mul3A_49 = arith.muli %arg1, %mul3A_48 : i32
    %run_scoped3A_50 = arith.constant 6 : i32
    %run_scoped3A_51 = arith.constant 6 : i32
    "tpu.region"() ({
      %run_scoped3A_97 = tpu.sem_alloc : memref<!tpu.dma_semaphore, #tpu.memory_space<semaphore_mem>>
      %dma_start3A = arith.constant 0 : i32
      %dma_start3A_98 = tpu.memref_slice %arg6[%run_scoped3A_51, %dma_start3A] : memref<16x640xf32, #tpu.memory_space<vmem>> -> memref<1x640xf32, #tpu.memory_space<vmem>>
      %dma_start3A_99 = tpu.memref_squeeze %dma_start3A_98 : memref<1x640xf32, #tpu.memory_space<vmem>> -> memref<640xf32, #tpu.memory_space<vmem>>
      %dma_start3A_100 = tpu.memref_slice %arg8[%run_scoped3A_50, %mul3A_49] : memref<16x10240xf32, #tpu.memory_space<vmem_shared>> -> memref<1x640xf32, #tpu.memory_space<vmem_shared>>
      %dma_start3A_101 = tpu.memref_squeeze %dma_start3A_100 : memref<1x640xf32, #tpu.memory_space<vmem_shared>> -> memref<640xf32, #tpu.memory_space<vmem_shared>>
      %dma_start3A_102 = arith.constant 0 : i32
      %dma_start3A_103 = tpu.memref_slice %arg6[%run_scoped3A_51, %dma_start3A_102] : memref<16x640xf32, #tpu.memory_space<vmem>> -> memref<1x640xf32, #tpu.memory_space<vmem>>
      %dma_start3A_104 = tpu.memref_squeeze %dma_start3A_103 : memref<1x640xf32, #tpu.memory_space<vmem>> -> memref<640xf32, #tpu.memory_space<vmem>>
      %dma_start3A_105 = tpu.memref_slice %arg8[%run_scoped3A_50, %mul3A_49] : memref<16x10240xf32, #tpu.memory_space<vmem_shared>> -> memref<1x640xf32, #tpu.memory_space<vmem_shared>>
      %dma_start3A_106 = tpu.memref_squeeze %dma_start3A_105 : memref<1x640xf32, #tpu.memory_space<vmem_shared>> -> memref<640xf32, #tpu.memory_space<vmem_shared>>
      tpu.enqueue_dma source(%dma_start3A_106 : memref<640xf32, #tpu.memory_space<vmem_shared>>) target(%dma_start3A_104 : memref<640xf32, #tpu.memory_space<vmem>>) target_semaphore(%run_scoped3A_97 : memref<!tpu.dma_semaphore, #tpu.memory_space<semaphore_mem>>)
      %dma_wait3A = arith.constant 0 : i32
      %dma_wait3A_107 = tpu.memref_slice %arg6[%run_scoped3A_51, %dma_wait3A] : memref<16x640xf32, #tpu.memory_space<vmem>> -> memref<1x640xf32, #tpu.memory_space<vmem>>
      %dma_wait3A_108 = tpu.memref_squeeze %dma_wait3A_107 : memref<1x640xf32, #tpu.memory_space<vmem>> -> memref<640xf32, #tpu.memory_space<vmem>>
      %dma_wait3A_109 = tpu.memref_slice %arg8[%run_scoped3A_50, %mul3A_49] : memref<16x10240xf32, #tpu.memory_space<vmem_shared>> -> memref<1x640xf32, #tpu.memory_space<vmem_shared>>
      %dma_wait3A_110 = tpu.memref_squeeze %dma_wait3A_109 : memref<1x640xf32, #tpu.memory_space<vmem_shared>> -> memref<640xf32, #tpu.memory_space<vmem_shared>>
      %dma_wait3A_111 = arith.constant 0 : i32
      %dma_wait3A_112 = tpu.memref_slice %arg6[%run_scoped3A_51, %dma_wait3A_111] : memref<16x640xf32, #tpu.memory_space<vmem>> -> memref<1x640xf32, #tpu.memory_space<vmem>>
      %dma_wait3A_113 = tpu.memref_squeeze %dma_wait3A_112 : memref<1x640xf32, #tpu.memory_space<vmem>> -> memref<640xf32, #tpu.memory_space<vmem>>
      %dma_wait3A_114 = tpu.memref_slice %arg8[%run_scoped3A_50, %mul3A_49] : memref<16x10240xf32, #tpu.memory_space<vmem_shared>> -> memref<1x640xf32, #tpu.memory_space<vmem_shared>>
      %dma_wait3A_115 = tpu.memref_squeeze %dma_wait3A_114 : memref<1x640xf32, #tpu.memory_space<vmem_shared>> -> memref<640xf32, #tpu.memory_space<vmem_shared>>
      tpu.wait_dma2 semaphore(%run_scoped3A_97 : memref<!tpu.dma_semaphore, #tpu.memory_space<semaphore_mem>>) src(%dma_wait3A_115 : memref<640xf32, #tpu.memory_space<vmem_shared>>) dst(%dma_wait3A_113 : memref<640xf32, #tpu.memory_space<vmem>>)
      tpu.yield
    }) : () -> ()
    %mul3A_52 = arith.constant 640 : i32
    %mul3A_53 = arith.muli %arg1, %mul3A_52 : i32
    %run_scoped3A_54 = arith.constant 7 : i32
    %run_scoped3A_55 = arith.constant 7 : i32
    "tpu.region"() ({
      %run_scoped3A_97 = tpu.sem_alloc : memref<!tpu.dma_semaphore, #tpu.memory_space<semaphore_mem>>
      %dma_start3A = arith.constant 0 : i32
      %dma_start3A_98 = tpu.memref_slice %arg6[%run_scoped3A_55, %dma_start3A] : memref<16x640xf32, #tpu.memory_space<vmem>> -> memref<1x640xf32, #tpu.memory_space<vmem>>
      %dma_start3A_99 = tpu.memref_squeeze %dma_start3A_98 : memref<1x640xf32, #tpu.memory_space<vmem>> -> memref<640xf32, #tpu.memory_space<vmem>>
      %dma_start3A_100 = tpu.memref_slice %arg8[%run_scoped3A_54, %mul3A_53] : memref<16x10240xf32, #tpu.memory_space<vmem_shared>> -> memref<1x640xf32, #tpu.memory_space<vmem_shared>>
      %dma_start3A_101 = tpu.memref_squeeze %dma_start3A_100 : memref<1x640xf32, #tpu.memory_space<vmem_shared>> -> memref<640xf32, #tpu.memory_space<vmem_shared>>
      %dma_start3A_102 = arith.constant 0 : i32
      %dma_start3A_103 = tpu.memref_slice %arg6[%run_scoped3A_55, %dma_start3A_102] : memref<16x640xf32, #tpu.memory_space<vmem>> -> memref<1x640xf32, #tpu.memory_space<vmem>>
      %dma_start3A_104 = tpu.memref_squeeze %dma_start3A_103 : memref<1x640xf32, #tpu.memory_space<vmem>> -> memref<640xf32, #tpu.memory_space<vmem>>
      %dma_start3A_105 = tpu.memref_slice %arg8[%run_scoped3A_54, %mul3A_53] : memref<16x10240xf32, #tpu.memory_space<vmem_shared>> -> memref<1x640xf32, #tpu.memory_space<vmem_shared>>
      %dma_start3A_106 = tpu.memref_squeeze %dma_start3A_105 : memref<1x640xf32, #tpu.memory_space<vmem_shared>> -> memref<640xf32, #tpu.memory_space<vmem_shared>>
      tpu.enqueue_dma source(%dma_start3A_106 : memref<640xf32, #tpu.memory_space<vmem_shared>>) target(%dma_start3A_104 : memref<640xf32, #tpu.memory_space<vmem>>) target_semaphore(%run_scoped3A_97 : memref<!tpu.dma_semaphore, #tpu.memory_space<semaphore_mem>>)
      %dma_wait3A = arith.constant 0 : i32
      %dma_wait3A_107 = tpu.memref_slice %arg6[%run_scoped3A_55, %dma_wait3A] : memref<16x640xf32, #tpu.memory_space<vmem>> -> memref<1x640xf32, #tpu.memory_space<vmem>>
      %dma_wait3A_108 = tpu.memref_squeeze %dma_wait3A_107 : memref<1x640xf32, #tpu.memory_space<vmem>> -> memref<640xf32, #tpu.memory_space<vmem>>
      %dma_wait3A_109 = tpu.memref_slice %arg8[%run_scoped3A_54, %mul3A_53] : memref<16x10240xf32, #tpu.memory_space<vmem_shared>> -> memref<1x640xf32, #tpu.memory_space<vmem_shared>>
      %dma_wait3A_110 = tpu.memref_squeeze %dma_wait3A_109 : memref<1x640xf32, #tpu.memory_space<vmem_shared>> -> memref<640xf32, #tpu.memory_space<vmem_shared>>
      %dma_wait3A_111 = arith.constant 0 : i32
      %dma_wait3A_112 = tpu.memref_slice %arg6[%run_scoped3A_55, %dma_wait3A_111] : memref<16x640xf32, #tpu.memory_space<vmem>> -> memref<1x640xf32, #tpu.memory_space<vmem>>
      %dma_wait3A_113 = tpu.memref_squeeze %dma_wait3A_112 : memref<1x640xf32, #tpu.memory_space<vmem>> -> memref<640xf32, #tpu.memory_space<vmem>>
      %dma_wait3A_114 = tpu.memref_slice %arg8[%run_scoped3A_54, %mul3A_53] : memref<16x10240xf32, #tpu.memory_space<vmem_shared>> -> memref<1x640xf32, #tpu.memory_space<vmem_shared>>
      %dma_wait3A_115 = tpu.memref_squeeze %dma_wait3A_114 : memref<1x640xf32, #tpu.memory_space<vmem_shared>> -> memref<640xf32, #tpu.memory_space<vmem_shared>>
      tpu.wait_dma2 semaphore(%run_scoped3A_97 : memref<!tpu.dma_semaphore, #tpu.memory_space<semaphore_mem>>) src(%dma_wait3A_115 : memref<640xf32, #tpu.memory_space<vmem_shared>>) dst(%dma_wait3A_113 : memref<640xf32, #tpu.memory_space<vmem>>)
      tpu.yield
    }) : () -> ()
    %mul3A_56 = arith.constant 640 : i32
    %mul3A_57 = arith.muli %arg1, %mul3A_56 : i32
    %run_scoped3A_58 = arith.constant 8 : i32
    %run_scoped3A_59 = arith.constant 8 : i32
    "tpu.region"() ({
      %run_scoped3A_97 = tpu.sem_alloc : memref<!tpu.dma_semaphore, #tpu.memory_space<semaphore_mem>>
      %dma_start3A = arith.constant 0 : i32
      %dma_start3A_98 = tpu.memref_slice %arg6[%run_scoped3A_59, %dma_start3A] : memref<16x640xf32, #tpu.memory_space<vmem>> -> memref<1x640xf32, #tpu.memory_space<vmem>>
      %dma_start3A_99 = tpu.memref_squeeze %dma_start3A_98 : memref<1x640xf32, #tpu.memory_space<vmem>> -> memref<640xf32, #tpu.memory_space<vmem>>
      %dma_start3A_100 = tpu.memref_slice %arg8[%run_scoped3A_58, %mul3A_57] : memref<16x10240xf32, #tpu.memory_space<vmem_shared>> -> memref<1x640xf32, #tpu.memory_space<vmem_shared>>
      %dma_start3A_101 = tpu.memref_squeeze %dma_start3A_100 : memref<1x640xf32, #tpu.memory_space<vmem_shared>> -> memref<640xf32, #tpu.memory_space<vmem_shared>>
      %dma_start3A_102 = arith.constant 0 : i32
      %dma_start3A_103 = tpu.memref_slice %arg6[%run_scoped3A_59, %dma_start3A_102] : memref<16x640xf32, #tpu.memory_space<vmem>> -> memref<1x640xf32, #tpu.memory_space<vmem>>
      %dma_start3A_104 = tpu.memref_squeeze %dma_start3A_103 : memref<1x640xf32, #tpu.memory_space<vmem>> -> memref<640xf32, #tpu.memory_space<vmem>>
      %dma_start3A_105 = tpu.memref_slice %arg8[%run_scoped3A_58, %mul3A_57] : memref<16x10240xf32, #tpu.memory_space<vmem_shared>> -> memref<1x640xf32, #tpu.memory_space<vmem_shared>>
      %dma_start3A_106 = tpu.memref_squeeze %dma_start3A_105 : memref<1x640xf32, #tpu.memory_space<vmem_shared>> -> memref<640xf32, #tpu.memory_space<vmem_shared>>
      tpu.enqueue_dma source(%dma_start3A_106 : memref<640xf32, #tpu.memory_space<vmem_shared>>) target(%dma_start3A_104 : memref<640xf32, #tpu.memory_space<vmem>>) target_semaphore(%run_scoped3A_97 : memref<!tpu.dma_semaphore, #tpu.memory_space<semaphore_mem>>)
      %dma_wait3A = arith.constant 0 : i32
      %dma_wait3A_107 = tpu.memref_slice %arg6[%run_scoped3A_59, %dma_wait3A] : memref<16x640xf32, #tpu.memory_space<vmem>> -> memref<1x640xf32, #tpu.memory_space<vmem>>
      %dma_wait3A_108 = tpu.memref_squeeze %dma_wait3A_107 : memref<1x640xf32, #tpu.memory_space<vmem>> -> memref<640xf32, #tpu.memory_space<vmem>>
      %dma_wait3A_109 = tpu.memref_slice %arg8[%run_scoped3A_58, %mul3A_57] : memref<16x10240xf32, #tpu.memory_space<vmem_shared>> -> memref<1x640xf32, #tpu.memory_space<vmem_shared>>
      %dma_wait3A_110 = tpu.memref_squeeze %dma_wait3A_109 : memref<1x640xf32, #tpu.memory_space<vmem_shared>> -> memref<640xf32, #tpu.memory_space<vmem_shared>>
      %dma_wait3A_111 = arith.constant 0 : i32
      %dma_wait3A_112 = tpu.memref_slice %arg6[%run_scoped3A_59, %dma_wait3A_111] : memref<16x640xf32, #tpu.memory_space<vmem>> -> memref<1x640xf32, #tpu.memory_space<vmem>>
      %dma_wait3A_113 = tpu.memref_squeeze %dma_wait3A_112 : memref<1x640xf32, #tpu.memory_space<vmem>> -> memref<640xf32, #tpu.memory_space<vmem>>
      %dma_wait3A_114 = tpu.memref_slice %arg8[%run_scoped3A_58, %mul3A_57] : memref<16x10240xf32, #tpu.memory_space<vmem_shared>> -> memref<1x640xf32, #tpu.memory_space<vmem_shared>>
      %dma_wait3A_115 = tpu.memref_squeeze %dma_wait3A_114 : memref<1x640xf32, #tpu.memory_space<vmem_shared>> -> memref<640xf32, #tpu.memory_space<vmem_shared>>
      tpu.wait_dma2 semaphore(%run_scoped3A_97 : memref<!tpu.dma_semaphore, #tpu.memory_space<semaphore_mem>>) src(%dma_wait3A_115 : memref<640xf32, #tpu.memory_space<vmem_shared>>) dst(%dma_wait3A_113 : memref<640xf32, #tpu.memory_space<vmem>>)
      tpu.yield
    }) : () -> ()
    %mul3A_60 = arith.constant 640 : i32
    %mul3A_61 = arith.muli %arg1, %mul3A_60 : i32
    %run_scoped3A_62 = arith.constant 9 : i32
    %run_scoped3A_63 = arith.constant 9 : i32
    "tpu.region"() ({
      %run_scoped3A_97 = tpu.sem_alloc : memref<!tpu.dma_semaphore, #tpu.memory_space<semaphore_mem>>
      %dma_start3A = arith.constant 0 : i32
      %dma_start3A_98 = tpu.memref_slice %arg6[%run_scoped3A_63, %dma_start3A] : memref<16x640xf32, #tpu.memory_space<vmem>> -> memref<1x640xf32, #tpu.memory_space<vmem>>
      %dma_start3A_99 = tpu.memref_squeeze %dma_start3A_98 : memref<1x640xf32, #tpu.memory_space<vmem>> -> memref<640xf32, #tpu.memory_space<vmem>>
      %dma_start3A_100 = tpu.memref_slice %arg8[%run_scoped3A_62, %mul3A_61] : memref<16x10240xf32, #tpu.memory_space<vmem_shared>> -> memref<1x640xf32, #tpu.memory_space<vmem_shared>>
      %dma_start3A_101 = tpu.memref_squeeze %dma_start3A_100 : memref<1x640xf32, #tpu.memory_space<vmem_shared>> -> memref<640xf32, #tpu.memory_space<vmem_shared>>
      %dma_start3A_102 = arith.constant 0 : i32
      %dma_start3A_103 = tpu.memref_slice %arg6[%run_scoped3A_63, %dma_start3A_102] : memref<16x640xf32, #tpu.memory_space<vmem>> -> memref<1x640xf32, #tpu.memory_space<vmem>>
      %dma_start3A_104 = tpu.memref_squeeze %dma_start3A_103 : memref<1x640xf32, #tpu.memory_space<vmem>> -> memref<640xf32, #tpu.memory_space<vmem>>
      %dma_start3A_105 = tpu.memref_slice %arg8[%run_scoped3A_62, %mul3A_61] : memref<16x10240xf32, #tpu.memory_space<vmem_shared>> -> memref<1x640xf32, #tpu.memory_space<vmem_shared>>
      %dma_start3A_106 = tpu.memref_squeeze %dma_start3A_105 : memref<1x640xf32, #tpu.memory_space<vmem_shared>> -> memref<640xf32, #tpu.memory_space<vmem_shared>>
      tpu.enqueue_dma source(%dma_start3A_106 : memref<640xf32, #tpu.memory_space<vmem_shared>>) target(%dma_start3A_104 : memref<640xf32, #tpu.memory_space<vmem>>) target_semaphore(%run_scoped3A_97 : memref<!tpu.dma_semaphore, #tpu.memory_space<semaphore_mem>>)
      %dma_wait3A = arith.constant 0 : i32
      %dma_wait3A_107 = tpu.memref_slice %arg6[%run_scoped3A_63, %dma_wait3A] : memref<16x640xf32, #tpu.memory_space<vmem>> -> memref<1x640xf32, #tpu.memory_space<vmem>>
      %dma_wait3A_108 = tpu.memref_squeeze %dma_wait3A_107 : memref<1x640xf32, #tpu.memory_space<vmem>> -> memref<640xf32, #tpu.memory_space<vmem>>
      %dma_wait3A_109 = tpu.memref_slice %arg8[%run_scoped3A_62, %mul3A_61] : memref<16x10240xf32, #tpu.memory_space<vmem_shared>> -> memref<1x640xf32, #tpu.memory_space<vmem_shared>>
      %dma_wait3A_110 = tpu.memref_squeeze %dma_wait3A_109 : memref<1x640xf32, #tpu.memory_space<vmem_shared>> -> memref<640xf32, #tpu.memory_space<vmem_shared>>
      %dma_wait3A_111 = arith.constant 0 : i32
      %dma_wait3A_112 = tpu.memref_slice %arg6[%run_scoped3A_63, %dma_wait3A_111] : memref<16x640xf32, #tpu.memory_space<vmem>> -> memref<1x640xf32, #tpu.memory_space<vmem>>
      %dma_wait3A_113 = tpu.memref_squeeze %dma_wait3A_112 : memref<1x640xf32, #tpu.memory_space<vmem>> -> memref<640xf32, #tpu.memory_space<vmem>>
      %dma_wait3A_114 = tpu.memref_slice %arg8[%run_scoped3A_62, %mul3A_61] : memref<16x10240xf32, #tpu.memory_space<vmem_shared>> -> memref<1x640xf32, #tpu.memory_space<vmem_shared>>
      %dma_wait3A_115 = tpu.memref_squeeze %dma_wait3A_114 : memref<1x640xf32, #tpu.memory_space<vmem_shared>> -> memref<640xf32, #tpu.memory_space<vmem_shared>>
      tpu.wait_dma2 semaphore(%run_scoped3A_97 : memref<!tpu.dma_semaphore, #tpu.memory_space<semaphore_mem>>) src(%dma_wait3A_115 : memref<640xf32, #tpu.memory_space<vmem_shared>>) dst(%dma_wait3A_113 : memref<640xf32, #tpu.memory_space<vmem>>)
      tpu.yield
    }) : () -> ()
    %mul3A_64 = arith.constant 640 : i32
    %mul3A_65 = arith.muli %arg1, %mul3A_64 : i32
    %run_scoped3A_66 = arith.constant 10 : i32
    %run_scoped3A_67 = arith.constant 10 : i32
    "tpu.region"() ({
      %run_scoped3A_97 = tpu.sem_alloc : memref<!tpu.dma_semaphore, #tpu.memory_space<semaphore_mem>>
      %dma_start3A = arith.constant 0 : i32
      %dma_start3A_98 = tpu.memref_slice %arg6[%run_scoped3A_67, %dma_start3A] : memref<16x640xf32, #tpu.memory_space<vmem>> -> memref<1x640xf32, #tpu.memory_space<vmem>>
      %dma_start3A_99 = tpu.memref_squeeze %dma_start3A_98 : memref<1x640xf32, #tpu.memory_space<vmem>> -> memref<640xf32, #tpu.memory_space<vmem>>
      %dma_start3A_100 = tpu.memref_slice %arg8[%run_scoped3A_66, %mul3A_65] : memref<16x10240xf32, #tpu.memory_space<vmem_shared>> -> memref<1x640xf32, #tpu.memory_space<vmem_shared>>
      %dma_start3A_101 = tpu.memref_squeeze %dma_start3A_100 : memref<1x640xf32, #tpu.memory_space<vmem_shared>> -> memref<640xf32, #tpu.memory_space<vmem_shared>>
      %dma_start3A_102 = arith.constant 0 : i32
      %dma_start3A_103 = tpu.memref_slice %arg6[%run_scoped3A_67, %dma_start3A_102] : memref<16x640xf32, #tpu.memory_space<vmem>> -> memref<1x640xf32, #tpu.memory_space<vmem>>
      %dma_start3A_104 = tpu.memref_squeeze %dma_start3A_103 : memref<1x640xf32, #tpu.memory_space<vmem>> -> memref<640xf32, #tpu.memory_space<vmem>>
      %dma_start3A_105 = tpu.memref_slice %arg8[%run_scoped3A_66, %mul3A_65] : memref<16x10240xf32, #tpu.memory_space<vmem_shared>> -> memref<1x640xf32, #tpu.memory_space<vmem_shared>>
      %dma_start3A_106 = tpu.memref_squeeze %dma_start3A_105 : memref<1x640xf32, #tpu.memory_space<vmem_shared>> -> memref<640xf32, #tpu.memory_space<vmem_shared>>
      tpu.enqueue_dma source(%dma_start3A_106 : memref<640xf32, #tpu.memory_space<vmem_shared>>) target(%dma_start3A_104 : memref<640xf32, #tpu.memory_space<vmem>>) target_semaphore(%run_scoped3A_97 : memref<!tpu.dma_semaphore, #tpu.memory_space<semaphore_mem>>)
      %dma_wait3A = arith.constant 0 : i32
      %dma_wait3A_107 = tpu.memref_slice %arg6[%run_scoped3A_67, %dma_wait3A] : memref<16x640xf32, #tpu.memory_space<vmem>> -> memref<1x640xf32, #tpu.memory_space<vmem>>
      %dma_wait3A_108 = tpu.memref_squeeze %dma_wait3A_107 : memref<1x640xf32, #tpu.memory_space<vmem>> -> memref<640xf32, #tpu.memory_space<vmem>>
      %dma_wait3A_109 = tpu.memref_slice %arg8[%run_scoped3A_66, %mul3A_65] : memref<16x10240xf32, #tpu.memory_space<vmem_shared>> -> memref<1x640xf32, #tpu.memory_space<vmem_shared>>
      %dma_wait3A_110 = tpu.memref_squeeze %dma_wait3A_109 : memref<1x640xf32, #tpu.memory_space<vmem_shared>> -> memref<640xf32, #tpu.memory_space<vmem_shared>>
      %dma_wait3A_111 = arith.constant 0 : i32
      %dma_wait3A_112 = tpu.memref_slice %arg6[%run_scoped3A_67, %dma_wait3A_111] : memref<16x640xf32, #tpu.memory_space<vmem>> -> memref<1x640xf32, #tpu.memory_space<vmem>>
      %dma_wait3A_113 = tpu.memref_squeeze %dma_wait3A_112 : memref<1x640xf32, #tpu.memory_space<vmem>> -> memref<640xf32, #tpu.memory_space<vmem>>
      %dma_wait3A_114 = tpu.memref_slice %arg8[%run_scoped3A_66, %mul3A_65] : memref<16x10240xf32, #tpu.memory_space<vmem_shared>> -> memref<1x640xf32, #tpu.memory_space<vmem_shared>>
      %dma_wait3A_115 = tpu.memref_squeeze %dma_wait3A_114 : memref<1x640xf32, #tpu.memory_space<vmem_shared>> -> memref<640xf32, #tpu.memory_space<vmem_shared>>
      tpu.wait_dma2 semaphore(%run_scoped3A_97 : memref<!tpu.dma_semaphore, #tpu.memory_space<semaphore_mem>>) src(%dma_wait3A_115 : memref<640xf32, #tpu.memory_space<vmem_shared>>) dst(%dma_wait3A_113 : memref<640xf32, #tpu.memory_space<vmem>>)
      tpu.yield
    }) : () -> ()
    %mul3A_68 = arith.constant 640 : i32
    %mul3A_69 = arith.muli %arg1, %mul3A_68 : i32
    %run_scoped3A_70 = arith.constant 11 : i32
    %run_scoped3A_71 = arith.constant 11 : i32
    "tpu.region"() ({
      %run_scoped3A_97 = tpu.sem_alloc : memref<!tpu.dma_semaphore, #tpu.memory_space<semaphore_mem>>
      %dma_start3A = arith.constant 0 : i32
      %dma_start3A_98 = tpu.memref_slice %arg6[%run_scoped3A_71, %dma_start3A] : memref<16x640xf32, #tpu.memory_space<vmem>> -> memref<1x640xf32, #tpu.memory_space<vmem>>
      %dma_start3A_99 = tpu.memref_squeeze %dma_start3A_98 : memref<1x640xf32, #tpu.memory_space<vmem>> -> memref<640xf32, #tpu.memory_space<vmem>>
      %dma_start3A_100 = tpu.memref_slice %arg8[%run_scoped3A_70, %mul3A_69] : memref<16x10240xf32, #tpu.memory_space<vmem_shared>> -> memref<1x640xf32, #tpu.memory_space<vmem_shared>>
      %dma_start3A_101 = tpu.memref_squeeze %dma_start3A_100 : memref<1x640xf32, #tpu.memory_space<vmem_shared>> -> memref<640xf32, #tpu.memory_space<vmem_shared>>
      %dma_start3A_102 = arith.constant 0 : i32
      %dma_start3A_103 = tpu.memref_slice %arg6[%run_scoped3A_71, %dma_start3A_102] : memref<16x640xf32, #tpu.memory_space<vmem>> -> memref<1x640xf32, #tpu.memory_space<vmem>>
      %dma_start3A_104 = tpu.memref_squeeze %dma_start3A_103 : memref<1x640xf32, #tpu.memory_space<vmem>> -> memref<640xf32, #tpu.memory_space<vmem>>
      %dma_start3A_105 = tpu.memref_slice %arg8[%run_scoped3A_70, %mul3A_69] : memref<16x10240xf32, #tpu.memory_space<vmem_shared>> -> memref<1x640xf32, #tpu.memory_space<vmem_shared>>
      %dma_start3A_106 = tpu.memref_squeeze %dma_start3A_105 : memref<1x640xf32, #tpu.memory_space<vmem_shared>> -> memref<640xf32, #tpu.memory_space<vmem_shared>>
      tpu.enqueue_dma source(%dma_start3A_106 : memref<640xf32, #tpu.memory_space<vmem_shared>>) target(%dma_start3A_104 : memref<640xf32, #tpu.memory_space<vmem>>) target_semaphore(%run_scoped3A_97 : memref<!tpu.dma_semaphore, #tpu.memory_space<semaphore_mem>>)
      %dma_wait3A = arith.constant 0 : i32
      %dma_wait3A_107 = tpu.memref_slice %arg6[%run_scoped3A_71, %dma_wait3A] : memref<16x640xf32, #tpu.memory_space<vmem>> -> memref<1x640xf32, #tpu.memory_space<vmem>>
      %dma_wait3A_108 = tpu.memref_squeeze %dma_wait3A_107 : memref<1x640xf32, #tpu.memory_space<vmem>> -> memref<640xf32, #tpu.memory_space<vmem>>
      %dma_wait3A_109 = tpu.memref_slice %arg8[%run_scoped3A_70, %mul3A_69] : memref<16x10240xf32, #tpu.memory_space<vmem_shared>> -> memref<1x640xf32, #tpu.memory_space<vmem_shared>>
      %dma_wait3A_110 = tpu.memref_squeeze %dma_wait3A_109 : memref<1x640xf32, #tpu.memory_space<vmem_shared>> -> memref<640xf32, #tpu.memory_space<vmem_shared>>
      %dma_wait3A_111 = arith.constant 0 : i32
      %dma_wait3A_112 = tpu.memref_slice %arg6[%run_scoped3A_71, %dma_wait3A_111] : memref<16x640xf32, #tpu.memory_space<vmem>> -> memref<1x640xf32, #tpu.memory_space<vmem>>
      %dma_wait3A_113 = tpu.memref_squeeze %dma_wait3A_112 : memref<1x640xf32, #tpu.memory_space<vmem>> -> memref<640xf32, #tpu.memory_space<vmem>>
      %dma_wait3A_114 = tpu.memref_slice %arg8[%run_scoped3A_70, %mul3A_69] : memref<16x10240xf32, #tpu.memory_space<vmem_shared>> -> memref<1x640xf32, #tpu.memory_space<vmem_shared>>
      %dma_wait3A_115 = tpu.memref_squeeze %dma_wait3A_114 : memref<1x640xf32, #tpu.memory_space<vmem_shared>> -> memref<640xf32, #tpu.memory_space<vmem_shared>>
      tpu.wait_dma2 semaphore(%run_scoped3A_97 : memref<!tpu.dma_semaphore, #tpu.memory_space<semaphore_mem>>) src(%dma_wait3A_115 : memref<640xf32, #tpu.memory_space<vmem_shared>>) dst(%dma_wait3A_113 : memref<640xf32, #tpu.memory_space<vmem>>)
      tpu.yield
    }) : () -> ()
    %mul3A_72 = arith.constant 640 : i32
    %mul3A_73 = arith.muli %arg1, %mul3A_72 : i32
    %run_scoped3A_74 = arith.constant 12 : i32
    %run_scoped3A_75 = arith.constant 12 : i32
    "tpu.region"() ({
      %run_scoped3A_97 = tpu.sem_alloc : memref<!tpu.dma_semaphore, #tpu.memory_space<semaphore_mem>>
      %dma_start3A = arith.constant 0 : i32
      %dma_start3A_98 = tpu.memref_slice %arg6[%run_scoped3A_75, %dma_start3A] : memref<16x640xf32, #tpu.memory_space<vmem>> -> memref<1x640xf32, #tpu.memory_space<vmem>>
      %dma_start3A_99 = tpu.memref_squeeze %dma_start3A_98 : memref<1x640xf32, #tpu.memory_space<vmem>> -> memref<640xf32, #tpu.memory_space<vmem>>
      %dma_start3A_100 = tpu.memref_slice %arg8[%run_scoped3A_74, %mul3A_73] : memref<16x10240xf32, #tpu.memory_space<vmem_shared>> -> memref<1x640xf32, #tpu.memory_space<vmem_shared>>
      %dma_start3A_101 = tpu.memref_squeeze %dma_start3A_100 : memref<1x640xf32, #tpu.memory_space<vmem_shared>> -> memref<640xf32, #tpu.memory_space<vmem_shared>>
      %dma_start3A_102 = arith.constant 0 : i32
      %dma_start3A_103 = tpu.memref_slice %arg6[%run_scoped3A_75, %dma_start3A_102] : memref<16x640xf32, #tpu.memory_space<vmem>> -> memref<1x640xf32, #tpu.memory_space<vmem>>
      %dma_start3A_104 = tpu.memref_squeeze %dma_start3A_103 : memref<1x640xf32, #tpu.memory_space<vmem>> -> memref<640xf32, #tpu.memory_space<vmem>>
      %dma_start3A_105 = tpu.memref_slice %arg8[%run_scoped3A_74, %mul3A_73] : memref<16x10240xf32, #tpu.memory_space<vmem_shared>> -> memref<1x640xf32, #tpu.memory_space<vmem_shared>>
      %dma_start3A_106 = tpu.memref_squeeze %dma_start3A_105 : memref<1x640xf32, #tpu.memory_space<vmem_shared>> -> memref<640xf32, #tpu.memory_space<vmem_shared>>
      tpu.enqueue_dma source(%dma_start3A_106 : memref<640xf32, #tpu.memory_space<vmem_shared>>) target(%dma_start3A_104 : memref<640xf32, #tpu.memory_space<vmem>>) target_semaphore(%run_scoped3A_97 : memref<!tpu.dma_semaphore, #tpu.memory_space<semaphore_mem>>)
      %dma_wait3A = arith.constant 0 : i32
      %dma_wait3A_107 = tpu.memref_slice %arg6[%run_scoped3A_75, %dma_wait3A] : memref<16x640xf32, #tpu.memory_space<vmem>> -> memref<1x640xf32, #tpu.memory_space<vmem>>
      %dma_wait3A_108 = tpu.memref_squeeze %dma_wait3A_107 : memref<1x640xf32, #tpu.memory_space<vmem>> -> memref<640xf32, #tpu.memory_space<vmem>>
      %dma_wait3A_109 = tpu.memref_slice %arg8[%run_scoped3A_74, %mul3A_73] : memref<16x10240xf32, #tpu.memory_space<vmem_shared>> -> memref<1x640xf32, #tpu.memory_space<vmem_shared>>
      %dma_wait3A_110 = tpu.memref_squeeze %dma_wait3A_109 : memref<1x640xf32, #tpu.memory_space<vmem_shared>> -> memref<640xf32, #tpu.memory_space<vmem_shared>>
      %dma_wait3A_111 = arith.constant 0 : i32
      %dma_wait3A_112 = tpu.memref_slice %arg6[%run_scoped3A_75, %dma_wait3A_111] : memref<16x640xf32, #tpu.memory_space<vmem>> -> memref<1x640xf32, #tpu.memory_space<vmem>>
      %dma_wait3A_113 = tpu.memref_squeeze %dma_wait3A_112 : memref<1x640xf32, #tpu.memory_space<vmem>> -> memref<640xf32, #tpu.memory_space<vmem>>
      %dma_wait3A_114 = tpu.memref_slice %arg8[%run_scoped3A_74, %mul3A_73] : memref<16x10240xf32, #tpu.memory_space<vmem_shared>> -> memref<1x640xf32, #tpu.memory_space<vmem_shared>>
      %dma_wait3A_115 = tpu.memref_squeeze %dma_wait3A_114 : memref<1x640xf32, #tpu.memory_space<vmem_shared>> -> memref<640xf32, #tpu.memory_space<vmem_shared>>
      tpu.wait_dma2 semaphore(%run_scoped3A_97 : memref<!tpu.dma_semaphore, #tpu.memory_space<semaphore_mem>>) src(%dma_wait3A_115 : memref<640xf32, #tpu.memory_space<vmem_shared>>) dst(%dma_wait3A_113 : memref<640xf32, #tpu.memory_space<vmem>>)
      tpu.yield
    }) : () -> ()
    %mul3A_76 = arith.constant 640 : i32
    %mul3A_77 = arith.muli %arg1, %mul3A_76 : i32
    %run_scoped3A_78 = arith.constant 13 : i32
    %run_scoped3A_79 = arith.constant 13 : i32
    "tpu.region"() ({
      %run_scoped3A_97 = tpu.sem_alloc : memref<!tpu.dma_semaphore, #tpu.memory_space<semaphore_mem>>
      %dma_start3A = arith.constant 0 : i32
      %dma_start3A_98 = tpu.memref_slice %arg6[%run_scoped3A_79, %dma_start3A] : memref<16x640xf32, #tpu.memory_space<vmem>> -> memref<1x640xf32, #tpu.memory_space<vmem>>
      %dma_start3A_99 = tpu.memref_squeeze %dma_start3A_98 : memref<1x640xf32, #tpu.memory_space<vmem>> -> memref<640xf32, #tpu.memory_space<vmem>>
      %dma_start3A_100 = tpu.memref_slice %arg8[%run_scoped3A_78, %mul3A_77] : memref<16x10240xf32, #tpu.memory_space<vmem_shared>> -> memref<1x640xf32, #tpu.memory_space<vmem_shared>>
      %dma_start3A_101 = tpu.memref_squeeze %dma_start3A_100 : memref<1x640xf32, #tpu.memory_space<vmem_shared>> -> memref<640xf32, #tpu.memory_space<vmem_shared>>
      %dma_start3A_102 = arith.constant 0 : i32
      %dma_start3A_103 = tpu.memref_slice %arg6[%run_scoped3A_79, %dma_start3A_102] : memref<16x640xf32, #tpu.memory_space<vmem>> -> memref<1x640xf32, #tpu.memory_space<vmem>>
      %dma_start3A_104 = tpu.memref_squeeze %dma_start3A_103 : memref<1x640xf32, #tpu.memory_space<vmem>> -> memref<640xf32, #tpu.memory_space<vmem>>
      %dma_start3A_105 = tpu.memref_slice %arg8[%run_scoped3A_78, %mul3A_77] : memref<16x10240xf32, #tpu.memory_space<vmem_shared>> -> memref<1x640xf32, #tpu.memory_space<vmem_shared>>
      %dma_start3A_106 = tpu.memref_squeeze %dma_start3A_105 : memref<1x640xf32, #tpu.memory_space<vmem_shared>> -> memref<640xf32, #tpu.memory_space<vmem_shared>>
      tpu.enqueue_dma source(%dma_start3A_106 : memref<640xf32, #tpu.memory_space<vmem_shared>>) target(%dma_start3A_104 : memref<640xf32, #tpu.memory_space<vmem>>) target_semaphore(%run_scoped3A_97 : memref<!tpu.dma_semaphore, #tpu.memory_space<semaphore_mem>>)
      %dma_wait3A = arith.constant 0 : i32
      %dma_wait3A_107 = tpu.memref_slice %arg6[%run_scoped3A_79, %dma_wait3A] : memref<16x640xf32, #tpu.memory_space<vmem>> -> memref<1x640xf32, #tpu.memory_space<vmem>>
      %dma_wait3A_108 = tpu.memref_squeeze %dma_wait3A_107 : memref<1x640xf32, #tpu.memory_space<vmem>> -> memref<640xf32, #tpu.memory_space<vmem>>
      %dma_wait3A_109 = tpu.memref_slice %arg8[%run_scoped3A_78, %mul3A_77] : memref<16x10240xf32, #tpu.memory_space<vmem_shared>> -> memref<1x640xf32, #tpu.memory_space<vmem_shared>>
      %dma_wait3A_110 = tpu.memref_squeeze %dma_wait3A_109 : memref<1x640xf32, #tpu.memory_space<vmem_shared>> -> memref<640xf32, #tpu.memory_space<vmem_shared>>
      %dma_wait3A_111 = arith.constant 0 : i32
      %dma_wait3A_112 = tpu.memref_slice %arg6[%run_scoped3A_79, %dma_wait3A_111] : memref<16x640xf32, #tpu.memory_space<vmem>> -> memref<1x640xf32, #tpu.memory_space<vmem>>
      %dma_wait3A_113 = tpu.memref_squeeze %dma_wait3A_112 : memref<1x640xf32, #tpu.memory_space<vmem>> -> memref<640xf32, #tpu.memory_space<vmem>>
      %dma_wait3A_114 = tpu.memref_slice %arg8[%run_scoped3A_78, %mul3A_77] : memref<16x10240xf32, #tpu.memory_space<vmem_shared>> -> memref<1x640xf32, #tpu.memory_space<vmem_shared>>
      %dma_wait3A_115 = tpu.memref_squeeze %dma_wait3A_114 : memref<1x640xf32, #tpu.memory_space<vmem_shared>> -> memref<640xf32, #tpu.memory_space<vmem_shared>>
      tpu.wait_dma2 semaphore(%run_scoped3A_97 : memref<!tpu.dma_semaphore, #tpu.memory_space<semaphore_mem>>) src(%dma_wait3A_115 : memref<640xf32, #tpu.memory_space<vmem_shared>>) dst(%dma_wait3A_113 : memref<640xf32, #tpu.memory_space<vmem>>)
      tpu.yield
    }) : () -> ()
    %mul3A_80 = arith.constant 640 : i32
    %mul3A_81 = arith.muli %arg1, %mul3A_80 : i32
    %run_scoped3A_82 = arith.constant 14 : i32
    %run_scoped3A_83 = arith.constant 14 : i32
    "tpu.region"() ({
      %run_scoped3A_97 = tpu.sem_alloc : memref<!tpu.dma_semaphore, #tpu.memory_space<semaphore_mem>>
      %dma_start3A = arith.constant 0 : i32
      %dma_start3A_98 = tpu.memref_slice %arg6[%run_scoped3A_83, %dma_start3A] : memref<16x640xf32, #tpu.memory_space<vmem>> -> memref<1x640xf32, #tpu.memory_space<vmem>>
      %dma_start3A_99 = tpu.memref_squeeze %dma_start3A_98 : memref<1x640xf32, #tpu.memory_space<vmem>> -> memref<640xf32, #tpu.memory_space<vmem>>
      %dma_start3A_100 = tpu.memref_slice %arg8[%run_scoped3A_82, %mul3A_81] : memref<16x10240xf32, #tpu.memory_space<vmem_shared>> -> memref<1x640xf32, #tpu.memory_space<vmem_shared>>
      %dma_start3A_101 = tpu.memref_squeeze %dma_start3A_100 : memref<1x640xf32, #tpu.memory_space<vmem_shared>> -> memref<640xf32, #tpu.memory_space<vmem_shared>>
      %dma_start3A_102 = arith.constant 0 : i32
      %dma_start3A_103 = tpu.memref_slice %arg6[%run_scoped3A_83, %dma_start3A_102] : memref<16x640xf32, #tpu.memory_space<vmem>> -> memref<1x640xf32, #tpu.memory_space<vmem>>
      %dma_start3A_104 = tpu.memref_squeeze %dma_start3A_103 : memref<1x640xf32, #tpu.memory_space<vmem>> -> memref<640xf32, #tpu.memory_space<vmem>>
      %dma_start3A_105 = tpu.memref_slice %arg8[%run_scoped3A_82, %mul3A_81] : memref<16x10240xf32, #tpu.memory_space<vmem_shared>> -> memref<1x640xf32, #tpu.memory_space<vmem_shared>>
      %dma_start3A_106 = tpu.memref_squeeze %dma_start3A_105 : memref<1x640xf32, #tpu.memory_space<vmem_shared>> -> memref<640xf32, #tpu.memory_space<vmem_shared>>
      tpu.enqueue_dma source(%dma_start3A_106 : memref<640xf32, #tpu.memory_space<vmem_shared>>) target(%dma_start3A_104 : memref<640xf32, #tpu.memory_space<vmem>>) target_semaphore(%run_scoped3A_97 : memref<!tpu.dma_semaphore, #tpu.memory_space<semaphore_mem>>)
      %dma_wait3A = arith.constant 0 : i32
      %dma_wait3A_107 = tpu.memref_slice %arg6[%run_scoped3A_83, %dma_wait3A] : memref<16x640xf32, #tpu.memory_space<vmem>> -> memref<1x640xf32, #tpu.memory_space<vmem>>
      %dma_wait3A_108 = tpu.memref_squeeze %dma_wait3A_107 : memref<1x640xf32, #tpu.memory_space<vmem>> -> memref<640xf32, #tpu.memory_space<vmem>>
      %dma_wait3A_109 = tpu.memref_slice %arg8[%run_scoped3A_82, %mul3A_81] : memref<16x10240xf32, #tpu.memory_space<vmem_shared>> -> memref<1x640xf32, #tpu.memory_space<vmem_shared>>
      %dma_wait3A_110 = tpu.memref_squeeze %dma_wait3A_109 : memref<1x640xf32, #tpu.memory_space<vmem_shared>> -> memref<640xf32, #tpu.memory_space<vmem_shared>>
      %dma_wait3A_111 = arith.constant 0 : i32
      %dma_wait3A_112 = tpu.memref_slice %arg6[%run_scoped3A_83, %dma_wait3A_111] : memref<16x640xf32, #tpu.memory_space<vmem>> -> memref<1x640xf32, #tpu.memory_space<vmem>>
      %dma_wait3A_113 = tpu.memref_squeeze %dma_wait3A_112 : memref<1x640xf32, #tpu.memory_space<vmem>> -> memref<640xf32, #tpu.memory_space<vmem>>
      %dma_wait3A_114 = tpu.memref_slice %arg8[%run_scoped3A_82, %mul3A_81] : memref<16x10240xf32, #tpu.memory_space<vmem_shared>> -> memref<1x640xf32, #tpu.memory_space<vmem_shared>>
      %dma_wait3A_115 = tpu.memref_squeeze %dma_wait3A_114 : memref<1x640xf32, #tpu.memory_space<vmem_shared>> -> memref<640xf32, #tpu.memory_space<vmem_shared>>
      tpu.wait_dma2 semaphore(%run_scoped3A_97 : memref<!tpu.dma_semaphore, #tpu.memory_space<semaphore_mem>>) src(%dma_wait3A_115 : memref<640xf32, #tpu.memory_space<vmem_shared>>) dst(%dma_wait3A_113 : memref<640xf32, #tpu.memory_space<vmem>>)
      tpu.yield
    }) : () -> ()
    %mul3A_84 = arith.constant 640 : i32
    %mul3A_85 = arith.muli %arg1, %mul3A_84 : i32
    %run_scoped3A_86 = arith.constant 15 : i32
    %run_scoped3A_87 = arith.constant 15 : i32
    "tpu.region"() ({
      %run_scoped3A_97 = tpu.sem_alloc : memref<!tpu.dma_semaphore, #tpu.memory_space<semaphore_mem>>
      %dma_start3A = arith.constant 0 : i32
      %dma_start3A_98 = tpu.memref_slice %arg6[%run_scoped3A_87, %dma_start3A] : memref<16x640xf32, #tpu.memory_space<vmem>> -> memref<1x640xf32, #tpu.memory_space<vmem>>
      %dma_start3A_99 = tpu.memref_squeeze %dma_start3A_98 : memref<1x640xf32, #tpu.memory_space<vmem>> -> memref<640xf32, #tpu.memory_space<vmem>>
      %dma_start3A_100 = tpu.memref_slice %arg8[%run_scoped3A_86, %mul3A_85] : memref<16x10240xf32, #tpu.memory_space<vmem_shared>> -> memref<1x640xf32, #tpu.memory_space<vmem_shared>>
      %dma_start3A_101 = tpu.memref_squeeze %dma_start3A_100 : memref<1x640xf32, #tpu.memory_space<vmem_shared>> -> memref<640xf32, #tpu.memory_space<vmem_shared>>
      %dma_start3A_102 = arith.constant 0 : i32
      %dma_start3A_103 = tpu.memref_slice %arg6[%run_scoped3A_87, %dma_start3A_102] : memref<16x640xf32, #tpu.memory_space<vmem>> -> memref<1x640xf32, #tpu.memory_space<vmem>>
      %dma_start3A_104 = tpu.memref_squeeze %dma_start3A_103 : memref<1x640xf32, #tpu.memory_space<vmem>> -> memref<640xf32, #tpu.memory_space<vmem>>
      %dma_start3A_105 = tpu.memref_slice %arg8[%run_scoped3A_86, %mul3A_85] : memref<16x10240xf32, #tpu.memory_space<vmem_shared>> -> memref<1x640xf32, #tpu.memory_space<vmem_shared>>
      %dma_start3A_106 = tpu.memref_squeeze %dma_start3A_105 : memref<1x640xf32, #tpu.memory_space<vmem_shared>> -> memref<640xf32, #tpu.memory_space<vmem_shared>>
      tpu.enqueue_dma source(%dma_start3A_106 : memref<640xf32, #tpu.memory_space<vmem_shared>>) target(%dma_start3A_104 : memref<640xf32, #tpu.memory_space<vmem>>) target_semaphore(%run_scoped3A_97 : memref<!tpu.dma_semaphore, #tpu.memory_space<semaphore_mem>>)
      %dma_wait3A = arith.constant 0 : i32
      %dma_wait3A_107 = tpu.memref_slice %arg6[%run_scoped3A_87, %dma_wait3A] : memref<16x640xf32, #tpu.memory_space<vmem>> -> memref<1x640xf32, #tpu.memory_space<vmem>>
      %dma_wait3A_108 = tpu.memref_squeeze %dma_wait3A_107 : memref<1x640xf32, #tpu.memory_space<vmem>> -> memref<640xf32, #tpu.memory_space<vmem>>
      %dma_wait3A_109 = tpu.memref_slice %arg8[%run_scoped3A_86, %mul3A_85] : memref<16x10240xf32, #tpu.memory_space<vmem_shared>> -> memref<1x640xf32, #tpu.memory_space<vmem_shared>>
      %dma_wait3A_110 = tpu.memref_squeeze %dma_wait3A_109 : memref<1x640xf32, #tpu.memory_space<vmem_shared>> -> memref<640xf32, #tpu.memory_space<vmem_shared>>
      %dma_wait3A_111 = arith.constant 0 : i32
      %dma_wait3A_112 = tpu.memref_slice %arg6[%run_scoped3A_87, %dma_wait3A_111] : memref<16x640xf32, #tpu.memory_space<vmem>> -> memref<1x640xf32, #tpu.memory_space<vmem>>
      %dma_wait3A_113 = tpu.memref_squeeze %dma_wait3A_112 : memref<1x640xf32, #tpu.memory_space<vmem>> -> memref<640xf32, #tpu.memory_space<vmem>>
      %dma_wait3A_114 = tpu.memref_slice %arg8[%run_scoped3A_86, %mul3A_85] : memref<16x10240xf32, #tpu.memory_space<vmem_shared>> -> memref<1x640xf32, #tpu.memory_space<vmem_shared>>
      %dma_wait3A_115 = tpu.memref_squeeze %dma_wait3A_114 : memref<1x640xf32, #tpu.memory_space<vmem_shared>> -> memref<640xf32, #tpu.memory_space<vmem_shared>>
      tpu.wait_dma2 semaphore(%run_scoped3A_97 : memref<!tpu.dma_semaphore, #tpu.memory_space<semaphore_mem>>) src(%dma_wait3A_115 : memref<640xf32, #tpu.memory_space<vmem_shared>>) dst(%dma_wait3A_113 : memref<640xf32, #tpu.memory_space<vmem>>)
      tpu.yield
    }) : () -> ()
    %scan3A_88 = arith.constant 0 : i32
    %scan3A_89 = arith.constant 0 : i32
    %scan3A_90 = arith.constant 40 : i32
    %scan3A_91 = arith.addi %scan3A_89, %scan3A_90 : i32
    %scan3A_92 = arith.constant 1 : i32
    %scan3A_93 = scf.for %scan3A_97 = %scan3A_89 to %scan3A_91 step %scan3A_92 iter_args(%scan3A_98 = %scan3A_88) -> (i32)  : i32 {
      %mul3A_99 = arith.constant 16 : i32
      %mul3A_100 = arith.muli %scan3A_97, %mul3A_99 : i32
      %get3A = arith.constant 0 : i32
      %get3A_101 = arith.index_cast %get3A : i32 to index
      %get3A_102 = arith.index_cast %mul3A_100 : i32 to index
      %get3A_103 = tpu.vector_load %arg6[%get3A_101, %get3A_102] {strides = array<i32>} : memref<16x640xf32, #tpu.memory_space<vmem>>, vector<16xf32>,
      %mul3A_104 = arith.constant 16 : i32
      %mul3A_105 = arith.muli %scan3A_97, %mul3A_104 : i32
      %get3A_106 = arith.constant 1 : i32
      %get3A_107 = arith.index_cast %get3A_106 : i32 to index
      %get3A_108 = arith.index_cast %mul3A_105 : i32 to index
      %get3A_109 = tpu.vector_load %arg6[%get3A_107, %get3A_108] {strides = array<i32>} : memref<16x640xf32, #tpu.memory_space<vmem>>, vector<16xf32>,
      %add3A_110 = arith.addf %get3A_103, %get3A_109 : vector<16xf32>
      %mul3A_111 = arith.constant 16 : i32
      %mul3A_112 = arith.muli %scan3A_97, %mul3A_111 : i32
      %get3A_113 = arith.constant 2 : i32
      %get3A_114 = arith.index_cast %get3A_113 : i32 to index
      %get3A_115 = arith.index_cast %mul3A_112 : i32 to index
      %get3A_116 = tpu.vector_load %arg6[%get3A_114, %get3A_115] {strides = array<i32>} : memref<16x640xf32, #tpu.memory_space<vmem>>, vector<16xf32>,
      %add3A_117 = arith.addf %add3A_110, %get3A_116 : vector<16xf32>
      %mul3A_118 = arith.constant 16 : i32
      %mul3A_119 = arith.muli %scan3A_97, %mul3A_118 : i32
      %get3A_120 = arith.constant 3 : i32
      %get3A_121 = arith.index_cast %get3A_120 : i32 to index
      %get3A_122 = arith.index_cast %mul3A_119 : i32 to index
      %get3A_123 = tpu.vector_load %arg6[%get3A_121, %get3A_122] {strides = array<i32>} : memref<16x640xf32, #tpu.memory_space<vmem>>, vector<16xf32>,
      %add3A_124 = arith.addf %add3A_117, %get3A_123 : vector<16xf32>
      %mul3A_125 = arith.constant 16 : i32
      %mul3A_126 = arith.muli %scan3A_97, %mul3A_125 : i32
      %get3A_127 = arith.constant 4 : i32
      %get3A_128 = arith.index_cast %get3A_127 : i32 to index
      %get3A_129 = arith.index_cast %mul3A_126 : i32 to index
      %get3A_130 = tpu.vector_load %arg6[%get3A_128, %get3A_129] {strides = array<i32>} : memref<16x640xf32, #tpu.memory_space<vmem>>, vector<16xf32>,
      %add3A_131 = arith.addf %add3A_124, %get3A_130 : vector<16xf32>
      %mul3A_132 = arith.constant 16 : i32
      %mul3A_133 = arith.muli %scan3A_97, %mul3A_132 : i32
      %get3A_134 = arith.constant 5 : i32
      %get3A_135 = arith.index_cast %get3A_134 : i32 to index
      %get3A_136 = arith.index_cast %mul3A_133 : i32 to index
      %get3A_137 = tpu.vector_load %arg6[%get3A_135, %get3A_136] {strides = array<i32>} : memref<16x640xf32, #tpu.memory_space<vmem>>, vector<16xf32>,
      %add3A_138 = arith.addf %add3A_131, %get3A_137 : vector<16xf32>
      %mul3A_139 = arith.constant 16 : i32
      %mul3A_140 = arith.muli %scan3A_97, %mul3A_139 : i32
      %get3A_141 = arith.constant 6 : i32
      %get3A_142 = arith.index_cast %get3A_141 : i32 to index
      %get3A_143 = arith.index_cast %mul3A_140 : i32 to index
      %get3A_144 = tpu.vector_load %arg6[%get3A_142, %get3A_143] {strides = array<i32>} : memref<16x640xf32, #tpu.memory_space<vmem>>, vector<16xf32>,
      %add3A_145 = arith.addf %add3A_138, %get3A_144 : vector<16xf32>
      %mul3A_146 = arith.constant 16 : i32
      %mul3A_147 = arith.muli %scan3A_97, %mul3A_146 : i32
      %get3A_148 = arith.constant 7 : i32
      %get3A_149 = arith.index_cast %get3A_148 : i32 to index
      %get3A_150 = arith.index_cast %mul3A_147 : i32 to index
      %get3A_151 = tpu.vector_load %arg6[%get3A_149, %get3A_150] {strides = array<i32>} : memref<16x640xf32, #tpu.memory_space<vmem>>, vector<16xf32>,
      %add3A_152 = arith.addf %add3A_145, %get3A_151 : vector<16xf32>
      %mul3A_153 = arith.constant 16 : i32
      %mul3A_154 = arith.muli %scan3A_97, %mul3A_153 : i32
      %get3A_155 = arith.constant 8 : i32
      %get3A_156 = arith.index_cast %get3A_155 : i32 to index
      %get3A_157 = arith.index_cast %mul3A_154 : i32 to index
      %get3A_158 = tpu.vector_load %arg6[%get3A_156, %get3A_157] {strides = array<i32>} : memref<16x640xf32, #tpu.memory_space<vmem>>, vector<16xf32>,
      %add3A_159 = arith.addf %add3A_152, %get3A_158 : vector<16xf32>
      %mul3A_160 = arith.constant 16 : i32
      %mul3A_161 = arith.muli %scan3A_97, %mul3A_160 : i32
      %get3A_162 = arith.constant 9 : i32
      %get3A_163 = arith.index_cast %get3A_162 : i32 to index
      %get3A_164 = arith.index_cast %mul3A_161 : i32 to index
      %get3A_165 = tpu.vector_load %arg6[%get3A_163, %get3A_164] {strides = array<i32>} : memref<16x640xf32, #tpu.memory_space<vmem>>, vector<16xf32>,
      %add3A_166 = arith.addf %add3A_159, %get3A_165 : vector<16xf32>
      %mul3A_167 = arith.constant 16 : i32
      %mul3A_168 = arith.muli %scan3A_97, %mul3A_167 : i32
      %get3A_169 = arith.constant 10 : i32
      %get3A_170 = arith.index_cast %get3A_169 : i32 to index
      %get3A_171 = arith.index_cast %mul3A_168 : i32 to index
      %get3A_172 = tpu.vector_load %arg6[%get3A_170, %get3A_171] {strides = array<i32>} : memref<16x640xf32, #tpu.memory_space<vmem>>, vector<16xf32>,
      %add3A_173 = arith.addf %add3A_166, %get3A_172 : vector<16xf32>
      %mul3A_174 = arith.constant 16 : i32
      %mul3A_175 = arith.muli %scan3A_97, %mul3A_174 : i32
      %get3A_176 = arith.constant 11 : i32
      %get3A_177 = arith.index_cast %get3A_176 : i32 to index
      %get3A_178 = arith.index_cast %mul3A_175 : i32 to index
      %get3A_179 = tpu.vector_load %arg6[%get3A_177, %get3A_178] {strides = array<i32>} : memref<16x640xf32, #tpu.memory_space<vmem>>, vector<16xf32>,
      %add3A_180 = arith.addf %add3A_173, %get3A_179 : vector<16xf32>
      %mul3A_181 = arith.constant 16 : i32
      %mul3A_182 = arith.muli %scan3A_97, %mul3A_181 : i32
      %get3A_183 = arith.constant 12 : i32
      %get3A_184 = arith.index_cast %get3A_183 : i32 to index
      %get3A_185 = arith.index_cast %mul3A_182 : i32 to index
      %get3A_186 = tpu.vector_load %arg6[%get3A_184, %get3A_185] {strides = array<i32>} : memref<16x640xf32, #tpu.memory_space<vmem>>, vector<16xf32>,
      %add3A_187 = arith.addf %add3A_180, %get3A_186 : vector<16xf32>
      %mul3A_188 = arith.constant 16 : i32
      %mul3A_189 = arith.muli %scan3A_97, %mul3A_188 : i32
      %get3A_190 = arith.constant 13 : i32
      %get3A_191 = arith.index_cast %get3A_190 : i32 to index
      %get3A_192 = arith.index_cast %mul3A_189 : i32 to index
      %get3A_193 = tpu.vector_load %arg6[%get3A_191, %get3A_192] {strides = array<i32>} : memref<16x640xf32, #tpu.memory_space<vmem>>, vector<16xf32>,
      %add3A_194 = arith.addf %add3A_187, %get3A_193 : vector<16xf32>
      %mul3A_195 = arith.constant 16 : i32
      %mul3A_196 = arith.muli %scan3A_97, %mul3A_195 : i32
      %get3A_197 = arith.constant 14 : i32
      %get3A_198 = arith.index_cast %get3A_197 : i32 to index
      %get3A_199 = arith.index_cast %mul3A_196 : i32 to index
      %get3A_200 = tpu.vector_load %arg6[%get3A_198, %get3A_199] {strides = array<i32>} : memref<16x640xf32, #tpu.memory_space<vmem>>, vector<16xf32>,
      %add3A_201 = arith.addf %add3A_194, %get3A_200 : vector<16xf32>
      %mul3A_202 = arith.constant 16 : i32
      %mul3A_203 = arith.muli %scan3A_97, %mul3A_202 : i32
      %get3A_204 = arith.constant 15 : i32
      %get3A_205 = arith.index_cast %get3A_204 : i32 to index
      %get3A_206 = arith.index_cast %mul3A_203 : i32 to index
      %get3A_207 = tpu.vector_load %arg6[%get3A_205, %get3A_206] {strides = array<i32>} : memref<16x640xf32, #tpu.memory_space<vmem>>, vector<16xf32>,
      %add3A_208 = arith.addf %add3A_201, %get3A_207 : vector<16xf32>
      %mul3A_209 = arith.constant 16 : i32
      %mul3A_210 = arith.muli %scan3A_97, %mul3A_209 : i32
      %swap3A = arith.index_cast %mul3A_210 : i32 to index
      %swap3A_211 = tpu.vector_load %arg7[%swap3A] {strides = array<i32>} : memref<640xf32, #tpu.memory_space<vmem>>, vector<16xf32>,
      tpu.vector_store %arg7[%swap3A], %add3A_208 {strides = array<i32>} : memref<640xf32, #tpu.memory_space<vmem>>, vector<16xf32>,
      %scan3A_212 = arith.constant 0 : i32
      scf.yield %scan3A_212 : i32
    }
    %scan3A_94 = arith.constant 40 : i32
    %mul3A_95 = arith.constant 640 : i32
    %mul3A_96 = arith.muli %arg1, %mul3A_95 : i32
    "tpu.region"() ({
      %run_scoped3A_97 = tpu.sem_alloc : memref<!tpu.dma_semaphore, #tpu.memory_space<semaphore_mem>>
      %dma_start3A = tpu.memref_slice %arg3[%arg0, %mul3A_96] : memref<2x10240xf32, #tpu.memory_space<hbm>> -> memref<1x640xf32, #tpu.memory_space<hbm>>
      %dma_start3A_98 = tpu.memref_squeeze %dma_start3A : memref<1x640xf32, #tpu.memory_space<hbm>> -> memref<640xf32, #tpu.memory_space<hbm>>
      %dma_start3A_99 = tpu.memref_slice %arg3[%arg0, %mul3A_96] : memref<2x10240xf32, #tpu.memory_space<hbm>> -> memref<1x640xf32, #tpu.memory_space<hbm>>
      %dma_start3A_100 = tpu.memref_squeeze %dma_start3A_99 : memref<1x640xf32, #tpu.memory_space<hbm>> -> memref<640xf32, #tpu.memory_space<hbm>>
      tpu.enqueue_dma source(%arg7 : memref<640xf32, #tpu.memory_space<vmem>>) target(%dma_start3A_100 : memref<640xf32, #tpu.memory_space<hbm>>) target_semaphore(%run_scoped3A_97 : memref<!tpu.dma_semaphore, #tpu.memory_space<semaphore_mem>>)
      %dma_wait3A = tpu.memref_slice %arg3[%arg0, %mul3A_96] : memref<2x10240xf32, #tpu.memory_space<hbm>> -> memref<1x640xf32, #tpu.memory_space<hbm>>
      %dma_wait3A_101 = tpu.memref_squeeze %dma_wait3A : memref<1x640xf32, #tpu.memory_space<hbm>> -> memref<640xf32, #tpu.memory_space<hbm>>
      %dma_wait3A_102 = tpu.memref_slice %arg3[%arg0, %mul3A_96] : memref<2x10240xf32, #tpu.memory_space<hbm>> -> memref<1x640xf32, #tpu.memory_space<hbm>>
      %dma_wait3A_103 = tpu.memref_squeeze %dma_wait3A_102 : memref<1x640xf32, #tpu.memory_space<hbm>> -> memref<640xf32, #tpu.memory_space<hbm>>
      tpu.wait_dma2 semaphore(%run_scoped3A_97 : memref<!tpu.dma_semaphore, #tpu.memory_space<semaphore_mem>>) src(%arg7 : memref<640xf32, #tpu.memory_space<vmem>>) dst(%dma_wait3A_103 : memref<640xf32, #tpu.memory_space<hbm>>)
      tpu.yield
    }) : () -> ()
    return
  }
}

#map = affine_map<(d0, d1) -> (0, 0)>
#map1 = affine_map<(d0, d1) -> (0, 0, 0)>
module attributes {stable_mosaic.version = 14 : i64} {
  func.func @body(%arg0: i32, %arg1: i32, %arg2: memref<10240x64xf32, #tpu.memory_space<hbm>>, %arg3: memref<2528x128xi32, #tpu.memory_space<hbm>>, %arg4: memref<2528x128xi32, #tpu.memory_space<hbm>>, %arg5: memref<2x10240x64xf32, #tpu.memory_space<hbm>>, %arg6: memref<98x128xi32, #tpu.memory_space<vmem>>, %arg7: memref<98x128xi32, #tpu.memory_space<vmem>>, %arg8: memref<2x128x64xf32, #tpu.memory_space<vmem>>, %arg9: memref<2x!tpu.dma_semaphore, #tpu.memory_space<semaphore_mem>>, %arg10: memref<2x!tpu.dma_semaphore, #tpu.memory_space<semaphore_mem>>, %arg11: memref<10240x64xf32, #tpu.memory_space<vmem_shared>>) attributes {dimension_semantics = [#tpu.dimension_semantics<core_parallel>, #tpu.dimension_semantics<subcore_parallel>], iteration_bounds = array<i64: 2, 16>, scalar_prefetch = 0 : i64, scratch_operands = 6 : i64, tpu.core_type = #tpu.core_type<sc_vector_subcore>, window_params = [{transform_indices = #map}, {transform_indices = #map}, {transform_indices = #map}, {transform_indices = #map1}]} {
    %eq3A = arith.constant 0 : i32
    %eq3A_0 = arith.cmpi eq, %arg0, %eq3A : i32
    %mul3A = arith.constant 98 : i32
    %mul3A_1 = arith.muli %arg1, %mul3A : i32
    %mul3A_2 = arith.constant 60 : i32
    %mul3A_3 = arith.muli %arg1, %mul3A_2 : i32
    %add3A = arith.constant 1568 : i32
    %add3A_4 = arith.addi %add3A, %mul3A_3 : i32
    %select_n3A = arith.select %eq3A_0, %mul3A_1, %add3A_4 : i32
    %eq3A_5 = arith.constant 0 : i32
    %eq3A_6 = arith.cmpi eq, %arg0, %eq3A_5 : i32
    %jit3A = arith.constant 98 : i32
    %jit3A_7 = arith.constant 60 : i32
    %select_n3A_8 = arith.select %eq3A_6, %jit3A, %jit3A_7 : i32
    "tpu.region"() ({
      %run_scoped3A_98 = tpu.sem_alloc : memref<!tpu.dma_semaphore, #tpu.memory_space<semaphore_mem>>
      %dma_start3A = arith.constant 0 : i32
      %dma_start3A_99 = tpu.memref_slice %arg3[%select_n3A, %dma_start3A] : memref<2528x128xi32, #tpu.memory_space<hbm>> -> memref<98x128xi32, #tpu.memory_space<hbm>>
      %dma_start3A_100 = arith.constant 0 : i32
      %dma_start3A_101 = tpu.memref_slice %arg3[%select_n3A, %dma_start3A_100] : memref<2528x128xi32, #tpu.memory_space<hbm>> -> memref<98x128xi32, #tpu.memory_space<hbm>>
      tpu.enqueue_dma source(%dma_start3A_101 : memref<98x128xi32, #tpu.memory_space<hbm>>) target(%arg6 : memref<98x128xi32, #tpu.memory_space<vmem>>) target_semaphore(%run_scoped3A_98 : memref<!tpu.dma_semaphore, #tpu.memory_space<semaphore_mem>>)
      %dma_wait3A = arith.constant 0 : i32
      %dma_wait3A_102 = tpu.memref_slice %arg3[%select_n3A, %dma_wait3A] : memref<2528x128xi32, #tpu.memory_space<hbm>> -> memref<98x128xi32, #tpu.memory_space<hbm>>
      %dma_wait3A_103 = arith.constant 0 : i32
      %dma_wait3A_104 = tpu.memref_slice %arg3[%select_n3A, %dma_wait3A_103] : memref<2528x128xi32, #tpu.memory_space<hbm>> -> memref<98x128xi32, #tpu.memory_space<hbm>>
      tpu.wait_dma2 semaphore(%run_scoped3A_98 : memref<!tpu.dma_semaphore, #tpu.memory_space<semaphore_mem>>) src(%dma_wait3A_104 : memref<98x128xi32, #tpu.memory_space<hbm>>) dst(%arg6 : memref<98x128xi32, #tpu.memory_space<vmem>>)
      tpu.yield
    }) : () -> ()
    "tpu.region"() ({
      %run_scoped3A_98 = tpu.sem_alloc : memref<!tpu.dma_semaphore, #tpu.memory_space<semaphore_mem>>
      %dma_start3A = arith.constant 0 : i32
      %dma_start3A_99 = tpu.memref_slice %arg4[%select_n3A, %dma_start3A] : memref<2528x128xi32, #tpu.memory_space<hbm>> -> memref<98x128xi32, #tpu.memory_space<hbm>>
      %dma_start3A_100 = arith.constant 0 : i32
      %dma_start3A_101 = tpu.memref_slice %arg4[%select_n3A, %dma_start3A_100] : memref<2528x128xi32, #tpu.memory_space<hbm>> -> memref<98x128xi32, #tpu.memory_space<hbm>>
      tpu.enqueue_dma source(%dma_start3A_101 : memref<98x128xi32, #tpu.memory_space<hbm>>) target(%arg7 : memref<98x128xi32, #tpu.memory_space<vmem>>) target_semaphore(%run_scoped3A_98 : memref<!tpu.dma_semaphore, #tpu.memory_space<semaphore_mem>>)
      %dma_wait3A = arith.constant 0 : i32
      %dma_wait3A_102 = tpu.memref_slice %arg4[%select_n3A, %dma_wait3A] : memref<2528x128xi32, #tpu.memory_space<hbm>> -> memref<98x128xi32, #tpu.memory_space<hbm>>
      %dma_wait3A_103 = arith.constant 0 : i32
      %dma_wait3A_104 = tpu.memref_slice %arg4[%select_n3A, %dma_wait3A_103] : memref<2528x128xi32, #tpu.memory_space<hbm>> -> memref<98x128xi32, #tpu.memory_space<hbm>>
      tpu.wait_dma2 semaphore(%run_scoped3A_98 : memref<!tpu.dma_semaphore, #tpu.memory_space<semaphore_mem>>) src(%dma_wait3A_104 : memref<98x128xi32, #tpu.memory_space<hbm>>) dst(%arg7 : memref<98x128xi32, #tpu.memory_space<vmem>>)
      tpu.yield
    }) : () -> ()
    %broadcast_in_dim3A = arith.constant 0.000000e+00 : f32
    %broadcast_in_dim3A_9 = vector.broadcast %broadcast_in_dim3A : f32 to vector<16xf32>
    %scan3A = arith.constant 0 : i32
    %scan3A_10 = arith.constant 0 : i32
    %scan3A_11 = arith.constant 128 : i32
    %scan3A_12 = arith.addi %scan3A_10, %scan3A_11 : i32
    %scan3A_13 = arith.constant 1 : i32
    %scan3A_14 = scf.for %scan3A_98 = %scan3A_10 to %scan3A_12 step %scan3A_13 iter_args(%scan3A_99 = %scan3A) -> (i32)  : i32 {
      %swap3A = arith.constant 0 : i32
      %swap3A_100 = arith.constant 0 : i32
      %swap3A_101 = arith.constant 0 : i32
      %swap3A_102 = tpu.memref_slice %arg8[%swap3A, %swap3A_100, %swap3A_101] : memref<2x128x64xf32, #tpu.memory_space<vmem>> -> memref<1x128x64xf32, #tpu.memory_space<vmem>>
      %swap3A_103 = tpu.memref_squeeze %swap3A_102 : memref<1x128x64xf32, #tpu.memory_space<vmem>> -> memref<128x64xf32, #tpu.memory_space<vmem>>
      %swap3A_104 = arith.index_cast %scan3A_98 : i32 to index
      %swap3A_105 = arith.constant 0 : index
      %swap3A_106 = tpu.vector_load %swap3A_103[%swap3A_104, %swap3A_105] {strides = array<i32>} : memref<128x64xf32, #tpu.memory_space<vmem>>, vector<16xf32>,
      tpu.vector_store %swap3A_103[%swap3A_104, %swap3A_105], %broadcast_in_dim3A_9 {strides = array<i32>} : memref<128x64xf32, #tpu.memory_space<vmem>>, vector<16xf32>,
      %swap3A_107 = arith.constant 0 : i32
      %swap3A_108 = arith.constant 0 : i32
      %swap3A_109 = arith.constant 0 : i32
      %swap3A_110 = tpu.memref_slice %arg8[%swap3A_107, %swap3A_108, %swap3A_109] : memref<2x128x64xf32, #tpu.memory_space<vmem>> -> memref<1x128x64xf32, #tpu.memory_space<vmem>>
      %swap3A_111 = tpu.memref_squeeze %swap3A_110 : memref<1x128x64xf32, #tpu.memory_space<vmem>> -> memref<128x64xf32, #tpu.memory_space<vmem>>
      %swap3A_112 = arith.index_cast %scan3A_98 : i32 to index
      %swap3A_113 = arith.constant 16 : index
      %swap3A_114 = tpu.vector_load %swap3A_111[%swap3A_112, %swap3A_113] {strides = array<i32>} : memref<128x64xf32, #tpu.memory_space<vmem>>, vector<16xf32>,
      tpu.vector_store %swap3A_111[%swap3A_112, %swap3A_113], %broadcast_in_dim3A_9 {strides = array<i32>} : memref<128x64xf32, #tpu.memory_space<vmem>>, vector<16xf32>,
      %swap3A_115 = arith.constant 0 : i32
      %swap3A_116 = arith.constant 0 : i32
      %swap3A_117 = arith.constant 0 : i32
      %swap3A_118 = tpu.memref_slice %arg8[%swap3A_115, %swap3A_116, %swap3A_117] : memref<2x128x64xf32, #tpu.memory_space<vmem>> -> memref<1x128x64xf32, #tpu.memory_space<vmem>>
      %swap3A_119 = tpu.memref_squeeze %swap3A_118 : memref<1x128x64xf32, #tpu.memory_space<vmem>> -> memref<128x64xf32, #tpu.memory_space<vmem>>
      %swap3A_120 = arith.index_cast %scan3A_98 : i32 to index
      %swap3A_121 = arith.constant 32 : index
      %swap3A_122 = tpu.vector_load %swap3A_119[%swap3A_120, %swap3A_121] {strides = array<i32>} : memref<128x64xf32, #tpu.memory_space<vmem>>, vector<16xf32>,
      tpu.vector_store %swap3A_119[%swap3A_120, %swap3A_121], %broadcast_in_dim3A_9 {strides = array<i32>} : memref<128x64xf32, #tpu.memory_space<vmem>>, vector<16xf32>,
      %swap3A_123 = arith.constant 0 : i32
      %swap3A_124 = arith.constant 0 : i32
      %swap3A_125 = arith.constant 0 : i32
      %swap3A_126 = tpu.memref_slice %arg8[%swap3A_123, %swap3A_124, %swap3A_125] : memref<2x128x64xf32, #tpu.memory_space<vmem>> -> memref<1x128x64xf32, #tpu.memory_space<vmem>>
      %swap3A_127 = tpu.memref_squeeze %swap3A_126 : memref<1x128x64xf32, #tpu.memory_space<vmem>> -> memref<128x64xf32, #tpu.memory_space<vmem>>
      %swap3A_128 = arith.index_cast %scan3A_98 : i32 to index
      %swap3A_129 = arith.constant 48 : index
      %swap3A_130 = tpu.vector_load %swap3A_127[%swap3A_128, %swap3A_129] {strides = array<i32>} : memref<128x64xf32, #tpu.memory_space<vmem>>, vector<16xf32>,
      tpu.vector_store %swap3A_127[%swap3A_128, %swap3A_129], %broadcast_in_dim3A_9 {strides = array<i32>} : memref<128x64xf32, #tpu.memory_space<vmem>>, vector<16xf32>,
      %scan3A_131 = arith.constant 0 : i32
      scf.yield %scan3A_131 : i32
    }
    %scan3A_15 = arith.constant 128 : i32
    %mul3A_16 = arith.constant 640 : i32
    %mul3A_17 = arith.muli %arg1, %mul3A_16 : i32
    %add3A_18 = arith.constant 0 : i32
    %add3A_19 = arith.addi %mul3A_17, %add3A_18 : i32
    %run_scoped3A = arith.constant 0 : i32
    "tpu.region"() ({
      %run_scoped3A_98 = tpu.sem_alloc : memref<!tpu.dma_semaphore, #tpu.memory_space<semaphore_mem>>
      %dma_start3A = arith.constant 0 : i32
      %dma_start3A_99 = arith.constant 0 : i32
      %dma_start3A_100 = tpu.memref_slice %arg8[%run_scoped3A, %dma_start3A, %dma_start3A_99] : memref<2x128x64xf32, #tpu.memory_space<vmem>> -> memref<1x128x64xf32, #tpu.memory_space<vmem>>
      %dma_start3A_101 = tpu.memref_squeeze %dma_start3A_100 : memref<1x128x64xf32, #tpu.memory_space<vmem>> -> memref<128x64xf32, #tpu.memory_space<vmem>>
      %dma_start3A_102 = arith.constant 0 : i32
      %dma_start3A_103 = tpu.memref_slice %arg11[%add3A_19, %dma_start3A_102] : memref<10240x64xf32, #tpu.memory_space<vmem_shared>> -> memref<128x64xf32, #tpu.memory_space<vmem_shared>>
      %dma_start3A_104 = arith.constant 0 : i32
      %dma_start3A_105 = tpu.memref_slice %arg11[%add3A_19, %dma_start3A_104] : memref<10240x64xf32, #tpu.memory_space<vmem_shared>> -> memref<128x64xf32, #tpu.memory_space<vmem_shared>>
      %dma_start3A_106 = arith.constant 0 : i32
      %dma_start3A_107 = arith.constant 0 : i32
      %dma_start3A_108 = tpu.memref_slice %arg8[%run_scoped3A, %dma_start3A_106, %dma_start3A_107] : memref<2x128x64xf32, #tpu.memory_space<vmem>> -> memref<1x128x64xf32, #tpu.memory_space<vmem>>
      %dma_start3A_109 = tpu.memref_squeeze %dma_start3A_108 : memref<1x128x64xf32, #tpu.memory_space<vmem>> -> memref<128x64xf32, #tpu.memory_space<vmem>>
      tpu.enqueue_dma source(%dma_start3A_109 : memref<128x64xf32, #tpu.memory_space<vmem>>) target(%dma_start3A_105 : memref<128x64xf32, #tpu.memory_space<vmem_shared>>) target_semaphore(%run_scoped3A_98 : memref<!tpu.dma_semaphore, #tpu.memory_space<semaphore_mem>>)
      %dma_wait3A = arith.constant 0 : i32
      %dma_wait3A_110 = arith.constant 0 : i32
      %dma_wait3A_111 = tpu.memref_slice %arg8[%run_scoped3A, %dma_wait3A, %dma_wait3A_110] : memref<2x128x64xf32, #tpu.memory_space<vmem>> -> memref<1x128x64xf32, #tpu.memory_space<vmem>>
      %dma_wait3A_112 = tpu.memref_squeeze %dma_wait3A_111 : memref<1x128x64xf32, #tpu.memory_space<vmem>> -> memref<128x64xf32, #tpu.memory_space<vmem>>
      %dma_wait3A_113 = arith.constant 0 : i32
      %dma_wait3A_114 = tpu.memref_slice %arg11[%add3A_19, %dma_wait3A_113] : memref<10240x64xf32, #tpu.memory_space<vmem_shared>> -> memref<128x64xf32, #tpu.memory_space<vmem_shared>>
      %dma_wait3A_115 = arith.constant 0 : i32
      %dma_wait3A_116 = tpu.memref_slice %arg11[%add3A_19, %dma_wait3A_115] : memref<10240x64xf32, #tpu.memory_space<vmem_shared>> -> memref<128x64xf32, #tpu.memory_space<vmem_shared>>
      %dma_wait3A_117 = arith.constant 0 : i32
      %dma_wait3A_118 = arith.constant 0 : i32
      %dma_wait3A_119 = tpu.memref_slice %arg8[%run_scoped3A, %dma_wait3A_117, %dma_wait3A_118] : memref<2x128x64xf32, #tpu.memory_space<vmem>> -> memref<1x128x64xf32, #tpu.memory_space<vmem>>
      %dma_wait3A_120 = tpu.memref_squeeze %dma_wait3A_119 : memref<1x128x64xf32, #tpu.memory_space<vmem>> -> memref<128x64xf32, #tpu.memory_space<vmem>>
      tpu.wait_dma2 semaphore(%run_scoped3A_98 : memref<!tpu.dma_semaphore, #tpu.memory_space<semaphore_mem>>) src(%dma_wait3A_120 : memref<128x64xf32, #tpu.memory_space<vmem>>) dst(%dma_wait3A_116 : memref<128x64xf32, #tpu.memory_space<vmem_shared>>)
      tpu.yield
    }) : () -> ()
    %mul3A_20 = arith.constant 640 : i32
    %mul3A_21 = arith.muli %arg1, %mul3A_20 : i32
    %add3A_22 = arith.constant 128 : i32
    %add3A_23 = arith.addi %mul3A_21, %add3A_22 : i32
    %run_scoped3A_24 = arith.constant 0 : i32
    "tpu.region"() ({
      %run_scoped3A_98 = tpu.sem_alloc : memref<!tpu.dma_semaphore, #tpu.memory_space<semaphore_mem>>
      %dma_start3A = arith.constant 0 : i32
      %dma_start3A_99 = arith.constant 0 : i32
      %dma_start3A_100 = tpu.memref_slice %arg8[%run_scoped3A_24, %dma_start3A, %dma_start3A_99] : memref<2x128x64xf32, #tpu.memory_space<vmem>> -> memref<1x128x64xf32, #tpu.memory_space<vmem>>
      %dma_start3A_101 = tpu.memref_squeeze %dma_start3A_100 : memref<1x128x64xf32, #tpu.memory_space<vmem>> -> memref<128x64xf32, #tpu.memory_space<vmem>>
      %dma_start3A_102 = arith.constant 0 : i32
      %dma_start3A_103 = tpu.memref_slice %arg11[%add3A_23, %dma_start3A_102] : memref<10240x64xf32, #tpu.memory_space<vmem_shared>> -> memref<128x64xf32, #tpu.memory_space<vmem_shared>>
      %dma_start3A_104 = arith.constant 0 : i32
      %dma_start3A_105 = tpu.memref_slice %arg11[%add3A_23, %dma_start3A_104] : memref<10240x64xf32, #tpu.memory_space<vmem_shared>> -> memref<128x64xf32, #tpu.memory_space<vmem_shared>>
      %dma_start3A_106 = arith.constant 0 : i32
      %dma_start3A_107 = arith.constant 0 : i32
      %dma_start3A_108 = tpu.memref_slice %arg8[%run_scoped3A_24, %dma_start3A_106, %dma_start3A_107] : memref<2x128x64xf32, #tpu.memory_space<vmem>> -> memref<1x128x64xf32, #tpu.memory_space<vmem>>
      %dma_start3A_109 = tpu.memref_squeeze %dma_start3A_108 : memref<1x128x64xf32, #tpu.memory_space<vmem>> -> memref<128x64xf32, #tpu.memory_space<vmem>>
      tpu.enqueue_dma source(%dma_start3A_109 : memref<128x64xf32, #tpu.memory_space<vmem>>) target(%dma_start3A_105 : memref<128x64xf32, #tpu.memory_space<vmem_shared>>) target_semaphore(%run_scoped3A_98 : memref<!tpu.dma_semaphore, #tpu.memory_space<semaphore_mem>>)
      %dma_wait3A = arith.constant 0 : i32
      %dma_wait3A_110 = arith.constant 0 : i32
      %dma_wait3A_111 = tpu.memref_slice %arg8[%run_scoped3A_24, %dma_wait3A, %dma_wait3A_110] : memref<2x128x64xf32, #tpu.memory_space<vmem>> -> memref<1x128x64xf32, #tpu.memory_space<vmem>>
      %dma_wait3A_112 = tpu.memref_squeeze %dma_wait3A_111 : memref<1x128x64xf32, #tpu.memory_space<vmem>> -> memref<128x64xf32, #tpu.memory_space<vmem>>
      %dma_wait3A_113 = arith.constant 0 : i32
      %dma_wait3A_114 = tpu.memref_slice %arg11[%add3A_23, %dma_wait3A_113] : memref<10240x64xf32, #tpu.memory_space<vmem_shared>> -> memref<128x64xf32, #tpu.memory_space<vmem_shared>>
      %dma_wait3A_115 = arith.constant 0 : i32
      %dma_wait3A_116 = tpu.memref_slice %arg11[%add3A_23, %dma_wait3A_115] : memref<10240x64xf32, #tpu.memory_space<vmem_shared>> -> memref<128x64xf32, #tpu.memory_space<vmem_shared>>
      %dma_wait3A_117 = arith.constant 0 : i32
      %dma_wait3A_118 = arith.constant 0 : i32
      %dma_wait3A_119 = tpu.memref_slice %arg8[%run_scoped3A_24, %dma_wait3A_117, %dma_wait3A_118] : memref<2x128x64xf32, #tpu.memory_space<vmem>> -> memref<1x128x64xf32, #tpu.memory_space<vmem>>
      %dma_wait3A_120 = tpu.memref_squeeze %dma_wait3A_119 : memref<1x128x64xf32, #tpu.memory_space<vmem>> -> memref<128x64xf32, #tpu.memory_space<vmem>>
      tpu.wait_dma2 semaphore(%run_scoped3A_98 : memref<!tpu.dma_semaphore, #tpu.memory_space<semaphore_mem>>) src(%dma_wait3A_120 : memref<128x64xf32, #tpu.memory_space<vmem>>) dst(%dma_wait3A_116 : memref<128x64xf32, #tpu.memory_space<vmem_shared>>)
      tpu.yield
    }) : () -> ()
    %mul3A_25 = arith.constant 640 : i32
    %mul3A_26 = arith.muli %arg1, %mul3A_25 : i32
    %add3A_27 = arith.constant 256 : i32
    %add3A_28 = arith.addi %mul3A_26, %add3A_27 : i32
    %run_scoped3A_29 = arith.constant 0 : i32
    "tpu.region"() ({
      %run_scoped3A_98 = tpu.sem_alloc : memref<!tpu.dma_semaphore, #tpu.memory_space<semaphore_mem>>
      %dma_start3A = arith.constant 0 : i32
      %dma_start3A_99 = arith.constant 0 : i32
      %dma_start3A_100 = tpu.memref_slice %arg8[%run_scoped3A_29, %dma_start3A, %dma_start3A_99] : memref<2x128x64xf32, #tpu.memory_space<vmem>> -> memref<1x128x64xf32, #tpu.memory_space<vmem>>
      %dma_start3A_101 = tpu.memref_squeeze %dma_start3A_100 : memref<1x128x64xf32, #tpu.memory_space<vmem>> -> memref<128x64xf32, #tpu.memory_space<vmem>>
      %dma_start3A_102 = arith.constant 0 : i32
      %dma_start3A_103 = tpu.memref_slice %arg11[%add3A_28, %dma_start3A_102] : memref<10240x64xf32, #tpu.memory_space<vmem_shared>> -> memref<128x64xf32, #tpu.memory_space<vmem_shared>>
      %dma_start3A_104 = arith.constant 0 : i32
      %dma_start3A_105 = tpu.memref_slice %arg11[%add3A_28, %dma_start3A_104] : memref<10240x64xf32, #tpu.memory_space<vmem_shared>> -> memref<128x64xf32, #tpu.memory_space<vmem_shared>>
      %dma_start3A_106 = arith.constant 0 : i32
      %dma_start3A_107 = arith.constant 0 : i32
      %dma_start3A_108 = tpu.memref_slice %arg8[%run_scoped3A_29, %dma_start3A_106, %dma_start3A_107] : memref<2x128x64xf32, #tpu.memory_space<vmem>> -> memref<1x128x64xf32, #tpu.memory_space<vmem>>
      %dma_start3A_109 = tpu.memref_squeeze %dma_start3A_108 : memref<1x128x64xf32, #tpu.memory_space<vmem>> -> memref<128x64xf32, #tpu.memory_space<vmem>>
      tpu.enqueue_dma source(%dma_start3A_109 : memref<128x64xf32, #tpu.memory_space<vmem>>) target(%dma_start3A_105 : memref<128x64xf32, #tpu.memory_space<vmem_shared>>) target_semaphore(%run_scoped3A_98 : memref<!tpu.dma_semaphore, #tpu.memory_space<semaphore_mem>>)
      %dma_wait3A = arith.constant 0 : i32
      %dma_wait3A_110 = arith.constant 0 : i32
      %dma_wait3A_111 = tpu.memref_slice %arg8[%run_scoped3A_29, %dma_wait3A, %dma_wait3A_110] : memref<2x128x64xf32, #tpu.memory_space<vmem>> -> memref<1x128x64xf32, #tpu.memory_space<vmem>>
      %dma_wait3A_112 = tpu.memref_squeeze %dma_wait3A_111 : memref<1x128x64xf32, #tpu.memory_space<vmem>> -> memref<128x64xf32, #tpu.memory_space<vmem>>
      %dma_wait3A_113 = arith.constant 0 : i32
      %dma_wait3A_114 = tpu.memref_slice %arg11[%add3A_28, %dma_wait3A_113] : memref<10240x64xf32, #tpu.memory_space<vmem_shared>> -> memref<128x64xf32, #tpu.memory_space<vmem_shared>>
      %dma_wait3A_115 = arith.constant 0 : i32
      %dma_wait3A_116 = tpu.memref_slice %arg11[%add3A_28, %dma_wait3A_115] : memref<10240x64xf32, #tpu.memory_space<vmem_shared>> -> memref<128x64xf32, #tpu.memory_space<vmem_shared>>
      %dma_wait3A_117 = arith.constant 0 : i32
      %dma_wait3A_118 = arith.constant 0 : i32
      %dma_wait3A_119 = tpu.memref_slice %arg8[%run_scoped3A_29, %dma_wait3A_117, %dma_wait3A_118] : memref<2x128x64xf32, #tpu.memory_space<vmem>> -> memref<1x128x64xf32, #tpu.memory_space<vmem>>
      %dma_wait3A_120 = tpu.memref_squeeze %dma_wait3A_119 : memref<1x128x64xf32, #tpu.memory_space<vmem>> -> memref<128x64xf32, #tpu.memory_space<vmem>>
      tpu.wait_dma2 semaphore(%run_scoped3A_98 : memref<!tpu.dma_semaphore, #tpu.memory_space<semaphore_mem>>) src(%dma_wait3A_120 : memref<128x64xf32, #tpu.memory_space<vmem>>) dst(%dma_wait3A_116 : memref<128x64xf32, #tpu.memory_space<vmem_shared>>)
      tpu.yield
    }) : () -> ()
    %mul3A_30 = arith.constant 640 : i32
    %mul3A_31 = arith.muli %arg1, %mul3A_30 : i32
    %add3A_32 = arith.constant 384 : i32
    %add3A_33 = arith.addi %mul3A_31, %add3A_32 : i32
    %run_scoped3A_34 = arith.constant 0 : i32
    "tpu.region"() ({
      %run_scoped3A_98 = tpu.sem_alloc : memref<!tpu.dma_semaphore, #tpu.memory_space<semaphore_mem>>
      %dma_start3A = arith.constant 0 : i32
      %dma_start3A_99 = arith.constant 0 : i32
      %dma_start3A_100 = tpu.memref_slice %arg8[%run_scoped3A_34, %dma_start3A, %dma_start3A_99] : memref<2x128x64xf32, #tpu.memory_space<vmem>> -> memref<1x128x64xf32, #tpu.memory_space<vmem>>
      %dma_start3A_101 = tpu.memref_squeeze %dma_start3A_100 : memref<1x128x64xf32, #tpu.memory_space<vmem>> -> memref<128x64xf32, #tpu.memory_space<vmem>>
      %dma_start3A_102 = arith.constant 0 : i32
      %dma_start3A_103 = tpu.memref_slice %arg11[%add3A_33, %dma_start3A_102] : memref<10240x64xf32, #tpu.memory_space<vmem_shared>> -> memref<128x64xf32, #tpu.memory_space<vmem_shared>>
      %dma_start3A_104 = arith.constant 0 : i32
      %dma_start3A_105 = tpu.memref_slice %arg11[%add3A_33, %dma_start3A_104] : memref<10240x64xf32, #tpu.memory_space<vmem_shared>> -> memref<128x64xf32, #tpu.memory_space<vmem_shared>>
      %dma_start3A_106 = arith.constant 0 : i32
      %dma_start3A_107 = arith.constant 0 : i32
      %dma_start3A_108 = tpu.memref_slice %arg8[%run_scoped3A_34, %dma_start3A_106, %dma_start3A_107] : memref<2x128x64xf32, #tpu.memory_space<vmem>> -> memref<1x128x64xf32, #tpu.memory_space<vmem>>
      %dma_start3A_109 = tpu.memref_squeeze %dma_start3A_108 : memref<1x128x64xf32, #tpu.memory_space<vmem>> -> memref<128x64xf32, #tpu.memory_space<vmem>>
      tpu.enqueue_dma source(%dma_start3A_109 : memref<128x64xf32, #tpu.memory_space<vmem>>) target(%dma_start3A_105 : memref<128x64xf32, #tpu.memory_space<vmem_shared>>) target_semaphore(%run_scoped3A_98 : memref<!tpu.dma_semaphore, #tpu.memory_space<semaphore_mem>>)
      %dma_wait3A = arith.constant 0 : i32
      %dma_wait3A_110 = arith.constant 0 : i32
      %dma_wait3A_111 = tpu.memref_slice %arg8[%run_scoped3A_34, %dma_wait3A, %dma_wait3A_110] : memref<2x128x64xf32, #tpu.memory_space<vmem>> -> memref<1x128x64xf32, #tpu.memory_space<vmem>>
      %dma_wait3A_112 = tpu.memref_squeeze %dma_wait3A_111 : memref<1x128x64xf32, #tpu.memory_space<vmem>> -> memref<128x64xf32, #tpu.memory_space<vmem>>
      %dma_wait3A_113 = arith.constant 0 : i32
      %dma_wait3A_114 = tpu.memref_slice %arg11[%add3A_33, %dma_wait3A_113] : memref<10240x64xf32, #tpu.memory_space<vmem_shared>> -> memref<128x64xf32, #tpu.memory_space<vmem_shared>>
      %dma_wait3A_115 = arith.constant 0 : i32
      %dma_wait3A_116 = tpu.memref_slice %arg11[%add3A_33, %dma_wait3A_115] : memref<10240x64xf32, #tpu.memory_space<vmem_shared>> -> memref<128x64xf32, #tpu.memory_space<vmem_shared>>
      %dma_wait3A_117 = arith.constant 0 : i32
      %dma_wait3A_118 = arith.constant 0 : i32
      %dma_wait3A_119 = tpu.memref_slice %arg8[%run_scoped3A_34, %dma_wait3A_117, %dma_wait3A_118] : memref<2x128x64xf32, #tpu.memory_space<vmem>> -> memref<1x128x64xf32, #tpu.memory_space<vmem>>
      %dma_wait3A_120 = tpu.memref_squeeze %dma_wait3A_119 : memref<1x128x64xf32, #tpu.memory_space<vmem>> -> memref<128x64xf32, #tpu.memory_space<vmem>>
      tpu.wait_dma2 semaphore(%run_scoped3A_98 : memref<!tpu.dma_semaphore, #tpu.memory_space<semaphore_mem>>) src(%dma_wait3A_120 : memref<128x64xf32, #tpu.memory_space<vmem>>) dst(%dma_wait3A_116 : memref<128x64xf32, #tpu.memory_space<vmem_shared>>)
      tpu.yield
    }) : () -> ()
    %mul3A_35 = arith.constant 640 : i32
    %mul3A_36 = arith.muli %arg1, %mul3A_35 : i32
    %add3A_37 = arith.constant 512 : i32
    %add3A_38 = arith.addi %mul3A_36, %add3A_37 : i32
    %run_scoped3A_39 = arith.constant 0 : i32
    "tpu.region"() ({
      %run_scoped3A_98 = tpu.sem_alloc : memref<!tpu.dma_semaphore, #tpu.memory_space<semaphore_mem>>
      %dma_start3A = arith.constant 0 : i32
      %dma_start3A_99 = arith.constant 0 : i32
      %dma_start3A_100 = tpu.memref_slice %arg8[%run_scoped3A_39, %dma_start3A, %dma_start3A_99] : memref<2x128x64xf32, #tpu.memory_space<vmem>> -> memref<1x128x64xf32, #tpu.memory_space<vmem>>
      %dma_start3A_101 = tpu.memref_squeeze %dma_start3A_100 : memref<1x128x64xf32, #tpu.memory_space<vmem>> -> memref<128x64xf32, #tpu.memory_space<vmem>>
      %dma_start3A_102 = arith.constant 0 : i32
      %dma_start3A_103 = tpu.memref_slice %arg11[%add3A_38, %dma_start3A_102] : memref<10240x64xf32, #tpu.memory_space<vmem_shared>> -> memref<128x64xf32, #tpu.memory_space<vmem_shared>>
      %dma_start3A_104 = arith.constant 0 : i32
      %dma_start3A_105 = tpu.memref_slice %arg11[%add3A_38, %dma_start3A_104] : memref<10240x64xf32, #tpu.memory_space<vmem_shared>> -> memref<128x64xf32, #tpu.memory_space<vmem_shared>>
      %dma_start3A_106 = arith.constant 0 : i32
      %dma_start3A_107 = arith.constant 0 : i32
      %dma_start3A_108 = tpu.memref_slice %arg8[%run_scoped3A_39, %dma_start3A_106, %dma_start3A_107] : memref<2x128x64xf32, #tpu.memory_space<vmem>> -> memref<1x128x64xf32, #tpu.memory_space<vmem>>
      %dma_start3A_109 = tpu.memref_squeeze %dma_start3A_108 : memref<1x128x64xf32, #tpu.memory_space<vmem>> -> memref<128x64xf32, #tpu.memory_space<vmem>>
      tpu.enqueue_dma source(%dma_start3A_109 : memref<128x64xf32, #tpu.memory_space<vmem>>) target(%dma_start3A_105 : memref<128x64xf32, #tpu.memory_space<vmem_shared>>) target_semaphore(%run_scoped3A_98 : memref<!tpu.dma_semaphore, #tpu.memory_space<semaphore_mem>>)
      %dma_wait3A = arith.constant 0 : i32
      %dma_wait3A_110 = arith.constant 0 : i32
      %dma_wait3A_111 = tpu.memref_slice %arg8[%run_scoped3A_39, %dma_wait3A, %dma_wait3A_110] : memref<2x128x64xf32, #tpu.memory_space<vmem>> -> memref<1x128x64xf32, #tpu.memory_space<vmem>>
      %dma_wait3A_112 = tpu.memref_squeeze %dma_wait3A_111 : memref<1x128x64xf32, #tpu.memory_space<vmem>> -> memref<128x64xf32, #tpu.memory_space<vmem>>
      %dma_wait3A_113 = arith.constant 0 : i32
      %dma_wait3A_114 = tpu.memref_slice %arg11[%add3A_38, %dma_wait3A_113] : memref<10240x64xf32, #tpu.memory_space<vmem_shared>> -> memref<128x64xf32, #tpu.memory_space<vmem_shared>>
      %dma_wait3A_115 = arith.constant 0 : i32
      %dma_wait3A_116 = tpu.memref_slice %arg11[%add3A_38, %dma_wait3A_115] : memref<10240x64xf32, #tpu.memory_space<vmem_shared>> -> memref<128x64xf32, #tpu.memory_space<vmem_shared>>
      %dma_wait3A_117 = arith.constant 0 : i32
      %dma_wait3A_118 = arith.constant 0 : i32
      %dma_wait3A_119 = tpu.memref_slice %arg8[%run_scoped3A_39, %dma_wait3A_117, %dma_wait3A_118] : memref<2x128x64xf32, #tpu.memory_space<vmem>> -> memref<1x128x64xf32, #tpu.memory_space<vmem>>
      %dma_wait3A_120 = tpu.memref_squeeze %dma_wait3A_119 : memref<1x128x64xf32, #tpu.memory_space<vmem>> -> memref<128x64xf32, #tpu.memory_space<vmem>>
      tpu.wait_dma2 semaphore(%run_scoped3A_98 : memref<!tpu.dma_semaphore, #tpu.memory_space<semaphore_mem>>) src(%dma_wait3A_120 : memref<128x64xf32, #tpu.memory_space<vmem>>) dst(%dma_wait3A_116 : memref<128x64xf32, #tpu.memory_space<vmem_shared>>)
      tpu.yield
    }) : () -> ()
    %barrier3A = arith.constant 0 : index
    tpu.barrier barrier_id(%barrier3A)
    %eq3A_40 = arith.constant 0 : i32
    %eq3A_41 = arith.cmpi eq, %arg0, %eq3A_40 : i32
    %convert_element_type3A = arith.extui %eq3A_41 : i1 to i32
    %cond3A = arith.constant 0 : i32
    %cond3A_42 = arith.cmpi ne, %convert_element_type3A, %cond3A : i32
    scf.if %cond3A_42 {
      %dma_start3A = arith.constant 0 : i32
      %dma_start3A_98 = arith.constant 0 : i32
      %dma_start3A_99 = arith.constant 0 : i32
      %dma_start3A_100 = arith.constant 0 : i32
      %dma_start3A_101 = arith.constant 0 : i32
      %dma_start3A_102 = tpu.memref_slice %arg8[%dma_start3A_98, %dma_start3A_100, %dma_start3A_101] : memref<2x128x64xf32, #tpu.memory_space<vmem>> -> memref<1x128x64xf32, #tpu.memory_space<vmem>>
      %dma_start3A_103 = tpu.memref_squeeze %dma_start3A_102 : memref<1x128x64xf32, #tpu.memory_space<vmem>> -> memref<128x64xf32, #tpu.memory_space<vmem>>
      %dma_start3A_104 = arith.constant 0 : i32
      %dma_start3A_105 = tpu.memref_slice %arg6[%dma_start3A, %dma_start3A_104] : memref<98x128xi32, #tpu.memory_space<vmem>> -> memref<1x128xi32, #tpu.memory_space<vmem>>
      %dma_start3A_106 = tpu.memref_squeeze %dma_start3A_105 : memref<1x128xi32, #tpu.memory_space<vmem>> -> memref<128xi32, #tpu.memory_space<vmem>>
      %dma_start3A_107 = arith.constant 0 : i32
      %dma_start3A_108 = arith.constant 0 : i32
      %dma_start3A_109 = tpu.memref_slice %arg2[%dma_start3A_107, %dma_start3A_108] : memref<10240x64xf32, #tpu.memory_space<hbm>> -> memref<10240x64xf32, #tpu.memory_space<hbm>>
      %dma_start3A_110 = tpu.memref_slice %arg9[%dma_start3A_99] : memref<2x!tpu.dma_semaphore, #tpu.memory_space<semaphore_mem>> -> memref<1x!tpu.dma_semaphore, #tpu.memory_space<semaphore_mem>>
      %dma_start3A_111 = tpu.memref_squeeze %dma_start3A_110 : memref<1x!tpu.dma_semaphore, #tpu.memory_space<semaphore_mem>> -> memref<!tpu.dma_semaphore, #tpu.memory_space<semaphore_mem>>
      tpu.enqueue_indirect_dma source(%dma_start3A_109 : memref<10240x64xf32, #tpu.memory_space<hbm>>) target(%dma_start3A_103 : memref<128x64xf32, #tpu.memory_space<vmem>>) offsets(%dma_start3A_106 : memref<128xi32, #tpu.memory_space<vmem>>) semaphore(%dma_start3A_111 : memref<!tpu.dma_semaphore, #tpu.memory_space<semaphore_mem>>)
      %scan3A_112 = arith.constant 0 : i32
      %scan3A_113 = arith.constant 0 : i32
      %scan3A_114 = arith.constant 49 : i32
      %scan3A_115 = arith.addi %scan3A_113, %scan3A_114 : i32
      %scan3A_116 = arith.constant 1 : i32
      %scan3A_117 = scf.for %scan3A_133 = %scan3A_113 to %scan3A_115 step %scan3A_116 iter_args(%scan3A_134 = %scan3A_112) -> (i32)  : i32 {
        %mul3A_135 = arith.constant 2 : i32
        %mul3A_136 = arith.muli %scan3A_133, %mul3A_135 : i32
        %add3A_137 = arith.constant 0 : i32
        %add3A_138 = arith.addi %mul3A_136, %add3A_137 : i32
        %dma_wait3A_139 = arith.constant 0 : i32
        %dma_wait3A_140 = arith.constant 0 : i32
        %dma_wait3A_141 = arith.constant 0 : i32
        %dma_wait3A_142 = arith.constant 0 : i32
        %dma_wait3A_143 = tpu.memref_slice %arg8[%dma_wait3A_139, %dma_wait3A_141, %dma_wait3A_142] : memref<2x128x64xf32, #tpu.memory_space<vmem>> -> memref<1x128x64xf32, #tpu.memory_space<vmem>>
        %dma_wait3A_144 = tpu.memref_squeeze %dma_wait3A_143 : memref<1x128x64xf32, #tpu.memory_space<vmem>> -> memref<128x64xf32, #tpu.memory_space<vmem>>
        %dma_wait3A_145 = arith.constant 0 : i32
        %dma_wait3A_146 = tpu.memref_slice %arg6[%add3A_138, %dma_wait3A_145] : memref<98x128xi32, #tpu.memory_space<vmem>> -> memref<1x128xi32, #tpu.memory_space<vmem>>
        %dma_wait3A_147 = tpu.memref_squeeze %dma_wait3A_146 : memref<1x128xi32, #tpu.memory_space<vmem>> -> memref<128xi32, #tpu.memory_space<vmem>>
        %dma_wait3A_148 = arith.constant 0 : i32
        %dma_wait3A_149 = arith.constant 0 : i32
        %dma_wait3A_150 = tpu.memref_slice %arg2[%dma_wait3A_148, %dma_wait3A_149] : memref<10240x64xf32, #tpu.memory_space<hbm>> -> memref<10240x64xf32, #tpu.memory_space<hbm>>
        %dma_wait3A_151 = tpu.memref_slice %arg9[%dma_wait3A_140] : memref<2x!tpu.dma_semaphore, #tpu.memory_space<semaphore_mem>> -> memref<1x!tpu.dma_semaphore, #tpu.memory_space<semaphore_mem>>
        %dma_wait3A_152 = tpu.memref_squeeze %dma_wait3A_151 : memref<1x!tpu.dma_semaphore, #tpu.memory_space<semaphore_mem>> -> memref<!tpu.dma_semaphore, #tpu.memory_space<semaphore_mem>>
        tpu.wait_indirect_dma semaphore(%dma_wait3A_152 : memref<!tpu.dma_semaphore, #tpu.memory_space<semaphore_mem>>) src(%dma_wait3A_150 : memref<10240x64xf32, #tpu.memory_space<hbm>>) dst(%dma_wait3A_144 : memref<128x64xf32, #tpu.memory_space<vmem>>)
        %dma_start3A_153 = arith.constant 0 : i32
        %dma_start3A_154 = arith.constant 0 : i32
        %dma_start3A_155 = arith.constant 0 : i32
        %dma_start3A_156 = arith.constant 0 : i32
        %dma_start3A_157 = tpu.memref_slice %arg8[%dma_start3A_153, %dma_start3A_155, %dma_start3A_156] : memref<2x128x64xf32, #tpu.memory_space<vmem>> -> memref<1x128x64xf32, #tpu.memory_space<vmem>>
        %dma_start3A_158 = tpu.memref_squeeze %dma_start3A_157 : memref<1x128x64xf32, #tpu.memory_space<vmem>> -> memref<128x64xf32, #tpu.memory_space<vmem>>
        %dma_start3A_159 = arith.constant 0 : i32
        %dma_start3A_160 = tpu.memref_slice %arg7[%add3A_138, %dma_start3A_159] : memref<98x128xi32, #tpu.memory_space<vmem>> -> memref<1x128xi32, #tpu.memory_space<vmem>>
        %dma_start3A_161 = tpu.memref_squeeze %dma_start3A_160 : memref<1x128xi32, #tpu.memory_space<vmem>> -> memref<128xi32, #tpu.memory_space<vmem>>
        %dma_start3A_162 = arith.constant 0 : i32
        %dma_start3A_163 = arith.constant 0 : i32
        %dma_start3A_164 = tpu.memref_slice %arg11[%dma_start3A_162, %dma_start3A_163] : memref<10240x64xf32, #tpu.memory_space<vmem_shared>> -> memref<10240x64xf32, #tpu.memory_space<vmem_shared>>
        %dma_start3A_165 = tpu.memref_slice %arg10[%dma_start3A_154] : memref<2x!tpu.dma_semaphore, #tpu.memory_space<semaphore_mem>> -> memref<1x!tpu.dma_semaphore, #tpu.memory_space<semaphore_mem>>
        %dma_start3A_166 = tpu.memref_squeeze %dma_start3A_165 : memref<1x!tpu.dma_semaphore, #tpu.memory_space<semaphore_mem>> -> memref<!tpu.dma_semaphore, #tpu.memory_space<semaphore_mem>>
        tpu.enqueue_indirect_dma source(%dma_start3A_158 : memref<128x64xf32, #tpu.memory_space<vmem>>) target(%dma_start3A_164 : memref<10240x64xf32, #tpu.memory_space<vmem_shared>>) offsets(%dma_start3A_161 : memref<128xi32, #tpu.memory_space<vmem>>) semaphore(%dma_start3A_166 : memref<!tpu.dma_semaphore, #tpu.memory_space<semaphore_mem>>) {add = true}
        %ge3A = arith.constant 1 : i32
        %ge3A_167 = arith.cmpi sge, %add3A_138, %ge3A : i32
        %convert_element_type3A_168 = arith.extui %ge3A_167 : i1 to i32
        %cond3A_169 = arith.constant 0 : i32
        %cond3A_170 = arith.cmpi ne, %convert_element_type3A_168, %cond3A_169 : i32
        scf.if %cond3A_170 {
          %sub3A = arith.constant 1 : i32
          %sub3A_222 = arith.subi %add3A_138, %sub3A : i32
          %dma_wait3A_223 = arith.constant 1 : i32
          %dma_wait3A_224 = arith.constant 1 : i32
          %dma_wait3A_225 = arith.constant 0 : i32
          %dma_wait3A_226 = arith.constant 0 : i32
          %dma_wait3A_227 = tpu.memref_slice %arg8[%dma_wait3A_223, %dma_wait3A_225, %dma_wait3A_226] : memref<2x128x64xf32, #tpu.memory_space<vmem>> -> memref<1x128x64xf32, #tpu.memory_space<vmem>>
          %dma_wait3A_228 = tpu.memref_squeeze %dma_wait3A_227 : memref<1x128x64xf32, #tpu.memory_space<vmem>> -> memref<128x64xf32, #tpu.memory_space<vmem>>
          %dma_wait3A_229 = arith.constant 0 : i32
          %dma_wait3A_230 = tpu.memref_slice %arg7[%sub3A_222, %dma_wait3A_229] : memref<98x128xi32, #tpu.memory_space<vmem>> -> memref<1x128xi32, #tpu.memory_space<vmem>>
          %dma_wait3A_231 = tpu.memref_squeeze %dma_wait3A_230 : memref<1x128xi32, #tpu.memory_space<vmem>> -> memref<128xi32, #tpu.memory_space<vmem>>
          %dma_wait3A_232 = arith.constant 0 : i32
          %dma_wait3A_233 = arith.constant 0 : i32
          %dma_wait3A_234 = tpu.memref_slice %arg11[%dma_wait3A_232, %dma_wait3A_233] : memref<10240x64xf32, #tpu.memory_space<vmem_shared>> -> memref<10240x64xf32, #tpu.memory_space<vmem_shared>>
          %dma_wait3A_235 = tpu.memref_slice %arg10[%dma_wait3A_224] : memref<2x!tpu.dma_semaphore, #tpu.memory_space<semaphore_mem>> -> memref<1x!tpu.dma_semaphore, #tpu.memory_space<semaphore_mem>>
          %dma_wait3A_236 = tpu.memref_squeeze %dma_wait3A_235 : memref<1x!tpu.dma_semaphore, #tpu.memory_space<semaphore_mem>> -> memref<!tpu.dma_semaphore, #tpu.memory_space<semaphore_mem>>
          tpu.wait_indirect_dma semaphore(%dma_wait3A_236 : memref<!tpu.dma_semaphore, #tpu.memory_space<semaphore_mem>>) src(%dma_wait3A_228 : memref<128x64xf32, #tpu.memory_space<vmem>>) dst(%dma_wait3A_234 : memref<10240x64xf32, #tpu.memory_space<vmem_shared>>)
        } else {
        }
        %add3A_171 = arith.constant 1 : i32
        %add3A_172 = arith.addi %add3A_138, %add3A_171 : i32
        %lt3A = arith.constant 98 : i32
        %lt3A_173 = arith.cmpi slt, %add3A_172, %lt3A : i32
        %convert_element_type3A_174 = arith.extui %lt3A_173 : i1 to i32
        %cond3A_175 = arith.constant 0 : i32
        %cond3A_176 = arith.cmpi ne, %convert_element_type3A_174, %cond3A_175 : i32
        scf.if %cond3A_176 {
          %add3A_222 = arith.constant 1 : i32
          %add3A_223 = arith.addi %add3A_138, %add3A_222 : i32
          %dma_start3A_224 = arith.constant 1 : i32
          %dma_start3A_225 = arith.constant 1 : i32
          %dma_start3A_226 = arith.constant 0 : i32
          %dma_start3A_227 = arith.constant 0 : i32
          %dma_start3A_228 = tpu.memref_slice %arg8[%dma_start3A_224, %dma_start3A_226, %dma_start3A_227] : memref<2x128x64xf32, #tpu.memory_space<vmem>> -> memref<1x128x64xf32, #tpu.memory_space<vmem>>
          %dma_start3A_229 = tpu.memref_squeeze %dma_start3A_228 : memref<1x128x64xf32, #tpu.memory_space<vmem>> -> memref<128x64xf32, #tpu.memory_space<vmem>>
          %dma_start3A_230 = arith.constant 0 : i32
          %dma_start3A_231 = tpu.memref_slice %arg6[%add3A_223, %dma_start3A_230] : memref<98x128xi32, #tpu.memory_space<vmem>> -> memref<1x128xi32, #tpu.memory_space<vmem>>
          %dma_start3A_232 = tpu.memref_squeeze %dma_start3A_231 : memref<1x128xi32, #tpu.memory_space<vmem>> -> memref<128xi32, #tpu.memory_space<vmem>>
          %dma_start3A_233 = arith.constant 0 : i32
          %dma_start3A_234 = arith.constant 0 : i32
          %dma_start3A_235 = tpu.memref_slice %arg2[%dma_start3A_233, %dma_start3A_234] : memref<10240x64xf32, #tpu.memory_space<hbm>> -> memref<10240x64xf32, #tpu.memory_space<hbm>>
          %dma_start3A_236 = tpu.memref_slice %arg9[%dma_start3A_225] : memref<2x!tpu.dma_semaphore, #tpu.memory_space<semaphore_mem>> -> memref<1x!tpu.dma_semaphore, #tpu.memory_space<semaphore_mem>>
          %dma_start3A_237 = tpu.memref_squeeze %dma_start3A_236 : memref<1x!tpu.dma_semaphore, #tpu.memory_space<semaphore_mem>> -> memref<!tpu.dma_semaphore, #tpu.memory_space<semaphore_mem>>
          tpu.enqueue_indirect_dma source(%dma_start3A_235 : memref<10240x64xf32, #tpu.memory_space<hbm>>) target(%dma_start3A_229 : memref<128x64xf32, #tpu.memory_space<vmem>>) offsets(%dma_start3A_232 : memref<128xi32, #tpu.memory_space<vmem>>) semaphore(%dma_start3A_237 : memref<!tpu.dma_semaphore, #tpu.memory_space<semaphore_mem>>)
        } else {
        }
        %mul3A_177 = arith.constant 2 : i32
        %mul3A_178 = arith.muli %scan3A_133, %mul3A_177 : i32
        %add3A_179 = arith.constant 1 : i32
        %add3A_180 = arith.addi %mul3A_178, %add3A_179 : i32
        %dma_wait3A_181 = arith.constant 1 : i32
        %dma_wait3A_182 = arith.constant 1 : i32
        %dma_wait3A_183 = arith.constant 0 : i32
        %dma_wait3A_184 = arith.constant 0 : i32
        %dma_wait3A_185 = tpu.memref_slice %arg8[%dma_wait3A_181, %dma_wait3A_183, %dma_wait3A_184] : memref<2x128x64xf32, #tpu.memory_space<vmem>> -> memref<1x128x64xf32, #tpu.memory_space<vmem>>
        %dma_wait3A_186 = tpu.memref_squeeze %dma_wait3A_185 : memref<1x128x64xf32, #tpu.memory_space<vmem>> -> memref<128x64xf32, #tpu.memory_space<vmem>>
        %dma_wait3A_187 = arith.constant 0 : i32
        %dma_wait3A_188 = tpu.memref_slice %arg6[%add3A_180, %dma_wait3A_187] : memref<98x128xi32, #tpu.memory_space<vmem>> -> memref<1x128xi32, #tpu.memory_space<vmem>>
        %dma_wait3A_189 = tpu.memref_squeeze %dma_wait3A_188 : memref<1x128xi32, #tpu.memory_space<vmem>> -> memref<128xi32, #tpu.memory_space<vmem>>
        %dma_wait3A_190 = arith.constant 0 : i32
        %dma_wait3A_191 = arith.constant 0 : i32
        %dma_wait3A_192 = tpu.memref_slice %arg2[%dma_wait3A_190, %dma_wait3A_191] : memref<10240x64xf32, #tpu.memory_space<hbm>> -> memref<10240x64xf32, #tpu.memory_space<hbm>>
        %dma_wait3A_193 = tpu.memref_slice %arg9[%dma_wait3A_182] : memref<2x!tpu.dma_semaphore, #tpu.memory_space<semaphore_mem>> -> memref<1x!tpu.dma_semaphore, #tpu.memory_space<semaphore_mem>>
        %dma_wait3A_194 = tpu.memref_squeeze %dma_wait3A_193 : memref<1x!tpu.dma_semaphore, #tpu.memory_space<semaphore_mem>> -> memref<!tpu.dma_semaphore, #tpu.memory_space<semaphore_mem>>
        tpu.wait_indirect_dma semaphore(%dma_wait3A_194 : memref<!tpu.dma_semaphore, #tpu.memory_space<semaphore_mem>>) src(%dma_wait3A_192 : memref<10240x64xf32, #tpu.memory_space<hbm>>) dst(%dma_wait3A_186 : memref<128x64xf32, #tpu.memory_space<vmem>>)
        %dma_start3A_195 = arith.constant 1 : i32
        %dma_start3A_196 = arith.constant 1 : i32
        %dma_start3A_197 = arith.constant 0 : i32
        %dma_start3A_198 = arith.constant 0 : i32
        %dma_start3A_199 = tpu.memref_slice %arg8[%dma_start3A_195, %dma_start3A_197, %dma_start3A_198] : memref<2x128x64xf32, #tpu.memory_space<vmem>> -> memref<1x128x64xf32, #tpu.memory_space<vmem>>
        %dma_start3A_200 = tpu.memref_squeeze %dma_start3A_199 : memref<1x128x64xf32, #tpu.memory_space<vmem>> -> memref<128x64xf32, #tpu.memory_space<vmem>>
        %dma_start3A_201 = arith.constant 0 : i32
        %dma_start3A_202 = tpu.memref_slice %arg7[%add3A_180, %dma_start3A_201] : memref<98x128xi32, #tpu.memory_space<vmem>> -> memref<1x128xi32, #tpu.memory_space<vmem>>
        %dma_start3A_203 = tpu.memref_squeeze %dma_start3A_202 : memref<1x128xi32, #tpu.memory_space<vmem>> -> memref<128xi32, #tpu.memory_space<vmem>>
        %dma_start3A_204 = arith.constant 0 : i32
        %dma_start3A_205 = arith.constant 0 : i32
        %dma_start3A_206 = tpu.memref_slice %arg11[%dma_start3A_204, %dma_start3A_205] : memref<10240x64xf32, #tpu.memory_space<vmem_shared>> -> memref<10240x64xf32, #tpu.memory_space<vmem_shared>>
        %dma_start3A_207 = tpu.memref_slice %arg10[%dma_start3A_196] : memref<2x!tpu.dma_semaphore, #tpu.memory_space<semaphore_mem>> -> memref<1x!tpu.dma_semaphore, #tpu.memory_space<semaphore_mem>>
        %dma_start3A_208 = tpu.memref_squeeze %dma_start3A_207 : memref<1x!tpu.dma_semaphore, #tpu.memory_space<semaphore_mem>> -> memref<!tpu.dma_semaphore, #tpu.memory_space<semaphore_mem>>
        tpu.enqueue_indirect_dma source(%dma_start3A_200 : memref<128x64xf32, #tpu.memory_space<vmem>>) target(%dma_start3A_206 : memref<10240x64xf32, #tpu.memory_space<vmem_shared>>) offsets(%dma_start3A_203 : memref<128xi32, #tpu.memory_space<vmem>>) semaphore(%dma_start3A_208 : memref<!tpu.dma_semaphore, #tpu.memory_space<semaphore_mem>>) {add = true}
        %ge3A_209 = arith.constant 1 : i32
        %ge3A_210 = arith.cmpi sge, %add3A_180, %ge3A_209 : i32
        %convert_element_type3A_211 = arith.extui %ge3A_210 : i1 to i32
        %cond3A_212 = arith.constant 0 : i32
        %cond3A_213 = arith.cmpi ne, %convert_element_type3A_211, %cond3A_212 : i32
        scf.if %cond3A_213 {
          %sub3A = arith.constant 1 : i32
          %sub3A_222 = arith.subi %add3A_180, %sub3A : i32
          %dma_wait3A_223 = arith.constant 0 : i32
          %dma_wait3A_224 = arith.constant 0 : i32
          %dma_wait3A_225 = arith.constant 0 : i32
          %dma_wait3A_226 = arith.constant 0 : i32
          %dma_wait3A_227 = tpu.memref_slice %arg8[%dma_wait3A_223, %dma_wait3A_225, %dma_wait3A_226] : memref<2x128x64xf32, #tpu.memory_space<vmem>> -> memref<1x128x64xf32, #tpu.memory_space<vmem>>
          %dma_wait3A_228 = tpu.memref_squeeze %dma_wait3A_227 : memref<1x128x64xf32, #tpu.memory_space<vmem>> -> memref<128x64xf32, #tpu.memory_space<vmem>>
          %dma_wait3A_229 = arith.constant 0 : i32
          %dma_wait3A_230 = tpu.memref_slice %arg7[%sub3A_222, %dma_wait3A_229] : memref<98x128xi32, #tpu.memory_space<vmem>> -> memref<1x128xi32, #tpu.memory_space<vmem>>
          %dma_wait3A_231 = tpu.memref_squeeze %dma_wait3A_230 : memref<1x128xi32, #tpu.memory_space<vmem>> -> memref<128xi32, #tpu.memory_space<vmem>>
          %dma_wait3A_232 = arith.constant 0 : i32
          %dma_wait3A_233 = arith.constant 0 : i32
          %dma_wait3A_234 = tpu.memref_slice %arg11[%dma_wait3A_232, %dma_wait3A_233] : memref<10240x64xf32, #tpu.memory_space<vmem_shared>> -> memref<10240x64xf32, #tpu.memory_space<vmem_shared>>
          %dma_wait3A_235 = tpu.memref_slice %arg10[%dma_wait3A_224] : memref<2x!tpu.dma_semaphore, #tpu.memory_space<semaphore_mem>> -> memref<1x!tpu.dma_semaphore, #tpu.memory_space<semaphore_mem>>
          %dma_wait3A_236 = tpu.memref_squeeze %dma_wait3A_235 : memref<1x!tpu.dma_semaphore, #tpu.memory_space<semaphore_mem>> -> memref<!tpu.dma_semaphore, #tpu.memory_space<semaphore_mem>>
          tpu.wait_indirect_dma semaphore(%dma_wait3A_236 : memref<!tpu.dma_semaphore, #tpu.memory_space<semaphore_mem>>) src(%dma_wait3A_228 : memref<128x64xf32, #tpu.memory_space<vmem>>) dst(%dma_wait3A_234 : memref<10240x64xf32, #tpu.memory_space<vmem_shared>>)
        } else {
        }
        %add3A_214 = arith.constant 1 : i32
        %add3A_215 = arith.addi %add3A_180, %add3A_214 : i32
        %lt3A_216 = arith.constant 98 : i32
        %lt3A_217 = arith.cmpi slt, %add3A_215, %lt3A_216 : i32
        %convert_element_type3A_218 = arith.extui %lt3A_217 : i1 to i32
        %cond3A_219 = arith.constant 0 : i32
        %cond3A_220 = arith.cmpi ne, %convert_element_type3A_218, %cond3A_219 : i32
        scf.if %cond3A_220 {
          %add3A_222 = arith.constant 1 : i32
          %add3A_223 = arith.addi %add3A_180, %add3A_222 : i32
          %dma_start3A_224 = arith.constant 0 : i32
          %dma_start3A_225 = arith.constant 0 : i32
          %dma_start3A_226 = arith.constant 0 : i32
          %dma_start3A_227 = arith.constant 0 : i32
          %dma_start3A_228 = tpu.memref_slice %arg8[%dma_start3A_224, %dma_start3A_226, %dma_start3A_227] : memref<2x128x64xf32, #tpu.memory_space<vmem>> -> memref<1x128x64xf32, #tpu.memory_space<vmem>>
          %dma_start3A_229 = tpu.memref_squeeze %dma_start3A_228 : memref<1x128x64xf32, #tpu.memory_space<vmem>> -> memref<128x64xf32, #tpu.memory_space<vmem>>
          %dma_start3A_230 = arith.constant 0 : i32
          %dma_start3A_231 = tpu.memref_slice %arg6[%add3A_223, %dma_start3A_230] : memref<98x128xi32, #tpu.memory_space<vmem>> -> memref<1x128xi32, #tpu.memory_space<vmem>>
          %dma_start3A_232 = tpu.memref_squeeze %dma_start3A_231 : memref<1x128xi32, #tpu.memory_space<vmem>> -> memref<128xi32, #tpu.memory_space<vmem>>
          %dma_start3A_233 = arith.constant 0 : i32
          %dma_start3A_234 = arith.constant 0 : i32
          %dma_start3A_235 = tpu.memref_slice %arg2[%dma_start3A_233, %dma_start3A_234] : memref<10240x64xf32, #tpu.memory_space<hbm>> -> memref<10240x64xf32, #tpu.memory_space<hbm>>
          %dma_start3A_236 = tpu.memref_slice %arg9[%dma_start3A_225] : memref<2x!tpu.dma_semaphore, #tpu.memory_space<semaphore_mem>> -> memref<1x!tpu.dma_semaphore, #tpu.memory_space<semaphore_mem>>
          %dma_start3A_237 = tpu.memref_squeeze %dma_start3A_236 : memref<1x!tpu.dma_semaphore, #tpu.memory_space<semaphore_mem>> -> memref<!tpu.dma_semaphore, #tpu.memory_space<semaphore_mem>>
          tpu.enqueue_indirect_dma source(%dma_start3A_235 : memref<10240x64xf32, #tpu.memory_space<hbm>>) target(%dma_start3A_229 : memref<128x64xf32, #tpu.memory_space<vmem>>) offsets(%dma_start3A_232 : memref<128xi32, #tpu.memory_space<vmem>>) semaphore(%dma_start3A_237 : memref<!tpu.dma_semaphore, #tpu.memory_space<semaphore_mem>>)
        } else {
        }
        %scan3A_221 = arith.constant 0 : i32
        scf.yield %scan3A_221 : i32
      }
      %scan3A_118 = arith.constant 49 : i32
      %dma_wait3A = arith.constant 1 : i32
      %dma_wait3A_119 = arith.constant 97 : i32
      %dma_wait3A_120 = arith.constant 1 : i32
      %dma_wait3A_121 = arith.constant 0 : i32
      %dma_wait3A_122 = arith.constant 0 : i32
      %dma_wait3A_123 = tpu.memref_slice %arg8[%dma_wait3A, %dma_wait3A_121, %dma_wait3A_122] : memref<2x128x64xf32, #tpu.memory_space<vmem>> -> memref<1x128x64xf32, #tpu.memory_space<vmem>>
      %dma_wait3A_124 = tpu.memref_squeeze %dma_wait3A_123 : memref<1x128x64xf32, #tpu.memory_space<vmem>> -> memref<128x64xf32, #tpu.memory_space<vmem>>
      %dma_wait3A_125 = arith.constant 0 : i32
      %dma_wait3A_126 = tpu.memref_slice %arg7[%dma_wait3A_119, %dma_wait3A_125] : memref<98x128xi32, #tpu.memory_space<vmem>> -> memref<1x128xi32, #tpu.memory_space<vmem>>
      %dma_wait3A_127 = tpu.memref_squeeze %dma_wait3A_126 : memref<1x128xi32, #tpu.memory_space<vmem>> -> memref<128xi32, #tpu.memory_space<vmem>>
      %dma_wait3A_128 = arith.constant 0 : i32
      %dma_wait3A_129 = arith.constant 0 : i32
      %dma_wait3A_130 = tpu.memref_slice %arg11[%dma_wait3A_128, %dma_wait3A_129] : memref<10240x64xf32, #tpu.memory_space<vmem_shared>> -> memref<10240x64xf32, #tpu.memory_space<vmem_shared>>
      %dma_wait3A_131 = tpu.memref_slice %arg10[%dma_wait3A_120] : memref<2x!tpu.dma_semaphore, #tpu.memory_space<semaphore_mem>> -> memref<1x!tpu.dma_semaphore, #tpu.memory_space<semaphore_mem>>
      %dma_wait3A_132 = tpu.memref_squeeze %dma_wait3A_131 : memref<1x!tpu.dma_semaphore, #tpu.memory_space<semaphore_mem>> -> memref<!tpu.dma_semaphore, #tpu.memory_space<semaphore_mem>>
      tpu.wait_indirect_dma semaphore(%dma_wait3A_132 : memref<!tpu.dma_semaphore, #tpu.memory_space<semaphore_mem>>) src(%dma_wait3A_124 : memref<128x64xf32, #tpu.memory_space<vmem>>) dst(%dma_wait3A_130 : memref<10240x64xf32, #tpu.memory_space<vmem_shared>>)
    } else {
    }
    %ne3A = arith.constant 0 : i32
    %ne3A_43 = arith.cmpi ne, %arg0, %ne3A : i32
    %convert_element_type3A_44 = arith.extui %ne3A_43 : i1 to i32
    %cond3A_45 = arith.constant 0 : i32
    %cond3A_46 = arith.cmpi ne, %convert_element_type3A_44, %cond3A_45 : i32
    scf.if %cond3A_46 {
      %dma_start3A = arith.constant 0 : i32
      %dma_start3A_98 = arith.constant 0 : i32
      %dma_start3A_99 = arith.constant 0 : i32
      %dma_start3A_100 = arith.constant 0 : i32
      %dma_start3A_101 = arith.constant 0 : i32
      %dma_start3A_102 = tpu.memref_slice %arg8[%dma_start3A_98, %dma_start3A_100, %dma_start3A_101] : memref<2x128x64xf32, #tpu.memory_space<vmem>> -> memref<1x128x64xf32, #tpu.memory_space<vmem>>
      %dma_start3A_103 = tpu.memref_squeeze %dma_start3A_102 : memref<1x128x64xf32, #tpu.memory_space<vmem>> -> memref<128x64xf32, #tpu.memory_space<vmem>>
      %dma_start3A_104 = arith.constant 0 : i32
      %dma_start3A_105 = tpu.memref_slice %arg6[%dma_start3A, %dma_start3A_104] : memref<98x128xi32, #tpu.memory_space<vmem>> -> memref<1x128xi32, #tpu.memory_space<vmem>>
      %dma_start3A_106 = tpu.memref_squeeze %dma_start3A_105 : memref<1x128xi32, #tpu.memory_space<vmem>> -> memref<128xi32, #tpu.memory_space<vmem>>
      %dma_start3A_107 = arith.constant 0 : i32
      %dma_start3A_108 = arith.constant 0 : i32
      %dma_start3A_109 = tpu.memref_slice %arg2[%dma_start3A_107, %dma_start3A_108] : memref<10240x64xf32, #tpu.memory_space<hbm>> -> memref<10240x64xf32, #tpu.memory_space<hbm>>
      %dma_start3A_110 = tpu.memref_slice %arg9[%dma_start3A_99] : memref<2x!tpu.dma_semaphore, #tpu.memory_space<semaphore_mem>> -> memref<1x!tpu.dma_semaphore, #tpu.memory_space<semaphore_mem>>
      %dma_start3A_111 = tpu.memref_squeeze %dma_start3A_110 : memref<1x!tpu.dma_semaphore, #tpu.memory_space<semaphore_mem>> -> memref<!tpu.dma_semaphore, #tpu.memory_space<semaphore_mem>>
      tpu.enqueue_indirect_dma source(%dma_start3A_109 : memref<10240x64xf32, #tpu.memory_space<hbm>>) target(%dma_start3A_103 : memref<128x64xf32, #tpu.memory_space<vmem>>) offsets(%dma_start3A_106 : memref<128xi32, #tpu.memory_space<vmem>>) semaphore(%dma_start3A_111 : memref<!tpu.dma_semaphore, #tpu.memory_space<semaphore_mem>>)
      %scan3A_112 = arith.constant 0 : i32
      %scan3A_113 = arith.constant 0 : i32
      %scan3A_114 = arith.constant 30 : i32
      %scan3A_115 = arith.addi %scan3A_113, %scan3A_114 : i32
      %scan3A_116 = arith.constant 1 : i32
      %scan3A_117 = scf.for %scan3A_133 = %scan3A_113 to %scan3A_115 step %scan3A_116 iter_args(%scan3A_134 = %scan3A_112) -> (i32)  : i32 {
        %mul3A_135 = arith.constant 2 : i32
        %mul3A_136 = arith.muli %scan3A_133, %mul3A_135 : i32
        %add3A_137 = arith.constant 0 : i32
        %add3A_138 = arith.addi %mul3A_136, %add3A_137 : i32
        %dma_wait3A_139 = arith.constant 0 : i32
        %dma_wait3A_140 = arith.constant 0 : i32
        %dma_wait3A_141 = arith.constant 0 : i32
        %dma_wait3A_142 = arith.constant 0 : i32
        %dma_wait3A_143 = tpu.memref_slice %arg8[%dma_wait3A_139, %dma_wait3A_141, %dma_wait3A_142] : memref<2x128x64xf32, #tpu.memory_space<vmem>> -> memref<1x128x64xf32, #tpu.memory_space<vmem>>
        %dma_wait3A_144 = tpu.memref_squeeze %dma_wait3A_143 : memref<1x128x64xf32, #tpu.memory_space<vmem>> -> memref<128x64xf32, #tpu.memory_space<vmem>>
        %dma_wait3A_145 = arith.constant 0 : i32
        %dma_wait3A_146 = tpu.memref_slice %arg6[%add3A_138, %dma_wait3A_145] : memref<98x128xi32, #tpu.memory_space<vmem>> -> memref<1x128xi32, #tpu.memory_space<vmem>>
        %dma_wait3A_147 = tpu.memref_squeeze %dma_wait3A_146 : memref<1x128xi32, #tpu.memory_space<vmem>> -> memref<128xi32, #tpu.memory_space<vmem>>
        %dma_wait3A_148 = arith.constant 0 : i32
        %dma_wait3A_149 = arith.constant 0 : i32
        %dma_wait3A_150 = tpu.memref_slice %arg2[%dma_wait3A_148, %dma_wait3A_149] : memref<10240x64xf32, #tpu.memory_space<hbm>> -> memref<10240x64xf32, #tpu.memory_space<hbm>>
        %dma_wait3A_151 = tpu.memref_slice %arg9[%dma_wait3A_140] : memref<2x!tpu.dma_semaphore, #tpu.memory_space<semaphore_mem>> -> memref<1x!tpu.dma_semaphore, #tpu.memory_space<semaphore_mem>>
        %dma_wait3A_152 = tpu.memref_squeeze %dma_wait3A_151 : memref<1x!tpu.dma_semaphore, #tpu.memory_space<semaphore_mem>> -> memref<!tpu.dma_semaphore, #tpu.memory_space<semaphore_mem>>
        tpu.wait_indirect_dma semaphore(%dma_wait3A_152 : memref<!tpu.dma_semaphore, #tpu.memory_space<semaphore_mem>>) src(%dma_wait3A_150 : memref<10240x64xf32, #tpu.memory_space<hbm>>) dst(%dma_wait3A_144 : memref<128x64xf32, #tpu.memory_space<vmem>>)
        %dma_start3A_153 = arith.constant 0 : i32
        %dma_start3A_154 = arith.constant 0 : i32
        %dma_start3A_155 = arith.constant 0 : i32
        %dma_start3A_156 = arith.constant 0 : i32
        %dma_start3A_157 = tpu.memref_slice %arg8[%dma_start3A_153, %dma_start3A_155, %dma_start3A_156] : memref<2x128x64xf32, #tpu.memory_space<vmem>> -> memref<1x128x64xf32, #tpu.memory_space<vmem>>
        %dma_start3A_158 = tpu.memref_squeeze %dma_start3A_157 : memref<1x128x64xf32, #tpu.memory_space<vmem>> -> memref<128x64xf32, #tpu.memory_space<vmem>>
        %dma_start3A_159 = arith.constant 0 : i32
        %dma_start3A_160 = tpu.memref_slice %arg7[%add3A_138, %dma_start3A_159] : memref<98x128xi32, #tpu.memory_space<vmem>> -> memref<1x128xi32, #tpu.memory_space<vmem>>
        %dma_start3A_161 = tpu.memref_squeeze %dma_start3A_160 : memref<1x128xi32, #tpu.memory_space<vmem>> -> memref<128xi32, #tpu.memory_space<vmem>>
        %dma_start3A_162 = arith.constant 0 : i32
        %dma_start3A_163 = arith.constant 0 : i32
        %dma_start3A_164 = tpu.memref_slice %arg11[%dma_start3A_162, %dma_start3A_163] : memref<10240x64xf32, #tpu.memory_space<vmem_shared>> -> memref<10240x64xf32, #tpu.memory_space<vmem_shared>>
        %dma_start3A_165 = tpu.memref_slice %arg10[%dma_start3A_154] : memref<2x!tpu.dma_semaphore, #tpu.memory_space<semaphore_mem>> -> memref<1x!tpu.dma_semaphore, #tpu.memory_space<semaphore_mem>>
        %dma_start3A_166 = tpu.memref_squeeze %dma_start3A_165 : memref<1x!tpu.dma_semaphore, #tpu.memory_space<semaphore_mem>> -> memref<!tpu.dma_semaphore, #tpu.memory_space<semaphore_mem>>
        tpu.enqueue_indirect_dma source(%dma_start3A_158 : memref<128x64xf32, #tpu.memory_space<vmem>>) target(%dma_start3A_164 : memref<10240x64xf32, #tpu.memory_space<vmem_shared>>) offsets(%dma_start3A_161 : memref<128xi32, #tpu.memory_space<vmem>>) semaphore(%dma_start3A_166 : memref<!tpu.dma_semaphore, #tpu.memory_space<semaphore_mem>>) {add = true}
        %ge3A = arith.constant 1 : i32
        %ge3A_167 = arith.cmpi sge, %add3A_138, %ge3A : i32
        %convert_element_type3A_168 = arith.extui %ge3A_167 : i1 to i32
        %cond3A_169 = arith.constant 0 : i32
        %cond3A_170 = arith.cmpi ne, %convert_element_type3A_168, %cond3A_169 : i32
        scf.if %cond3A_170 {
          %sub3A = arith.constant 1 : i32
          %sub3A_222 = arith.subi %add3A_138, %sub3A : i32
          %dma_wait3A_223 = arith.constant 1 : i32
          %dma_wait3A_224 = arith.constant 1 : i32
          %dma_wait3A_225 = arith.constant 0 : i32
          %dma_wait3A_226 = arith.constant 0 : i32
          %dma_wait3A_227 = tpu.memref_slice %arg8[%dma_wait3A_223, %dma_wait3A_225, %dma_wait3A_226] : memref<2x128x64xf32, #tpu.memory_space<vmem>> -> memref<1x128x64xf32, #tpu.memory_space<vmem>>
          %dma_wait3A_228 = tpu.memref_squeeze %dma_wait3A_227 : memref<1x128x64xf32, #tpu.memory_space<vmem>> -> memref<128x64xf32, #tpu.memory_space<vmem>>
          %dma_wait3A_229 = arith.constant 0 : i32
          %dma_wait3A_230 = tpu.memref_slice %arg7[%sub3A_222, %dma_wait3A_229] : memref<98x128xi32, #tpu.memory_space<vmem>> -> memref<1x128xi32, #tpu.memory_space<vmem>>
          %dma_wait3A_231 = tpu.memref_squeeze %dma_wait3A_230 : memref<1x128xi32, #tpu.memory_space<vmem>> -> memref<128xi32, #tpu.memory_space<vmem>>
          %dma_wait3A_232 = arith.constant 0 : i32
          %dma_wait3A_233 = arith.constant 0 : i32
          %dma_wait3A_234 = tpu.memref_slice %arg11[%dma_wait3A_232, %dma_wait3A_233] : memref<10240x64xf32, #tpu.memory_space<vmem_shared>> -> memref<10240x64xf32, #tpu.memory_space<vmem_shared>>
          %dma_wait3A_235 = tpu.memref_slice %arg10[%dma_wait3A_224] : memref<2x!tpu.dma_semaphore, #tpu.memory_space<semaphore_mem>> -> memref<1x!tpu.dma_semaphore, #tpu.memory_space<semaphore_mem>>
          %dma_wait3A_236 = tpu.memref_squeeze %dma_wait3A_235 : memref<1x!tpu.dma_semaphore, #tpu.memory_space<semaphore_mem>> -> memref<!tpu.dma_semaphore, #tpu.memory_space<semaphore_mem>>
          tpu.wait_indirect_dma semaphore(%dma_wait3A_236 : memref<!tpu.dma_semaphore, #tpu.memory_space<semaphore_mem>>) src(%dma_wait3A_228 : memref<128x64xf32, #tpu.memory_space<vmem>>) dst(%dma_wait3A_234 : memref<10240x64xf32, #tpu.memory_space<vmem_shared>>)
        } else {
        }
        %add3A_171 = arith.constant 1 : i32
        %add3A_172 = arith.addi %add3A_138, %add3A_171 : i32
        %lt3A = arith.constant 60 : i32
        %lt3A_173 = arith.cmpi slt, %add3A_172, %lt3A : i32
        %convert_element_type3A_174 = arith.extui %lt3A_173 : i1 to i32
        %cond3A_175 = arith.constant 0 : i32
        %cond3A_176 = arith.cmpi ne, %convert_element_type3A_174, %cond3A_175 : i32
        scf.if %cond3A_176 {
          %add3A_222 = arith.constant 1 : i32
          %add3A_223 = arith.addi %add3A_138, %add3A_222 : i32
          %dma_start3A_224 = arith.constant 1 : i32
          %dma_start3A_225 = arith.constant 1 : i32
          %dma_start3A_226 = arith.constant 0 : i32
          %dma_start3A_227 = arith.constant 0 : i32
          %dma_start3A_228 = tpu.memref_slice %arg8[%dma_start3A_224, %dma_start3A_226, %dma_start3A_227] : memref<2x128x64xf32, #tpu.memory_space<vmem>> -> memref<1x128x64xf32, #tpu.memory_space<vmem>>
          %dma_start3A_229 = tpu.memref_squeeze %dma_start3A_228 : memref<1x128x64xf32, #tpu.memory_space<vmem>> -> memref<128x64xf32, #tpu.memory_space<vmem>>
          %dma_start3A_230 = arith.constant 0 : i32
          %dma_start3A_231 = tpu.memref_slice %arg6[%add3A_223, %dma_start3A_230] : memref<98x128xi32, #tpu.memory_space<vmem>> -> memref<1x128xi32, #tpu.memory_space<vmem>>
          %dma_start3A_232 = tpu.memref_squeeze %dma_start3A_231 : memref<1x128xi32, #tpu.memory_space<vmem>> -> memref<128xi32, #tpu.memory_space<vmem>>
          %dma_start3A_233 = arith.constant 0 : i32
          %dma_start3A_234 = arith.constant 0 : i32
          %dma_start3A_235 = tpu.memref_slice %arg2[%dma_start3A_233, %dma_start3A_234] : memref<10240x64xf32, #tpu.memory_space<hbm>> -> memref<10240x64xf32, #tpu.memory_space<hbm>>
          %dma_start3A_236 = tpu.memref_slice %arg9[%dma_start3A_225] : memref<2x!tpu.dma_semaphore, #tpu.memory_space<semaphore_mem>> -> memref<1x!tpu.dma_semaphore, #tpu.memory_space<semaphore_mem>>
          %dma_start3A_237 = tpu.memref_squeeze %dma_start3A_236 : memref<1x!tpu.dma_semaphore, #tpu.memory_space<semaphore_mem>> -> memref<!tpu.dma_semaphore, #tpu.memory_space<semaphore_mem>>
          tpu.enqueue_indirect_dma source(%dma_start3A_235 : memref<10240x64xf32, #tpu.memory_space<hbm>>) target(%dma_start3A_229 : memref<128x64xf32, #tpu.memory_space<vmem>>) offsets(%dma_start3A_232 : memref<128xi32, #tpu.memory_space<vmem>>) semaphore(%dma_start3A_237 : memref<!tpu.dma_semaphore, #tpu.memory_space<semaphore_mem>>)
        } else {
        }
        %mul3A_177 = arith.constant 2 : i32
        %mul3A_178 = arith.muli %scan3A_133, %mul3A_177 : i32
        %add3A_179 = arith.constant 1 : i32
        %add3A_180 = arith.addi %mul3A_178, %add3A_179 : i32
        %dma_wait3A_181 = arith.constant 1 : i32
        %dma_wait3A_182 = arith.constant 1 : i32
        %dma_wait3A_183 = arith.constant 0 : i32
        %dma_wait3A_184 = arith.constant 0 : i32
        %dma_wait3A_185 = tpu.memref_slice %arg8[%dma_wait3A_181, %dma_wait3A_183, %dma_wait3A_184] : memref<2x128x64xf32, #tpu.memory_space<vmem>> -> memref<1x128x64xf32, #tpu.memory_space<vmem>>
        %dma_wait3A_186 = tpu.memref_squeeze %dma_wait3A_185 : memref<1x128x64xf32, #tpu.memory_space<vmem>> -> memref<128x64xf32, #tpu.memory_space<vmem>>
        %dma_wait3A_187 = arith.constant 0 : i32
        %dma_wait3A_188 = tpu.memref_slice %arg6[%add3A_180, %dma_wait3A_187] : memref<98x128xi32, #tpu.memory_space<vmem>> -> memref<1x128xi32, #tpu.memory_space<vmem>>
        %dma_wait3A_189 = tpu.memref_squeeze %dma_wait3A_188 : memref<1x128xi32, #tpu.memory_space<vmem>> -> memref<128xi32, #tpu.memory_space<vmem>>
        %dma_wait3A_190 = arith.constant 0 : i32
        %dma_wait3A_191 = arith.constant 0 : i32
        %dma_wait3A_192 = tpu.memref_slice %arg2[%dma_wait3A_190, %dma_wait3A_191] : memref<10240x64xf32, #tpu.memory_space<hbm>> -> memref<10240x64xf32, #tpu.memory_space<hbm>>
        %dma_wait3A_193 = tpu.memref_slice %arg9[%dma_wait3A_182] : memref<2x!tpu.dma_semaphore, #tpu.memory_space<semaphore_mem>> -> memref<1x!tpu.dma_semaphore, #tpu.memory_space<semaphore_mem>>
        %dma_wait3A_194 = tpu.memref_squeeze %dma_wait3A_193 : memref<1x!tpu.dma_semaphore, #tpu.memory_space<semaphore_mem>> -> memref<!tpu.dma_semaphore, #tpu.memory_space<semaphore_mem>>
        tpu.wait_indirect_dma semaphore(%dma_wait3A_194 : memref<!tpu.dma_semaphore, #tpu.memory_space<semaphore_mem>>) src(%dma_wait3A_192 : memref<10240x64xf32, #tpu.memory_space<hbm>>) dst(%dma_wait3A_186 : memref<128x64xf32, #tpu.memory_space<vmem>>)
        %dma_start3A_195 = arith.constant 1 : i32
        %dma_start3A_196 = arith.constant 1 : i32
        %dma_start3A_197 = arith.constant 0 : i32
        %dma_start3A_198 = arith.constant 0 : i32
        %dma_start3A_199 = tpu.memref_slice %arg8[%dma_start3A_195, %dma_start3A_197, %dma_start3A_198] : memref<2x128x64xf32, #tpu.memory_space<vmem>> -> memref<1x128x64xf32, #tpu.memory_space<vmem>>
        %dma_start3A_200 = tpu.memref_squeeze %dma_start3A_199 : memref<1x128x64xf32, #tpu.memory_space<vmem>> -> memref<128x64xf32, #tpu.memory_space<vmem>>
        %dma_start3A_201 = arith.constant 0 : i32
        %dma_start3A_202 = tpu.memref_slice %arg7[%add3A_180, %dma_start3A_201] : memref<98x128xi32, #tpu.memory_space<vmem>> -> memref<1x128xi32, #tpu.memory_space<vmem>>
        %dma_start3A_203 = tpu.memref_squeeze %dma_start3A_202 : memref<1x128xi32, #tpu.memory_space<vmem>> -> memref<128xi32, #tpu.memory_space<vmem>>
        %dma_start3A_204 = arith.constant 0 : i32
        %dma_start3A_205 = arith.constant 0 : i32
        %dma_start3A_206 = tpu.memref_slice %arg11[%dma_start3A_204, %dma_start3A_205] : memref<10240x64xf32, #tpu.memory_space<vmem_shared>> -> memref<10240x64xf32, #tpu.memory_space<vmem_shared>>
        %dma_start3A_207 = tpu.memref_slice %arg10[%dma_start3A_196] : memref<2x!tpu.dma_semaphore, #tpu.memory_space<semaphore_mem>> -> memref<1x!tpu.dma_semaphore, #tpu.memory_space<semaphore_mem>>
        %dma_start3A_208 = tpu.memref_squeeze %dma_start3A_207 : memref<1x!tpu.dma_semaphore, #tpu.memory_space<semaphore_mem>> -> memref<!tpu.dma_semaphore, #tpu.memory_space<semaphore_mem>>
        tpu.enqueue_indirect_dma source(%dma_start3A_200 : memref<128x64xf32, #tpu.memory_space<vmem>>) target(%dma_start3A_206 : memref<10240x64xf32, #tpu.memory_space<vmem_shared>>) offsets(%dma_start3A_203 : memref<128xi32, #tpu.memory_space<vmem>>) semaphore(%dma_start3A_208 : memref<!tpu.dma_semaphore, #tpu.memory_space<semaphore_mem>>) {add = true}
        %ge3A_209 = arith.constant 1 : i32
        %ge3A_210 = arith.cmpi sge, %add3A_180, %ge3A_209 : i32
        %convert_element_type3A_211 = arith.extui %ge3A_210 : i1 to i32
        %cond3A_212 = arith.constant 0 : i32
        %cond3A_213 = arith.cmpi ne, %convert_element_type3A_211, %cond3A_212 : i32
        scf.if %cond3A_213 {
          %sub3A = arith.constant 1 : i32
          %sub3A_222 = arith.subi %add3A_180, %sub3A : i32
          %dma_wait3A_223 = arith.constant 0 : i32
          %dma_wait3A_224 = arith.constant 0 : i32
          %dma_wait3A_225 = arith.constant 0 : i32
          %dma_wait3A_226 = arith.constant 0 : i32
          %dma_wait3A_227 = tpu.memref_slice %arg8[%dma_wait3A_223, %dma_wait3A_225, %dma_wait3A_226] : memref<2x128x64xf32, #tpu.memory_space<vmem>> -> memref<1x128x64xf32, #tpu.memory_space<vmem>>
          %dma_wait3A_228 = tpu.memref_squeeze %dma_wait3A_227 : memref<1x128x64xf32, #tpu.memory_space<vmem>> -> memref<128x64xf32, #tpu.memory_space<vmem>>
          %dma_wait3A_229 = arith.constant 0 : i32
          %dma_wait3A_230 = tpu.memref_slice %arg7[%sub3A_222, %dma_wait3A_229] : memref<98x128xi32, #tpu.memory_space<vmem>> -> memref<1x128xi32, #tpu.memory_space<vmem>>
          %dma_wait3A_231 = tpu.memref_squeeze %dma_wait3A_230 : memref<1x128xi32, #tpu.memory_space<vmem>> -> memref<128xi32, #tpu.memory_space<vmem>>
          %dma_wait3A_232 = arith.constant 0 : i32
          %dma_wait3A_233 = arith.constant 0 : i32
          %dma_wait3A_234 = tpu.memref_slice %arg11[%dma_wait3A_232, %dma_wait3A_233] : memref<10240x64xf32, #tpu.memory_space<vmem_shared>> -> memref<10240x64xf32, #tpu.memory_space<vmem_shared>>
          %dma_wait3A_235 = tpu.memref_slice %arg10[%dma_wait3A_224] : memref<2x!tpu.dma_semaphore, #tpu.memory_space<semaphore_mem>> -> memref<1x!tpu.dma_semaphore, #tpu.memory_space<semaphore_mem>>
          %dma_wait3A_236 = tpu.memref_squeeze %dma_wait3A_235 : memref<1x!tpu.dma_semaphore, #tpu.memory_space<semaphore_mem>> -> memref<!tpu.dma_semaphore, #tpu.memory_space<semaphore_mem>>
          tpu.wait_indirect_dma semaphore(%dma_wait3A_236 : memref<!tpu.dma_semaphore, #tpu.memory_space<semaphore_mem>>) src(%dma_wait3A_228 : memref<128x64xf32, #tpu.memory_space<vmem>>) dst(%dma_wait3A_234 : memref<10240x64xf32, #tpu.memory_space<vmem_shared>>)
        } else {
        }
        %add3A_214 = arith.constant 1 : i32
        %add3A_215 = arith.addi %add3A_180, %add3A_214 : i32
        %lt3A_216 = arith.constant 60 : i32
        %lt3A_217 = arith.cmpi slt, %add3A_215, %lt3A_216 : i32
        %convert_element_type3A_218 = arith.extui %lt3A_217 : i1 to i32
        %cond3A_219 = arith.constant 0 : i32
        %cond3A_220 = arith.cmpi ne, %convert_element_type3A_218, %cond3A_219 : i32
        scf.if %cond3A_220 {
          %add3A_222 = arith.constant 1 : i32
          %add3A_223 = arith.addi %add3A_180, %add3A_222 : i32
          %dma_start3A_224 = arith.constant 0 : i32
          %dma_start3A_225 = arith.constant 0 : i32
          %dma_start3A_226 = arith.constant 0 : i32
          %dma_start3A_227 = arith.constant 0 : i32
          %dma_start3A_228 = tpu.memref_slice %arg8[%dma_start3A_224, %dma_start3A_226, %dma_start3A_227] : memref<2x128x64xf32, #tpu.memory_space<vmem>> -> memref<1x128x64xf32, #tpu.memory_space<vmem>>
          %dma_start3A_229 = tpu.memref_squeeze %dma_start3A_228 : memref<1x128x64xf32, #tpu.memory_space<vmem>> -> memref<128x64xf32, #tpu.memory_space<vmem>>
          %dma_start3A_230 = arith.constant 0 : i32
          %dma_start3A_231 = tpu.memref_slice %arg6[%add3A_223, %dma_start3A_230] : memref<98x128xi32, #tpu.memory_space<vmem>> -> memref<1x128xi32, #tpu.memory_space<vmem>>
          %dma_start3A_232 = tpu.memref_squeeze %dma_start3A_231 : memref<1x128xi32, #tpu.memory_space<vmem>> -> memref<128xi32, #tpu.memory_space<vmem>>
          %dma_start3A_233 = arith.constant 0 : i32
          %dma_start3A_234 = arith.constant 0 : i32
          %dma_start3A_235 = tpu.memref_slice %arg2[%dma_start3A_233, %dma_start3A_234] : memref<10240x64xf32, #tpu.memory_space<hbm>> -> memref<10240x64xf32, #tpu.memory_space<hbm>>
          %dma_start3A_236 = tpu.memref_slice %arg9[%dma_start3A_225] : memref<2x!tpu.dma_semaphore, #tpu.memory_space<semaphore_mem>> -> memref<1x!tpu.dma_semaphore, #tpu.memory_space<semaphore_mem>>
          %dma_start3A_237 = tpu.memref_squeeze %dma_start3A_236 : memref<1x!tpu.dma_semaphore, #tpu.memory_space<semaphore_mem>> -> memref<!tpu.dma_semaphore, #tpu.memory_space<semaphore_mem>>
          tpu.enqueue_indirect_dma source(%dma_start3A_235 : memref<10240x64xf32, #tpu.memory_space<hbm>>) target(%dma_start3A_229 : memref<128x64xf32, #tpu.memory_space<vmem>>) offsets(%dma_start3A_232 : memref<128xi32, #tpu.memory_space<vmem>>) semaphore(%dma_start3A_237 : memref<!tpu.dma_semaphore, #tpu.memory_space<semaphore_mem>>)
        } else {
        }
        %scan3A_221 = arith.constant 0 : i32
        scf.yield %scan3A_221 : i32
      }
      %scan3A_118 = arith.constant 30 : i32
      %dma_wait3A = arith.constant 1 : i32
      %dma_wait3A_119 = arith.constant 59 : i32
      %dma_wait3A_120 = arith.constant 1 : i32
      %dma_wait3A_121 = arith.constant 0 : i32
      %dma_wait3A_122 = arith.constant 0 : i32
      %dma_wait3A_123 = tpu.memref_slice %arg8[%dma_wait3A, %dma_wait3A_121, %dma_wait3A_122] : memref<2x128x64xf32, #tpu.memory_space<vmem>> -> memref<1x128x64xf32, #tpu.memory_space<vmem>>
      %dma_wait3A_124 = tpu.memref_squeeze %dma_wait3A_123 : memref<1x128x64xf32, #tpu.memory_space<vmem>> -> memref<128x64xf32, #tpu.memory_space<vmem>>
      %dma_wait3A_125 = arith.constant 0 : i32
      %dma_wait3A_126 = tpu.memref_slice %arg7[%dma_wait3A_119, %dma_wait3A_125] : memref<98x128xi32, #tpu.memory_space<vmem>> -> memref<1x128xi32, #tpu.memory_space<vmem>>
      %dma_wait3A_127 = tpu.memref_squeeze %dma_wait3A_126 : memref<1x128xi32, #tpu.memory_space<vmem>> -> memref<128xi32, #tpu.memory_space<vmem>>
      %dma_wait3A_128 = arith.constant 0 : i32
      %dma_wait3A_129 = arith.constant 0 : i32
      %dma_wait3A_130 = tpu.memref_slice %arg11[%dma_wait3A_128, %dma_wait3A_129] : memref<10240x64xf32, #tpu.memory_space<vmem_shared>> -> memref<10240x64xf32, #tpu.memory_space<vmem_shared>>
      %dma_wait3A_131 = tpu.memref_slice %arg10[%dma_wait3A_120] : memref<2x!tpu.dma_semaphore, #tpu.memory_space<semaphore_mem>> -> memref<1x!tpu.dma_semaphore, #tpu.memory_space<semaphore_mem>>
      %dma_wait3A_132 = tpu.memref_squeeze %dma_wait3A_131 : memref<1x!tpu.dma_semaphore, #tpu.memory_space<semaphore_mem>> -> memref<!tpu.dma_semaphore, #tpu.memory_space<semaphore_mem>>
      tpu.wait_indirect_dma semaphore(%dma_wait3A_132 : memref<!tpu.dma_semaphore, #tpu.memory_space<semaphore_mem>>) src(%dma_wait3A_124 : memref<128x64xf32, #tpu.memory_space<vmem>>) dst(%dma_wait3A_130 : memref<10240x64xf32, #tpu.memory_space<vmem_shared>>)
    } else {
    }
    %barrier3A_47 = arith.constant 0 : index
    tpu.barrier barrier_id(%barrier3A_47)
    %mul3A_48 = arith.constant 640 : i32
    %mul3A_49 = arith.muli %arg1, %mul3A_48 : i32
    %add3A_50 = arith.constant 0 : i32
    %add3A_51 = arith.addi %mul3A_49, %add3A_50 : i32
    %run_scoped3A_52 = arith.constant 0 : i32
    "tpu.region"() ({
      %run_scoped3A_98 = tpu.sem_alloc : memref<!tpu.dma_semaphore, #tpu.memory_space<semaphore_mem>>
      %dma_start3A = arith.constant 0 : i32
      %dma_start3A_99 = arith.constant 0 : i32
      %dma_start3A_100 = tpu.memref_slice %arg8[%run_scoped3A_52, %dma_start3A, %dma_start3A_99] : memref<2x128x64xf32, #tpu.memory_space<vmem>> -> memref<1x128x64xf32, #tpu.memory_space<vmem>>
      %dma_start3A_101 = tpu.memref_squeeze %dma_start3A_100 : memref<1x128x64xf32, #tpu.memory_space<vmem>> -> memref<128x64xf32, #tpu.memory_space<vmem>>
      %dma_start3A_102 = arith.constant 0 : i32
      %dma_start3A_103 = tpu.memref_slice %arg11[%add3A_51, %dma_start3A_102] : memref<10240x64xf32, #tpu.memory_space<vmem_shared>> -> memref<128x64xf32, #tpu.memory_space<vmem_shared>>
      %dma_start3A_104 = arith.constant 0 : i32
      %dma_start3A_105 = arith.constant 0 : i32
      %dma_start3A_106 = tpu.memref_slice %arg8[%run_scoped3A_52, %dma_start3A_104, %dma_start3A_105] : memref<2x128x64xf32, #tpu.memory_space<vmem>> -> memref<1x128x64xf32, #tpu.memory_space<vmem>>
      %dma_start3A_107 = tpu.memref_squeeze %dma_start3A_106 : memref<1x128x64xf32, #tpu.memory_space<vmem>> -> memref<128x64xf32, #tpu.memory_space<vmem>>
      %dma_start3A_108 = arith.constant 0 : i32
      %dma_start3A_109 = tpu.memref_slice %arg11[%add3A_51, %dma_start3A_108] : memref<10240x64xf32, #tpu.memory_space<vmem_shared>> -> memref<128x64xf32, #tpu.memory_space<vmem_shared>>
      tpu.enqueue_dma source(%dma_start3A_109 : memref<128x64xf32, #tpu.memory_space<vmem_shared>>) target(%dma_start3A_107 : memref<128x64xf32, #tpu.memory_space<vmem>>) target_semaphore(%run_scoped3A_98 : memref<!tpu.dma_semaphore, #tpu.memory_space<semaphore_mem>>)
      %dma_wait3A = arith.constant 0 : i32
      %dma_wait3A_110 = arith.constant 0 : i32
      %dma_wait3A_111 = tpu.memref_slice %arg8[%run_scoped3A_52, %dma_wait3A, %dma_wait3A_110] : memref<2x128x64xf32, #tpu.memory_space<vmem>> -> memref<1x128x64xf32, #tpu.memory_space<vmem>>
      %dma_wait3A_112 = tpu.memref_squeeze %dma_wait3A_111 : memref<1x128x64xf32, #tpu.memory_space<vmem>> -> memref<128x64xf32, #tpu.memory_space<vmem>>
      %dma_wait3A_113 = arith.constant 0 : i32
      %dma_wait3A_114 = tpu.memref_slice %arg11[%add3A_51, %dma_wait3A_113] : memref<10240x64xf32, #tpu.memory_space<vmem_shared>> -> memref<128x64xf32, #tpu.memory_space<vmem_shared>>
      %dma_wait3A_115 = arith.constant 0 : i32
      %dma_wait3A_116 = arith.constant 0 : i32
      %dma_wait3A_117 = tpu.memref_slice %arg8[%run_scoped3A_52, %dma_wait3A_115, %dma_wait3A_116] : memref<2x128x64xf32, #tpu.memory_space<vmem>> -> memref<1x128x64xf32, #tpu.memory_space<vmem>>
      %dma_wait3A_118 = tpu.memref_squeeze %dma_wait3A_117 : memref<1x128x64xf32, #tpu.memory_space<vmem>> -> memref<128x64xf32, #tpu.memory_space<vmem>>
      %dma_wait3A_119 = arith.constant 0 : i32
      %dma_wait3A_120 = tpu.memref_slice %arg11[%add3A_51, %dma_wait3A_119] : memref<10240x64xf32, #tpu.memory_space<vmem_shared>> -> memref<128x64xf32, #tpu.memory_space<vmem_shared>>
      tpu.wait_dma2 semaphore(%run_scoped3A_98 : memref<!tpu.dma_semaphore, #tpu.memory_space<semaphore_mem>>) src(%dma_wait3A_120 : memref<128x64xf32, #tpu.memory_space<vmem_shared>>) dst(%dma_wait3A_118 : memref<128x64xf32, #tpu.memory_space<vmem>>)
      tpu.yield
    }) : () -> ()
    %mul3A_53 = arith.constant 640 : i32
    %mul3A_54 = arith.muli %arg1, %mul3A_53 : i32
    %add3A_55 = arith.constant 0 : i32
    %add3A_56 = arith.addi %mul3A_54, %add3A_55 : i32
    %run_scoped3A_57 = arith.constant 0 : i32
    "tpu.region"() ({
      %run_scoped3A_98 = tpu.sem_alloc : memref<!tpu.dma_semaphore, #tpu.memory_space<semaphore_mem>>
      %dma_start3A = arith.constant 0 : i32
      %dma_start3A_99 = arith.constant 0 : i32
      %dma_start3A_100 = tpu.memref_slice %arg8[%run_scoped3A_57, %dma_start3A, %dma_start3A_99] : memref<2x128x64xf32, #tpu.memory_space<vmem>> -> memref<1x128x64xf32, #tpu.memory_space<vmem>>
      %dma_start3A_101 = tpu.memref_squeeze %dma_start3A_100 : memref<1x128x64xf32, #tpu.memory_space<vmem>> -> memref<128x64xf32, #tpu.memory_space<vmem>>
      %dma_start3A_102 = arith.constant 0 : i32
      %dma_start3A_103 = tpu.memref_slice %arg5[%arg0, %add3A_56, %dma_start3A_102] : memref<2x10240x64xf32, #tpu.memory_space<hbm>> -> memref<1x128x64xf32, #tpu.memory_space<hbm>>
      %dma_start3A_104 = tpu.memref_squeeze %dma_start3A_103 : memref<1x128x64xf32, #tpu.memory_space<hbm>> -> memref<128x64xf32, #tpu.memory_space<hbm>>
      %dma_start3A_105 = arith.constant 0 : i32
      %dma_start3A_106 = tpu.memref_slice %arg5[%arg0, %add3A_56, %dma_start3A_105] : memref<2x10240x64xf32, #tpu.memory_space<hbm>> -> memref<1x128x64xf32, #tpu.memory_space<hbm>>
      %dma_start3A_107 = tpu.memref_squeeze %dma_start3A_106 : memref<1x128x64xf32, #tpu.memory_space<hbm>> -> memref<128x64xf32, #tpu.memory_space<hbm>>
      %dma_start3A_108 = arith.constant 0 : i32
      %dma_start3A_109 = arith.constant 0 : i32
      %dma_start3A_110 = tpu.memref_slice %arg8[%run_scoped3A_57, %dma_start3A_108, %dma_start3A_109] : memref<2x128x64xf32, #tpu.memory_space<vmem>> -> memref<1x128x64xf32, #tpu.memory_space<vmem>>
      %dma_start3A_111 = tpu.memref_squeeze %dma_start3A_110 : memref<1x128x64xf32, #tpu.memory_space<vmem>> -> memref<128x64xf32, #tpu.memory_space<vmem>>
      tpu.enqueue_dma source(%dma_start3A_111 : memref<128x64xf32, #tpu.memory_space<vmem>>) target(%dma_start3A_107 : memref<128x64xf32, #tpu.memory_space<hbm>>) target_semaphore(%run_scoped3A_98 : memref<!tpu.dma_semaphore, #tpu.memory_space<semaphore_mem>>)
      %dma_wait3A = arith.constant 0 : i32
      %dma_wait3A_112 = arith.constant 0 : i32
      %dma_wait3A_113 = tpu.memref_slice %arg8[%run_scoped3A_57, %dma_wait3A, %dma_wait3A_112] : memref<2x128x64xf32, #tpu.memory_space<vmem>> -> memref<1x128x64xf32, #tpu.memory_space<vmem>>
      %dma_wait3A_114 = tpu.memref_squeeze %dma_wait3A_113 : memref<1x128x64xf32, #tpu.memory_space<vmem>> -> memref<128x64xf32, #tpu.memory_space<vmem>>
      %dma_wait3A_115 = arith.constant 0 : i32
      %dma_wait3A_116 = tpu.memref_slice %arg5[%arg0, %add3A_56, %dma_wait3A_115] : memref<2x10240x64xf32, #tpu.memory_space<hbm>> -> memref<1x128x64xf32, #tpu.memory_space<hbm>>
      %dma_wait3A_117 = tpu.memref_squeeze %dma_wait3A_116 : memref<1x128x64xf32, #tpu.memory_space<hbm>> -> memref<128x64xf32, #tpu.memory_space<hbm>>
      %dma_wait3A_118 = arith.constant 0 : i32
      %dma_wait3A_119 = tpu.memref_slice %arg5[%arg0, %add3A_56, %dma_wait3A_118] : memref<2x10240x64xf32, #tpu.memory_space<hbm>> -> memref<1x128x64xf32, #tpu.memory_space<hbm>>
      %dma_wait3A_120 = tpu.memref_squeeze %dma_wait3A_119 : memref<1x128x64xf32, #tpu.memory_space<hbm>> -> memref<128x64xf32, #tpu.memory_space<hbm>>
      %dma_wait3A_121 = arith.constant 0 : i32
      %dma_wait3A_122 = arith.constant 0 : i32
      %dma_wait3A_123 = tpu.memref_slice %arg8[%run_scoped3A_57, %dma_wait3A_121, %dma_wait3A_122] : memref<2x128x64xf32, #tpu.memory_space<vmem>> -> memref<1x128x64xf32, #tpu.memory_space<vmem>>
      %dma_wait3A_124 = tpu.memref_squeeze %dma_wait3A_123 : memref<1x128x64xf32, #tpu.memory_space<vmem>> -> memref<128x64xf32, #tpu.memory_space<vmem>>
      tpu.wait_dma2 semaphore(%run_scoped3A_98 : memref<!tpu.dma_semaphore, #tpu.memory_space<semaphore_mem>>) src(%dma_wait3A_124 : memref<128x64xf32, #tpu.memory_space<vmem>>) dst(%dma_wait3A_120 : memref<128x64xf32, #tpu.memory_space<hbm>>)
      tpu.yield
    }) : () -> ()
    %mul3A_58 = arith.constant 640 : i32
    %mul3A_59 = arith.muli %arg1, %mul3A_58 : i32
    %add3A_60 = arith.constant 128 : i32
    %add3A_61 = arith.addi %mul3A_59, %add3A_60 : i32
    %run_scoped3A_62 = arith.constant 0 : i32
    "tpu.region"() ({
      %run_scoped3A_98 = tpu.sem_alloc : memref<!tpu.dma_semaphore, #tpu.memory_space<semaphore_mem>>
      %dma_start3A = arith.constant 0 : i32
      %dma_start3A_99 = arith.constant 0 : i32
      %dma_start3A_100 = tpu.memref_slice %arg8[%run_scoped3A_62, %dma_start3A, %dma_start3A_99] : memref<2x128x64xf32, #tpu.memory_space<vmem>> -> memref<1x128x64xf32, #tpu.memory_space<vmem>>
      %dma_start3A_101 = tpu.memref_squeeze %dma_start3A_100 : memref<1x128x64xf32, #tpu.memory_space<vmem>> -> memref<128x64xf32, #tpu.memory_space<vmem>>
      %dma_start3A_102 = arith.constant 0 : i32
      %dma_start3A_103 = tpu.memref_slice %arg11[%add3A_61, %dma_start3A_102] : memref<10240x64xf32, #tpu.memory_space<vmem_shared>> -> memref<128x64xf32, #tpu.memory_space<vmem_shared>>
      %dma_start3A_104 = arith.constant 0 : i32
      %dma_start3A_105 = arith.constant 0 : i32
      %dma_start3A_106 = tpu.memref_slice %arg8[%run_scoped3A_62, %dma_start3A_104, %dma_start3A_105] : memref<2x128x64xf32, #tpu.memory_space<vmem>> -> memref<1x128x64xf32, #tpu.memory_space<vmem>>
      %dma_start3A_107 = tpu.memref_squeeze %dma_start3A_106 : memref<1x128x64xf32, #tpu.memory_space<vmem>> -> memref<128x64xf32, #tpu.memory_space<vmem>>
      %dma_start3A_108 = arith.constant 0 : i32
      %dma_start3A_109 = tpu.memref_slice %arg11[%add3A_61, %dma_start3A_108] : memref<10240x64xf32, #tpu.memory_space<vmem_shared>> -> memref<128x64xf32, #tpu.memory_space<vmem_shared>>
      tpu.enqueue_dma source(%dma_start3A_109 : memref<128x64xf32, #tpu.memory_space<vmem_shared>>) target(%dma_start3A_107 : memref<128x64xf32, #tpu.memory_space<vmem>>) target_semaphore(%run_scoped3A_98 : memref<!tpu.dma_semaphore, #tpu.memory_space<semaphore_mem>>)
      %dma_wait3A = arith.constant 0 : i32
      %dma_wait3A_110 = arith.constant 0 : i32
      %dma_wait3A_111 = tpu.memref_slice %arg8[%run_scoped3A_62, %dma_wait3A, %dma_wait3A_110] : memref<2x128x64xf32, #tpu.memory_space<vmem>> -> memref<1x128x64xf32, #tpu.memory_space<vmem>>
      %dma_wait3A_112 = tpu.memref_squeeze %dma_wait3A_111 : memref<1x128x64xf32, #tpu.memory_space<vmem>> -> memref<128x64xf32, #tpu.memory_space<vmem>>
      %dma_wait3A_113 = arith.constant 0 : i32
      %dma_wait3A_114 = tpu.memref_slice %arg11[%add3A_61, %dma_wait3A_113] : memref<10240x64xf32, #tpu.memory_space<vmem_shared>> -> memref<128x64xf32, #tpu.memory_space<vmem_shared>>
      %dma_wait3A_115 = arith.constant 0 : i32
      %dma_wait3A_116 = arith.constant 0 : i32
      %dma_wait3A_117 = tpu.memref_slice %arg8[%run_scoped3A_62, %dma_wait3A_115, %dma_wait3A_116] : memref<2x128x64xf32, #tpu.memory_space<vmem>> -> memref<1x128x64xf32, #tpu.memory_space<vmem>>
      %dma_wait3A_118 = tpu.memref_squeeze %dma_wait3A_117 : memref<1x128x64xf32, #tpu.memory_space<vmem>> -> memref<128x64xf32, #tpu.memory_space<vmem>>
      %dma_wait3A_119 = arith.constant 0 : i32
      %dma_wait3A_120 = tpu.memref_slice %arg11[%add3A_61, %dma_wait3A_119] : memref<10240x64xf32, #tpu.memory_space<vmem_shared>> -> memref<128x64xf32, #tpu.memory_space<vmem_shared>>
      tpu.wait_dma2 semaphore(%run_scoped3A_98 : memref<!tpu.dma_semaphore, #tpu.memory_space<semaphore_mem>>) src(%dma_wait3A_120 : memref<128x64xf32, #tpu.memory_space<vmem_shared>>) dst(%dma_wait3A_118 : memref<128x64xf32, #tpu.memory_space<vmem>>)
      tpu.yield
    }) : () -> ()
    %mul3A_63 = arith.constant 640 : i32
    %mul3A_64 = arith.muli %arg1, %mul3A_63 : i32
    %add3A_65 = arith.constant 128 : i32
    %add3A_66 = arith.addi %mul3A_64, %add3A_65 : i32
    %run_scoped3A_67 = arith.constant 0 : i32
    "tpu.region"() ({
      %run_scoped3A_98 = tpu.sem_alloc : memref<!tpu.dma_semaphore, #tpu.memory_space<semaphore_mem>>
      %dma_start3A = arith.constant 0 : i32
      %dma_start3A_99 = arith.constant 0 : i32
      %dma_start3A_100 = tpu.memref_slice %arg8[%run_scoped3A_67, %dma_start3A, %dma_start3A_99] : memref<2x128x64xf32, #tpu.memory_space<vmem>> -> memref<1x128x64xf32, #tpu.memory_space<vmem>>
      %dma_start3A_101 = tpu.memref_squeeze %dma_start3A_100 : memref<1x128x64xf32, #tpu.memory_space<vmem>> -> memref<128x64xf32, #tpu.memory_space<vmem>>
      %dma_start3A_102 = arith.constant 0 : i32
      %dma_start3A_103 = tpu.memref_slice %arg5[%arg0, %add3A_66, %dma_start3A_102] : memref<2x10240x64xf32, #tpu.memory_space<hbm>> -> memref<1x128x64xf32, #tpu.memory_space<hbm>>
      %dma_start3A_104 = tpu.memref_squeeze %dma_start3A_103 : memref<1x128x64xf32, #tpu.memory_space<hbm>> -> memref<128x64xf32, #tpu.memory_space<hbm>>
      %dma_start3A_105 = arith.constant 0 : i32
      %dma_start3A_106 = tpu.memref_slice %arg5[%arg0, %add3A_66, %dma_start3A_105] : memref<2x10240x64xf32, #tpu.memory_space<hbm>> -> memref<1x128x64xf32, #tpu.memory_space<hbm>>
      %dma_start3A_107 = tpu.memref_squeeze %dma_start3A_106 : memref<1x128x64xf32, #tpu.memory_space<hbm>> -> memref<128x64xf32, #tpu.memory_space<hbm>>
      %dma_start3A_108 = arith.constant 0 : i32
      %dma_start3A_109 = arith.constant 0 : i32
      %dma_start3A_110 = tpu.memref_slice %arg8[%run_scoped3A_67, %dma_start3A_108, %dma_start3A_109] : memref<2x128x64xf32, #tpu.memory_space<vmem>> -> memref<1x128x64xf32, #tpu.memory_space<vmem>>
      %dma_start3A_111 = tpu.memref_squeeze %dma_start3A_110 : memref<1x128x64xf32, #tpu.memory_space<vmem>> -> memref<128x64xf32, #tpu.memory_space<vmem>>
      tpu.enqueue_dma source(%dma_start3A_111 : memref<128x64xf32, #tpu.memory_space<vmem>>) target(%dma_start3A_107 : memref<128x64xf32, #tpu.memory_space<hbm>>) target_semaphore(%run_scoped3A_98 : memref<!tpu.dma_semaphore, #tpu.memory_space<semaphore_mem>>)
      %dma_wait3A = arith.constant 0 : i32
      %dma_wait3A_112 = arith.constant 0 : i32
      %dma_wait3A_113 = tpu.memref_slice %arg8[%run_scoped3A_67, %dma_wait3A, %dma_wait3A_112] : memref<2x128x64xf32, #tpu.memory_space<vmem>> -> memref<1x128x64xf32, #tpu.memory_space<vmem>>
      %dma_wait3A_114 = tpu.memref_squeeze %dma_wait3A_113 : memref<1x128x64xf32, #tpu.memory_space<vmem>> -> memref<128x64xf32, #tpu.memory_space<vmem>>
      %dma_wait3A_115 = arith.constant 0 : i32
      %dma_wait3A_116 = tpu.memref_slice %arg5[%arg0, %add3A_66, %dma_wait3A_115] : memref<2x10240x64xf32, #tpu.memory_space<hbm>> -> memref<1x128x64xf32, #tpu.memory_space<hbm>>
      %dma_wait3A_117 = tpu.memref_squeeze %dma_wait3A_116 : memref<1x128x64xf32, #tpu.memory_space<hbm>> -> memref<128x64xf32, #tpu.memory_space<hbm>>
      %dma_wait3A_118 = arith.constant 0 : i32
      %dma_wait3A_119 = tpu.memref_slice %arg5[%arg0, %add3A_66, %dma_wait3A_118] : memref<2x10240x64xf32, #tpu.memory_space<hbm>> -> memref<1x128x64xf32, #tpu.memory_space<hbm>>
      %dma_wait3A_120 = tpu.memref_squeeze %dma_wait3A_119 : memref<1x128x64xf32, #tpu.memory_space<hbm>> -> memref<128x64xf32, #tpu.memory_space<hbm>>
      %dma_wait3A_121 = arith.constant 0 : i32
      %dma_wait3A_122 = arith.constant 0 : i32
      %dma_wait3A_123 = tpu.memref_slice %arg8[%run_scoped3A_67, %dma_wait3A_121, %dma_wait3A_122] : memref<2x128x64xf32, #tpu.memory_space<vmem>> -> memref<1x128x64xf32, #tpu.memory_space<vmem>>
      %dma_wait3A_124 = tpu.memref_squeeze %dma_wait3A_123 : memref<1x128x64xf32, #tpu.memory_space<vmem>> -> memref<128x64xf32, #tpu.memory_space<vmem>>
      tpu.wait_dma2 semaphore(%run_scoped3A_98 : memref<!tpu.dma_semaphore, #tpu.memory_space<semaphore_mem>>) src(%dma_wait3A_124 : memref<128x64xf32, #tpu.memory_space<vmem>>) dst(%dma_wait3A_120 : memref<128x64xf32, #tpu.memory_space<hbm>>)
      tpu.yield
    }) : () -> ()
    %mul3A_68 = arith.constant 640 : i32
    %mul3A_69 = arith.muli %arg1, %mul3A_68 : i32
    %add3A_70 = arith.constant 256 : i32
    %add3A_71 = arith.addi %mul3A_69, %add3A_70 : i32
    %run_scoped3A_72 = arith.constant 0 : i32
    "tpu.region"() ({
      %run_scoped3A_98 = tpu.sem_alloc : memref<!tpu.dma_semaphore, #tpu.memory_space<semaphore_mem>>
      %dma_start3A = arith.constant 0 : i32
      %dma_start3A_99 = arith.constant 0 : i32
      %dma_start3A_100 = tpu.memref_slice %arg8[%run_scoped3A_72, %dma_start3A, %dma_start3A_99] : memref<2x128x64xf32, #tpu.memory_space<vmem>> -> memref<1x128x64xf32, #tpu.memory_space<vmem>>
      %dma_start3A_101 = tpu.memref_squeeze %dma_start3A_100 : memref<1x128x64xf32, #tpu.memory_space<vmem>> -> memref<128x64xf32, #tpu.memory_space<vmem>>
      %dma_start3A_102 = arith.constant 0 : i32
      %dma_start3A_103 = tpu.memref_slice %arg11[%add3A_71, %dma_start3A_102] : memref<10240x64xf32, #tpu.memory_space<vmem_shared>> -> memref<128x64xf32, #tpu.memory_space<vmem_shared>>
      %dma_start3A_104 = arith.constant 0 : i32
      %dma_start3A_105 = arith.constant 0 : i32
      %dma_start3A_106 = tpu.memref_slice %arg8[%run_scoped3A_72, %dma_start3A_104, %dma_start3A_105] : memref<2x128x64xf32, #tpu.memory_space<vmem>> -> memref<1x128x64xf32, #tpu.memory_space<vmem>>
      %dma_start3A_107 = tpu.memref_squeeze %dma_start3A_106 : memref<1x128x64xf32, #tpu.memory_space<vmem>> -> memref<128x64xf32, #tpu.memory_space<vmem>>
      %dma_start3A_108 = arith.constant 0 : i32
      %dma_start3A_109 = tpu.memref_slice %arg11[%add3A_71, %dma_start3A_108] : memref<10240x64xf32, #tpu.memory_space<vmem_shared>> -> memref<128x64xf32, #tpu.memory_space<vmem_shared>>
      tpu.enqueue_dma source(%dma_start3A_109 : memref<128x64xf32, #tpu.memory_space<vmem_shared>>) target(%dma_start3A_107 : memref<128x64xf32, #tpu.memory_space<vmem>>) target_semaphore(%run_scoped3A_98 : memref<!tpu.dma_semaphore, #tpu.memory_space<semaphore_mem>>)
      %dma_wait3A = arith.constant 0 : i32
      %dma_wait3A_110 = arith.constant 0 : i32
      %dma_wait3A_111 = tpu.memref_slice %arg8[%run_scoped3A_72, %dma_wait3A, %dma_wait3A_110] : memref<2x128x64xf32, #tpu.memory_space<vmem>> -> memref<1x128x64xf32, #tpu.memory_space<vmem>>
      %dma_wait3A_112 = tpu.memref_squeeze %dma_wait3A_111 : memref<1x128x64xf32, #tpu.memory_space<vmem>> -> memref<128x64xf32, #tpu.memory_space<vmem>>
      %dma_wait3A_113 = arith.constant 0 : i32
      %dma_wait3A_114 = tpu.memref_slice %arg11[%add3A_71, %dma_wait3A_113] : memref<10240x64xf32, #tpu.memory_space<vmem_shared>> -> memref<128x64xf32, #tpu.memory_space<vmem_shared>>
      %dma_wait3A_115 = arith.constant 0 : i32
      %dma_wait3A_116 = arith.constant 0 : i32
      %dma_wait3A_117 = tpu.memref_slice %arg8[%run_scoped3A_72, %dma_wait3A_115, %dma_wait3A_116] : memref<2x128x64xf32, #tpu.memory_space<vmem>> -> memref<1x128x64xf32, #tpu.memory_space<vmem>>
      %dma_wait3A_118 = tpu.memref_squeeze %dma_wait3A_117 : memref<1x128x64xf32, #tpu.memory_space<vmem>> -> memref<128x64xf32, #tpu.memory_space<vmem>>
      %dma_wait3A_119 = arith.constant 0 : i32
      %dma_wait3A_120 = tpu.memref_slice %arg11[%add3A_71, %dma_wait3A_119] : memref<10240x64xf32, #tpu.memory_space<vmem_shared>> -> memref<128x64xf32, #tpu.memory_space<vmem_shared>>
      tpu.wait_dma2 semaphore(%run_scoped3A_98 : memref<!tpu.dma_semaphore, #tpu.memory_space<semaphore_mem>>) src(%dma_wait3A_120 : memref<128x64xf32, #tpu.memory_space<vmem_shared>>) dst(%dma_wait3A_118 : memref<128x64xf32, #tpu.memory_space<vmem>>)
      tpu.yield
    }) : () -> ()
    %mul3A_73 = arith.constant 640 : i32
    %mul3A_74 = arith.muli %arg1, %mul3A_73 : i32
    %add3A_75 = arith.constant 256 : i32
    %add3A_76 = arith.addi %mul3A_74, %add3A_75 : i32
    %run_scoped3A_77 = arith.constant 0 : i32
    "tpu.region"() ({
      %run_scoped3A_98 = tpu.sem_alloc : memref<!tpu.dma_semaphore, #tpu.memory_space<semaphore_mem>>
      %dma_start3A = arith.constant 0 : i32
      %dma_start3A_99 = arith.constant 0 : i32
      %dma_start3A_100 = tpu.memref_slice %arg8[%run_scoped3A_77, %dma_start3A, %dma_start3A_99] : memref<2x128x64xf32, #tpu.memory_space<vmem>> -> memref<1x128x64xf32, #tpu.memory_space<vmem>>
      %dma_start3A_101 = tpu.memref_squeeze %dma_start3A_100 : memref<1x128x64xf32, #tpu.memory_space<vmem>> -> memref<128x64xf32, #tpu.memory_space<vmem>>
      %dma_start3A_102 = arith.constant 0 : i32
      %dma_start3A_103 = tpu.memref_slice %arg5[%arg0, %add3A_76, %dma_start3A_102] : memref<2x10240x64xf32, #tpu.memory_space<hbm>> -> memref<1x128x64xf32, #tpu.memory_space<hbm>>
      %dma_start3A_104 = tpu.memref_squeeze %dma_start3A_103 : memref<1x128x64xf32, #tpu.memory_space<hbm>> -> memref<128x64xf32, #tpu.memory_space<hbm>>
      %dma_start3A_105 = arith.constant 0 : i32
      %dma_start3A_106 = tpu.memref_slice %arg5[%arg0, %add3A_76, %dma_start3A_105] : memref<2x10240x64xf32, #tpu.memory_space<hbm>> -> memref<1x128x64xf32, #tpu.memory_space<hbm>>
      %dma_start3A_107 = tpu.memref_squeeze %dma_start3A_106 : memref<1x128x64xf32, #tpu.memory_space<hbm>> -> memref<128x64xf32, #tpu.memory_space<hbm>>
      %dma_start3A_108 = arith.constant 0 : i32
      %dma_start3A_109 = arith.constant 0 : i32
      %dma_start3A_110 = tpu.memref_slice %arg8[%run_scoped3A_77, %dma_start3A_108, %dma_start3A_109] : memref<2x128x64xf32, #tpu.memory_space<vmem>> -> memref<1x128x64xf32, #tpu.memory_space<vmem>>
      %dma_start3A_111 = tpu.memref_squeeze %dma_start3A_110 : memref<1x128x64xf32, #tpu.memory_space<vmem>> -> memref<128x64xf32, #tpu.memory_space<vmem>>
      tpu.enqueue_dma source(%dma_start3A_111 : memref<128x64xf32, #tpu.memory_space<vmem>>) target(%dma_start3A_107 : memref<128x64xf32, #tpu.memory_space<hbm>>) target_semaphore(%run_scoped3A_98 : memref<!tpu.dma_semaphore, #tpu.memory_space<semaphore_mem>>)
      %dma_wait3A = arith.constant 0 : i32
      %dma_wait3A_112 = arith.constant 0 : i32
      %dma_wait3A_113 = tpu.memref_slice %arg8[%run_scoped3A_77, %dma_wait3A, %dma_wait3A_112] : memref<2x128x64xf32, #tpu.memory_space<vmem>> -> memref<1x128x64xf32, #tpu.memory_space<vmem>>
      %dma_wait3A_114 = tpu.memref_squeeze %dma_wait3A_113 : memref<1x128x64xf32, #tpu.memory_space<vmem>> -> memref<128x64xf32, #tpu.memory_space<vmem>>
      %dma_wait3A_115 = arith.constant 0 : i32
      %dma_wait3A_116 = tpu.memref_slice %arg5[%arg0, %add3A_76, %dma_wait3A_115] : memref<2x10240x64xf32, #tpu.memory_space<hbm>> -> memref<1x128x64xf32, #tpu.memory_space<hbm>>
      %dma_wait3A_117 = tpu.memref_squeeze %dma_wait3A_116 : memref<1x128x64xf32, #tpu.memory_space<hbm>> -> memref<128x64xf32, #tpu.memory_space<hbm>>
      %dma_wait3A_118 = arith.constant 0 : i32
      %dma_wait3A_119 = tpu.memref_slice %arg5[%arg0, %add3A_76, %dma_wait3A_118] : memref<2x10240x64xf32, #tpu.memory_space<hbm>> -> memref<1x128x64xf32, #tpu.memory_space<hbm>>
      %dma_wait3A_120 = tpu.memref_squeeze %dma_wait3A_119 : memref<1x128x64xf32, #tpu.memory_space<hbm>> -> memref<128x64xf32, #tpu.memory_space<hbm>>
      %dma_wait3A_121 = arith.constant 0 : i32
      %dma_wait3A_122 = arith.constant 0 : i32
      %dma_wait3A_123 = tpu.memref_slice %arg8[%run_scoped3A_77, %dma_wait3A_121, %dma_wait3A_122] : memref<2x128x64xf32, #tpu.memory_space<vmem>> -> memref<1x128x64xf32, #tpu.memory_space<vmem>>
      %dma_wait3A_124 = tpu.memref_squeeze %dma_wait3A_123 : memref<1x128x64xf32, #tpu.memory_space<vmem>> -> memref<128x64xf32, #tpu.memory_space<vmem>>
      tpu.wait_dma2 semaphore(%run_scoped3A_98 : memref<!tpu.dma_semaphore, #tpu.memory_space<semaphore_mem>>) src(%dma_wait3A_124 : memref<128x64xf32, #tpu.memory_space<vmem>>) dst(%dma_wait3A_120 : memref<128x64xf32, #tpu.memory_space<hbm>>)
      tpu.yield
    }) : () -> ()
    %mul3A_78 = arith.constant 640 : i32
    %mul3A_79 = arith.muli %arg1, %mul3A_78 : i32
    %add3A_80 = arith.constant 384 : i32
    %add3A_81 = arith.addi %mul3A_79, %add3A_80 : i32
    %run_scoped3A_82 = arith.constant 0 : i32
    "tpu.region"() ({
      %run_scoped3A_98 = tpu.sem_alloc : memref<!tpu.dma_semaphore, #tpu.memory_space<semaphore_mem>>
      %dma_start3A = arith.constant 0 : i32
      %dma_start3A_99 = arith.constant 0 : i32
      %dma_start3A_100 = tpu.memref_slice %arg8[%run_scoped3A_82, %dma_start3A, %dma_start3A_99] : memref<2x128x64xf32, #tpu.memory_space<vmem>> -> memref<1x128x64xf32, #tpu.memory_space<vmem>>
      %dma_start3A_101 = tpu.memref_squeeze %dma_start3A_100 : memref<1x128x64xf32, #tpu.memory_space<vmem>> -> memref<128x64xf32, #tpu.memory_space<vmem>>
      %dma_start3A_102 = arith.constant 0 : i32
      %dma_start3A_103 = tpu.memref_slice %arg11[%add3A_81, %dma_start3A_102] : memref<10240x64xf32, #tpu.memory_space<vmem_shared>> -> memref<128x64xf32, #tpu.memory_space<vmem_shared>>
      %dma_start3A_104 = arith.constant 0 : i32
      %dma_start3A_105 = arith.constant 0 : i32
      %dma_start3A_106 = tpu.memref_slice %arg8[%run_scoped3A_82, %dma_start3A_104, %dma_start3A_105] : memref<2x128x64xf32, #tpu.memory_space<vmem>> -> memref<1x128x64xf32, #tpu.memory_space<vmem>>
      %dma_start3A_107 = tpu.memref_squeeze %dma_start3A_106 : memref<1x128x64xf32, #tpu.memory_space<vmem>> -> memref<128x64xf32, #tpu.memory_space<vmem>>
      %dma_start3A_108 = arith.constant 0 : i32
      %dma_start3A_109 = tpu.memref_slice %arg11[%add3A_81, %dma_start3A_108] : memref<10240x64xf32, #tpu.memory_space<vmem_shared>> -> memref<128x64xf32, #tpu.memory_space<vmem_shared>>
      tpu.enqueue_dma source(%dma_start3A_109 : memref<128x64xf32, #tpu.memory_space<vmem_shared>>) target(%dma_start3A_107 : memref<128x64xf32, #tpu.memory_space<vmem>>) target_semaphore(%run_scoped3A_98 : memref<!tpu.dma_semaphore, #tpu.memory_space<semaphore_mem>>)
      %dma_wait3A = arith.constant 0 : i32
      %dma_wait3A_110 = arith.constant 0 : i32
      %dma_wait3A_111 = tpu.memref_slice %arg8[%run_scoped3A_82, %dma_wait3A, %dma_wait3A_110] : memref<2x128x64xf32, #tpu.memory_space<vmem>> -> memref<1x128x64xf32, #tpu.memory_space<vmem>>
      %dma_wait3A_112 = tpu.memref_squeeze %dma_wait3A_111 : memref<1x128x64xf32, #tpu.memory_space<vmem>> -> memref<128x64xf32, #tpu.memory_space<vmem>>
      %dma_wait3A_113 = arith.constant 0 : i32
      %dma_wait3A_114 = tpu.memref_slice %arg11[%add3A_81, %dma_wait3A_113] : memref<10240x64xf32, #tpu.memory_space<vmem_shared>> -> memref<128x64xf32, #tpu.memory_space<vmem_shared>>
      %dma_wait3A_115 = arith.constant 0 : i32
      %dma_wait3A_116 = arith.constant 0 : i32
      %dma_wait3A_117 = tpu.memref_slice %arg8[%run_scoped3A_82, %dma_wait3A_115, %dma_wait3A_116] : memref<2x128x64xf32, #tpu.memory_space<vmem>> -> memref<1x128x64xf32, #tpu.memory_space<vmem>>
      %dma_wait3A_118 = tpu.memref_squeeze %dma_wait3A_117 : memref<1x128x64xf32, #tpu.memory_space<vmem>> -> memref<128x64xf32, #tpu.memory_space<vmem>>
      %dma_wait3A_119 = arith.constant 0 : i32
      %dma_wait3A_120 = tpu.memref_slice %arg11[%add3A_81, %dma_wait3A_119] : memref<10240x64xf32, #tpu.memory_space<vmem_shared>> -> memref<128x64xf32, #tpu.memory_space<vmem_shared>>
      tpu.wait_dma2 semaphore(%run_scoped3A_98 : memref<!tpu.dma_semaphore, #tpu.memory_space<semaphore_mem>>) src(%dma_wait3A_120 : memref<128x64xf32, #tpu.memory_space<vmem_shared>>) dst(%dma_wait3A_118 : memref<128x64xf32, #tpu.memory_space<vmem>>)
      tpu.yield
    }) : () -> ()
    %mul3A_83 = arith.constant 640 : i32
    %mul3A_84 = arith.muli %arg1, %mul3A_83 : i32
    %add3A_85 = arith.constant 384 : i32
    %add3A_86 = arith.addi %mul3A_84, %add3A_85 : i32
    %run_scoped3A_87 = arith.constant 0 : i32
    "tpu.region"() ({
      %run_scoped3A_98 = tpu.sem_alloc : memref<!tpu.dma_semaphore, #tpu.memory_space<semaphore_mem>>
      %dma_start3A = arith.constant 0 : i32
      %dma_start3A_99 = arith.constant 0 : i32
      %dma_start3A_100 = tpu.memref_slice %arg8[%run_scoped3A_87, %dma_start3A, %dma_start3A_99] : memref<2x128x64xf32, #tpu.memory_space<vmem>> -> memref<1x128x64xf32, #tpu.memory_space<vmem>>
      %dma_start3A_101 = tpu.memref_squeeze %dma_start3A_100 : memref<1x128x64xf32, #tpu.memory_space<vmem>> -> memref<128x64xf32, #tpu.memory_space<vmem>>
      %dma_start3A_102 = arith.constant 0 : i32
      %dma_start3A_103 = tpu.memref_slice %arg5[%arg0, %add3A_86, %dma_start3A_102] : memref<2x10240x64xf32, #tpu.memory_space<hbm>> -> memref<1x128x64xf32, #tpu.memory_space<hbm>>
      %dma_start3A_104 = tpu.memref_squeeze %dma_start3A_103 : memref<1x128x64xf32, #tpu.memory_space<hbm>> -> memref<128x64xf32, #tpu.memory_space<hbm>>
      %dma_start3A_105 = arith.constant 0 : i32
      %dma_start3A_106 = tpu.memref_slice %arg5[%arg0, %add3A_86, %dma_start3A_105] : memref<2x10240x64xf32, #tpu.memory_space<hbm>> -> memref<1x128x64xf32, #tpu.memory_space<hbm>>
      %dma_start3A_107 = tpu.memref_squeeze %dma_start3A_106 : memref<1x128x64xf32, #tpu.memory_space<hbm>> -> memref<128x64xf32, #tpu.memory_space<hbm>>
      %dma_start3A_108 = arith.constant 0 : i32
      %dma_start3A_109 = arith.constant 0 : i32
      %dma_start3A_110 = tpu.memref_slice %arg8[%run_scoped3A_87, %dma_start3A_108, %dma_start3A_109] : memref<2x128x64xf32, #tpu.memory_space<vmem>> -> memref<1x128x64xf32, #tpu.memory_space<vmem>>
      %dma_start3A_111 = tpu.memref_squeeze %dma_start3A_110 : memref<1x128x64xf32, #tpu.memory_space<vmem>> -> memref<128x64xf32, #tpu.memory_space<vmem>>
      tpu.enqueue_dma source(%dma_start3A_111 : memref<128x64xf32, #tpu.memory_space<vmem>>) target(%dma_start3A_107 : memref<128x64xf32, #tpu.memory_space<hbm>>) target_semaphore(%run_scoped3A_98 : memref<!tpu.dma_semaphore, #tpu.memory_space<semaphore_mem>>)
      %dma_wait3A = arith.constant 0 : i32
      %dma_wait3A_112 = arith.constant 0 : i32
      %dma_wait3A_113 = tpu.memref_slice %arg8[%run_scoped3A_87, %dma_wait3A, %dma_wait3A_112] : memref<2x128x64xf32, #tpu.memory_space<vmem>> -> memref<1x128x64xf32, #tpu.memory_space<vmem>>
      %dma_wait3A_114 = tpu.memref_squeeze %dma_wait3A_113 : memref<1x128x64xf32, #tpu.memory_space<vmem>> -> memref<128x64xf32, #tpu.memory_space<vmem>>
      %dma_wait3A_115 = arith.constant 0 : i32
      %dma_wait3A_116 = tpu.memref_slice %arg5[%arg0, %add3A_86, %dma_wait3A_115] : memref<2x10240x64xf32, #tpu.memory_space<hbm>> -> memref<1x128x64xf32, #tpu.memory_space<hbm>>
      %dma_wait3A_117 = tpu.memref_squeeze %dma_wait3A_116 : memref<1x128x64xf32, #tpu.memory_space<hbm>> -> memref<128x64xf32, #tpu.memory_space<hbm>>
      %dma_wait3A_118 = arith.constant 0 : i32
      %dma_wait3A_119 = tpu.memref_slice %arg5[%arg0, %add3A_86, %dma_wait3A_118] : memref<2x10240x64xf32, #tpu.memory_space<hbm>> -> memref<1x128x64xf32, #tpu.memory_space<hbm>>
      %dma_wait3A_120 = tpu.memref_squeeze %dma_wait3A_119 : memref<1x128x64xf32, #tpu.memory_space<hbm>> -> memref<128x64xf32, #tpu.memory_space<hbm>>
      %dma_wait3A_121 = arith.constant 0 : i32
      %dma_wait3A_122 = arith.constant 0 : i32
      %dma_wait3A_123 = tpu.memref_slice %arg8[%run_scoped3A_87, %dma_wait3A_121, %dma_wait3A_122] : memref<2x128x64xf32, #tpu.memory_space<vmem>> -> memref<1x128x64xf32, #tpu.memory_space<vmem>>
      %dma_wait3A_124 = tpu.memref_squeeze %dma_wait3A_123 : memref<1x128x64xf32, #tpu.memory_space<vmem>> -> memref<128x64xf32, #tpu.memory_space<vmem>>
      tpu.wait_dma2 semaphore(%run_scoped3A_98 : memref<!tpu.dma_semaphore, #tpu.memory_space<semaphore_mem>>) src(%dma_wait3A_124 : memref<128x64xf32, #tpu.memory_space<vmem>>) dst(%dma_wait3A_120 : memref<128x64xf32, #tpu.memory_space<hbm>>)
      tpu.yield
    }) : () -> ()
    %mul3A_88 = arith.constant 640 : i32
    %mul3A_89 = arith.muli %arg1, %mul3A_88 : i32
    %add3A_90 = arith.constant 512 : i32
    %add3A_91 = arith.addi %mul3A_89, %add3A_90 : i32
    %run_scoped3A_92 = arith.constant 0 : i32
    "tpu.region"() ({
      %run_scoped3A_98 = tpu.sem_alloc : memref<!tpu.dma_semaphore, #tpu.memory_space<semaphore_mem>>
      %dma_start3A = arith.constant 0 : i32
      %dma_start3A_99 = arith.constant 0 : i32
      %dma_start3A_100 = tpu.memref_slice %arg8[%run_scoped3A_92, %dma_start3A, %dma_start3A_99] : memref<2x128x64xf32, #tpu.memory_space<vmem>> -> memref<1x128x64xf32, #tpu.memory_space<vmem>>
      %dma_start3A_101 = tpu.memref_squeeze %dma_start3A_100 : memref<1x128x64xf32, #tpu.memory_space<vmem>> -> memref<128x64xf32, #tpu.memory_space<vmem>>
      %dma_start3A_102 = arith.constant 0 : i32
      %dma_start3A_103 = tpu.memref_slice %arg11[%add3A_91, %dma_start3A_102] : memref<10240x64xf32, #tpu.memory_space<vmem_shared>> -> memref<128x64xf32, #tpu.memory_space<vmem_shared>>
      %dma_start3A_104 = arith.constant 0 : i32
      %dma_start3A_105 = arith.constant 0 : i32
      %dma_start3A_106 = tpu.memref_slice %arg8[%run_scoped3A_92, %dma_start3A_104, %dma_start3A_105] : memref<2x128x64xf32, #tpu.memory_space<vmem>> -> memref<1x128x64xf32, #tpu.memory_space<vmem>>
      %dma_start3A_107 = tpu.memref_squeeze %dma_start3A_106 : memref<1x128x64xf32, #tpu.memory_space<vmem>> -> memref<128x64xf32, #tpu.memory_space<vmem>>
      %dma_start3A_108 = arith.constant 0 : i32
      %dma_start3A_109 = tpu.memref_slice %arg11[%add3A_91, %dma_start3A_108] : memref<10240x64xf32, #tpu.memory_space<vmem_shared>> -> memref<128x64xf32, #tpu.memory_space<vmem_shared>>
      tpu.enqueue_dma source(%dma_start3A_109 : memref<128x64xf32, #tpu.memory_space<vmem_shared>>) target(%dma_start3A_107 : memref<128x64xf32, #tpu.memory_space<vmem>>) target_semaphore(%run_scoped3A_98 : memref<!tpu.dma_semaphore, #tpu.memory_space<semaphore_mem>>)
      %dma_wait3A = arith.constant 0 : i32
      %dma_wait3A_110 = arith.constant 0 : i32
      %dma_wait3A_111 = tpu.memref_slice %arg8[%run_scoped3A_92, %dma_wait3A, %dma_wait3A_110] : memref<2x128x64xf32, #tpu.memory_space<vmem>> -> memref<1x128x64xf32, #tpu.memory_space<vmem>>
      %dma_wait3A_112 = tpu.memref_squeeze %dma_wait3A_111 : memref<1x128x64xf32, #tpu.memory_space<vmem>> -> memref<128x64xf32, #tpu.memory_space<vmem>>
      %dma_wait3A_113 = arith.constant 0 : i32
      %dma_wait3A_114 = tpu.memref_slice %arg11[%add3A_91, %dma_wait3A_113] : memref<10240x64xf32, #tpu.memory_space<vmem_shared>> -> memref<128x64xf32, #tpu.memory_space<vmem_shared>>
      %dma_wait3A_115 = arith.constant 0 : i32
      %dma_wait3A_116 = arith.constant 0 : i32
      %dma_wait3A_117 = tpu.memref_slice %arg8[%run_scoped3A_92, %dma_wait3A_115, %dma_wait3A_116] : memref<2x128x64xf32, #tpu.memory_space<vmem>> -> memref<1x128x64xf32, #tpu.memory_space<vmem>>
      %dma_wait3A_118 = tpu.memref_squeeze %dma_wait3A_117 : memref<1x128x64xf32, #tpu.memory_space<vmem>> -> memref<128x64xf32, #tpu.memory_space<vmem>>
      %dma_wait3A_119 = arith.constant 0 : i32
      %dma_wait3A_120 = tpu.memref_slice %arg11[%add3A_91, %dma_wait3A_119] : memref<10240x64xf32, #tpu.memory_space<vmem_shared>> -> memref<128x64xf32, #tpu.memory_space<vmem_shared>>
      tpu.wait_dma2 semaphore(%run_scoped3A_98 : memref<!tpu.dma_semaphore, #tpu.memory_space<semaphore_mem>>) src(%dma_wait3A_120 : memref<128x64xf32, #tpu.memory_space<vmem_shared>>) dst(%dma_wait3A_118 : memref<128x64xf32, #tpu.memory_space<vmem>>)
      tpu.yield
    }) : () -> ()
    %mul3A_93 = arith.constant 640 : i32
    %mul3A_94 = arith.muli %arg1, %mul3A_93 : i32
    %add3A_95 = arith.constant 512 : i32
    %add3A_96 = arith.addi %mul3A_94, %add3A_95 : i32
    %run_scoped3A_97 = arith.constant 0 : i32
    "tpu.region"() ({
      %run_scoped3A_98 = tpu.sem_alloc : memref<!tpu.dma_semaphore, #tpu.memory_space<semaphore_mem>>
      %dma_start3A = arith.constant 0 : i32
      %dma_start3A_99 = arith.constant 0 : i32
      %dma_start3A_100 = tpu.memref_slice %arg8[%run_scoped3A_97, %dma_start3A, %dma_start3A_99] : memref<2x128x64xf32, #tpu.memory_space<vmem>> -> memref<1x128x64xf32, #tpu.memory_space<vmem>>
      %dma_start3A_101 = tpu.memref_squeeze %dma_start3A_100 : memref<1x128x64xf32, #tpu.memory_space<vmem>> -> memref<128x64xf32, #tpu.memory_space<vmem>>
      %dma_start3A_102 = arith.constant 0 : i32
      %dma_start3A_103 = tpu.memref_slice %arg5[%arg0, %add3A_96, %dma_start3A_102] : memref<2x10240x64xf32, #tpu.memory_space<hbm>> -> memref<1x128x64xf32, #tpu.memory_space<hbm>>
      %dma_start3A_104 = tpu.memref_squeeze %dma_start3A_103 : memref<1x128x64xf32, #tpu.memory_space<hbm>> -> memref<128x64xf32, #tpu.memory_space<hbm>>
      %dma_start3A_105 = arith.constant 0 : i32
      %dma_start3A_106 = tpu.memref_slice %arg5[%arg0, %add3A_96, %dma_start3A_105] : memref<2x10240x64xf32, #tpu.memory_space<hbm>> -> memref<1x128x64xf32, #tpu.memory_space<hbm>>
      %dma_start3A_107 = tpu.memref_squeeze %dma_start3A_106 : memref<1x128x64xf32, #tpu.memory_space<hbm>> -> memref<128x64xf32, #tpu.memory_space<hbm>>
      %dma_start3A_108 = arith.constant 0 : i32
      %dma_start3A_109 = arith.constant 0 : i32
      %dma_start3A_110 = tpu.memref_slice %arg8[%run_scoped3A_97, %dma_start3A_108, %dma_start3A_109] : memref<2x128x64xf32, #tpu.memory_space<vmem>> -> memref<1x128x64xf32, #tpu.memory_space<vmem>>
      %dma_start3A_111 = tpu.memref_squeeze %dma_start3A_110 : memref<1x128x64xf32, #tpu.memory_space<vmem>> -> memref<128x64xf32, #tpu.memory_space<vmem>>
      tpu.enqueue_dma source(%dma_start3A_111 : memref<128x64xf32, #tpu.memory_space<vmem>>) target(%dma_start3A_107 : memref<128x64xf32, #tpu.memory_space<hbm>>) target_semaphore(%run_scoped3A_98 : memref<!tpu.dma_semaphore, #tpu.memory_space<semaphore_mem>>)
      %dma_wait3A = arith.constant 0 : i32
      %dma_wait3A_112 = arith.constant 0 : i32
      %dma_wait3A_113 = tpu.memref_slice %arg8[%run_scoped3A_97, %dma_wait3A, %dma_wait3A_112] : memref<2x128x64xf32, #tpu.memory_space<vmem>> -> memref<1x128x64xf32, #tpu.memory_space<vmem>>
      %dma_wait3A_114 = tpu.memref_squeeze %dma_wait3A_113 : memref<1x128x64xf32, #tpu.memory_space<vmem>> -> memref<128x64xf32, #tpu.memory_space<vmem>>
      %dma_wait3A_115 = arith.constant 0 : i32
      %dma_wait3A_116 = tpu.memref_slice %arg5[%arg0, %add3A_96, %dma_wait3A_115] : memref<2x10240x64xf32, #tpu.memory_space<hbm>> -> memref<1x128x64xf32, #tpu.memory_space<hbm>>
      %dma_wait3A_117 = tpu.memref_squeeze %dma_wait3A_116 : memref<1x128x64xf32, #tpu.memory_space<hbm>> -> memref<128x64xf32, #tpu.memory_space<hbm>>
      %dma_wait3A_118 = arith.constant 0 : i32
      %dma_wait3A_119 = tpu.memref_slice %arg5[%arg0, %add3A_96, %dma_wait3A_118] : memref<2x10240x64xf32, #tpu.memory_space<hbm>> -> memref<1x128x64xf32, #tpu.memory_space<hbm>>
      %dma_wait3A_120 = tpu.memref_squeeze %dma_wait3A_119 : memref<1x128x64xf32, #tpu.memory_space<hbm>> -> memref<128x64xf32, #tpu.memory_space<hbm>>
      %dma_wait3A_121 = arith.constant 0 : i32
      %dma_wait3A_122 = arith.constant 0 : i32
      %dma_wait3A_123 = tpu.memref_slice %arg8[%run_scoped3A_97, %dma_wait3A_121, %dma_wait3A_122] : memref<2x128x64xf32, #tpu.memory_space<vmem>> -> memref<1x128x64xf32, #tpu.memory_space<vmem>>
      %dma_wait3A_124 = tpu.memref_squeeze %dma_wait3A_123 : memref<1x128x64xf32, #tpu.memory_space<vmem>> -> memref<128x64xf32, #tpu.memory_space<vmem>>
      tpu.wait_dma2 semaphore(%run_scoped3A_98 : memref<!tpu.dma_semaphore, #tpu.memory_space<semaphore_mem>>) src(%dma_wait3A_124 : memref<128x64xf32, #tpu.memory_space<vmem>>) dst(%dma_wait3A_120 : memref<128x64xf32, #tpu.memory_space<hbm>>)
      tpu.yield
    }) : () -> ()
    return
  }
}

#map = affine_map<(d0, d1) -> (0, 0)>
#map1 = affine_map<(d0, d1) -> (0)>
module attributes {stable_mosaic.version = 14 : i64} {
  func.func @body(%arg0: i32, %arg1: i32, %arg2: memref<2528x128xi32, #tpu.memory_space<hbm>>, %arg3: memref<2528x128xi32, #tpu.memory_space<hbm>>, %arg4: memref<10240xf32, #tpu.memory_space<hbm>>, %arg5: memref<2x10240xf32, #tpu.memory_space<hbm>>, %arg6: memref<95x128xi32, #tpu.memory_space<vmem>>, %arg7: memref<95x128xi32, #tpu.memory_space<vmem>>, %arg8: memref<10240xf32, #tpu.memory_space<vmem>>, %arg9: memref<10240xf32, #tpu.memory_space<vmem>>, %arg10: memref<16x640xf32, #tpu.memory_space<vmem>>, %arg11: memref<640xf32, #tpu.memory_space<vmem>>, %arg12: memref<16x10240xf32, #tpu.memory_space<vmem_shared>>) attributes {dimension_semantics = [#tpu.dimension_semantics<core_parallel>, #tpu.dimension_semantics<subcore_parallel>], iteration_bounds = array<i64: 2, 16>, scalar_prefetch = 0 : i64, scratch_operands = 7 : i64, tpu.core_type = #tpu.core_type<sc_vector_subcore>, window_params = [{transform_indices = #map}, {transform_indices = #map}, {transform_indices = #map1}, {transform_indices = #map}]} {
    %eq3A = arith.constant 0 : i32
    %eq3A_0 = arith.cmpi eq, %arg0, %eq3A : i32
    %mul3A = arith.constant 95 : i32
    %mul3A_1 = arith.muli %arg1, %mul3A : i32
    %mul3A_2 = arith.constant 63 : i32
    %mul3A_3 = arith.muli %arg1, %mul3A_2 : i32
    %add3A = arith.constant 1520 : i32
    %add3A_4 = arith.addi %add3A, %mul3A_3 : i32
    %select_n3A = arith.select %eq3A_0, %mul3A_1, %add3A_4 : i32
    %eq3A_5 = arith.constant 0 : i32
    %eq3A_6 = arith.cmpi eq, %arg0, %eq3A_5 : i32
    %jit3A = arith.constant 95 : i32
    %jit3A_7 = arith.constant 63 : i32
    %select_n3A_8 = arith.select %eq3A_6, %jit3A, %jit3A_7 : i32
    %broadcast_in_dim3A = arith.constant 0.000000e+00 : f32
    %broadcast_in_dim3A_9 = vector.broadcast %broadcast_in_dim3A : f32 to vector<16xf32>
    %scan3A = arith.constant 0 : i32
    %scan3A_10 = arith.constant 0 : i32
    %scan3A_11 = arith.constant 640 : i32
    %scan3A_12 = arith.addi %scan3A_10, %scan3A_11 : i32
    %scan3A_13 = arith.constant 1 : i32
    %scan3A_14 = scf.for %scan3A_97 = %scan3A_10 to %scan3A_12 step %scan3A_13 iter_args(%scan3A_98 = %scan3A) -> (i32)  : i32 {
      %mul3A_99 = arith.constant 16 : i32
      %mul3A_100 = arith.muli %scan3A_97, %mul3A_99 : i32
      %swap3A = arith.index_cast %mul3A_100 : i32 to index
      %swap3A_101 = tpu.vector_load %arg9[%swap3A] {strides = array<i32>} : memref<10240xf32, #tpu.memory_space<vmem>>, vector<16xf32>,
      tpu.vector_store %arg9[%swap3A], %broadcast_in_dim3A_9 {strides = array<i32>} : memref<10240xf32, #tpu.memory_space<vmem>>, vector<16xf32>,
      %scan3A_102 = arith.constant 0 : i32
      scf.yield %scan3A_102 : i32
    }
    %scan3A_15 = arith.constant 640 : i32
    "tpu.region"() ({
      %run_scoped3A_97 = tpu.sem_alloc : memref<!tpu.dma_semaphore, #tpu.memory_space<semaphore_mem>>
      %dma_start3A = arith.constant 0 : i32
      %dma_start3A_98 = tpu.memref_slice %arg3[%select_n3A, %dma_start3A] : memref<2528x128xi32, #tpu.memory_space<hbm>> -> memref<95x128xi32, #tpu.memory_space<hbm>>
      %dma_start3A_99 = arith.constant 0 : i32
      %dma_start3A_100 = tpu.memref_slice %arg3[%select_n3A, %dma_start3A_99] : memref<2528x128xi32, #tpu.memory_space<hbm>> -> memref<95x128xi32, #tpu.memory_space<hbm>>
      tpu.enqueue_dma source(%dma_start3A_100 : memref<95x128xi32, #tpu.memory_space<hbm>>) target(%arg7 : memref<95x128xi32, #tpu.memory_space<vmem>>) target_semaphore(%run_scoped3A_97 : memref<!tpu.dma_semaphore, #tpu.memory_space<semaphore_mem>>)
      %dma_wait3A = arith.constant 0 : i32
      %dma_wait3A_101 = tpu.memref_slice %arg3[%select_n3A, %dma_wait3A] : memref<2528x128xi32, #tpu.memory_space<hbm>> -> memref<95x128xi32, #tpu.memory_space<hbm>>
      %dma_wait3A_102 = arith.constant 0 : i32
      %dma_wait3A_103 = tpu.memref_slice %arg3[%select_n3A, %dma_wait3A_102] : memref<2528x128xi32, #tpu.memory_space<hbm>> -> memref<95x128xi32, #tpu.memory_space<hbm>>
      tpu.wait_dma2 semaphore(%run_scoped3A_97 : memref<!tpu.dma_semaphore, #tpu.memory_space<semaphore_mem>>) src(%dma_wait3A_103 : memref<95x128xi32, #tpu.memory_space<hbm>>) dst(%arg7 : memref<95x128xi32, #tpu.memory_space<vmem>>)
      tpu.yield
    }) : () -> ()
    "tpu.region"() ({
      %run_scoped3A_97 = tpu.sem_alloc : memref<!tpu.dma_semaphore, #tpu.memory_space<semaphore_mem>>
      %dma_start3A = arith.constant 0 : i32
      %dma_start3A_98 = tpu.memref_slice %arg2[%select_n3A, %dma_start3A] : memref<2528x128xi32, #tpu.memory_space<hbm>> -> memref<95x128xi32, #tpu.memory_space<hbm>>
      %dma_start3A_99 = arith.constant 0 : i32
      %dma_start3A_100 = tpu.memref_slice %arg2[%select_n3A, %dma_start3A_99] : memref<2528x128xi32, #tpu.memory_space<hbm>> -> memref<95x128xi32, #tpu.memory_space<hbm>>
      tpu.enqueue_dma source(%dma_start3A_100 : memref<95x128xi32, #tpu.memory_space<hbm>>) target(%arg6 : memref<95x128xi32, #tpu.memory_space<vmem>>) target_semaphore(%run_scoped3A_97 : memref<!tpu.dma_semaphore, #tpu.memory_space<semaphore_mem>>)
      %dma_wait3A = arith.constant 0 : i32
      %dma_wait3A_101 = tpu.memref_slice %arg2[%select_n3A, %dma_wait3A] : memref<2528x128xi32, #tpu.memory_space<hbm>> -> memref<95x128xi32, #tpu.memory_space<hbm>>
      %dma_wait3A_102 = arith.constant 0 : i32
      %dma_wait3A_103 = tpu.memref_slice %arg2[%select_n3A, %dma_wait3A_102] : memref<2528x128xi32, #tpu.memory_space<hbm>> -> memref<95x128xi32, #tpu.memory_space<hbm>>
      tpu.wait_dma2 semaphore(%run_scoped3A_97 : memref<!tpu.dma_semaphore, #tpu.memory_space<semaphore_mem>>) src(%dma_wait3A_103 : memref<95x128xi32, #tpu.memory_space<hbm>>) dst(%arg6 : memref<95x128xi32, #tpu.memory_space<vmem>>)
      tpu.yield
    }) : () -> ()
    "tpu.region"() ({
      %run_scoped3A_97 = tpu.sem_alloc : memref<!tpu.dma_semaphore, #tpu.memory_space<semaphore_mem>>
      tpu.enqueue_dma source(%arg4 : memref<10240xf32, #tpu.memory_space<hbm>>) target(%arg8 : memref<10240xf32, #tpu.memory_space<vmem>>) target_semaphore(%run_scoped3A_97 : memref<!tpu.dma_semaphore, #tpu.memory_space<semaphore_mem>>)
      tpu.wait_dma2 semaphore(%run_scoped3A_97 : memref<!tpu.dma_semaphore, #tpu.memory_space<semaphore_mem>>) src(%arg4 : memref<10240xf32, #tpu.memory_space<hbm>>) dst(%arg8 : memref<10240xf32, #tpu.memory_space<vmem>>)
      tpu.yield
    }) : () -> ()
    %broadcast_in_dim3A_16 = arith.constant 1.000000e+00 : f32
    %broadcast_in_dim3A_17 = vector.broadcast %broadcast_in_dim3A_16 : f32 to vector<16xf32>
    %eq3A_18 = arith.constant 0 : i32
    %eq3A_19 = arith.cmpi eq, %arg0, %eq3A_18 : i32
    %convert_element_type3A = arith.extui %eq3A_19 : i1 to i32
    %cond3A = arith.constant 0 : i32
    %cond3A_20 = arith.cmpi ne, %convert_element_type3A, %cond3A : i32
    scf.if %cond3A_20 {
      %scan3A_97 = arith.constant 0 : i32
      %scan3A_98 = arith.constant 0 : i32
      %scan3A_99 = arith.constant 95 : i32
      %scan3A_100 = arith.addi %scan3A_98, %scan3A_99 : i32
      %scan3A_101 = arith.constant 1 : i32
      %scan3A_102 = scf.for %scan3A_104 = %scan3A_98 to %scan3A_100 step %scan3A_101 iter_args(%scan3A_105 = %scan3A_97) -> (i32)  : i32 {
        %get3A = arith.index_cast %scan3A_104 : i32 to index
        %get3A_106 = arith.constant 0 : index
        %get3A_107 = tpu.vector_load %arg7[%get3A, %get3A_106] {strides = array<i32>} : memref<95x128xi32, #tpu.memory_space<vmem>>, vector<16xi32>,
        %get3A_108 = arith.index_cast %scan3A_104 : i32 to index
        %get3A_109 = arith.constant 0 : index
        %get3A_110 = tpu.vector_load %arg6[%get3A_108, %get3A_109] {strides = array<i32>} : memref<95x128xi32, #tpu.memory_space<vmem>>, vector<16xi32>,
        %gather3A = tpu.vector_load_idx %arg8[%get3A_110] : memref<10240xf32, #tpu.memory_space<vmem>>[vector<16xi32>], vector<16xf32>,
        tpu.vector_store_idx %arg9[%get3A_107], %gather3A {add = true} : memref<10240xf32, #tpu.memory_space<vmem>>[vector<16xi32>], vector<16xf32>,
        %get3A_111 = arith.index_cast %scan3A_104 : i32 to index
        %get3A_112 = arith.constant 16 : index
        %get3A_113 = tpu.vector_load %arg7[%get3A_111, %get3A_112] {strides = array<i32>} : memref<95x128xi32, #tpu.memory_space<vmem>>, vector<16xi32>,
        %get3A_114 = arith.index_cast %scan3A_104 : i32 to index
        %get3A_115 = arith.constant 16 : index
        %get3A_116 = tpu.vector_load %arg6[%get3A_114, %get3A_115] {strides = array<i32>} : memref<95x128xi32, #tpu.memory_space<vmem>>, vector<16xi32>,
        %gather3A_117 = tpu.vector_load_idx %arg8[%get3A_116] : memref<10240xf32, #tpu.memory_space<vmem>>[vector<16xi32>], vector<16xf32>,
        tpu.vector_store_idx %arg9[%get3A_113], %gather3A_117 {add = true} : memref<10240xf32, #tpu.memory_space<vmem>>[vector<16xi32>], vector<16xf32>,
        %get3A_118 = arith.index_cast %scan3A_104 : i32 to index
        %get3A_119 = arith.constant 32 : index
        %get3A_120 = tpu.vector_load %arg7[%get3A_118, %get3A_119] {strides = array<i32>} : memref<95x128xi32, #tpu.memory_space<vmem>>, vector<16xi32>,
        %get3A_121 = arith.index_cast %scan3A_104 : i32 to index
        %get3A_122 = arith.constant 32 : index
        %get3A_123 = tpu.vector_load %arg6[%get3A_121, %get3A_122] {strides = array<i32>} : memref<95x128xi32, #tpu.memory_space<vmem>>, vector<16xi32>,
        %gather3A_124 = tpu.vector_load_idx %arg8[%get3A_123] : memref<10240xf32, #tpu.memory_space<vmem>>[vector<16xi32>], vector<16xf32>,
        tpu.vector_store_idx %arg9[%get3A_120], %gather3A_124 {add = true} : memref<10240xf32, #tpu.memory_space<vmem>>[vector<16xi32>], vector<16xf32>,
        %get3A_125 = arith.index_cast %scan3A_104 : i32 to index
        %get3A_126 = arith.constant 48 : index
        %get3A_127 = tpu.vector_load %arg7[%get3A_125, %get3A_126] {strides = array<i32>} : memref<95x128xi32, #tpu.memory_space<vmem>>, vector<16xi32>,
        %get3A_128 = arith.index_cast %scan3A_104 : i32 to index
        %get3A_129 = arith.constant 48 : index
        %get3A_130 = tpu.vector_load %arg6[%get3A_128, %get3A_129] {strides = array<i32>} : memref<95x128xi32, #tpu.memory_space<vmem>>, vector<16xi32>,
        %gather3A_131 = tpu.vector_load_idx %arg8[%get3A_130] : memref<10240xf32, #tpu.memory_space<vmem>>[vector<16xi32>], vector<16xf32>,
        tpu.vector_store_idx %arg9[%get3A_127], %gather3A_131 {add = true} : memref<10240xf32, #tpu.memory_space<vmem>>[vector<16xi32>], vector<16xf32>,
        %get3A_132 = arith.index_cast %scan3A_104 : i32 to index
        %get3A_133 = arith.constant 64 : index
        %get3A_134 = tpu.vector_load %arg7[%get3A_132, %get3A_133] {strides = array<i32>} : memref<95x128xi32, #tpu.memory_space<vmem>>, vector<16xi32>,
        %get3A_135 = arith.index_cast %scan3A_104 : i32 to index
        %get3A_136 = arith.constant 64 : index
        %get3A_137 = tpu.vector_load %arg6[%get3A_135, %get3A_136] {strides = array<i32>} : memref<95x128xi32, #tpu.memory_space<vmem>>, vector<16xi32>,
        %gather3A_138 = tpu.vector_load_idx %arg8[%get3A_137] : memref<10240xf32, #tpu.memory_space<vmem>>[vector<16xi32>], vector<16xf32>,
        tpu.vector_store_idx %arg9[%get3A_134], %gather3A_138 {add = true} : memref<10240xf32, #tpu.memory_space<vmem>>[vector<16xi32>], vector<16xf32>,
        %get3A_139 = arith.index_cast %scan3A_104 : i32 to index
        %get3A_140 = arith.constant 80 : index
        %get3A_141 = tpu.vector_load %arg7[%get3A_139, %get3A_140] {strides = array<i32>} : memref<95x128xi32, #tpu.memory_space<vmem>>, vector<16xi32>,
        %get3A_142 = arith.index_cast %scan3A_104 : i32 to index
        %get3A_143 = arith.constant 80 : index
        %get3A_144 = tpu.vector_load %arg6[%get3A_142, %get3A_143] {strides = array<i32>} : memref<95x128xi32, #tpu.memory_space<vmem>>, vector<16xi32>,
        %gather3A_145 = tpu.vector_load_idx %arg8[%get3A_144] : memref<10240xf32, #tpu.memory_space<vmem>>[vector<16xi32>], vector<16xf32>,
        tpu.vector_store_idx %arg9[%get3A_141], %gather3A_145 {add = true} : memref<10240xf32, #tpu.memory_space<vmem>>[vector<16xi32>], vector<16xf32>,
        %get3A_146 = arith.index_cast %scan3A_104 : i32 to index
        %get3A_147 = arith.constant 96 : index
        %get3A_148 = tpu.vector_load %arg7[%get3A_146, %get3A_147] {strides = array<i32>} : memref<95x128xi32, #tpu.memory_space<vmem>>, vector<16xi32>,
        %get3A_149 = arith.index_cast %scan3A_104 : i32 to index
        %get3A_150 = arith.constant 96 : index
        %get3A_151 = tpu.vector_load %arg6[%get3A_149, %get3A_150] {strides = array<i32>} : memref<95x128xi32, #tpu.memory_space<vmem>>, vector<16xi32>,
        %gather3A_152 = tpu.vector_load_idx %arg8[%get3A_151] : memref<10240xf32, #tpu.memory_space<vmem>>[vector<16xi32>], vector<16xf32>,
        tpu.vector_store_idx %arg9[%get3A_148], %gather3A_152 {add = true} : memref<10240xf32, #tpu.memory_space<vmem>>[vector<16xi32>], vector<16xf32>,
        %get3A_153 = arith.index_cast %scan3A_104 : i32 to index
        %get3A_154 = arith.constant 112 : index
        %get3A_155 = tpu.vector_load %arg7[%get3A_153, %get3A_154] {strides = array<i32>} : memref<95x128xi32, #tpu.memory_space<vmem>>, vector<16xi32>,
        %get3A_156 = arith.index_cast %scan3A_104 : i32 to index
        %get3A_157 = arith.constant 112 : index
        %get3A_158 = tpu.vector_load %arg6[%get3A_156, %get3A_157] {strides = array<i32>} : memref<95x128xi32, #tpu.memory_space<vmem>>, vector<16xi32>,
        %gather3A_159 = tpu.vector_load_idx %arg8[%get3A_158] : memref<10240xf32, #tpu.memory_space<vmem>>[vector<16xi32>], vector<16xf32>,
        tpu.vector_store_idx %arg9[%get3A_155], %gather3A_159 {add = true} : memref<10240xf32, #tpu.memory_space<vmem>>[vector<16xi32>], vector<16xf32>,
        %scan3A_160 = arith.constant 0 : i32
        scf.yield %scan3A_160 : i32
      }
      %scan3A_103 = arith.constant 95 : i32
    } else {
    }
    %ne3A = arith.constant 0 : i32
    %ne3A_21 = arith.cmpi ne, %arg0, %ne3A : i32
    %convert_element_type3A_22 = arith.extui %ne3A_21 : i1 to i32
    %cond3A_23 = arith.constant 0 : i32
    %cond3A_24 = arith.cmpi ne, %convert_element_type3A_22, %cond3A_23 : i32
    scf.if %cond3A_24 {
      %scan3A_97 = arith.constant 0 : i32
      %scan3A_98 = arith.constant 0 : i32
      %scan3A_99 = arith.constant 63 : i32
      %scan3A_100 = arith.addi %scan3A_98, %scan3A_99 : i32
      %scan3A_101 = arith.constant 1 : i32
      %scan3A_102 = scf.for %scan3A_104 = %scan3A_98 to %scan3A_100 step %scan3A_101 iter_args(%scan3A_105 = %scan3A_97) -> (i32)  : i32 {
        %get3A = arith.index_cast %scan3A_104 : i32 to index
        %get3A_106 = arith.constant 0 : index
        %get3A_107 = tpu.vector_load %arg7[%get3A, %get3A_106] {strides = array<i32>} : memref<95x128xi32, #tpu.memory_space<vmem>>, vector<16xi32>,
        %get3A_108 = arith.index_cast %scan3A_104 : i32 to index
        %get3A_109 = arith.constant 0 : index
        %get3A_110 = tpu.vector_load %arg6[%get3A_108, %get3A_109] {strides = array<i32>} : memref<95x128xi32, #tpu.memory_space<vmem>>, vector<16xi32>,
        %gather3A = tpu.vector_load_idx %arg8[%get3A_110] : memref<10240xf32, #tpu.memory_space<vmem>>[vector<16xi32>], vector<16xf32>,
        tpu.vector_store_idx %arg9[%get3A_107], %gather3A {add = true} : memref<10240xf32, #tpu.memory_space<vmem>>[vector<16xi32>], vector<16xf32>,
        %get3A_111 = arith.index_cast %scan3A_104 : i32 to index
        %get3A_112 = arith.constant 16 : index
        %get3A_113 = tpu.vector_load %arg7[%get3A_111, %get3A_112] {strides = array<i32>} : memref<95x128xi32, #tpu.memory_space<vmem>>, vector<16xi32>,
        %get3A_114 = arith.index_cast %scan3A_104 : i32 to index
        %get3A_115 = arith.constant 16 : index
        %get3A_116 = tpu.vector_load %arg6[%get3A_114, %get3A_115] {strides = array<i32>} : memref<95x128xi32, #tpu.memory_space<vmem>>, vector<16xi32>,
        %gather3A_117 = tpu.vector_load_idx %arg8[%get3A_116] : memref<10240xf32, #tpu.memory_space<vmem>>[vector<16xi32>], vector<16xf32>,
        tpu.vector_store_idx %arg9[%get3A_113], %gather3A_117 {add = true} : memref<10240xf32, #tpu.memory_space<vmem>>[vector<16xi32>], vector<16xf32>,
        %get3A_118 = arith.index_cast %scan3A_104 : i32 to index
        %get3A_119 = arith.constant 32 : index
        %get3A_120 = tpu.vector_load %arg7[%get3A_118, %get3A_119] {strides = array<i32>} : memref<95x128xi32, #tpu.memory_space<vmem>>, vector<16xi32>,
        %get3A_121 = arith.index_cast %scan3A_104 : i32 to index
        %get3A_122 = arith.constant 32 : index
        %get3A_123 = tpu.vector_load %arg6[%get3A_121, %get3A_122] {strides = array<i32>} : memref<95x128xi32, #tpu.memory_space<vmem>>, vector<16xi32>,
        %gather3A_124 = tpu.vector_load_idx %arg8[%get3A_123] : memref<10240xf32, #tpu.memory_space<vmem>>[vector<16xi32>], vector<16xf32>,
        tpu.vector_store_idx %arg9[%get3A_120], %gather3A_124 {add = true} : memref<10240xf32, #tpu.memory_space<vmem>>[vector<16xi32>], vector<16xf32>,
        %get3A_125 = arith.index_cast %scan3A_104 : i32 to index
        %get3A_126 = arith.constant 48 : index
        %get3A_127 = tpu.vector_load %arg7[%get3A_125, %get3A_126] {strides = array<i32>} : memref<95x128xi32, #tpu.memory_space<vmem>>, vector<16xi32>,
        %get3A_128 = arith.index_cast %scan3A_104 : i32 to index
        %get3A_129 = arith.constant 48 : index
        %get3A_130 = tpu.vector_load %arg6[%get3A_128, %get3A_129] {strides = array<i32>} : memref<95x128xi32, #tpu.memory_space<vmem>>, vector<16xi32>,
        %gather3A_131 = tpu.vector_load_idx %arg8[%get3A_130] : memref<10240xf32, #tpu.memory_space<vmem>>[vector<16xi32>], vector<16xf32>,
        tpu.vector_store_idx %arg9[%get3A_127], %gather3A_131 {add = true} : memref<10240xf32, #tpu.memory_space<vmem>>[vector<16xi32>], vector<16xf32>,
        %get3A_132 = arith.index_cast %scan3A_104 : i32 to index
        %get3A_133 = arith.constant 64 : index
        %get3A_134 = tpu.vector_load %arg7[%get3A_132, %get3A_133] {strides = array<i32>} : memref<95x128xi32, #tpu.memory_space<vmem>>, vector<16xi32>,
        %get3A_135 = arith.index_cast %scan3A_104 : i32 to index
        %get3A_136 = arith.constant 64 : index
        %get3A_137 = tpu.vector_load %arg6[%get3A_135, %get3A_136] {strides = array<i32>} : memref<95x128xi32, #tpu.memory_space<vmem>>, vector<16xi32>,
        %gather3A_138 = tpu.vector_load_idx %arg8[%get3A_137] : memref<10240xf32, #tpu.memory_space<vmem>>[vector<16xi32>], vector<16xf32>,
        tpu.vector_store_idx %arg9[%get3A_134], %gather3A_138 {add = true} : memref<10240xf32, #tpu.memory_space<vmem>>[vector<16xi32>], vector<16xf32>,
        %get3A_139 = arith.index_cast %scan3A_104 : i32 to index
        %get3A_140 = arith.constant 80 : index
        %get3A_141 = tpu.vector_load %arg7[%get3A_139, %get3A_140] {strides = array<i32>} : memref<95x128xi32, #tpu.memory_space<vmem>>, vector<16xi32>,
        %get3A_142 = arith.index_cast %scan3A_104 : i32 to index
        %get3A_143 = arith.constant 80 : index
        %get3A_144 = tpu.vector_load %arg6[%get3A_142, %get3A_143] {strides = array<i32>} : memref<95x128xi32, #tpu.memory_space<vmem>>, vector<16xi32>,
        %gather3A_145 = tpu.vector_load_idx %arg8[%get3A_144] : memref<10240xf32, #tpu.memory_space<vmem>>[vector<16xi32>], vector<16xf32>,
        tpu.vector_store_idx %arg9[%get3A_141], %gather3A_145 {add = true} : memref<10240xf32, #tpu.memory_space<vmem>>[vector<16xi32>], vector<16xf32>,
        %get3A_146 = arith.index_cast %scan3A_104 : i32 to index
        %get3A_147 = arith.constant 96 : index
        %get3A_148 = tpu.vector_load %arg7[%get3A_146, %get3A_147] {strides = array<i32>} : memref<95x128xi32, #tpu.memory_space<vmem>>, vector<16xi32>,
        %get3A_149 = arith.index_cast %scan3A_104 : i32 to index
        %get3A_150 = arith.constant 96 : index
        %get3A_151 = tpu.vector_load %arg6[%get3A_149, %get3A_150] {strides = array<i32>} : memref<95x128xi32, #tpu.memory_space<vmem>>, vector<16xi32>,
        %gather3A_152 = tpu.vector_load_idx %arg8[%get3A_151] : memref<10240xf32, #tpu.memory_space<vmem>>[vector<16xi32>], vector<16xf32>,
        tpu.vector_store_idx %arg9[%get3A_148], %gather3A_152 {add = true} : memref<10240xf32, #tpu.memory_space<vmem>>[vector<16xi32>], vector<16xf32>,
        %get3A_153 = arith.index_cast %scan3A_104 : i32 to index
        %get3A_154 = arith.constant 112 : index
        %get3A_155 = tpu.vector_load %arg7[%get3A_153, %get3A_154] {strides = array<i32>} : memref<95x128xi32, #tpu.memory_space<vmem>>, vector<16xi32>,
        %get3A_156 = arith.index_cast %scan3A_104 : i32 to index
        %get3A_157 = arith.constant 112 : index
        %get3A_158 = tpu.vector_load %arg6[%get3A_156, %get3A_157] {strides = array<i32>} : memref<95x128xi32, #tpu.memory_space<vmem>>, vector<16xi32>,
        %gather3A_159 = tpu.vector_load_idx %arg8[%get3A_158] : memref<10240xf32, #tpu.memory_space<vmem>>[vector<16xi32>], vector<16xf32>,
        tpu.vector_store_idx %arg9[%get3A_155], %gather3A_159 {add = true} : memref<10240xf32, #tpu.memory_space<vmem>>[vector<16xi32>], vector<16xf32>,
        %scan3A_160 = arith.constant 0 : i32
        scf.yield %scan3A_160 : i32
      }
      %scan3A_103 = arith.constant 63 : i32
    } else {
    }
    "tpu.region"() ({
      %run_scoped3A_97 = tpu.sem_alloc : memref<!tpu.dma_semaphore, #tpu.memory_space<semaphore_mem>>
      %dma_start3A = arith.constant 0 : i32
      %dma_start3A_98 = tpu.memref_slice %arg12[%arg1, %dma_start3A] : memref<16x10240xf32, #tpu.memory_space<vmem_shared>> -> memref<1x10240xf32, #tpu.memory_space<vmem_shared>>
      %dma_start3A_99 = tpu.memref_squeeze %dma_start3A_98 : memref<1x10240xf32, #tpu.memory_space<vmem_shared>> -> memref<10240xf32, #tpu.memory_space<vmem_shared>>
      %dma_start3A_100 = arith.constant 0 : i32
      %dma_start3A_101 = tpu.memref_slice %arg12[%arg1, %dma_start3A_100] : memref<16x10240xf32, #tpu.memory_space<vmem_shared>> -> memref<1x10240xf32, #tpu.memory_space<vmem_shared>>
      %dma_start3A_102 = tpu.memref_squeeze %dma_start3A_101 : memref<1x10240xf32, #tpu.memory_space<vmem_shared>> -> memref<10240xf32, #tpu.memory_space<vmem_shared>>
      tpu.enqueue_dma source(%arg9 : memref<10240xf32, #tpu.memory_space<vmem>>) target(%dma_start3A_102 : memref<10240xf32, #tpu.memory_space<vmem_shared>>) target_semaphore(%run_scoped3A_97 : memref<!tpu.dma_semaphore, #tpu.memory_space<semaphore_mem>>)
      %dma_wait3A = arith.constant 0 : i32
      %dma_wait3A_103 = tpu.memref_slice %arg12[%arg1, %dma_wait3A] : memref<16x10240xf32, #tpu.memory_space<vmem_shared>> -> memref<1x10240xf32, #tpu.memory_space<vmem_shared>>
      %dma_wait3A_104 = tpu.memref_squeeze %dma_wait3A_103 : memref<1x10240xf32, #tpu.memory_space<vmem_shared>> -> memref<10240xf32, #tpu.memory_space<vmem_shared>>
      %dma_wait3A_105 = arith.constant 0 : i32
      %dma_wait3A_106 = tpu.memref_slice %arg12[%arg1, %dma_wait3A_105] : memref<16x10240xf32, #tpu.memory_space<vmem_shared>> -> memref<1x10240xf32, #tpu.memory_space<vmem_shared>>
      %dma_wait3A_107 = tpu.memref_squeeze %dma_wait3A_106 : memref<1x10240xf32, #tpu.memory_space<vmem_shared>> -> memref<10240xf32, #tpu.memory_space<vmem_shared>>
      tpu.wait_dma2 semaphore(%run_scoped3A_97 : memref<!tpu.dma_semaphore, #tpu.memory_space<semaphore_mem>>) src(%arg9 : memref<10240xf32, #tpu.memory_space<vmem>>) dst(%dma_wait3A_107 : memref<10240xf32, #tpu.memory_space<vmem_shared>>)
      tpu.yield
    }) : () -> ()
    %barrier3A = arith.constant 0 : index
    tpu.barrier barrier_id(%barrier3A)
    %mul3A_25 = arith.constant 640 : i32
    %mul3A_26 = arith.muli %arg1, %mul3A_25 : i32
    %run_scoped3A = arith.constant 0 : i32
    %run_scoped3A_27 = arith.constant 0 : i32
    "tpu.region"() ({
      %run_scoped3A_97 = tpu.sem_alloc : memref<!tpu.dma_semaphore, #tpu.memory_space<semaphore_mem>>
      %dma_start3A = arith.constant 0 : i32
      %dma_start3A_98 = tpu.memref_slice %arg10[%run_scoped3A_27, %dma_start3A] : memref<16x640xf32, #tpu.memory_space<vmem>> -> memref<1x640xf32, #tpu.memory_space<vmem>>
      %dma_start3A_99 = tpu.memref_squeeze %dma_start3A_98 : memref<1x640xf32, #tpu.memory_space<vmem>> -> memref<640xf32, #tpu.memory_space<vmem>>
      %dma_start3A_100 = tpu.memref_slice %arg12[%run_scoped3A, %mul3A_26] : memref<16x10240xf32, #tpu.memory_space<vmem_shared>> -> memref<1x640xf32, #tpu.memory_space<vmem_shared>>
      %dma_start3A_101 = tpu.memref_squeeze %dma_start3A_100 : memref<1x640xf32, #tpu.memory_space<vmem_shared>> -> memref<640xf32, #tpu.memory_space<vmem_shared>>
      %dma_start3A_102 = arith.constant 0 : i32
      %dma_start3A_103 = tpu.memref_slice %arg10[%run_scoped3A_27, %dma_start3A_102] : memref<16x640xf32, #tpu.memory_space<vmem>> -> memref<1x640xf32, #tpu.memory_space<vmem>>
      %dma_start3A_104 = tpu.memref_squeeze %dma_start3A_103 : memref<1x640xf32, #tpu.memory_space<vmem>> -> memref<640xf32, #tpu.memory_space<vmem>>
      %dma_start3A_105 = tpu.memref_slice %arg12[%run_scoped3A, %mul3A_26] : memref<16x10240xf32, #tpu.memory_space<vmem_shared>> -> memref<1x640xf32, #tpu.memory_space<vmem_shared>>
      %dma_start3A_106 = tpu.memref_squeeze %dma_start3A_105 : memref<1x640xf32, #tpu.memory_space<vmem_shared>> -> memref<640xf32, #tpu.memory_space<vmem_shared>>
      tpu.enqueue_dma source(%dma_start3A_106 : memref<640xf32, #tpu.memory_space<vmem_shared>>) target(%dma_start3A_104 : memref<640xf32, #tpu.memory_space<vmem>>) target_semaphore(%run_scoped3A_97 : memref<!tpu.dma_semaphore, #tpu.memory_space<semaphore_mem>>)
      %dma_wait3A = arith.constant 0 : i32
      %dma_wait3A_107 = tpu.memref_slice %arg10[%run_scoped3A_27, %dma_wait3A] : memref<16x640xf32, #tpu.memory_space<vmem>> -> memref<1x640xf32, #tpu.memory_space<vmem>>
      %dma_wait3A_108 = tpu.memref_squeeze %dma_wait3A_107 : memref<1x640xf32, #tpu.memory_space<vmem>> -> memref<640xf32, #tpu.memory_space<vmem>>
      %dma_wait3A_109 = tpu.memref_slice %arg12[%run_scoped3A, %mul3A_26] : memref<16x10240xf32, #tpu.memory_space<vmem_shared>> -> memref<1x640xf32, #tpu.memory_space<vmem_shared>>
      %dma_wait3A_110 = tpu.memref_squeeze %dma_wait3A_109 : memref<1x640xf32, #tpu.memory_space<vmem_shared>> -> memref<640xf32, #tpu.memory_space<vmem_shared>>
      %dma_wait3A_111 = arith.constant 0 : i32
      %dma_wait3A_112 = tpu.memref_slice %arg10[%run_scoped3A_27, %dma_wait3A_111] : memref<16x640xf32, #tpu.memory_space<vmem>> -> memref<1x640xf32, #tpu.memory_space<vmem>>
      %dma_wait3A_113 = tpu.memref_squeeze %dma_wait3A_112 : memref<1x640xf32, #tpu.memory_space<vmem>> -> memref<640xf32, #tpu.memory_space<vmem>>
      %dma_wait3A_114 = tpu.memref_slice %arg12[%run_scoped3A, %mul3A_26] : memref<16x10240xf32, #tpu.memory_space<vmem_shared>> -> memref<1x640xf32, #tpu.memory_space<vmem_shared>>
      %dma_wait3A_115 = tpu.memref_squeeze %dma_wait3A_114 : memref<1x640xf32, #tpu.memory_space<vmem_shared>> -> memref<640xf32, #tpu.memory_space<vmem_shared>>
      tpu.wait_dma2 semaphore(%run_scoped3A_97 : memref<!tpu.dma_semaphore, #tpu.memory_space<semaphore_mem>>) src(%dma_wait3A_115 : memref<640xf32, #tpu.memory_space<vmem_shared>>) dst(%dma_wait3A_113 : memref<640xf32, #tpu.memory_space<vmem>>)
      tpu.yield
    }) : () -> ()
    %mul3A_28 = arith.constant 640 : i32
    %mul3A_29 = arith.muli %arg1, %mul3A_28 : i32
    %run_scoped3A_30 = arith.constant 1 : i32
    %run_scoped3A_31 = arith.constant 1 : i32
    "tpu.region"() ({
      %run_scoped3A_97 = tpu.sem_alloc : memref<!tpu.dma_semaphore, #tpu.memory_space<semaphore_mem>>
      %dma_start3A = arith.constant 0 : i32
      %dma_start3A_98 = tpu.memref_slice %arg10[%run_scoped3A_31, %dma_start3A] : memref<16x640xf32, #tpu.memory_space<vmem>> -> memref<1x640xf32, #tpu.memory_space<vmem>>
      %dma_start3A_99 = tpu.memref_squeeze %dma_start3A_98 : memref<1x640xf32, #tpu.memory_space<vmem>> -> memref<640xf32, #tpu.memory_space<vmem>>
      %dma_start3A_100 = tpu.memref_slice %arg12[%run_scoped3A_30, %mul3A_29] : memref<16x10240xf32, #tpu.memory_space<vmem_shared>> -> memref<1x640xf32, #tpu.memory_space<vmem_shared>>
      %dma_start3A_101 = tpu.memref_squeeze %dma_start3A_100 : memref<1x640xf32, #tpu.memory_space<vmem_shared>> -> memref<640xf32, #tpu.memory_space<vmem_shared>>
      %dma_start3A_102 = arith.constant 0 : i32
      %dma_start3A_103 = tpu.memref_slice %arg10[%run_scoped3A_31, %dma_start3A_102] : memref<16x640xf32, #tpu.memory_space<vmem>> -> memref<1x640xf32, #tpu.memory_space<vmem>>
      %dma_start3A_104 = tpu.memref_squeeze %dma_start3A_103 : memref<1x640xf32, #tpu.memory_space<vmem>> -> memref<640xf32, #tpu.memory_space<vmem>>
      %dma_start3A_105 = tpu.memref_slice %arg12[%run_scoped3A_30, %mul3A_29] : memref<16x10240xf32, #tpu.memory_space<vmem_shared>> -> memref<1x640xf32, #tpu.memory_space<vmem_shared>>
      %dma_start3A_106 = tpu.memref_squeeze %dma_start3A_105 : memref<1x640xf32, #tpu.memory_space<vmem_shared>> -> memref<640xf32, #tpu.memory_space<vmem_shared>>
      tpu.enqueue_dma source(%dma_start3A_106 : memref<640xf32, #tpu.memory_space<vmem_shared>>) target(%dma_start3A_104 : memref<640xf32, #tpu.memory_space<vmem>>) target_semaphore(%run_scoped3A_97 : memref<!tpu.dma_semaphore, #tpu.memory_space<semaphore_mem>>)
      %dma_wait3A = arith.constant 0 : i32
      %dma_wait3A_107 = tpu.memref_slice %arg10[%run_scoped3A_31, %dma_wait3A] : memref<16x640xf32, #tpu.memory_space<vmem>> -> memref<1x640xf32, #tpu.memory_space<vmem>>
      %dma_wait3A_108 = tpu.memref_squeeze %dma_wait3A_107 : memref<1x640xf32, #tpu.memory_space<vmem>> -> memref<640xf32, #tpu.memory_space<vmem>>
      %dma_wait3A_109 = tpu.memref_slice %arg12[%run_scoped3A_30, %mul3A_29] : memref<16x10240xf32, #tpu.memory_space<vmem_shared>> -> memref<1x640xf32, #tpu.memory_space<vmem_shared>>
      %dma_wait3A_110 = tpu.memref_squeeze %dma_wait3A_109 : memref<1x640xf32, #tpu.memory_space<vmem_shared>> -> memref<640xf32, #tpu.memory_space<vmem_shared>>
      %dma_wait3A_111 = arith.constant 0 : i32
      %dma_wait3A_112 = tpu.memref_slice %arg10[%run_scoped3A_31, %dma_wait3A_111] : memref<16x640xf32, #tpu.memory_space<vmem>> -> memref<1x640xf32, #tpu.memory_space<vmem>>
      %dma_wait3A_113 = tpu.memref_squeeze %dma_wait3A_112 : memref<1x640xf32, #tpu.memory_space<vmem>> -> memref<640xf32, #tpu.memory_space<vmem>>
      %dma_wait3A_114 = tpu.memref_slice %arg12[%run_scoped3A_30, %mul3A_29] : memref<16x10240xf32, #tpu.memory_space<vmem_shared>> -> memref<1x640xf32, #tpu.memory_space<vmem_shared>>
      %dma_wait3A_115 = tpu.memref_squeeze %dma_wait3A_114 : memref<1x640xf32, #tpu.memory_space<vmem_shared>> -> memref<640xf32, #tpu.memory_space<vmem_shared>>
      tpu.wait_dma2 semaphore(%run_scoped3A_97 : memref<!tpu.dma_semaphore, #tpu.memory_space<semaphore_mem>>) src(%dma_wait3A_115 : memref<640xf32, #tpu.memory_space<vmem_shared>>) dst(%dma_wait3A_113 : memref<640xf32, #tpu.memory_space<vmem>>)
      tpu.yield
    }) : () -> ()
    %mul3A_32 = arith.constant 640 : i32
    %mul3A_33 = arith.muli %arg1, %mul3A_32 : i32
    %run_scoped3A_34 = arith.constant 2 : i32
    %run_scoped3A_35 = arith.constant 2 : i32
    "tpu.region"() ({
      %run_scoped3A_97 = tpu.sem_alloc : memref<!tpu.dma_semaphore, #tpu.memory_space<semaphore_mem>>
      %dma_start3A = arith.constant 0 : i32
      %dma_start3A_98 = tpu.memref_slice %arg10[%run_scoped3A_35, %dma_start3A] : memref<16x640xf32, #tpu.memory_space<vmem>> -> memref<1x640xf32, #tpu.memory_space<vmem>>
      %dma_start3A_99 = tpu.memref_squeeze %dma_start3A_98 : memref<1x640xf32, #tpu.memory_space<vmem>> -> memref<640xf32, #tpu.memory_space<vmem>>
      %dma_start3A_100 = tpu.memref_slice %arg12[%run_scoped3A_34, %mul3A_33] : memref<16x10240xf32, #tpu.memory_space<vmem_shared>> -> memref<1x640xf32, #tpu.memory_space<vmem_shared>>
      %dma_start3A_101 = tpu.memref_squeeze %dma_start3A_100 : memref<1x640xf32, #tpu.memory_space<vmem_shared>> -> memref<640xf32, #tpu.memory_space<vmem_shared>>
      %dma_start3A_102 = arith.constant 0 : i32
      %dma_start3A_103 = tpu.memref_slice %arg10[%run_scoped3A_35, %dma_start3A_102] : memref<16x640xf32, #tpu.memory_space<vmem>> -> memref<1x640xf32, #tpu.memory_space<vmem>>
      %dma_start3A_104 = tpu.memref_squeeze %dma_start3A_103 : memref<1x640xf32, #tpu.memory_space<vmem>> -> memref<640xf32, #tpu.memory_space<vmem>>
      %dma_start3A_105 = tpu.memref_slice %arg12[%run_scoped3A_34, %mul3A_33] : memref<16x10240xf32, #tpu.memory_space<vmem_shared>> -> memref<1x640xf32, #tpu.memory_space<vmem_shared>>
      %dma_start3A_106 = tpu.memref_squeeze %dma_start3A_105 : memref<1x640xf32, #tpu.memory_space<vmem_shared>> -> memref<640xf32, #tpu.memory_space<vmem_shared>>
      tpu.enqueue_dma source(%dma_start3A_106 : memref<640xf32, #tpu.memory_space<vmem_shared>>) target(%dma_start3A_104 : memref<640xf32, #tpu.memory_space<vmem>>) target_semaphore(%run_scoped3A_97 : memref<!tpu.dma_semaphore, #tpu.memory_space<semaphore_mem>>)
      %dma_wait3A = arith.constant 0 : i32
      %dma_wait3A_107 = tpu.memref_slice %arg10[%run_scoped3A_35, %dma_wait3A] : memref<16x640xf32, #tpu.memory_space<vmem>> -> memref<1x640xf32, #tpu.memory_space<vmem>>
      %dma_wait3A_108 = tpu.memref_squeeze %dma_wait3A_107 : memref<1x640xf32, #tpu.memory_space<vmem>> -> memref<640xf32, #tpu.memory_space<vmem>>
      %dma_wait3A_109 = tpu.memref_slice %arg12[%run_scoped3A_34, %mul3A_33] : memref<16x10240xf32, #tpu.memory_space<vmem_shared>> -> memref<1x640xf32, #tpu.memory_space<vmem_shared>>
      %dma_wait3A_110 = tpu.memref_squeeze %dma_wait3A_109 : memref<1x640xf32, #tpu.memory_space<vmem_shared>> -> memref<640xf32, #tpu.memory_space<vmem_shared>>
      %dma_wait3A_111 = arith.constant 0 : i32
      %dma_wait3A_112 = tpu.memref_slice %arg10[%run_scoped3A_35, %dma_wait3A_111] : memref<16x640xf32, #tpu.memory_space<vmem>> -> memref<1x640xf32, #tpu.memory_space<vmem>>
      %dma_wait3A_113 = tpu.memref_squeeze %dma_wait3A_112 : memref<1x640xf32, #tpu.memory_space<vmem>> -> memref<640xf32, #tpu.memory_space<vmem>>
      %dma_wait3A_114 = tpu.memref_slice %arg12[%run_scoped3A_34, %mul3A_33] : memref<16x10240xf32, #tpu.memory_space<vmem_shared>> -> memref<1x640xf32, #tpu.memory_space<vmem_shared>>
      %dma_wait3A_115 = tpu.memref_squeeze %dma_wait3A_114 : memref<1x640xf32, #tpu.memory_space<vmem_shared>> -> memref<640xf32, #tpu.memory_space<vmem_shared>>
      tpu.wait_dma2 semaphore(%run_scoped3A_97 : memref<!tpu.dma_semaphore, #tpu.memory_space<semaphore_mem>>) src(%dma_wait3A_115 : memref<640xf32, #tpu.memory_space<vmem_shared>>) dst(%dma_wait3A_113 : memref<640xf32, #tpu.memory_space<vmem>>)
      tpu.yield
    }) : () -> ()
    %mul3A_36 = arith.constant 640 : i32
    %mul3A_37 = arith.muli %arg1, %mul3A_36 : i32
    %run_scoped3A_38 = arith.constant 3 : i32
    %run_scoped3A_39 = arith.constant 3 : i32
    "tpu.region"() ({
      %run_scoped3A_97 = tpu.sem_alloc : memref<!tpu.dma_semaphore, #tpu.memory_space<semaphore_mem>>
      %dma_start3A = arith.constant 0 : i32
      %dma_start3A_98 = tpu.memref_slice %arg10[%run_scoped3A_39, %dma_start3A] : memref<16x640xf32, #tpu.memory_space<vmem>> -> memref<1x640xf32, #tpu.memory_space<vmem>>
      %dma_start3A_99 = tpu.memref_squeeze %dma_start3A_98 : memref<1x640xf32, #tpu.memory_space<vmem>> -> memref<640xf32, #tpu.memory_space<vmem>>
      %dma_start3A_100 = tpu.memref_slice %arg12[%run_scoped3A_38, %mul3A_37] : memref<16x10240xf32, #tpu.memory_space<vmem_shared>> -> memref<1x640xf32, #tpu.memory_space<vmem_shared>>
      %dma_start3A_101 = tpu.memref_squeeze %dma_start3A_100 : memref<1x640xf32, #tpu.memory_space<vmem_shared>> -> memref<640xf32, #tpu.memory_space<vmem_shared>>
      %dma_start3A_102 = arith.constant 0 : i32
      %dma_start3A_103 = tpu.memref_slice %arg10[%run_scoped3A_39, %dma_start3A_102] : memref<16x640xf32, #tpu.memory_space<vmem>> -> memref<1x640xf32, #tpu.memory_space<vmem>>
      %dma_start3A_104 = tpu.memref_squeeze %dma_start3A_103 : memref<1x640xf32, #tpu.memory_space<vmem>> -> memref<640xf32, #tpu.memory_space<vmem>>
      %dma_start3A_105 = tpu.memref_slice %arg12[%run_scoped3A_38, %mul3A_37] : memref<16x10240xf32, #tpu.memory_space<vmem_shared>> -> memref<1x640xf32, #tpu.memory_space<vmem_shared>>
      %dma_start3A_106 = tpu.memref_squeeze %dma_start3A_105 : memref<1x640xf32, #tpu.memory_space<vmem_shared>> -> memref<640xf32, #tpu.memory_space<vmem_shared>>
      tpu.enqueue_dma source(%dma_start3A_106 : memref<640xf32, #tpu.memory_space<vmem_shared>>) target(%dma_start3A_104 : memref<640xf32, #tpu.memory_space<vmem>>) target_semaphore(%run_scoped3A_97 : memref<!tpu.dma_semaphore, #tpu.memory_space<semaphore_mem>>)
      %dma_wait3A = arith.constant 0 : i32
      %dma_wait3A_107 = tpu.memref_slice %arg10[%run_scoped3A_39, %dma_wait3A] : memref<16x640xf32, #tpu.memory_space<vmem>> -> memref<1x640xf32, #tpu.memory_space<vmem>>
      %dma_wait3A_108 = tpu.memref_squeeze %dma_wait3A_107 : memref<1x640xf32, #tpu.memory_space<vmem>> -> memref<640xf32, #tpu.memory_space<vmem>>
      %dma_wait3A_109 = tpu.memref_slice %arg12[%run_scoped3A_38, %mul3A_37] : memref<16x10240xf32, #tpu.memory_space<vmem_shared>> -> memref<1x640xf32, #tpu.memory_space<vmem_shared>>
      %dma_wait3A_110 = tpu.memref_squeeze %dma_wait3A_109 : memref<1x640xf32, #tpu.memory_space<vmem_shared>> -> memref<640xf32, #tpu.memory_space<vmem_shared>>
      %dma_wait3A_111 = arith.constant 0 : i32
      %dma_wait3A_112 = tpu.memref_slice %arg10[%run_scoped3A_39, %dma_wait3A_111] : memref<16x640xf32, #tpu.memory_space<vmem>> -> memref<1x640xf32, #tpu.memory_space<vmem>>
      %dma_wait3A_113 = tpu.memref_squeeze %dma_wait3A_112 : memref<1x640xf32, #tpu.memory_space<vmem>> -> memref<640xf32, #tpu.memory_space<vmem>>
      %dma_wait3A_114 = tpu.memref_slice %arg12[%run_scoped3A_38, %mul3A_37] : memref<16x10240xf32, #tpu.memory_space<vmem_shared>> -> memref<1x640xf32, #tpu.memory_space<vmem_shared>>
      %dma_wait3A_115 = tpu.memref_squeeze %dma_wait3A_114 : memref<1x640xf32, #tpu.memory_space<vmem_shared>> -> memref<640xf32, #tpu.memory_space<vmem_shared>>
      tpu.wait_dma2 semaphore(%run_scoped3A_97 : memref<!tpu.dma_semaphore, #tpu.memory_space<semaphore_mem>>) src(%dma_wait3A_115 : memref<640xf32, #tpu.memory_space<vmem_shared>>) dst(%dma_wait3A_113 : memref<640xf32, #tpu.memory_space<vmem>>)
      tpu.yield
    }) : () -> ()
    %mul3A_40 = arith.constant 640 : i32
    %mul3A_41 = arith.muli %arg1, %mul3A_40 : i32
    %run_scoped3A_42 = arith.constant 4 : i32
    %run_scoped3A_43 = arith.constant 4 : i32
    "tpu.region"() ({
      %run_scoped3A_97 = tpu.sem_alloc : memref<!tpu.dma_semaphore, #tpu.memory_space<semaphore_mem>>
      %dma_start3A = arith.constant 0 : i32
      %dma_start3A_98 = tpu.memref_slice %arg10[%run_scoped3A_43, %dma_start3A] : memref<16x640xf32, #tpu.memory_space<vmem>> -> memref<1x640xf32, #tpu.memory_space<vmem>>
      %dma_start3A_99 = tpu.memref_squeeze %dma_start3A_98 : memref<1x640xf32, #tpu.memory_space<vmem>> -> memref<640xf32, #tpu.memory_space<vmem>>
      %dma_start3A_100 = tpu.memref_slice %arg12[%run_scoped3A_42, %mul3A_41] : memref<16x10240xf32, #tpu.memory_space<vmem_shared>> -> memref<1x640xf32, #tpu.memory_space<vmem_shared>>
      %dma_start3A_101 = tpu.memref_squeeze %dma_start3A_100 : memref<1x640xf32, #tpu.memory_space<vmem_shared>> -> memref<640xf32, #tpu.memory_space<vmem_shared>>
      %dma_start3A_102 = arith.constant 0 : i32
      %dma_start3A_103 = tpu.memref_slice %arg10[%run_scoped3A_43, %dma_start3A_102] : memref<16x640xf32, #tpu.memory_space<vmem>> -> memref<1x640xf32, #tpu.memory_space<vmem>>
      %dma_start3A_104 = tpu.memref_squeeze %dma_start3A_103 : memref<1x640xf32, #tpu.memory_space<vmem>> -> memref<640xf32, #tpu.memory_space<vmem>>
      %dma_start3A_105 = tpu.memref_slice %arg12[%run_scoped3A_42, %mul3A_41] : memref<16x10240xf32, #tpu.memory_space<vmem_shared>> -> memref<1x640xf32, #tpu.memory_space<vmem_shared>>
      %dma_start3A_106 = tpu.memref_squeeze %dma_start3A_105 : memref<1x640xf32, #tpu.memory_space<vmem_shared>> -> memref<640xf32, #tpu.memory_space<vmem_shared>>
      tpu.enqueue_dma source(%dma_start3A_106 : memref<640xf32, #tpu.memory_space<vmem_shared>>) target(%dma_start3A_104 : memref<640xf32, #tpu.memory_space<vmem>>) target_semaphore(%run_scoped3A_97 : memref<!tpu.dma_semaphore, #tpu.memory_space<semaphore_mem>>)
      %dma_wait3A = arith.constant 0 : i32
      %dma_wait3A_107 = tpu.memref_slice %arg10[%run_scoped3A_43, %dma_wait3A] : memref<16x640xf32, #tpu.memory_space<vmem>> -> memref<1x640xf32, #tpu.memory_space<vmem>>
      %dma_wait3A_108 = tpu.memref_squeeze %dma_wait3A_107 : memref<1x640xf32, #tpu.memory_space<vmem>> -> memref<640xf32, #tpu.memory_space<vmem>>
      %dma_wait3A_109 = tpu.memref_slice %arg12[%run_scoped3A_42, %mul3A_41] : memref<16x10240xf32, #tpu.memory_space<vmem_shared>> -> memref<1x640xf32, #tpu.memory_space<vmem_shared>>
      %dma_wait3A_110 = tpu.memref_squeeze %dma_wait3A_109 : memref<1x640xf32, #tpu.memory_space<vmem_shared>> -> memref<640xf32, #tpu.memory_space<vmem_shared>>
      %dma_wait3A_111 = arith.constant 0 : i32
      %dma_wait3A_112 = tpu.memref_slice %arg10[%run_scoped3A_43, %dma_wait3A_111] : memref<16x640xf32, #tpu.memory_space<vmem>> -> memref<1x640xf32, #tpu.memory_space<vmem>>
      %dma_wait3A_113 = tpu.memref_squeeze %dma_wait3A_112 : memref<1x640xf32, #tpu.memory_space<vmem>> -> memref<640xf32, #tpu.memory_space<vmem>>
      %dma_wait3A_114 = tpu.memref_slice %arg12[%run_scoped3A_42, %mul3A_41] : memref<16x10240xf32, #tpu.memory_space<vmem_shared>> -> memref<1x640xf32, #tpu.memory_space<vmem_shared>>
      %dma_wait3A_115 = tpu.memref_squeeze %dma_wait3A_114 : memref<1x640xf32, #tpu.memory_space<vmem_shared>> -> memref<640xf32, #tpu.memory_space<vmem_shared>>
      tpu.wait_dma2 semaphore(%run_scoped3A_97 : memref<!tpu.dma_semaphore, #tpu.memory_space<semaphore_mem>>) src(%dma_wait3A_115 : memref<640xf32, #tpu.memory_space<vmem_shared>>) dst(%dma_wait3A_113 : memref<640xf32, #tpu.memory_space<vmem>>)
      tpu.yield
    }) : () -> ()
    %mul3A_44 = arith.constant 640 : i32
    %mul3A_45 = arith.muli %arg1, %mul3A_44 : i32
    %run_scoped3A_46 = arith.constant 5 : i32
    %run_scoped3A_47 = arith.constant 5 : i32
    "tpu.region"() ({
      %run_scoped3A_97 = tpu.sem_alloc : memref<!tpu.dma_semaphore, #tpu.memory_space<semaphore_mem>>
      %dma_start3A = arith.constant 0 : i32
      %dma_start3A_98 = tpu.memref_slice %arg10[%run_scoped3A_47, %dma_start3A] : memref<16x640xf32, #tpu.memory_space<vmem>> -> memref<1x640xf32, #tpu.memory_space<vmem>>
      %dma_start3A_99 = tpu.memref_squeeze %dma_start3A_98 : memref<1x640xf32, #tpu.memory_space<vmem>> -> memref<640xf32, #tpu.memory_space<vmem>>
      %dma_start3A_100 = tpu.memref_slice %arg12[%run_scoped3A_46, %mul3A_45] : memref<16x10240xf32, #tpu.memory_space<vmem_shared>> -> memref<1x640xf32, #tpu.memory_space<vmem_shared>>
      %dma_start3A_101 = tpu.memref_squeeze %dma_start3A_100 : memref<1x640xf32, #tpu.memory_space<vmem_shared>> -> memref<640xf32, #tpu.memory_space<vmem_shared>>
      %dma_start3A_102 = arith.constant 0 : i32
      %dma_start3A_103 = tpu.memref_slice %arg10[%run_scoped3A_47, %dma_start3A_102] : memref<16x640xf32, #tpu.memory_space<vmem>> -> memref<1x640xf32, #tpu.memory_space<vmem>>
      %dma_start3A_104 = tpu.memref_squeeze %dma_start3A_103 : memref<1x640xf32, #tpu.memory_space<vmem>> -> memref<640xf32, #tpu.memory_space<vmem>>
      %dma_start3A_105 = tpu.memref_slice %arg12[%run_scoped3A_46, %mul3A_45] : memref<16x10240xf32, #tpu.memory_space<vmem_shared>> -> memref<1x640xf32, #tpu.memory_space<vmem_shared>>
      %dma_start3A_106 = tpu.memref_squeeze %dma_start3A_105 : memref<1x640xf32, #tpu.memory_space<vmem_shared>> -> memref<640xf32, #tpu.memory_space<vmem_shared>>
      tpu.enqueue_dma source(%dma_start3A_106 : memref<640xf32, #tpu.memory_space<vmem_shared>>) target(%dma_start3A_104 : memref<640xf32, #tpu.memory_space<vmem>>) target_semaphore(%run_scoped3A_97 : memref<!tpu.dma_semaphore, #tpu.memory_space<semaphore_mem>>)
      %dma_wait3A = arith.constant 0 : i32
      %dma_wait3A_107 = tpu.memref_slice %arg10[%run_scoped3A_47, %dma_wait3A] : memref<16x640xf32, #tpu.memory_space<vmem>> -> memref<1x640xf32, #tpu.memory_space<vmem>>
      %dma_wait3A_108 = tpu.memref_squeeze %dma_wait3A_107 : memref<1x640xf32, #tpu.memory_space<vmem>> -> memref<640xf32, #tpu.memory_space<vmem>>
      %dma_wait3A_109 = tpu.memref_slice %arg12[%run_scoped3A_46, %mul3A_45] : memref<16x10240xf32, #tpu.memory_space<vmem_shared>> -> memref<1x640xf32, #tpu.memory_space<vmem_shared>>
      %dma_wait3A_110 = tpu.memref_squeeze %dma_wait3A_109 : memref<1x640xf32, #tpu.memory_space<vmem_shared>> -> memref<640xf32, #tpu.memory_space<vmem_shared>>
      %dma_wait3A_111 = arith.constant 0 : i32
      %dma_wait3A_112 = tpu.memref_slice %arg10[%run_scoped3A_47, %dma_wait3A_111] : memref<16x640xf32, #tpu.memory_space<vmem>> -> memref<1x640xf32, #tpu.memory_space<vmem>>
      %dma_wait3A_113 = tpu.memref_squeeze %dma_wait3A_112 : memref<1x640xf32, #tpu.memory_space<vmem>> -> memref<640xf32, #tpu.memory_space<vmem>>
      %dma_wait3A_114 = tpu.memref_slice %arg12[%run_scoped3A_46, %mul3A_45] : memref<16x10240xf32, #tpu.memory_space<vmem_shared>> -> memref<1x640xf32, #tpu.memory_space<vmem_shared>>
      %dma_wait3A_115 = tpu.memref_squeeze %dma_wait3A_114 : memref<1x640xf32, #tpu.memory_space<vmem_shared>> -> memref<640xf32, #tpu.memory_space<vmem_shared>>
      tpu.wait_dma2 semaphore(%run_scoped3A_97 : memref<!tpu.dma_semaphore, #tpu.memory_space<semaphore_mem>>) src(%dma_wait3A_115 : memref<640xf32, #tpu.memory_space<vmem_shared>>) dst(%dma_wait3A_113 : memref<640xf32, #tpu.memory_space<vmem>>)
      tpu.yield
    }) : () -> ()
    %mul3A_48 = arith.constant 640 : i32
    %mul3A_49 = arith.muli %arg1, %mul3A_48 : i32
    %run_scoped3A_50 = arith.constant 6 : i32
    %run_scoped3A_51 = arith.constant 6 : i32
    "tpu.region"() ({
      %run_scoped3A_97 = tpu.sem_alloc : memref<!tpu.dma_semaphore, #tpu.memory_space<semaphore_mem>>
      %dma_start3A = arith.constant 0 : i32
      %dma_start3A_98 = tpu.memref_slice %arg10[%run_scoped3A_51, %dma_start3A] : memref<16x640xf32, #tpu.memory_space<vmem>> -> memref<1x640xf32, #tpu.memory_space<vmem>>
      %dma_start3A_99 = tpu.memref_squeeze %dma_start3A_98 : memref<1x640xf32, #tpu.memory_space<vmem>> -> memref<640xf32, #tpu.memory_space<vmem>>
      %dma_start3A_100 = tpu.memref_slice %arg12[%run_scoped3A_50, %mul3A_49] : memref<16x10240xf32, #tpu.memory_space<vmem_shared>> -> memref<1x640xf32, #tpu.memory_space<vmem_shared>>
      %dma_start3A_101 = tpu.memref_squeeze %dma_start3A_100 : memref<1x640xf32, #tpu.memory_space<vmem_shared>> -> memref<640xf32, #tpu.memory_space<vmem_shared>>
      %dma_start3A_102 = arith.constant 0 : i32
      %dma_start3A_103 = tpu.memref_slice %arg10[%run_scoped3A_51, %dma_start3A_102] : memref<16x640xf32, #tpu.memory_space<vmem>> -> memref<1x640xf32, #tpu.memory_space<vmem>>
      %dma_start3A_104 = tpu.memref_squeeze %dma_start3A_103 : memref<1x640xf32, #tpu.memory_space<vmem>> -> memref<640xf32, #tpu.memory_space<vmem>>
      %dma_start3A_105 = tpu.memref_slice %arg12[%run_scoped3A_50, %mul3A_49] : memref<16x10240xf32, #tpu.memory_space<vmem_shared>> -> memref<1x640xf32, #tpu.memory_space<vmem_shared>>
      %dma_start3A_106 = tpu.memref_squeeze %dma_start3A_105 : memref<1x640xf32, #tpu.memory_space<vmem_shared>> -> memref<640xf32, #tpu.memory_space<vmem_shared>>
      tpu.enqueue_dma source(%dma_start3A_106 : memref<640xf32, #tpu.memory_space<vmem_shared>>) target(%dma_start3A_104 : memref<640xf32, #tpu.memory_space<vmem>>) target_semaphore(%run_scoped3A_97 : memref<!tpu.dma_semaphore, #tpu.memory_space<semaphore_mem>>)
      %dma_wait3A = arith.constant 0 : i32
      %dma_wait3A_107 = tpu.memref_slice %arg10[%run_scoped3A_51, %dma_wait3A] : memref<16x640xf32, #tpu.memory_space<vmem>> -> memref<1x640xf32, #tpu.memory_space<vmem>>
      %dma_wait3A_108 = tpu.memref_squeeze %dma_wait3A_107 : memref<1x640xf32, #tpu.memory_space<vmem>> -> memref<640xf32, #tpu.memory_space<vmem>>
      %dma_wait3A_109 = tpu.memref_slice %arg12[%run_scoped3A_50, %mul3A_49] : memref<16x10240xf32, #tpu.memory_space<vmem_shared>> -> memref<1x640xf32, #tpu.memory_space<vmem_shared>>
      %dma_wait3A_110 = tpu.memref_squeeze %dma_wait3A_109 : memref<1x640xf32, #tpu.memory_space<vmem_shared>> -> memref<640xf32, #tpu.memory_space<vmem_shared>>
      %dma_wait3A_111 = arith.constant 0 : i32
      %dma_wait3A_112 = tpu.memref_slice %arg10[%run_scoped3A_51, %dma_wait3A_111] : memref<16x640xf32, #tpu.memory_space<vmem>> -> memref<1x640xf32, #tpu.memory_space<vmem>>
      %dma_wait3A_113 = tpu.memref_squeeze %dma_wait3A_112 : memref<1x640xf32, #tpu.memory_space<vmem>> -> memref<640xf32, #tpu.memory_space<vmem>>
      %dma_wait3A_114 = tpu.memref_slice %arg12[%run_scoped3A_50, %mul3A_49] : memref<16x10240xf32, #tpu.memory_space<vmem_shared>> -> memref<1x640xf32, #tpu.memory_space<vmem_shared>>
      %dma_wait3A_115 = tpu.memref_squeeze %dma_wait3A_114 : memref<1x640xf32, #tpu.memory_space<vmem_shared>> -> memref<640xf32, #tpu.memory_space<vmem_shared>>
      tpu.wait_dma2 semaphore(%run_scoped3A_97 : memref<!tpu.dma_semaphore, #tpu.memory_space<semaphore_mem>>) src(%dma_wait3A_115 : memref<640xf32, #tpu.memory_space<vmem_shared>>) dst(%dma_wait3A_113 : memref<640xf32, #tpu.memory_space<vmem>>)
      tpu.yield
    }) : () -> ()
    %mul3A_52 = arith.constant 640 : i32
    %mul3A_53 = arith.muli %arg1, %mul3A_52 : i32
    %run_scoped3A_54 = arith.constant 7 : i32
    %run_scoped3A_55 = arith.constant 7 : i32
    "tpu.region"() ({
      %run_scoped3A_97 = tpu.sem_alloc : memref<!tpu.dma_semaphore, #tpu.memory_space<semaphore_mem>>
      %dma_start3A = arith.constant 0 : i32
      %dma_start3A_98 = tpu.memref_slice %arg10[%run_scoped3A_55, %dma_start3A] : memref<16x640xf32, #tpu.memory_space<vmem>> -> memref<1x640xf32, #tpu.memory_space<vmem>>
      %dma_start3A_99 = tpu.memref_squeeze %dma_start3A_98 : memref<1x640xf32, #tpu.memory_space<vmem>> -> memref<640xf32, #tpu.memory_space<vmem>>
      %dma_start3A_100 = tpu.memref_slice %arg12[%run_scoped3A_54, %mul3A_53] : memref<16x10240xf32, #tpu.memory_space<vmem_shared>> -> memref<1x640xf32, #tpu.memory_space<vmem_shared>>
      %dma_start3A_101 = tpu.memref_squeeze %dma_start3A_100 : memref<1x640xf32, #tpu.memory_space<vmem_shared>> -> memref<640xf32, #tpu.memory_space<vmem_shared>>
      %dma_start3A_102 = arith.constant 0 : i32
      %dma_start3A_103 = tpu.memref_slice %arg10[%run_scoped3A_55, %dma_start3A_102] : memref<16x640xf32, #tpu.memory_space<vmem>> -> memref<1x640xf32, #tpu.memory_space<vmem>>
      %dma_start3A_104 = tpu.memref_squeeze %dma_start3A_103 : memref<1x640xf32, #tpu.memory_space<vmem>> -> memref<640xf32, #tpu.memory_space<vmem>>
      %dma_start3A_105 = tpu.memref_slice %arg12[%run_scoped3A_54, %mul3A_53] : memref<16x10240xf32, #tpu.memory_space<vmem_shared>> -> memref<1x640xf32, #tpu.memory_space<vmem_shared>>
      %dma_start3A_106 = tpu.memref_squeeze %dma_start3A_105 : memref<1x640xf32, #tpu.memory_space<vmem_shared>> -> memref<640xf32, #tpu.memory_space<vmem_shared>>
      tpu.enqueue_dma source(%dma_start3A_106 : memref<640xf32, #tpu.memory_space<vmem_shared>>) target(%dma_start3A_104 : memref<640xf32, #tpu.memory_space<vmem>>) target_semaphore(%run_scoped3A_97 : memref<!tpu.dma_semaphore, #tpu.memory_space<semaphore_mem>>)
      %dma_wait3A = arith.constant 0 : i32
      %dma_wait3A_107 = tpu.memref_slice %arg10[%run_scoped3A_55, %dma_wait3A] : memref<16x640xf32, #tpu.memory_space<vmem>> -> memref<1x640xf32, #tpu.memory_space<vmem>>
      %dma_wait3A_108 = tpu.memref_squeeze %dma_wait3A_107 : memref<1x640xf32, #tpu.memory_space<vmem>> -> memref<640xf32, #tpu.memory_space<vmem>>
      %dma_wait3A_109 = tpu.memref_slice %arg12[%run_scoped3A_54, %mul3A_53] : memref<16x10240xf32, #tpu.memory_space<vmem_shared>> -> memref<1x640xf32, #tpu.memory_space<vmem_shared>>
      %dma_wait3A_110 = tpu.memref_squeeze %dma_wait3A_109 : memref<1x640xf32, #tpu.memory_space<vmem_shared>> -> memref<640xf32, #tpu.memory_space<vmem_shared>>
      %dma_wait3A_111 = arith.constant 0 : i32
      %dma_wait3A_112 = tpu.memref_slice %arg10[%run_scoped3A_55, %dma_wait3A_111] : memref<16x640xf32, #tpu.memory_space<vmem>> -> memref<1x640xf32, #tpu.memory_space<vmem>>
      %dma_wait3A_113 = tpu.memref_squeeze %dma_wait3A_112 : memref<1x640xf32, #tpu.memory_space<vmem>> -> memref<640xf32, #tpu.memory_space<vmem>>
      %dma_wait3A_114 = tpu.memref_slice %arg12[%run_scoped3A_54, %mul3A_53] : memref<16x10240xf32, #tpu.memory_space<vmem_shared>> -> memref<1x640xf32, #tpu.memory_space<vmem_shared>>
      %dma_wait3A_115 = tpu.memref_squeeze %dma_wait3A_114 : memref<1x640xf32, #tpu.memory_space<vmem_shared>> -> memref<640xf32, #tpu.memory_space<vmem_shared>>
      tpu.wait_dma2 semaphore(%run_scoped3A_97 : memref<!tpu.dma_semaphore, #tpu.memory_space<semaphore_mem>>) src(%dma_wait3A_115 : memref<640xf32, #tpu.memory_space<vmem_shared>>) dst(%dma_wait3A_113 : memref<640xf32, #tpu.memory_space<vmem>>)
      tpu.yield
    }) : () -> ()
    %mul3A_56 = arith.constant 640 : i32
    %mul3A_57 = arith.muli %arg1, %mul3A_56 : i32
    %run_scoped3A_58 = arith.constant 8 : i32
    %run_scoped3A_59 = arith.constant 8 : i32
    "tpu.region"() ({
      %run_scoped3A_97 = tpu.sem_alloc : memref<!tpu.dma_semaphore, #tpu.memory_space<semaphore_mem>>
      %dma_start3A = arith.constant 0 : i32
      %dma_start3A_98 = tpu.memref_slice %arg10[%run_scoped3A_59, %dma_start3A] : memref<16x640xf32, #tpu.memory_space<vmem>> -> memref<1x640xf32, #tpu.memory_space<vmem>>
      %dma_start3A_99 = tpu.memref_squeeze %dma_start3A_98 : memref<1x640xf32, #tpu.memory_space<vmem>> -> memref<640xf32, #tpu.memory_space<vmem>>
      %dma_start3A_100 = tpu.memref_slice %arg12[%run_scoped3A_58, %mul3A_57] : memref<16x10240xf32, #tpu.memory_space<vmem_shared>> -> memref<1x640xf32, #tpu.memory_space<vmem_shared>>
      %dma_start3A_101 = tpu.memref_squeeze %dma_start3A_100 : memref<1x640xf32, #tpu.memory_space<vmem_shared>> -> memref<640xf32, #tpu.memory_space<vmem_shared>>
      %dma_start3A_102 = arith.constant 0 : i32
      %dma_start3A_103 = tpu.memref_slice %arg10[%run_scoped3A_59, %dma_start3A_102] : memref<16x640xf32, #tpu.memory_space<vmem>> -> memref<1x640xf32, #tpu.memory_space<vmem>>
      %dma_start3A_104 = tpu.memref_squeeze %dma_start3A_103 : memref<1x640xf32, #tpu.memory_space<vmem>> -> memref<640xf32, #tpu.memory_space<vmem>>
      %dma_start3A_105 = tpu.memref_slice %arg12[%run_scoped3A_58, %mul3A_57] : memref<16x10240xf32, #tpu.memory_space<vmem_shared>> -> memref<1x640xf32, #tpu.memory_space<vmem_shared>>
      %dma_start3A_106 = tpu.memref_squeeze %dma_start3A_105 : memref<1x640xf32, #tpu.memory_space<vmem_shared>> -> memref<640xf32, #tpu.memory_space<vmem_shared>>
      tpu.enqueue_dma source(%dma_start3A_106 : memref<640xf32, #tpu.memory_space<vmem_shared>>) target(%dma_start3A_104 : memref<640xf32, #tpu.memory_space<vmem>>) target_semaphore(%run_scoped3A_97 : memref<!tpu.dma_semaphore, #tpu.memory_space<semaphore_mem>>)
      %dma_wait3A = arith.constant 0 : i32
      %dma_wait3A_107 = tpu.memref_slice %arg10[%run_scoped3A_59, %dma_wait3A] : memref<16x640xf32, #tpu.memory_space<vmem>> -> memref<1x640xf32, #tpu.memory_space<vmem>>
      %dma_wait3A_108 = tpu.memref_squeeze %dma_wait3A_107 : memref<1x640xf32, #tpu.memory_space<vmem>> -> memref<640xf32, #tpu.memory_space<vmem>>
      %dma_wait3A_109 = tpu.memref_slice %arg12[%run_scoped3A_58, %mul3A_57] : memref<16x10240xf32, #tpu.memory_space<vmem_shared>> -> memref<1x640xf32, #tpu.memory_space<vmem_shared>>
      %dma_wait3A_110 = tpu.memref_squeeze %dma_wait3A_109 : memref<1x640xf32, #tpu.memory_space<vmem_shared>> -> memref<640xf32, #tpu.memory_space<vmem_shared>>
      %dma_wait3A_111 = arith.constant 0 : i32
      %dma_wait3A_112 = tpu.memref_slice %arg10[%run_scoped3A_59, %dma_wait3A_111] : memref<16x640xf32, #tpu.memory_space<vmem>> -> memref<1x640xf32, #tpu.memory_space<vmem>>
      %dma_wait3A_113 = tpu.memref_squeeze %dma_wait3A_112 : memref<1x640xf32, #tpu.memory_space<vmem>> -> memref<640xf32, #tpu.memory_space<vmem>>
      %dma_wait3A_114 = tpu.memref_slice %arg12[%run_scoped3A_58, %mul3A_57] : memref<16x10240xf32, #tpu.memory_space<vmem_shared>> -> memref<1x640xf32, #tpu.memory_space<vmem_shared>>
      %dma_wait3A_115 = tpu.memref_squeeze %dma_wait3A_114 : memref<1x640xf32, #tpu.memory_space<vmem_shared>> -> memref<640xf32, #tpu.memory_space<vmem_shared>>
      tpu.wait_dma2 semaphore(%run_scoped3A_97 : memref<!tpu.dma_semaphore, #tpu.memory_space<semaphore_mem>>) src(%dma_wait3A_115 : memref<640xf32, #tpu.memory_space<vmem_shared>>) dst(%dma_wait3A_113 : memref<640xf32, #tpu.memory_space<vmem>>)
      tpu.yield
    }) : () -> ()
    %mul3A_60 = arith.constant 640 : i32
    %mul3A_61 = arith.muli %arg1, %mul3A_60 : i32
    %run_scoped3A_62 = arith.constant 9 : i32
    %run_scoped3A_63 = arith.constant 9 : i32
    "tpu.region"() ({
      %run_scoped3A_97 = tpu.sem_alloc : memref<!tpu.dma_semaphore, #tpu.memory_space<semaphore_mem>>
      %dma_start3A = arith.constant 0 : i32
      %dma_start3A_98 = tpu.memref_slice %arg10[%run_scoped3A_63, %dma_start3A] : memref<16x640xf32, #tpu.memory_space<vmem>> -> memref<1x640xf32, #tpu.memory_space<vmem>>
      %dma_start3A_99 = tpu.memref_squeeze %dma_start3A_98 : memref<1x640xf32, #tpu.memory_space<vmem>> -> memref<640xf32, #tpu.memory_space<vmem>>
      %dma_start3A_100 = tpu.memref_slice %arg12[%run_scoped3A_62, %mul3A_61] : memref<16x10240xf32, #tpu.memory_space<vmem_shared>> -> memref<1x640xf32, #tpu.memory_space<vmem_shared>>
      %dma_start3A_101 = tpu.memref_squeeze %dma_start3A_100 : memref<1x640xf32, #tpu.memory_space<vmem_shared>> -> memref<640xf32, #tpu.memory_space<vmem_shared>>
      %dma_start3A_102 = arith.constant 0 : i32
      %dma_start3A_103 = tpu.memref_slice %arg10[%run_scoped3A_63, %dma_start3A_102] : memref<16x640xf32, #tpu.memory_space<vmem>> -> memref<1x640xf32, #tpu.memory_space<vmem>>
      %dma_start3A_104 = tpu.memref_squeeze %dma_start3A_103 : memref<1x640xf32, #tpu.memory_space<vmem>> -> memref<640xf32, #tpu.memory_space<vmem>>
      %dma_start3A_105 = tpu.memref_slice %arg12[%run_scoped3A_62, %mul3A_61] : memref<16x10240xf32, #tpu.memory_space<vmem_shared>> -> memref<1x640xf32, #tpu.memory_space<vmem_shared>>
      %dma_start3A_106 = tpu.memref_squeeze %dma_start3A_105 : memref<1x640xf32, #tpu.memory_space<vmem_shared>> -> memref<640xf32, #tpu.memory_space<vmem_shared>>
      tpu.enqueue_dma source(%dma_start3A_106 : memref<640xf32, #tpu.memory_space<vmem_shared>>) target(%dma_start3A_104 : memref<640xf32, #tpu.memory_space<vmem>>) target_semaphore(%run_scoped3A_97 : memref<!tpu.dma_semaphore, #tpu.memory_space<semaphore_mem>>)
      %dma_wait3A = arith.constant 0 : i32
      %dma_wait3A_107 = tpu.memref_slice %arg10[%run_scoped3A_63, %dma_wait3A] : memref<16x640xf32, #tpu.memory_space<vmem>> -> memref<1x640xf32, #tpu.memory_space<vmem>>
      %dma_wait3A_108 = tpu.memref_squeeze %dma_wait3A_107 : memref<1x640xf32, #tpu.memory_space<vmem>> -> memref<640xf32, #tpu.memory_space<vmem>>
      %dma_wait3A_109 = tpu.memref_slice %arg12[%run_scoped3A_62, %mul3A_61] : memref<16x10240xf32, #tpu.memory_space<vmem_shared>> -> memref<1x640xf32, #tpu.memory_space<vmem_shared>>
      %dma_wait3A_110 = tpu.memref_squeeze %dma_wait3A_109 : memref<1x640xf32, #tpu.memory_space<vmem_shared>> -> memref<640xf32, #tpu.memory_space<vmem_shared>>
      %dma_wait3A_111 = arith.constant 0 : i32
      %dma_wait3A_112 = tpu.memref_slice %arg10[%run_scoped3A_63, %dma_wait3A_111] : memref<16x640xf32, #tpu.memory_space<vmem>> -> memref<1x640xf32, #tpu.memory_space<vmem>>
      %dma_wait3A_113 = tpu.memref_squeeze %dma_wait3A_112 : memref<1x640xf32, #tpu.memory_space<vmem>> -> memref<640xf32, #tpu.memory_space<vmem>>
      %dma_wait3A_114 = tpu.memref_slice %arg12[%run_scoped3A_62, %mul3A_61] : memref<16x10240xf32, #tpu.memory_space<vmem_shared>> -> memref<1x640xf32, #tpu.memory_space<vmem_shared>>
      %dma_wait3A_115 = tpu.memref_squeeze %dma_wait3A_114 : memref<1x640xf32, #tpu.memory_space<vmem_shared>> -> memref<640xf32, #tpu.memory_space<vmem_shared>>
      tpu.wait_dma2 semaphore(%run_scoped3A_97 : memref<!tpu.dma_semaphore, #tpu.memory_space<semaphore_mem>>) src(%dma_wait3A_115 : memref<640xf32, #tpu.memory_space<vmem_shared>>) dst(%dma_wait3A_113 : memref<640xf32, #tpu.memory_space<vmem>>)
      tpu.yield
    }) : () -> ()
    %mul3A_64 = arith.constant 640 : i32
    %mul3A_65 = arith.muli %arg1, %mul3A_64 : i32
    %run_scoped3A_66 = arith.constant 10 : i32
    %run_scoped3A_67 = arith.constant 10 : i32
    "tpu.region"() ({
      %run_scoped3A_97 = tpu.sem_alloc : memref<!tpu.dma_semaphore, #tpu.memory_space<semaphore_mem>>
      %dma_start3A = arith.constant 0 : i32
      %dma_start3A_98 = tpu.memref_slice %arg10[%run_scoped3A_67, %dma_start3A] : memref<16x640xf32, #tpu.memory_space<vmem>> -> memref<1x640xf32, #tpu.memory_space<vmem>>
      %dma_start3A_99 = tpu.memref_squeeze %dma_start3A_98 : memref<1x640xf32, #tpu.memory_space<vmem>> -> memref<640xf32, #tpu.memory_space<vmem>>
      %dma_start3A_100 = tpu.memref_slice %arg12[%run_scoped3A_66, %mul3A_65] : memref<16x10240xf32, #tpu.memory_space<vmem_shared>> -> memref<1x640xf32, #tpu.memory_space<vmem_shared>>
      %dma_start3A_101 = tpu.memref_squeeze %dma_start3A_100 : memref<1x640xf32, #tpu.memory_space<vmem_shared>> -> memref<640xf32, #tpu.memory_space<vmem_shared>>
      %dma_start3A_102 = arith.constant 0 : i32
      %dma_start3A_103 = tpu.memref_slice %arg10[%run_scoped3A_67, %dma_start3A_102] : memref<16x640xf32, #tpu.memory_space<vmem>> -> memref<1x640xf32, #tpu.memory_space<vmem>>
      %dma_start3A_104 = tpu.memref_squeeze %dma_start3A_103 : memref<1x640xf32, #tpu.memory_space<vmem>> -> memref<640xf32, #tpu.memory_space<vmem>>
      %dma_start3A_105 = tpu.memref_slice %arg12[%run_scoped3A_66, %mul3A_65] : memref<16x10240xf32, #tpu.memory_space<vmem_shared>> -> memref<1x640xf32, #tpu.memory_space<vmem_shared>>
      %dma_start3A_106 = tpu.memref_squeeze %dma_start3A_105 : memref<1x640xf32, #tpu.memory_space<vmem_shared>> -> memref<640xf32, #tpu.memory_space<vmem_shared>>
      tpu.enqueue_dma source(%dma_start3A_106 : memref<640xf32, #tpu.memory_space<vmem_shared>>) target(%dma_start3A_104 : memref<640xf32, #tpu.memory_space<vmem>>) target_semaphore(%run_scoped3A_97 : memref<!tpu.dma_semaphore, #tpu.memory_space<semaphore_mem>>)
      %dma_wait3A = arith.constant 0 : i32
      %dma_wait3A_107 = tpu.memref_slice %arg10[%run_scoped3A_67, %dma_wait3A] : memref<16x640xf32, #tpu.memory_space<vmem>> -> memref<1x640xf32, #tpu.memory_space<vmem>>
      %dma_wait3A_108 = tpu.memref_squeeze %dma_wait3A_107 : memref<1x640xf32, #tpu.memory_space<vmem>> -> memref<640xf32, #tpu.memory_space<vmem>>
      %dma_wait3A_109 = tpu.memref_slice %arg12[%run_scoped3A_66, %mul3A_65] : memref<16x10240xf32, #tpu.memory_space<vmem_shared>> -> memref<1x640xf32, #tpu.memory_space<vmem_shared>>
      %dma_wait3A_110 = tpu.memref_squeeze %dma_wait3A_109 : memref<1x640xf32, #tpu.memory_space<vmem_shared>> -> memref<640xf32, #tpu.memory_space<vmem_shared>>
      %dma_wait3A_111 = arith.constant 0 : i32
      %dma_wait3A_112 = tpu.memref_slice %arg10[%run_scoped3A_67, %dma_wait3A_111] : memref<16x640xf32, #tpu.memory_space<vmem>> -> memref<1x640xf32, #tpu.memory_space<vmem>>
      %dma_wait3A_113 = tpu.memref_squeeze %dma_wait3A_112 : memref<1x640xf32, #tpu.memory_space<vmem>> -> memref<640xf32, #tpu.memory_space<vmem>>
      %dma_wait3A_114 = tpu.memref_slice %arg12[%run_scoped3A_66, %mul3A_65] : memref<16x10240xf32, #tpu.memory_space<vmem_shared>> -> memref<1x640xf32, #tpu.memory_space<vmem_shared>>
      %dma_wait3A_115 = tpu.memref_squeeze %dma_wait3A_114 : memref<1x640xf32, #tpu.memory_space<vmem_shared>> -> memref<640xf32, #tpu.memory_space<vmem_shared>>
      tpu.wait_dma2 semaphore(%run_scoped3A_97 : memref<!tpu.dma_semaphore, #tpu.memory_space<semaphore_mem>>) src(%dma_wait3A_115 : memref<640xf32, #tpu.memory_space<vmem_shared>>) dst(%dma_wait3A_113 : memref<640xf32, #tpu.memory_space<vmem>>)
      tpu.yield
    }) : () -> ()
    %mul3A_68 = arith.constant 640 : i32
    %mul3A_69 = arith.muli %arg1, %mul3A_68 : i32
    %run_scoped3A_70 = arith.constant 11 : i32
    %run_scoped3A_71 = arith.constant 11 : i32
    "tpu.region"() ({
      %run_scoped3A_97 = tpu.sem_alloc : memref<!tpu.dma_semaphore, #tpu.memory_space<semaphore_mem>>
      %dma_start3A = arith.constant 0 : i32
      %dma_start3A_98 = tpu.memref_slice %arg10[%run_scoped3A_71, %dma_start3A] : memref<16x640xf32, #tpu.memory_space<vmem>> -> memref<1x640xf32, #tpu.memory_space<vmem>>
      %dma_start3A_99 = tpu.memref_squeeze %dma_start3A_98 : memref<1x640xf32, #tpu.memory_space<vmem>> -> memref<640xf32, #tpu.memory_space<vmem>>
      %dma_start3A_100 = tpu.memref_slice %arg12[%run_scoped3A_70, %mul3A_69] : memref<16x10240xf32, #tpu.memory_space<vmem_shared>> -> memref<1x640xf32, #tpu.memory_space<vmem_shared>>
      %dma_start3A_101 = tpu.memref_squeeze %dma_start3A_100 : memref<1x640xf32, #tpu.memory_space<vmem_shared>> -> memref<640xf32, #tpu.memory_space<vmem_shared>>
      %dma_start3A_102 = arith.constant 0 : i32
      %dma_start3A_103 = tpu.memref_slice %arg10[%run_scoped3A_71, %dma_start3A_102] : memref<16x640xf32, #tpu.memory_space<vmem>> -> memref<1x640xf32, #tpu.memory_space<vmem>>
      %dma_start3A_104 = tpu.memref_squeeze %dma_start3A_103 : memref<1x640xf32, #tpu.memory_space<vmem>> -> memref<640xf32, #tpu.memory_space<vmem>>
      %dma_start3A_105 = tpu.memref_slice %arg12[%run_scoped3A_70, %mul3A_69] : memref<16x10240xf32, #tpu.memory_space<vmem_shared>> -> memref<1x640xf32, #tpu.memory_space<vmem_shared>>
      %dma_start3A_106 = tpu.memref_squeeze %dma_start3A_105 : memref<1x640xf32, #tpu.memory_space<vmem_shared>> -> memref<640xf32, #tpu.memory_space<vmem_shared>>
      tpu.enqueue_dma source(%dma_start3A_106 : memref<640xf32, #tpu.memory_space<vmem_shared>>) target(%dma_start3A_104 : memref<640xf32, #tpu.memory_space<vmem>>) target_semaphore(%run_scoped3A_97 : memref<!tpu.dma_semaphore, #tpu.memory_space<semaphore_mem>>)
      %dma_wait3A = arith.constant 0 : i32
      %dma_wait3A_107 = tpu.memref_slice %arg10[%run_scoped3A_71, %dma_wait3A] : memref<16x640xf32, #tpu.memory_space<vmem>> -> memref<1x640xf32, #tpu.memory_space<vmem>>
      %dma_wait3A_108 = tpu.memref_squeeze %dma_wait3A_107 : memref<1x640xf32, #tpu.memory_space<vmem>> -> memref<640xf32, #tpu.memory_space<vmem>>
      %dma_wait3A_109 = tpu.memref_slice %arg12[%run_scoped3A_70, %mul3A_69] : memref<16x10240xf32, #tpu.memory_space<vmem_shared>> -> memref<1x640xf32, #tpu.memory_space<vmem_shared>>
      %dma_wait3A_110 = tpu.memref_squeeze %dma_wait3A_109 : memref<1x640xf32, #tpu.memory_space<vmem_shared>> -> memref<640xf32, #tpu.memory_space<vmem_shared>>
      %dma_wait3A_111 = arith.constant 0 : i32
      %dma_wait3A_112 = tpu.memref_slice %arg10[%run_scoped3A_71, %dma_wait3A_111] : memref<16x640xf32, #tpu.memory_space<vmem>> -> memref<1x640xf32, #tpu.memory_space<vmem>>
      %dma_wait3A_113 = tpu.memref_squeeze %dma_wait3A_112 : memref<1x640xf32, #tpu.memory_space<vmem>> -> memref<640xf32, #tpu.memory_space<vmem>>
      %dma_wait3A_114 = tpu.memref_slice %arg12[%run_scoped3A_70, %mul3A_69] : memref<16x10240xf32, #tpu.memory_space<vmem_shared>> -> memref<1x640xf32, #tpu.memory_space<vmem_shared>>
      %dma_wait3A_115 = tpu.memref_squeeze %dma_wait3A_114 : memref<1x640xf32, #tpu.memory_space<vmem_shared>> -> memref<640xf32, #tpu.memory_space<vmem_shared>>
      tpu.wait_dma2 semaphore(%run_scoped3A_97 : memref<!tpu.dma_semaphore, #tpu.memory_space<semaphore_mem>>) src(%dma_wait3A_115 : memref<640xf32, #tpu.memory_space<vmem_shared>>) dst(%dma_wait3A_113 : memref<640xf32, #tpu.memory_space<vmem>>)
      tpu.yield
    }) : () -> ()
    %mul3A_72 = arith.constant 640 : i32
    %mul3A_73 = arith.muli %arg1, %mul3A_72 : i32
    %run_scoped3A_74 = arith.constant 12 : i32
    %run_scoped3A_75 = arith.constant 12 : i32
    "tpu.region"() ({
      %run_scoped3A_97 = tpu.sem_alloc : memref<!tpu.dma_semaphore, #tpu.memory_space<semaphore_mem>>
      %dma_start3A = arith.constant 0 : i32
      %dma_start3A_98 = tpu.memref_slice %arg10[%run_scoped3A_75, %dma_start3A] : memref<16x640xf32, #tpu.memory_space<vmem>> -> memref<1x640xf32, #tpu.memory_space<vmem>>
      %dma_start3A_99 = tpu.memref_squeeze %dma_start3A_98 : memref<1x640xf32, #tpu.memory_space<vmem>> -> memref<640xf32, #tpu.memory_space<vmem>>
      %dma_start3A_100 = tpu.memref_slice %arg12[%run_scoped3A_74, %mul3A_73] : memref<16x10240xf32, #tpu.memory_space<vmem_shared>> -> memref<1x640xf32, #tpu.memory_space<vmem_shared>>
      %dma_start3A_101 = tpu.memref_squeeze %dma_start3A_100 : memref<1x640xf32, #tpu.memory_space<vmem_shared>> -> memref<640xf32, #tpu.memory_space<vmem_shared>>
      %dma_start3A_102 = arith.constant 0 : i32
      %dma_start3A_103 = tpu.memref_slice %arg10[%run_scoped3A_75, %dma_start3A_102] : memref<16x640xf32, #tpu.memory_space<vmem>> -> memref<1x640xf32, #tpu.memory_space<vmem>>
      %dma_start3A_104 = tpu.memref_squeeze %dma_start3A_103 : memref<1x640xf32, #tpu.memory_space<vmem>> -> memref<640xf32, #tpu.memory_space<vmem>>
      %dma_start3A_105 = tpu.memref_slice %arg12[%run_scoped3A_74, %mul3A_73] : memref<16x10240xf32, #tpu.memory_space<vmem_shared>> -> memref<1x640xf32, #tpu.memory_space<vmem_shared>>
      %dma_start3A_106 = tpu.memref_squeeze %dma_start3A_105 : memref<1x640xf32, #tpu.memory_space<vmem_shared>> -> memref<640xf32, #tpu.memory_space<vmem_shared>>
      tpu.enqueue_dma source(%dma_start3A_106 : memref<640xf32, #tpu.memory_space<vmem_shared>>) target(%dma_start3A_104 : memref<640xf32, #tpu.memory_space<vmem>>) target_semaphore(%run_scoped3A_97 : memref<!tpu.dma_semaphore, #tpu.memory_space<semaphore_mem>>)
      %dma_wait3A = arith.constant 0 : i32
      %dma_wait3A_107 = tpu.memref_slice %arg10[%run_scoped3A_75, %dma_wait3A] : memref<16x640xf32, #tpu.memory_space<vmem>> -> memref<1x640xf32, #tpu.memory_space<vmem>>
      %dma_wait3A_108 = tpu.memref_squeeze %dma_wait3A_107 : memref<1x640xf32, #tpu.memory_space<vmem>> -> memref<640xf32, #tpu.memory_space<vmem>>
      %dma_wait3A_109 = tpu.memref_slice %arg12[%run_scoped3A_74, %mul3A_73] : memref<16x10240xf32, #tpu.memory_space<vmem_shared>> -> memref<1x640xf32, #tpu.memory_space<vmem_shared>>
      %dma_wait3A_110 = tpu.memref_squeeze %dma_wait3A_109 : memref<1x640xf32, #tpu.memory_space<vmem_shared>> -> memref<640xf32, #tpu.memory_space<vmem_shared>>
      %dma_wait3A_111 = arith.constant 0 : i32
      %dma_wait3A_112 = tpu.memref_slice %arg10[%run_scoped3A_75, %dma_wait3A_111] : memref<16x640xf32, #tpu.memory_space<vmem>> -> memref<1x640xf32, #tpu.memory_space<vmem>>
      %dma_wait3A_113 = tpu.memref_squeeze %dma_wait3A_112 : memref<1x640xf32, #tpu.memory_space<vmem>> -> memref<640xf32, #tpu.memory_space<vmem>>
      %dma_wait3A_114 = tpu.memref_slice %arg12[%run_scoped3A_74, %mul3A_73] : memref<16x10240xf32, #tpu.memory_space<vmem_shared>> -> memref<1x640xf32, #tpu.memory_space<vmem_shared>>
      %dma_wait3A_115 = tpu.memref_squeeze %dma_wait3A_114 : memref<1x640xf32, #tpu.memory_space<vmem_shared>> -> memref<640xf32, #tpu.memory_space<vmem_shared>>
      tpu.wait_dma2 semaphore(%run_scoped3A_97 : memref<!tpu.dma_semaphore, #tpu.memory_space<semaphore_mem>>) src(%dma_wait3A_115 : memref<640xf32, #tpu.memory_space<vmem_shared>>) dst(%dma_wait3A_113 : memref<640xf32, #tpu.memory_space<vmem>>)
      tpu.yield
    }) : () -> ()
    %mul3A_76 = arith.constant 640 : i32
    %mul3A_77 = arith.muli %arg1, %mul3A_76 : i32
    %run_scoped3A_78 = arith.constant 13 : i32
    %run_scoped3A_79 = arith.constant 13 : i32
    "tpu.region"() ({
      %run_scoped3A_97 = tpu.sem_alloc : memref<!tpu.dma_semaphore, #tpu.memory_space<semaphore_mem>>
      %dma_start3A = arith.constant 0 : i32
      %dma_start3A_98 = tpu.memref_slice %arg10[%run_scoped3A_79, %dma_start3A] : memref<16x640xf32, #tpu.memory_space<vmem>> -> memref<1x640xf32, #tpu.memory_space<vmem>>
      %dma_start3A_99 = tpu.memref_squeeze %dma_start3A_98 : memref<1x640xf32, #tpu.memory_space<vmem>> -> memref<640xf32, #tpu.memory_space<vmem>>
      %dma_start3A_100 = tpu.memref_slice %arg12[%run_scoped3A_78, %mul3A_77] : memref<16x10240xf32, #tpu.memory_space<vmem_shared>> -> memref<1x640xf32, #tpu.memory_space<vmem_shared>>
      %dma_start3A_101 = tpu.memref_squeeze %dma_start3A_100 : memref<1x640xf32, #tpu.memory_space<vmem_shared>> -> memref<640xf32, #tpu.memory_space<vmem_shared>>
      %dma_start3A_102 = arith.constant 0 : i32
      %dma_start3A_103 = tpu.memref_slice %arg10[%run_scoped3A_79, %dma_start3A_102] : memref<16x640xf32, #tpu.memory_space<vmem>> -> memref<1x640xf32, #tpu.memory_space<vmem>>
      %dma_start3A_104 = tpu.memref_squeeze %dma_start3A_103 : memref<1x640xf32, #tpu.memory_space<vmem>> -> memref<640xf32, #tpu.memory_space<vmem>>
      %dma_start3A_105 = tpu.memref_slice %arg12[%run_scoped3A_78, %mul3A_77] : memref<16x10240xf32, #tpu.memory_space<vmem_shared>> -> memref<1x640xf32, #tpu.memory_space<vmem_shared>>
      %dma_start3A_106 = tpu.memref_squeeze %dma_start3A_105 : memref<1x640xf32, #tpu.memory_space<vmem_shared>> -> memref<640xf32, #tpu.memory_space<vmem_shared>>
      tpu.enqueue_dma source(%dma_start3A_106 : memref<640xf32, #tpu.memory_space<vmem_shared>>) target(%dma_start3A_104 : memref<640xf32, #tpu.memory_space<vmem>>) target_semaphore(%run_scoped3A_97 : memref<!tpu.dma_semaphore, #tpu.memory_space<semaphore_mem>>)
      %dma_wait3A = arith.constant 0 : i32
      %dma_wait3A_107 = tpu.memref_slice %arg10[%run_scoped3A_79, %dma_wait3A] : memref<16x640xf32, #tpu.memory_space<vmem>> -> memref<1x640xf32, #tpu.memory_space<vmem>>
      %dma_wait3A_108 = tpu.memref_squeeze %dma_wait3A_107 : memref<1x640xf32, #tpu.memory_space<vmem>> -> memref<640xf32, #tpu.memory_space<vmem>>
      %dma_wait3A_109 = tpu.memref_slice %arg12[%run_scoped3A_78, %mul3A_77] : memref<16x10240xf32, #tpu.memory_space<vmem_shared>> -> memref<1x640xf32, #tpu.memory_space<vmem_shared>>
      %dma_wait3A_110 = tpu.memref_squeeze %dma_wait3A_109 : memref<1x640xf32, #tpu.memory_space<vmem_shared>> -> memref<640xf32, #tpu.memory_space<vmem_shared>>
      %dma_wait3A_111 = arith.constant 0 : i32
      %dma_wait3A_112 = tpu.memref_slice %arg10[%run_scoped3A_79, %dma_wait3A_111] : memref<16x640xf32, #tpu.memory_space<vmem>> -> memref<1x640xf32, #tpu.memory_space<vmem>>
      %dma_wait3A_113 = tpu.memref_squeeze %dma_wait3A_112 : memref<1x640xf32, #tpu.memory_space<vmem>> -> memref<640xf32, #tpu.memory_space<vmem>>
      %dma_wait3A_114 = tpu.memref_slice %arg12[%run_scoped3A_78, %mul3A_77] : memref<16x10240xf32, #tpu.memory_space<vmem_shared>> -> memref<1x640xf32, #tpu.memory_space<vmem_shared>>
      %dma_wait3A_115 = tpu.memref_squeeze %dma_wait3A_114 : memref<1x640xf32, #tpu.memory_space<vmem_shared>> -> memref<640xf32, #tpu.memory_space<vmem_shared>>
      tpu.wait_dma2 semaphore(%run_scoped3A_97 : memref<!tpu.dma_semaphore, #tpu.memory_space<semaphore_mem>>) src(%dma_wait3A_115 : memref<640xf32, #tpu.memory_space<vmem_shared>>) dst(%dma_wait3A_113 : memref<640xf32, #tpu.memory_space<vmem>>)
      tpu.yield
    }) : () -> ()
    %mul3A_80 = arith.constant 640 : i32
    %mul3A_81 = arith.muli %arg1, %mul3A_80 : i32
    %run_scoped3A_82 = arith.constant 14 : i32
    %run_scoped3A_83 = arith.constant 14 : i32
    "tpu.region"() ({
      %run_scoped3A_97 = tpu.sem_alloc : memref<!tpu.dma_semaphore, #tpu.memory_space<semaphore_mem>>
      %dma_start3A = arith.constant 0 : i32
      %dma_start3A_98 = tpu.memref_slice %arg10[%run_scoped3A_83, %dma_start3A] : memref<16x640xf32, #tpu.memory_space<vmem>> -> memref<1x640xf32, #tpu.memory_space<vmem>>
      %dma_start3A_99 = tpu.memref_squeeze %dma_start3A_98 : memref<1x640xf32, #tpu.memory_space<vmem>> -> memref<640xf32, #tpu.memory_space<vmem>>
      %dma_start3A_100 = tpu.memref_slice %arg12[%run_scoped3A_82, %mul3A_81] : memref<16x10240xf32, #tpu.memory_space<vmem_shared>> -> memref<1x640xf32, #tpu.memory_space<vmem_shared>>
      %dma_start3A_101 = tpu.memref_squeeze %dma_start3A_100 : memref<1x640xf32, #tpu.memory_space<vmem_shared>> -> memref<640xf32, #tpu.memory_space<vmem_shared>>
      %dma_start3A_102 = arith.constant 0 : i32
      %dma_start3A_103 = tpu.memref_slice %arg10[%run_scoped3A_83, %dma_start3A_102] : memref<16x640xf32, #tpu.memory_space<vmem>> -> memref<1x640xf32, #tpu.memory_space<vmem>>
      %dma_start3A_104 = tpu.memref_squeeze %dma_start3A_103 : memref<1x640xf32, #tpu.memory_space<vmem>> -> memref<640xf32, #tpu.memory_space<vmem>>
      %dma_start3A_105 = tpu.memref_slice %arg12[%run_scoped3A_82, %mul3A_81] : memref<16x10240xf32, #tpu.memory_space<vmem_shared>> -> memref<1x640xf32, #tpu.memory_space<vmem_shared>>
      %dma_start3A_106 = tpu.memref_squeeze %dma_start3A_105 : memref<1x640xf32, #tpu.memory_space<vmem_shared>> -> memref<640xf32, #tpu.memory_space<vmem_shared>>
      tpu.enqueue_dma source(%dma_start3A_106 : memref<640xf32, #tpu.memory_space<vmem_shared>>) target(%dma_start3A_104 : memref<640xf32, #tpu.memory_space<vmem>>) target_semaphore(%run_scoped3A_97 : memref<!tpu.dma_semaphore, #tpu.memory_space<semaphore_mem>>)
      %dma_wait3A = arith.constant 0 : i32
      %dma_wait3A_107 = tpu.memref_slice %arg10[%run_scoped3A_83, %dma_wait3A] : memref<16x640xf32, #tpu.memory_space<vmem>> -> memref<1x640xf32, #tpu.memory_space<vmem>>
      %dma_wait3A_108 = tpu.memref_squeeze %dma_wait3A_107 : memref<1x640xf32, #tpu.memory_space<vmem>> -> memref<640xf32, #tpu.memory_space<vmem>>
      %dma_wait3A_109 = tpu.memref_slice %arg12[%run_scoped3A_82, %mul3A_81] : memref<16x10240xf32, #tpu.memory_space<vmem_shared>> -> memref<1x640xf32, #tpu.memory_space<vmem_shared>>
      %dma_wait3A_110 = tpu.memref_squeeze %dma_wait3A_109 : memref<1x640xf32, #tpu.memory_space<vmem_shared>> -> memref<640xf32, #tpu.memory_space<vmem_shared>>
      %dma_wait3A_111 = arith.constant 0 : i32
      %dma_wait3A_112 = tpu.memref_slice %arg10[%run_scoped3A_83, %dma_wait3A_111] : memref<16x640xf32, #tpu.memory_space<vmem>> -> memref<1x640xf32, #tpu.memory_space<vmem>>
      %dma_wait3A_113 = tpu.memref_squeeze %dma_wait3A_112 : memref<1x640xf32, #tpu.memory_space<vmem>> -> memref<640xf32, #tpu.memory_space<vmem>>
      %dma_wait3A_114 = tpu.memref_slice %arg12[%run_scoped3A_82, %mul3A_81] : memref<16x10240xf32, #tpu.memory_space<vmem_shared>> -> memref<1x640xf32, #tpu.memory_space<vmem_shared>>
      %dma_wait3A_115 = tpu.memref_squeeze %dma_wait3A_114 : memref<1x640xf32, #tpu.memory_space<vmem_shared>> -> memref<640xf32, #tpu.memory_space<vmem_shared>>
      tpu.wait_dma2 semaphore(%run_scoped3A_97 : memref<!tpu.dma_semaphore, #tpu.memory_space<semaphore_mem>>) src(%dma_wait3A_115 : memref<640xf32, #tpu.memory_space<vmem_shared>>) dst(%dma_wait3A_113 : memref<640xf32, #tpu.memory_space<vmem>>)
      tpu.yield
    }) : () -> ()
    %mul3A_84 = arith.constant 640 : i32
    %mul3A_85 = arith.muli %arg1, %mul3A_84 : i32
    %run_scoped3A_86 = arith.constant 15 : i32
    %run_scoped3A_87 = arith.constant 15 : i32
    "tpu.region"() ({
      %run_scoped3A_97 = tpu.sem_alloc : memref<!tpu.dma_semaphore, #tpu.memory_space<semaphore_mem>>
      %dma_start3A = arith.constant 0 : i32
      %dma_start3A_98 = tpu.memref_slice %arg10[%run_scoped3A_87, %dma_start3A] : memref<16x640xf32, #tpu.memory_space<vmem>> -> memref<1x640xf32, #tpu.memory_space<vmem>>
      %dma_start3A_99 = tpu.memref_squeeze %dma_start3A_98 : memref<1x640xf32, #tpu.memory_space<vmem>> -> memref<640xf32, #tpu.memory_space<vmem>>
      %dma_start3A_100 = tpu.memref_slice %arg12[%run_scoped3A_86, %mul3A_85] : memref<16x10240xf32, #tpu.memory_space<vmem_shared>> -> memref<1x640xf32, #tpu.memory_space<vmem_shared>>
      %dma_start3A_101 = tpu.memref_squeeze %dma_start3A_100 : memref<1x640xf32, #tpu.memory_space<vmem_shared>> -> memref<640xf32, #tpu.memory_space<vmem_shared>>
      %dma_start3A_102 = arith.constant 0 : i32
      %dma_start3A_103 = tpu.memref_slice %arg10[%run_scoped3A_87, %dma_start3A_102] : memref<16x640xf32, #tpu.memory_space<vmem>> -> memref<1x640xf32, #tpu.memory_space<vmem>>
      %dma_start3A_104 = tpu.memref_squeeze %dma_start3A_103 : memref<1x640xf32, #tpu.memory_space<vmem>> -> memref<640xf32, #tpu.memory_space<vmem>>
      %dma_start3A_105 = tpu.memref_slice %arg12[%run_scoped3A_86, %mul3A_85] : memref<16x10240xf32, #tpu.memory_space<vmem_shared>> -> memref<1x640xf32, #tpu.memory_space<vmem_shared>>
      %dma_start3A_106 = tpu.memref_squeeze %dma_start3A_105 : memref<1x640xf32, #tpu.memory_space<vmem_shared>> -> memref<640xf32, #tpu.memory_space<vmem_shared>>
      tpu.enqueue_dma source(%dma_start3A_106 : memref<640xf32, #tpu.memory_space<vmem_shared>>) target(%dma_start3A_104 : memref<640xf32, #tpu.memory_space<vmem>>) target_semaphore(%run_scoped3A_97 : memref<!tpu.dma_semaphore, #tpu.memory_space<semaphore_mem>>)
      %dma_wait3A = arith.constant 0 : i32
      %dma_wait3A_107 = tpu.memref_slice %arg10[%run_scoped3A_87, %dma_wait3A] : memref<16x640xf32, #tpu.memory_space<vmem>> -> memref<1x640xf32, #tpu.memory_space<vmem>>
      %dma_wait3A_108 = tpu.memref_squeeze %dma_wait3A_107 : memref<1x640xf32, #tpu.memory_space<vmem>> -> memref<640xf32, #tpu.memory_space<vmem>>
      %dma_wait3A_109 = tpu.memref_slice %arg12[%run_scoped3A_86, %mul3A_85] : memref<16x10240xf32, #tpu.memory_space<vmem_shared>> -> memref<1x640xf32, #tpu.memory_space<vmem_shared>>
      %dma_wait3A_110 = tpu.memref_squeeze %dma_wait3A_109 : memref<1x640xf32, #tpu.memory_space<vmem_shared>> -> memref<640xf32, #tpu.memory_space<vmem_shared>>
      %dma_wait3A_111 = arith.constant 0 : i32
      %dma_wait3A_112 = tpu.memref_slice %arg10[%run_scoped3A_87, %dma_wait3A_111] : memref<16x640xf32, #tpu.memory_space<vmem>> -> memref<1x640xf32, #tpu.memory_space<vmem>>
      %dma_wait3A_113 = tpu.memref_squeeze %dma_wait3A_112 : memref<1x640xf32, #tpu.memory_space<vmem>> -> memref<640xf32, #tpu.memory_space<vmem>>
      %dma_wait3A_114 = tpu.memref_slice %arg12[%run_scoped3A_86, %mul3A_85] : memref<16x10240xf32, #tpu.memory_space<vmem_shared>> -> memref<1x640xf32, #tpu.memory_space<vmem_shared>>
      %dma_wait3A_115 = tpu.memref_squeeze %dma_wait3A_114 : memref<1x640xf32, #tpu.memory_space<vmem_shared>> -> memref<640xf32, #tpu.memory_space<vmem_shared>>
      tpu.wait_dma2 semaphore(%run_scoped3A_97 : memref<!tpu.dma_semaphore, #tpu.memory_space<semaphore_mem>>) src(%dma_wait3A_115 : memref<640xf32, #tpu.memory_space<vmem_shared>>) dst(%dma_wait3A_113 : memref<640xf32, #tpu.memory_space<vmem>>)
      tpu.yield
    }) : () -> ()
    %scan3A_88 = arith.constant 0 : i32
    %scan3A_89 = arith.constant 0 : i32
    %scan3A_90 = arith.constant 40 : i32
    %scan3A_91 = arith.addi %scan3A_89, %scan3A_90 : i32
    %scan3A_92 = arith.constant 1 : i32
    %scan3A_93 = scf.for %scan3A_97 = %scan3A_89 to %scan3A_91 step %scan3A_92 iter_args(%scan3A_98 = %scan3A_88) -> (i32)  : i32 {
      %mul3A_99 = arith.constant 16 : i32
      %mul3A_100 = arith.muli %scan3A_97, %mul3A_99 : i32
      %get3A = arith.constant 0 : i32
      %get3A_101 = arith.index_cast %get3A : i32 to index
      %get3A_102 = arith.index_cast %mul3A_100 : i32 to index
      %get3A_103 = tpu.vector_load %arg10[%get3A_101, %get3A_102] {strides = array<i32>} : memref<16x640xf32, #tpu.memory_space<vmem>>, vector<16xf32>,
      %mul3A_104 = arith.constant 16 : i32
      %mul3A_105 = arith.muli %scan3A_97, %mul3A_104 : i32
      %get3A_106 = arith.constant 1 : i32
      %get3A_107 = arith.index_cast %get3A_106 : i32 to index
      %get3A_108 = arith.index_cast %mul3A_105 : i32 to index
      %get3A_109 = tpu.vector_load %arg10[%get3A_107, %get3A_108] {strides = array<i32>} : memref<16x640xf32, #tpu.memory_space<vmem>>, vector<16xf32>,
      %add3A_110 = arith.addf %get3A_103, %get3A_109 : vector<16xf32>
      %mul3A_111 = arith.constant 16 : i32
      %mul3A_112 = arith.muli %scan3A_97, %mul3A_111 : i32
      %get3A_113 = arith.constant 2 : i32
      %get3A_114 = arith.index_cast %get3A_113 : i32 to index
      %get3A_115 = arith.index_cast %mul3A_112 : i32 to index
      %get3A_116 = tpu.vector_load %arg10[%get3A_114, %get3A_115] {strides = array<i32>} : memref<16x640xf32, #tpu.memory_space<vmem>>, vector<16xf32>,
      %add3A_117 = arith.addf %add3A_110, %get3A_116 : vector<16xf32>
      %mul3A_118 = arith.constant 16 : i32
      %mul3A_119 = arith.muli %scan3A_97, %mul3A_118 : i32
      %get3A_120 = arith.constant 3 : i32
      %get3A_121 = arith.index_cast %get3A_120 : i32 to index
      %get3A_122 = arith.index_cast %mul3A_119 : i32 to index
      %get3A_123 = tpu.vector_load %arg10[%get3A_121, %get3A_122] {strides = array<i32>} : memref<16x640xf32, #tpu.memory_space<vmem>>, vector<16xf32>,
      %add3A_124 = arith.addf %add3A_117, %get3A_123 : vector<16xf32>
      %mul3A_125 = arith.constant 16 : i32
      %mul3A_126 = arith.muli %scan3A_97, %mul3A_125 : i32
      %get3A_127 = arith.constant 4 : i32
      %get3A_128 = arith.index_cast %get3A_127 : i32 to index
      %get3A_129 = arith.index_cast %mul3A_126 : i32 to index
      %get3A_130 = tpu.vector_load %arg10[%get3A_128, %get3A_129] {strides = array<i32>} : memref<16x640xf32, #tpu.memory_space<vmem>>, vector<16xf32>,
      %add3A_131 = arith.addf %add3A_124, %get3A_130 : vector<16xf32>
      %mul3A_132 = arith.constant 16 : i32
      %mul3A_133 = arith.muli %scan3A_97, %mul3A_132 : i32
      %get3A_134 = arith.constant 5 : i32
      %get3A_135 = arith.index_cast %get3A_134 : i32 to index
      %get3A_136 = arith.index_cast %mul3A_133 : i32 to index
      %get3A_137 = tpu.vector_load %arg10[%get3A_135, %get3A_136] {strides = array<i32>} : memref<16x640xf32, #tpu.memory_space<vmem>>, vector<16xf32>,
      %add3A_138 = arith.addf %add3A_131, %get3A_137 : vector<16xf32>
      %mul3A_139 = arith.constant 16 : i32
      %mul3A_140 = arith.muli %scan3A_97, %mul3A_139 : i32
      %get3A_141 = arith.constant 6 : i32
      %get3A_142 = arith.index_cast %get3A_141 : i32 to index
      %get3A_143 = arith.index_cast %mul3A_140 : i32 to index
      %get3A_144 = tpu.vector_load %arg10[%get3A_142, %get3A_143] {strides = array<i32>} : memref<16x640xf32, #tpu.memory_space<vmem>>, vector<16xf32>,
      %add3A_145 = arith.addf %add3A_138, %get3A_144 : vector<16xf32>
      %mul3A_146 = arith.constant 16 : i32
      %mul3A_147 = arith.muli %scan3A_97, %mul3A_146 : i32
      %get3A_148 = arith.constant 7 : i32
      %get3A_149 = arith.index_cast %get3A_148 : i32 to index
      %get3A_150 = arith.index_cast %mul3A_147 : i32 to index
      %get3A_151 = tpu.vector_load %arg10[%get3A_149, %get3A_150] {strides = array<i32>} : memref<16x640xf32, #tpu.memory_space<vmem>>, vector<16xf32>,
      %add3A_152 = arith.addf %add3A_145, %get3A_151 : vector<16xf32>
      %mul3A_153 = arith.constant 16 : i32
      %mul3A_154 = arith.muli %scan3A_97, %mul3A_153 : i32
      %get3A_155 = arith.constant 8 : i32
      %get3A_156 = arith.index_cast %get3A_155 : i32 to index
      %get3A_157 = arith.index_cast %mul3A_154 : i32 to index
      %get3A_158 = tpu.vector_load %arg10[%get3A_156, %get3A_157] {strides = array<i32>} : memref<16x640xf32, #tpu.memory_space<vmem>>, vector<16xf32>,
      %add3A_159 = arith.addf %add3A_152, %get3A_158 : vector<16xf32>
      %mul3A_160 = arith.constant 16 : i32
      %mul3A_161 = arith.muli %scan3A_97, %mul3A_160 : i32
      %get3A_162 = arith.constant 9 : i32
      %get3A_163 = arith.index_cast %get3A_162 : i32 to index
      %get3A_164 = arith.index_cast %mul3A_161 : i32 to index
      %get3A_165 = tpu.vector_load %arg10[%get3A_163, %get3A_164] {strides = array<i32>} : memref<16x640xf32, #tpu.memory_space<vmem>>, vector<16xf32>,
      %add3A_166 = arith.addf %add3A_159, %get3A_165 : vector<16xf32>
      %mul3A_167 = arith.constant 16 : i32
      %mul3A_168 = arith.muli %scan3A_97, %mul3A_167 : i32
      %get3A_169 = arith.constant 10 : i32
      %get3A_170 = arith.index_cast %get3A_169 : i32 to index
      %get3A_171 = arith.index_cast %mul3A_168 : i32 to index
      %get3A_172 = tpu.vector_load %arg10[%get3A_170, %get3A_171] {strides = array<i32>} : memref<16x640xf32, #tpu.memory_space<vmem>>, vector<16xf32>,
      %add3A_173 = arith.addf %add3A_166, %get3A_172 : vector<16xf32>
      %mul3A_174 = arith.constant 16 : i32
      %mul3A_175 = arith.muli %scan3A_97, %mul3A_174 : i32
      %get3A_176 = arith.constant 11 : i32
      %get3A_177 = arith.index_cast %get3A_176 : i32 to index
      %get3A_178 = arith.index_cast %mul3A_175 : i32 to index
      %get3A_179 = tpu.vector_load %arg10[%get3A_177, %get3A_178] {strides = array<i32>} : memref<16x640xf32, #tpu.memory_space<vmem>>, vector<16xf32>,
      %add3A_180 = arith.addf %add3A_173, %get3A_179 : vector<16xf32>
      %mul3A_181 = arith.constant 16 : i32
      %mul3A_182 = arith.muli %scan3A_97, %mul3A_181 : i32
      %get3A_183 = arith.constant 12 : i32
      %get3A_184 = arith.index_cast %get3A_183 : i32 to index
      %get3A_185 = arith.index_cast %mul3A_182 : i32 to index
      %get3A_186 = tpu.vector_load %arg10[%get3A_184, %get3A_185] {strides = array<i32>} : memref<16x640xf32, #tpu.memory_space<vmem>>, vector<16xf32>,
      %add3A_187 = arith.addf %add3A_180, %get3A_186 : vector<16xf32>
      %mul3A_188 = arith.constant 16 : i32
      %mul3A_189 = arith.muli %scan3A_97, %mul3A_188 : i32
      %get3A_190 = arith.constant 13 : i32
      %get3A_191 = arith.index_cast %get3A_190 : i32 to index
      %get3A_192 = arith.index_cast %mul3A_189 : i32 to index
      %get3A_193 = tpu.vector_load %arg10[%get3A_191, %get3A_192] {strides = array<i32>} : memref<16x640xf32, #tpu.memory_space<vmem>>, vector<16xf32>,
      %add3A_194 = arith.addf %add3A_187, %get3A_193 : vector<16xf32>
      %mul3A_195 = arith.constant 16 : i32
      %mul3A_196 = arith.muli %scan3A_97, %mul3A_195 : i32
      %get3A_197 = arith.constant 14 : i32
      %get3A_198 = arith.index_cast %get3A_197 : i32 to index
      %get3A_199 = arith.index_cast %mul3A_196 : i32 to index
      %get3A_200 = tpu.vector_load %arg10[%get3A_198, %get3A_199] {strides = array<i32>} : memref<16x640xf32, #tpu.memory_space<vmem>>, vector<16xf32>,
      %add3A_201 = arith.addf %add3A_194, %get3A_200 : vector<16xf32>
      %mul3A_202 = arith.constant 16 : i32
      %mul3A_203 = arith.muli %scan3A_97, %mul3A_202 : i32
      %get3A_204 = arith.constant 15 : i32
      %get3A_205 = arith.index_cast %get3A_204 : i32 to index
      %get3A_206 = arith.index_cast %mul3A_203 : i32 to index
      %get3A_207 = tpu.vector_load %arg10[%get3A_205, %get3A_206] {strides = array<i32>} : memref<16x640xf32, #tpu.memory_space<vmem>>, vector<16xf32>,
      %add3A_208 = arith.addf %add3A_201, %get3A_207 : vector<16xf32>
      %mul3A_209 = arith.constant 16 : i32
      %mul3A_210 = arith.muli %scan3A_97, %mul3A_209 : i32
      %swap3A = arith.index_cast %mul3A_210 : i32 to index
      %swap3A_211 = tpu.vector_load %arg11[%swap3A] {strides = array<i32>} : memref<640xf32, #tpu.memory_space<vmem>>, vector<16xf32>,
      tpu.vector_store %arg11[%swap3A], %add3A_208 {strides = array<i32>} : memref<640xf32, #tpu.memory_space<vmem>>, vector<16xf32>,
      %scan3A_212 = arith.constant 0 : i32
      scf.yield %scan3A_212 : i32
    }
    %scan3A_94 = arith.constant 40 : i32
    %mul3A_95 = arith.constant 640 : i32
    %mul3A_96 = arith.muli %arg1, %mul3A_95 : i32
    "tpu.region"() ({
      %run_scoped3A_97 = tpu.sem_alloc : memref<!tpu.dma_semaphore, #tpu.memory_space<semaphore_mem>>
      %dma_start3A = tpu.memref_slice %arg5[%arg0, %mul3A_96] : memref<2x10240xf32, #tpu.memory_space<hbm>> -> memref<1x640xf32, #tpu.memory_space<hbm>>
      %dma_start3A_98 = tpu.memref_squeeze %dma_start3A : memref<1x640xf32, #tpu.memory_space<hbm>> -> memref<640xf32, #tpu.memory_space<hbm>>
      %dma_start3A_99 = tpu.memref_slice %arg5[%arg0, %mul3A_96] : memref<2x10240xf32, #tpu.memory_space<hbm>> -> memref<1x640xf32, #tpu.memory_space<hbm>>
      %dma_start3A_100 = tpu.memref_squeeze %dma_start3A_99 : memref<1x640xf32, #tpu.memory_space<hbm>> -> memref<640xf32, #tpu.memory_space<hbm>>
      tpu.enqueue_dma source(%arg11 : memref<640xf32, #tpu.memory_space<vmem>>) target(%dma_start3A_100 : memref<640xf32, #tpu.memory_space<hbm>>) target_semaphore(%run_scoped3A_97 : memref<!tpu.dma_semaphore, #tpu.memory_space<semaphore_mem>>)
      %dma_wait3A = tpu.memref_slice %arg5[%arg0, %mul3A_96] : memref<2x10240xf32, #tpu.memory_space<hbm>> -> memref<1x640xf32, #tpu.memory_space<hbm>>
      %dma_wait3A_101 = tpu.memref_squeeze %dma_wait3A : memref<1x640xf32, #tpu.memory_space<hbm>> -> memref<640xf32, #tpu.memory_space<hbm>>
      %dma_wait3A_102 = tpu.memref_slice %arg5[%arg0, %mul3A_96] : memref<2x10240xf32, #tpu.memory_space<hbm>> -> memref<1x640xf32, #tpu.memory_space<hbm>>
      %dma_wait3A_103 = tpu.memref_squeeze %dma_wait3A_102 : memref<1x640xf32, #tpu.memory_space<hbm>> -> memref<640xf32, #tpu.memory_space<hbm>>
      tpu.wait_dma2 semaphore(%run_scoped3A_97 : memref<!tpu.dma_semaphore, #tpu.memory_space<semaphore_mem>>) src(%arg11 : memref<640xf32, #tpu.memory_space<vmem>>) dst(%dma_wait3A_103 : memref<640xf32, #tpu.memory_space<hbm>>)
      tpu.yield
    }) : () -> ()
    return
  }
}

module attributes {stable_mosaic.version = 14 : i64} {
  func.func @body(%arg0: i32, %arg1: memref<2048x128xf32, #tpu.memory_space<vmem>>, %arg2: memref<128x64xf32, #tpu.memory_space<vmem>>, %arg3: memref<2048x2xf32, #tpu.memory_space<vmem>>, %arg4: memref<2048x64xf32, #tpu.memory_space<vmem>>) attributes {dimension_semantics = [#tpu.dimension_semantics<arbitrary>], iteration_bounds = array<i64: 5>, scalar_prefetch = 0 : i64, scratch_operands = 0 : i64, tpu.core_type = #tpu.core_type<tc>, window_params = [{transform_indices = @transform_0, window_bounds = array<i64: 2048, 128>}, {pipeline_mode = #tpu.pipeline_mode<synchronous>, transform_indices = @transform_1, window_bounds = array<i64: 128, 64>}, {transform_indices = @transform_2, window_bounds = array<i64: 2048, 2>}, {transform_indices = @transform_3, window_bounds = array<i64: 2048, 64>}]} {
    %get3A = arith.constant 0 : index
    %get3A_0 = arith.constant 0 : index
    %get3A_1 = vector.load %arg3[%get3A, %get3A_0] : memref<2048x2xf32, #tpu.memory_space<vmem>>, vector<2048x1xf32>
    %get3A_2 = arith.constant 0 : index
    %get3A_3 = arith.constant 1 : index
    %get3A_4 = vector.load %arg3[%get3A_2, %get3A_3] : memref<2048x2xf32, #tpu.memory_space<vmem>>, vector<2048x1xf32>
    %add3A = arith.addf %get3A_1, %get3A_4 : vector<2048x1xf32>
    %add3A_5 = arith.constant 1.000000e+00 : f32
    %add3A_6 = vector.broadcast %add3A_5 : f32 to vector<2048x1xf32>
    %add3A_7 = arith.addf %add3A, %add3A_6 : vector<2048x1xf32>
    %rsqrt3A = math.rsqrt %add3A_7 : vector<2048x1xf32>
    %get3A_8 = arith.constant 0 : index
    %get3A_9 = arith.constant 0 : index
    %get3A_10 = vector.load %arg1[%get3A_8, %get3A_9] : memref<2048x128xf32, #tpu.memory_space<vmem>>, vector<2048x128xf32>
    %get3A_11 = arith.constant 0 : index
    %get3A_12 = arith.constant 0 : index
    %get3A_13 = vector.load %arg2[%get3A_11, %get3A_12] : memref<128x64xf32, #tpu.memory_space<vmem>>, vector<128x64xf32>
    %dot_general3A = arith.constant dense<0.000000e+00> : vector<2048x64xf32>
    %dot_general3A_14 = tpu.matmul %get3A_10, %get3A_13, %dot_general3A {dimension_numbers = #tpu.dot_dimension_numbers<[1], [0], [0], [1], [0, 0, 1, 1], [], []>, transpose_lhs_hint = false} : vector<2048x128xf32>, vector<128x64xf32>, vector<2048x64xf32> -> vector<2048x64xf32>
    %mul3A = vector.broadcast %rsqrt3A : vector<2048x1xf32> to vector<2048x64xf32>
    %mul3A_15 = arith.mulf %mul3A, %dot_general3A_14 : vector<2048x64xf32>
    %swap3A = arith.constant 0 : index
    %swap3A_16 = arith.constant 0 : index
    %swap3A_17 = vector.load %arg4[%swap3A, %swap3A_16] : memref<2048x64xf32, #tpu.memory_space<vmem>>, vector<2048x64xf32>
    tpu.vector_store %arg4[%swap3A, %swap3A_16], %mul3A_15 {strides = array<i32>} : memref<2048x64xf32, #tpu.memory_space<vmem>>, vector<2048x64xf32>,
    return
  }
  func.func @transform_0(%arg0: i32) -> (i32, i32) {
    %c0_i32 = arith.constant 0 : i32
    %c0_i32_0 = arith.constant 0 : i32
    return %arg0, %c0_i32 : i32, i32
  }
  func.func @transform_1(%arg0: i32) -> (i32, i32) {
    %c0_i32 = arith.constant 0 : i32
    %c0_i32_0 = arith.constant 0 : i32
    %c0_i32_1 = arith.constant 0 : i32
    return %c0_i32, %c0_i32_0 : i32, i32
  }
  func.func @transform_2(%arg0: i32) -> (i32, i32) {
    %c0_i32 = arith.constant 0 : i32
    %c0_i32_0 = arith.constant 0 : i32
    return %arg0, %c0_i32 : i32, i32
  }
  func.func @transform_3(%arg0: i32) -> (i32, i32) {
    %c0_i32 = arith.constant 0 : i32
    %c0_i32_0 = arith.constant 0 : i32
    return %arg0, %c0_i32 : i32, i32
  }
}

module attributes {stable_mosaic.version = 14 : i64} {
  func.func @body(%arg0: i32, %arg1: memref<2048x64xf32, #tpu.memory_space<vmem>>, %arg2: memref<2x2048x64xf32, #tpu.memory_space<vmem>>, %arg3: memref<2048x2xf32, #tpu.memory_space<vmem>>, %arg4: memref<64x1xf32, #tpu.memory_space<vmem>>, %arg5: memref<1x64xf32, #tpu.memory_space<vmem>>, %arg6: memref<2048x1xf32, #tpu.memory_space<vmem>>) attributes {dimension_semantics = [#tpu.dimension_semantics<arbitrary>], iteration_bounds = array<i64: 5>, scalar_prefetch = 0 : i64, scratch_operands = 0 : i64, tpu.core_type = #tpu.core_type<tc>, window_params = [{transform_indices = @transform_0, window_bounds = array<i64: 2048, 64>}, {transform_indices = @transform_1, window_bounds = array<i64: 2, 2048, 64>}, {transform_indices = @transform_2, window_bounds = array<i64: 2048, 2>}, {pipeline_mode = #tpu.pipeline_mode<synchronous>, transform_indices = @transform_3, window_bounds = array<i64: 64, 1>}, {pipeline_mode = #tpu.pipeline_mode<synchronous>, transform_indices = @transform_4, window_bounds = array<i64: 1, 64>}, {transform_indices = @transform_5, window_bounds = array<i64: 2048, 1>}]} {
    %get3A = arith.constant 0 : index
    %get3A_0 = arith.constant 0 : index
    %get3A_1 = vector.load %arg3[%get3A, %get3A_0] : memref<2048x2xf32, #tpu.memory_space<vmem>>, vector<2048x1xf32>
    %get3A_2 = arith.constant 0 : index
    %get3A_3 = arith.constant 1 : index
    %get3A_4 = vector.load %arg3[%get3A_2, %get3A_3] : memref<2048x2xf32, #tpu.memory_space<vmem>>, vector<2048x1xf32>
    %add3A = arith.addf %get3A_1, %get3A_4 : vector<2048x1xf32>
    %add3A_5 = arith.constant 1.000000e+00 : f32
    %add3A_6 = vector.broadcast %add3A_5 : f32 to vector<2048x1xf32>
    %add3A_7 = arith.addf %add3A, %add3A_6 : vector<2048x1xf32>
    %rsqrt3A = math.rsqrt %add3A_7 : vector<2048x1xf32>
    %get3A_8 = arith.constant 0 : index
    %get3A_9 = arith.constant 0 : index
    %get3A_10 = arith.constant 0 : index
    %get3A_11 = vector.load %arg2[%get3A_8, %get3A_9, %get3A_10] : memref<2x2048x64xf32, #tpu.memory_space<vmem>>, vector<1x2048x64xf32>
    %get3A_12 = vector.shape_cast %get3A_11 : vector<1x2048x64xf32> to vector<2048x64xf32>
    %get3A_13 = arith.constant 1 : index
    %get3A_14 = arith.constant 0 : index
    %get3A_15 = arith.constant 0 : index
    %get3A_16 = vector.load %arg2[%get3A_13, %get3A_14, %get3A_15] : memref<2x2048x64xf32, #tpu.memory_space<vmem>>, vector<1x2048x64xf32>
    %get3A_17 = vector.shape_cast %get3A_16 : vector<1x2048x64xf32> to vector<2048x64xf32>
    %add3A_18 = arith.addf %get3A_12, %get3A_17 : vector<2048x64xf32>
    %get3A_19 = arith.constant 0 : index
    %get3A_20 = arith.constant 0 : index
    %get3A_21 = vector.load %arg1[%get3A_19, %get3A_20] : memref<2048x64xf32, #tpu.memory_space<vmem>>, vector<2048x64xf32>
    %add3A_22 = arith.addf %add3A_18, %get3A_21 : vector<2048x64xf32>
    %mul3A = vector.broadcast %rsqrt3A : vector<2048x1xf32> to vector<2048x64xf32>
    %mul3A_23 = arith.mulf %mul3A, %add3A_22 : vector<2048x64xf32>
    %get3A_24 = arith.constant 0 : index
    %get3A_25 = arith.constant 0 : index
    %get3A_26 = vector.load %arg5[%get3A_24, %get3A_25] : memref<1x64xf32, #tpu.memory_space<vmem>>, vector<1x64xf32>
    %add3A_27 = vector.broadcast %get3A_26 : vector<1x64xf32> to vector<2048x64xf32>
    %add3A_28 = arith.addf %mul3A_23, %add3A_27 : vector<2048x64xf32>
    %max3A = arith.constant 0.000000e+00 : f32
    %max3A_29 = vector.broadcast %max3A : f32 to vector<2048x64xf32>
    %max3A_30 = arith.maximumf %add3A_28, %max3A_29 : vector<2048x64xf32>
    %get3A_31 = arith.constant 0 : index
    %get3A_32 = arith.constant 0 : index
    %get3A_33 = vector.load %arg4[%get3A_31, %get3A_32] : memref<64x1xf32, #tpu.memory_space<vmem>>, vector<64x1xf32>
    %dot_general3A = arith.constant dense<0.000000e+00> : vector<2048x1xf32>
    %dot_general3A_34 = tpu.matmul %max3A_30, %get3A_33, %dot_general3A {dimension_numbers = #tpu.dot_dimension_numbers<[1], [0], [0], [1], [0, 0, 1, 1], [], []>, transpose_lhs_hint = false} : vector<2048x64xf32>, vector<64x1xf32>, vector<2048x1xf32> -> vector<2048x1xf32>
    %mul3A_35 = arith.mulf %rsqrt3A, %dot_general3A_34 : vector<2048x1xf32>
    %swap3A = arith.constant 0 : index
    %swap3A_36 = arith.constant 0 : index
    %swap3A_37 = vector.load %arg6[%swap3A, %swap3A_36] : memref<2048x1xf32, #tpu.memory_space<vmem>>, vector<2048x1xf32>
    tpu.vector_store %arg6[%swap3A, %swap3A_36], %mul3A_35 {strides = array<i32>} : memref<2048x1xf32, #tpu.memory_space<vmem>>, vector<2048x1xf32>,
    return
  }
  func.func @transform_0(%arg0: i32) -> (i32, i32) {
    %c0_i32 = arith.constant 0 : i32
    %c0_i32_0 = arith.constant 0 : i32
    return %arg0, %c0_i32 : i32, i32
  }
  func.func @transform_1(%arg0: i32) -> (i32, i32, i32) {
    %c0_i32 = arith.constant 0 : i32
    %c0_i32_0 = arith.constant 0 : i32
    %c0_i32_1 = arith.constant 0 : i32
    return %c0_i32, %arg0, %c0_i32_0 : i32, i32, i32
  }
  func.func @transform_2(%arg0: i32) -> (i32, i32) {
    %c0_i32 = arith.constant 0 : i32
    %c0_i32_0 = arith.constant 0 : i32
    return %arg0, %c0_i32 : i32, i32
  }
  func.func @transform_3(%arg0: i32) -> (i32, i32) {
    %c0_i32 = arith.constant 0 : i32
    %c0_i32_0 = arith.constant 0 : i32
    %c0_i32_1 = arith.constant 0 : i32
    return %c0_i32, %c0_i32_0 : i32, i32
  }
  func.func @transform_4(%arg0: i32) -> (i32, i32) {
    %c0_i32 = arith.constant 0 : i32
    %c0_i32_0 = arith.constant 0 : i32
    %c0_i32_1 = arith.constant 0 : i32
    return %c0_i32, %c0_i32_0 : i32, i32
  }
  func.func @transform_5(%arg0: i32) -> (i32, i32) {
    %c0_i32 = arith.constant 0 : i32
    %c0_i32_0 = arith.constant 0 : i32
    return %arg0, %c0_i32 : i32, i32
  }
}

module attributes {stable_mosaic.version = 14 : i64} {
  func.func @body(%arg0: i32, %arg1: memref<2048x2xf32, #tpu.memory_space<vmem>>, %arg2: memref<2048x1xf32, #tpu.memory_space<vmem>>, %arg3: memref<2048x2xf32, #tpu.memory_space<vmem>>, %arg4: memref<1x1xf32, #tpu.memory_space<vmem>>, %arg5: memref<2048x1xf32, #tpu.memory_space<vmem>>) attributes {dimension_semantics = [#tpu.dimension_semantics<arbitrary>], iteration_bounds = array<i64: 5>, scalar_prefetch = 0 : i64, scratch_operands = 0 : i64, tpu.core_type = #tpu.core_type<tc>, window_params = [{transform_indices = @transform_0, window_bounds = array<i64: 2048, 2>}, {transform_indices = @transform_1, window_bounds = array<i64: 2048, 1>}, {transform_indices = @transform_2, window_bounds = array<i64: 2048, 2>}, {pipeline_mode = #tpu.pipeline_mode<synchronous>, transform_indices = @transform_3, window_bounds = array<i64: 1, 1>}, {transform_indices = @transform_4, window_bounds = array<i64: 2048, 1>}]} {
    %get3A = arith.constant 0 : index
    %get3A_0 = arith.constant 0 : index
    %get3A_1 = vector.load %arg3[%get3A, %get3A_0] : memref<2048x2xf32, #tpu.memory_space<vmem>>, vector<2048x1xf32>
    %get3A_2 = arith.constant 0 : index
    %get3A_3 = arith.constant 1 : index
    %get3A_4 = vector.load %arg3[%get3A_2, %get3A_3] : memref<2048x2xf32, #tpu.memory_space<vmem>>, vector<2048x1xf32>
    %add3A = arith.addf %get3A_1, %get3A_4 : vector<2048x1xf32>
    %add3A_5 = arith.constant 1.000000e+00 : f32
    %add3A_6 = vector.broadcast %add3A_5 : f32 to vector<2048x1xf32>
    %add3A_7 = arith.addf %add3A, %add3A_6 : vector<2048x1xf32>
    %rsqrt3A = math.rsqrt %add3A_7 : vector<2048x1xf32>
    %get3A_8 = arith.constant 0 : index
    %get3A_9 = arith.constant 0 : index
    %get3A_10 = vector.load %arg1[%get3A_8, %get3A_9] : memref<2048x2xf32, #tpu.memory_space<vmem>>, vector<2048x1xf32>
    %get3A_11 = arith.constant 0 : index
    %get3A_12 = arith.constant 1 : index
    %get3A_13 = vector.load %arg1[%get3A_11, %get3A_12] : memref<2048x2xf32, #tpu.memory_space<vmem>>, vector<2048x1xf32>
    %add3A_14 = arith.addf %get3A_10, %get3A_13 : vector<2048x1xf32>
    %get3A_15 = arith.constant 0 : index
    %get3A_16 = arith.constant 0 : index
    %get3A_17 = vector.load %arg2[%get3A_15, %get3A_16] : memref<2048x1xf32, #tpu.memory_space<vmem>>, vector<2048x1xf32>
    %add3A_18 = arith.addf %add3A_14, %get3A_17 : vector<2048x1xf32>
    %mul3A = arith.mulf %rsqrt3A, %add3A_18 : vector<2048x1xf32>
    %get3A_19 = arith.constant 0 : index
    %get3A_20 = arith.constant 0 : index
    %get3A_21 = vector.load %arg4[%get3A_19, %get3A_20] : memref<1x1xf32, #tpu.memory_space<vmem>>, vector<1x1xf32>
    %add3A_22 = vector.broadcast %get3A_21 : vector<1x1xf32> to vector<2048x1xf32>
    %add3A_23 = arith.addf %mul3A, %add3A_22 : vector<2048x1xf32>
    %swap3A = arith.constant 0 : index
    %swap3A_24 = arith.constant 0 : index
    %swap3A_25 = vector.load %arg5[%swap3A, %swap3A_24] : memref<2048x1xf32, #tpu.memory_space<vmem>>, vector<2048x1xf32>
    tpu.vector_store %arg5[%swap3A, %swap3A_24], %add3A_23 {strides = array<i32>} : memref<2048x1xf32, #tpu.memory_space<vmem>>, vector<2048x1xf32>,
    return
  }
  func.func @transform_0(%arg0: i32) -> (i32, i32) {
    %c0_i32 = arith.constant 0 : i32
    %c0_i32_0 = arith.constant 0 : i32
    return %arg0, %c0_i32 : i32, i32
  }
  func.func @transform_1(%arg0: i32) -> (i32, i32) {
    %c0_i32 = arith.constant 0 : i32
    %c0_i32_0 = arith.constant 0 : i32
    return %arg0, %c0_i32 : i32, i32
  }
  func.func @transform_2(%arg0: i32) -> (i32, i32) {
    %c0_i32 = arith.constant 0 : i32
    %c0_i32_0 = arith.constant 0 : i32
    return %arg0, %c0_i32 : i32, i32
  }
  func.func @transform_3(%arg0: i32) -> (i32, i32) {
    %c0_i32 = arith.constant 0 : i32
    %c0_i32_0 = arith.constant 0 : i32
    %c0_i32_1 = arith.constant 0 : i32
    return %c0_i32, %c0_i32_0 : i32, i32
  }
  func.func @transform_4(%arg0: i32) -> (i32, i32) {
    %c0_i32 = arith.constant 0 : i32
    %c0_i32_0 = arith.constant 0 : i32
    return %arg0, %c0_i32 : i32, i32
  }
}

</mosaic_0001>

<sc_bundles>
// kernel: kernel.11.cloned.1.call-start
scs
__scs_entry_jumppad:
0x0: {  	(pc) =	sbr.rel $0x88, $3  }
0x1: {  	(tag) =	ssettag $0x0;
	lr =	simm.s32 $0x1  }
0x2: {  	[smem:$0x3F9B] =	sst lr;
	_ =	strace $0xD0000000  }
0x3: {  	_ = 	snop  }
0x4: {  	_ = 	snop  }
0x5: {  	_ = 	snop  }
0x6: {  	_ = 	snop  }
0x7: {  	_ = 	snop  }
__scs_overlays_trampoline_lowered:
0x8: {  	[smem:$0x3FAA] =	sst s0  }
0x9: {  	[smem:$0x3FAB] =	sst s1  }
0xa: {  	[smem:$0x3FAC] =	sst s2  }
0xb: {  	[smem:$0x3FAD] =	sst s3  }
0xc: {  	[smem:$0x3FAE] =	sst s4  }
0xd: {  	[smem:$0x3FAF] =	sst s5  }
0xe: {  	[smem:$0x3FB0] =	sst s6  }
0xf: {  	[smem:$0x3FB1] =	sst s7  }
0x10: {  	[smem:$0x3FB2] =	sst s8  }
0x11: {  	[smem:$0x3FB3] =	sst s9;
	s0 =	simm.s32 @!p0 $0x0  }
0x12: {  	s1 =	sld [smem:$0x3F99];
	s0 =	simm.s32 @p0 $0x1  }
0x13: {  	[smem:$0x3FB4] =	sst s0;
	s0 =	simm.s32 @!p1 $0x0  }
0x14: {  	s2 =	sld [smem:$0x3F98];
	s0 =	simm.s32 @p1 $0x1  }
0x15: {  	[smem:$0x3FB5] =	sst s0;
	s0 =	simm.s32 @!p2 $0x0  }
0x16: {  	s3 =	sld [smem:$0x3FDB];
	s0 =	simm.s32 @p2 $0x1  }
0x17: {  	s4 =	simm.s32 $0x1BF5;
	[smem:$0x3FB7] =	sst s0  }
0x18: {  	s0 =	sld [smem:$0x3F9A];
	_ =	swait.ge [sflag:s4], $0x0  }
0x19: {  	s7 =	sld [smem:$0x3F9B]  }
0x1a: {  	s8 =	sadd.s32 $0xFFFFE003, lr  }
0x1b: {  	s9 =	sadd.s32 $0xFFFFFEF7, lr;
	s5 =	simm.s32 $0xFFFFFFFF;
	p2 =	slt.u32 s8, $0xFFFFF086  }
0x1c: {  	p1 =	slt.u32 s9, $0xF7A;
	s5 =	simm.s32 @!p2 $0x0  }
0x1d: {  	s5 =	simm.s32 @p1 $0x1;
	p0 =	seq.s32 s7, s2  }
0x1e: {  	s7 =	smul.u32 @!p0 $0xF7A, s2;
	p2 =	seq.s32 @!p0 s5, $0x0  }
0x1f: {  	s9 =	smul.u32 $0xF7A, s1;
	s8 =	simm.s32 @!p0 $0x1BF5;
	p2 =	por !p2, p0  }
0x20: {  	[sflag:s8] =	ssyncset.s32 @!p0 $0xFFFFF086;
	s6 =	sadd.s32 @!p0 s3, s7;
	s7 =	simm.s32 @!p0 $0x108  }
0x21: {  	s3 =	sadd.s32 s3, s9;
	s6 =	sadd.s32 @!p0 $0x88, s6;
	s7 =	simm.s32 @p2 $0x1082  }
0x22: {  	[simem:s7], [sflag:s8] =	dma.local @!p0 [hbm:s6], $0xF7A  }
0x23: {  	s9 =	sor.u32 $0xD0000000, s2;
	s6 =	simm.s32 $0x108;
	_ =	swait.ge @!p0 [sflag:s8], $0x0  }
0x24: {  	s3 =	sadd.s32 $0x88, s3;
	s6 =	simm.s32 @!p1 $0x1082;
	[sflag:s4] =	ssyncset.s32 $0xFFFFF086  }
0x25: {  	[simem:s6], [sflag:s4] =	dma.local [hbm:s3], $0xF7A  }
0x26: {  	[smem:$0x3F9B] =	sst s1;
	(tag) =	ssettag s2;
	_ =	strace s9  }
0x27: {  	s1 =	sld [smem:$0x3FAB]  }
0x28: {  	s2 =	sld [smem:$0x3FAC]  }
0x29: {  	s4 =	sld [smem:$0x3FAE]  }
0x2a: {  	p0 =	seq.s32 s5, $0x0;
	s5 =	sld [smem:$0x3FAF]  }
0x2b: {  	s6 =	sld [smem:$0x3FB0]  }
0x2c: {  	s7 =	sld [smem:$0x3FB1]  }
0x2d: {  	s3 =	simm.s32 $0x108;
	s8 =	sld [smem:$0x3FB2]  }
0x2e: {  	s3 =	simm.s32 @!p0 $0x1082;
	s9 =	sld [smem:$0x3FB3]  }
0x2f: {  	lr =	sadd.s32 s0, s3;
	s0 =	sld [smem:$0x3FAA]  }
0x30: {  	s3 =	sld [smem:$0x3FAD]  }
0x31: {  	[smem:$0x3FB6] =	sst s10  }
0x32: {  	s10 =	sld [smem:$0x3FB4];
	_ =	sdelay $0x3  }
0x33: {  	p0 =	seq.s32 s10, $0x1;
	s10 =	sld [smem:$0x3FB6];
	_ =	sdelay $0x3  }
0x34: {  	[smem:$0x3FB6] =	sst s10  }
0x35: {  	s10 =	sld [smem:$0x3FB5];
	_ =	sdelay $0x3  }
0x36: {  	p1 =	seq.s32 s10, $0x1;
	s10 =	sld [smem:$0x3FB6];
	_ =	sdelay $0x3  }
0x37: {  	[smem:$0x3FB6] =	sst s10  }
0x38: {  	s10 =	sld [smem:$0x3FB7]  }
0x39: {  	_ = 	snop;
	(pc) =	sbr.ind lr, $3  }
0x3a: {  	_ = 	snop  }
0x3b: {  	_ = 	snop  }
0x3c: {  	p2 =	seq.s32 s10, $0x1;
	s10 =	sld [smem:$0x3FB6]  }
0x3d: {  	_ =	shalt  }
0x3e: {  	_ =	shalt  }
0x3f: {  	_ =	shalt  }
0x40: {  	_ =	shalt  }
0x41: {  	_ =	shalt  }
0x42: {  	_ =	shalt  }
0x43: {  	_ =	shalt  }
0x44: {  	_ =	shalt  }
0x45: {  	_ =	shalt  }
0x46: {  	_ =	shalt  }
0x47: {  	_ =	shalt  }
0x48: {  	_ =	shalt  }
0x49: {  	_ =	shalt  }
0x4a: {  	_ =	shalt  }
0x4b: {  	_ =	shalt  }
0x4c: {  	_ =	shalt  }
0x4d: {  	_ =	shalt  }
0x4e: {  	_ =	shalt  }
0x4f: {  	_ =	shalt  }
0x50: {  	_ =	shalt  }
0x51: {  	_ =	shalt  }
0x52: {  	_ =	shalt  }
0x53: {  	_ =	shalt  }
0x54: {  	_ =	shalt  }
0x55: {  	_ =	shalt  }
0x56: {  	_ =	shalt  }
0x57: {  	_ =	shalt  }
0x58: {  	_ =	shalt  }
0x59: {  	_ =	shalt  }
0x5a: {  	_ =	shalt  }
0x5b: {  	_ =	shalt  }
0x5c: {  	_ =	shalt  }
0x5d: {  	_ =	shalt  }
0x5e: {  	_ =	shalt  }
0x5f: {  	_ =	shalt  }
0x60: {  	_ =	shalt  }
0x61: {  	_ =	shalt  }
0x62: {  	_ =	shalt  }
0x63: {  	_ =	shalt  }
0x64: {  	_ =	shalt  }
0x65: {  	_ =	shalt  }
0x66: {  	_ =	shalt  }
0x67: {  	_ =	shalt  }
0x68: {  	_ =	shalt  }
0x69: {  	_ =	shalt  }
0x6a: {  	_ =	shalt  }
0x6b: {  	_ =	shalt  }
0x6c: {  	_ =	shalt  }
0x6d: {  	_ =	shalt  }
0x6e: {  	_ =	shalt  }
0x6f: {  	_ =	shalt  }
0x70: {  	_ =	shalt  }
0x71: {  	_ =	shalt  }
0x72: {  	_ =	shalt  }
0x73: {  	_ =	shalt  }
0x74: {  	_ =	shalt  }
0x75: {  	_ =	shalt  }
0x76: {  	_ =	shalt  }
0x77: {  	_ =	shalt  }
0x78: {  	_ =	shalt  }
0x79: {  	_ =	shalt  }
0x7a: {  	_ =	shalt  }
0x7b: {  	_ =	shalt  }
0x7c: {  	_ =	shalt  }
0x7d: {  	_ =	shalt  }
0x7e: {  	_ =	shalt  }
0x7f: {  	_ =	shalt  }
0x80: {  	_ =	shalt  }
0x81: {  	_ =	shalt  }
0x82: {  	_ =	shalt  }
0x83: {  	_ =	shalt  }
0x84: {  	_ =	shalt  }
0x85: {  	_ =	shalt  }
0x86: {  	_ =	shalt  }
0x87: {  	_ =	shalt  }
.Lfunc_end0:
.L_simem_size_0:
called_computation.1_lowered:
.L_overlay_start_0:
0x88: {  	s2 =	sld [smem:$0x3FD9]  }
0x89: {  	s3 =	sld [smem:$0x3FFE];
	_ =	sdelay $0x1  }
0x8a: {  	s1 =	srdreg.scid  }
0x8b: {  	s0 =	sand.u32 $0x1, s1  }
0x8c: {  	s16 =	sshll.u32 s0, $0xA;
	s2 =	sadd.s32 s3, s2  }
0x8d: {  	s2 =	sadd.s32 s2, s16  }
0x8e: {  	[smem:$0x3FC2] =	sst s2  }
0x8f: {  	_ = 	snop  }
0x90: {  	(tm) =	ssettm $0x1  }
0x91: {  	s17 =	sld [smem:$0x3FFB];
	_ =	sdelay $0x3  }
0x92: {  	_ =	strace s17  }
0x93: {  	s2 =	sld [smem:$0x3FFC];
	_ =	sdelay $0x3  }
0x94: {  	_ =	strace s2  }
0x95: {  	s2 =	sld [smem:$0x3FFD];
	_ =	sdelay $0x3  }
0x96: {  	_ =	strace s2  }
0x97: {  	_ =	strace $0x8FFFFFFF  }
0x98: {  	s18 =	sld [smem:$0x3FDB];
	_ =	sdelay $0x1  }
0x99: {  	s19 =	simm.s32 $_scs_section_size  }
0x9a: {  	s4 =	simm.s32 $_size__tile_overlayer_lowered;
	s5 =	simm.s32 $_tile_overlayer_lowered  }
0x9b: {  	s22 =	simm.s32 $0x1BFF;
	s21 =	sshll.u32 s5, $0x1;
	s2 =	sadd.s32 s19, s18  }
0x9c: {  	s6 =	simm.s32 $0x0;
	s20 =	sshll.u32 s4, $0x1;
	s4 =	sadd.s32 s21, s2  }
0x9d: {  	[timem:s6], [sflag:s22] =	dma.local [hbm:s4], s20  }
0x9e: {  	_ =	swait.ge [sflag:s22], s20  }
0x9f: {  	s3 =	ssub.s32 $0x0, s20;
	[sflag:s22] =	ssyncset.done $0x0  }
0xa0: {  	[sflag:s22] =	ssyncadd.s32 s3;
	_ =	sdelay $0x1  }
0xa1: {  	s23 =	simm.s32 $0x1B8B  }
0xa2: {  	_ =	swait.ge [sflag:s23], $0x1  }
0xa3: {  	[sflag:s23] =	ssyncset.done $0x0  }
0xa4: {  	s25 =	simm.s32 $0x1B8E;
	s24 =	sld [smem:$0x3FFE];
	[sflag:s23] =	ssyncadd.s32 $0xFFFFFFFF  }
0xa5: {  	s26 =	simm.s32 $execute0_lowered;
	[smem:$0x3FD2] =	sst s25  }
0xa6: {  	s4 =	sshll.u32 s26, $0x1;
	_ =	strace $0x80000049;
	[dreg:$0x1] =	wrdreg $0xFFFFFFFF  }
0xa7: {  	s28 =	simm.s32 $_size_execute0_lowered;
	s2 =	sadd.s32 s2, s4;
	[dreg:$0x0] =	wrdreg $0x0  }
0xa8: {  	s4 =	sshll.u32 s28, $0x1;
	[dreg:$0x2] =	wrdreg s2  }
0xa9: {  	[dreg:$0x3] =	wrdreg s4  }
0xaa: {  	[dreg:$0x4] =	wrdreg $0xC0  }
0xab: {  	_ =	task [dreg:s6], $0x5FFFF  }
0xac: {  	[dreg:$0x1] =	wrdreg $0xFFFFFFFF  }
0xad: {  	[dreg:$0x0] =	wrdreg $0x60  }
0xae: {  	[dreg:$0x2] =	wrdreg s24  }
0xaf: {  	[dreg:$0x3] =	wrdreg $0xA2000  }
0xb0: {  	[dreg:$0x4] =	wrdreg $0x9  }
0xb1: {  	_ =	task.clear_ibuf [dreg:s6], $0x5FFFF;
	_ =	strace $0x90000049  }
0xb2: {  	s29 =	simm.s32 $0x9;
	_ =	strace $0x8000004B  }
0xb3: {  	_ =	swait.ge [sflag:s29], $0x1  }
0xb4: {  	[sflag:s29] =	ssyncadd.s32 $0xFFFFFFFF  }
0xb5: {  	_ =	strace $0x9000004B  }
0xb6: {  	_ =	sfence  }
0xb7: {  	s30 =	sld [smem:$0x0];
	_ =	sdelay $0x2  }
0xb8: {  	s31 =	sshll.u32 s1, $0xD;
	s1 =	sshrl.u32 s1, $0x2  }
0xb9: {  	s3 =	sand.u32 $0x4000, s31;
	s1 =	sadd.s32 s1, s30  }
0xba: {  	s0 =	sor.u32 s3, s0;
	s1 =	sshll.u32 s1, $0x11  }
0xbb: {  	s0 =	sor.u32 s1, s0  }
0xbc: {  	s0 =	sadd.s32 $0x8F2B, s0  }
0xbd: {  	[sflag:s0] =	ssyncadd.remote.s32 $0x1  }
0xbe: {  	_ =	sfence.sel $0xFFFF  }
0xbf: {  	[dreg:$0x0] =	wrdreg $0xFFFFFFFF;
	(pc) =	sbr.abs _section_cstart, $3  }
0xc0: {  	[dreg:$0x1] =	wrdreg $0xFFFFFFFF  }
0xc1: {  	_ =	task.clear_ibuf [dreg:s6], $0x2FFFF;
	_ =	strace $0x9FFFFFFF  }
0xc2: {  	(tm) =	ssettm $0x7FFFFFFF  }
0xc3: {  	_ =	shalt  }
tec
execute0_lowered:
.L_overlay_start_1:
0x0: {  	(tag) =	ssettag $0x1  }
0x1: {  	s1 =	rddreg [dreg:$0x0]  }
0x2: {  	s2 =	rddreg [dreg:$0x1];
	s0 =	stileid.u32  }
0x3: {  	s3 =	srdreg.scid;
	s21 =	simm.s32 $0x80;
	s22 =	simm.s32 $0x1  }
0x4: {  	s23 =	simm.s32 $0x8200;
	s24 =	simm.s32 $0x2;
	s28 =	simm.s32 $0x100  }
0x5: {  	s29 =	simm.s32 $0x4;
	s30 =	simm.s32 $0x0;
	s4 =	smul.u32 $0x3C, s0  }
0x6: {  	s20 =	sand.u32 $0x1, s3;
	s5 =	smul.u32 $0x62, s0;
	s3 =	simm.s32 $0x0  }
0x7: {  	s11 =	smul.u32 $0xA000, s0;
	p0 =	seq.s32 s20, $0x0;
	[smem:$0x7FF] =	sst s3  }
0x8: {  	s25 =	ssub.s32 $0x2, s20;
	s14 =	smul.u32 $0xA0000, s20;
	s4 =	sadd.s32 $0x620, s4  }
0x9: {  	_ =	strace $0x8000004A;
	s7 =	sshrl.u32 s25, $0x1;
	s12 =	sadd.s32 $0x2000, s11  }
0xa: {  	s15 =	sadd.s32 $0x4000, s11;
	s16 =	sadd.s32 $0x6000, s11;
	s18 =	sadd.s32 $0x8000, s11  }
0xb: {  	s4 =	smov.u32 @p0 s5;
	s17 =	ssub.s32 s25, s7;
	s7 =	sadd.s32 s11, s2  }
0xc: {  	s8 =	sadd.s32 s12, s2;
	s9 =	sadd.s32 s15, s2;
	s10 =	sadd.s32 s16, s2  }
0xd: {  	s13 =	sadd.s32 s11, s14;
	s19 =	sadd.s32 s14, s12;
	s11 =	sadd.s32 s18, s2  }
0xe: {  	s15 =	sadd.s32 s14, s15;
	s16 =	sadd.s32 s14, s16;
	s18 =	sadd.s32 s14, s18  }
0xf: {  	p0 =	sne.s32 s20, $0x0;
	s20 =	simm.s32 $0x6200;
	s25 =	simm.s32 $0x3180  }
0x10: {  	s5 =	sshll.u32 s4, $0x4;
	s4 =	sadd.s32 $0x15200, s1;
	s13 =	sshrl.u32 s13, $0x3  }
0x11: {  	s26 =	sshrl.u32 s19, $0x3;
	s15 =	sshrl.u32 s15, $0x3;
	s16 =	sshrl.u32 s16, $0x3  }
.Ltmp0:
0x12: {  	s31 =	sshrl.u32 s18, $0x3;
	s17 =	smax.u32 s17, $0x1;
	(pc) =	sbr.rel .LBB2_1-.Ltmp0, $4  }
0x13: {  	s18 =	simm.s32 $0x5;
	s19 =	simm.s32 $0x3100;
	s6 =	sadd.s32 s5, s1  }
0x14: {  	s1 =	sadd.s32 $0x29200, s1;
	s5 =	sadd.s32 $0xB400, s6;
	s6 =	sadd.s32 $0xC00, s6  }
0x15: {  	s12 =	sadd.s32 s1, s13;
	s13 =	sadd.s32 s1, s26;
	s14 =	sadd.s32 s1, s15  }
0x16: {  	v0 =	vimm.f32 $0.0e+00;
	s15 =	sadd.s32 s1, s16;
	s16 =	sadd.s32 s1, s31;
	s26 =	simm.s32 $0x3  }
.LBB2_10:
0x17: {  	_ =	swait.ge [sflag:s29], $0x2000  }
0x18: {  	[sflag:s29] =	ssyncset.done $0x0  }
0x19: {  	[sflag:s29] =	ssyncadd.s32 $0xFFFFE000  }
0x1a: {  	[bflag:$0x0] =	sbarrier.arrive $0xFFFF  }
0x1b: {  	[tilespmem:s20], [sflag:$0x5] =	stream.linear.gather [spmem:s7], $0x2000, $0x38;
	[tilespmem:$0x14200] =	vst v63  }
0x1c: {  	_ =	swait.ge [sflag:s18], $0x2000  }
0x1d: {  	[sflag:s18] =	ssyncset.done $0x0  }
0x1e: {  	[sflag:s18] =	ssyncadd.s32 $0xFFFFE000  }
0x1f: {  	[hbm4b:s12+s3] =	stream.linear.scatter [tilespmem:s20], [sflag:$0x5], $0x2000, $0x38;
	[tilespmem:$0x14200] =	vst v63  }
0x20: {  	_ =	swait.ge [sflag:s18], $0x2000  }
0x21: {  	[sflag:s18] =	ssyncset.done $0x0  }
0x22: {  	[sflag:s18] =	ssyncadd.s32 $0xFFFFE000  }
0x23: {  	[tilespmem:s20], [sflag:$0x5] =	stream.linear.gather [spmem:s8], $0x2000, $0x38;
	[tilespmem:$0x14200] =	vst v63  }
0x24: {  	_ =	swait.ge [sflag:s18], $0x2000  }
0x25: {  	[sflag:s18] =	ssyncset.done $0x0  }
0x26: {  	[sflag:s18] =	ssyncadd.s32 $0xFFFFE000  }
0x27: {  	[hbm4b:s13+s3] =	stream.linear.scatter [tilespmem:s20], [sflag:$0x5], $0x2000, $0x38;
	[tilespmem:$0x14200] =	vst v63  }
0x28: {  	_ =	swait.ge [sflag:s18], $0x2000  }
0x29: {  	[sflag:s18] =	ssyncset.done $0x0  }
0x2a: {  	[sflag:s18] =	ssyncadd.s32 $0xFFFFE000  }
0x2b: {  	[tilespmem:s20], [sflag:$0x5] =	stream.linear.gather [spmem:s9], $0x2000, $0x38;
	[tilespmem:$0x14200] =	vst v63  }
0x2c: {  	_ =	swait.ge [sflag:s18], $0x2000  }
0x2d: {  	[sflag:s18] =	ssyncset.done $0x0  }
0x2e: {  	[sflag:s18] =	ssyncadd.s32 $0xFFFFE000  }
0x2f: {  	[hbm4b:s14+s3] =	stream.linear.scatter [tilespmem:s20], [sflag:$0x5], $0x2000, $0x38;
	[tilespmem:$0x14200] =	vst v63  }
0x30: {  	_ =	swait.ge [sflag:s18], $0x2000  }
0x31: {  	[sflag:s18] =	ssyncset.done $0x0  }
0x32: {  	[sflag:s18] =	ssyncadd.s32 $0xFFFFE000  }
0x33: {  	[tilespmem:s20], [sflag:$0x5] =	stream.linear.gather [spmem:s10], $0x2000, $0x38;
	[tilespmem:$0x14200] =	vst v63  }
0x34: {  	_ =	swait.ge [sflag:s18], $0x2000  }
0x35: {  	[sflag:s18] =	ssyncset.done $0x0  }
0x36: {  	[sflag:s18] =	ssyncadd.s32 $0xFFFFE000  }
0x37: {  	[hbm4b:s15+s3] =	stream.linear.scatter [tilespmem:s20], [sflag:$0x5], $0x2000, $0x38;
	[tilespmem:$0x14200] =	vst v63  }
0x38: {  	_ =	swait.ge [sflag:s18], $0x2000  }
0x39: {  	[sflag:s18] =	ssyncset.done $0x0  }
0x3a: {  	[sflag:s18] =	ssyncadd.s32 $0xFFFFE000  }
0x3b: {  	[tilespmem:s20], [sflag:$0x5] =	stream.linear.gather [spmem:s11], $0x2000, $0x38;
	[tilespmem:$0x14200] =	vst v63  }
0x3c: {  	s30 =	sadd.s32 $0x1, s30;
	_ =	swait.ge [sflag:s18], $0x2000  }
0x3d: {  	p1 =	sne.s32 s30, s17;
	[sflag:s18] =	ssyncset.done $0x0  }
.Ltmp1:
0x3e: {  	[sflag:s18] =	ssyncadd.s32 $0xFFFFE000;
	(pc) =	sbr.rel @!p1 .LBB2_11-.Ltmp1, $4  }
0x3f: {  	[hbm4b:s16+s3] =	stream.linear.scatter [tilespmem:s20], [sflag:$0x5], $0x2000, $0x38;
	[tilespmem:$0x14200] =	vst v63  }
0x40: {  	_ =	swait.ge [sflag:s18], $0x2000  }
0x41: {  	[sflag:s18] =	ssyncset.done $0x0  }
0x42: {  	[sflag:s18] =	ssyncadd.s32 $0xFFFFE000  }
.LBB2_1:
0x43: {  	[tilespmem:s3], [sflag:$0x5] =	stream.linear.gather [hbm4b:s5+s3], $0x3100, $0x38;
	[tilespmem:$0x14200] =	vst v63  }
0x44: {  	_ =	swait.ge [sflag:s18], $0x3100  }
0x45: {  	[sflag:s18] =	ssyncset.done $0x0  }
0x46: {  	[sflag:s18] =	ssyncadd.s32 $0xFFFFCF00  }
0x47: {  	[tilespmem:s19], [sflag:$0x5] =	stream.linear.gather [hbm4b:s6+s3], $0x3100, $0x38;
	[tilespmem:$0x14200] =	vst v63  }
0x48: {  	_ =	swait.ge [sflag:s18], $0x3100  }
0x49: {  	[sflag:s18] =	ssyncset.done $0x0  }
0x4a: {  	s31 =	simm.s32 $0x100;
	s1 =	simm.s32 $0x0;
	[sflag:s18] =	ssyncadd.s32 $0xFFFFCF00  }
.LBB2_2:
0x4b: {  	p1 =	sne.s32 s31, $0x7F00;
	[tilespmem:s1+$0x6230] =	vst v0;
	s0 =	smov.u32 s31;
	s31 =	sadd.s32 $0x100, s31  }
.Ltmp2:
0x4c: {  	[tilespmem:s1+$0x6220] =	vst v0;
	(pc) =	sbr.rel @p1 .LBB2_2-.Ltmp2, $3  }
0x4d: {  	[tilespmem:s1+$0x6200] =	vst v0  }
0x4e: {  	[tilespmem:s1+$0x6210] =	vst v0;
	_ =	sdelay $0x1  }
0x4f: {  	s1 =	sshra.s32 s0, $0x2  }
0x50: {  	[tilespmem:s1+$0x6230] =	vst v0  }
0x51: {  	[tilespmem:s1+$0x6220] =	vst v0  }
0x52: {  	[tilespmem:s1+$0x6200] =	vst v0  }
0x53: {  	[tilespmem:s1+$0x6210] =	vst v0  }
0x54: {  	[spmem:s7] =	stream.linear.scatter [tilespmem:s20], [sflag:$0x5], $0x2000, $0x38;
	[tilespmem:$0x14200] =	vst v63  }
0x55: {  	_ =	swait.ge [sflag:s18], $0x2000  }
0x56: {  	[sflag:s18] =	ssyncset.done $0x0  }
0x57: {  	[sflag:s18] =	ssyncadd.s32 $0xFFFFE000  }
0x58: {  	[spmem:s8] =	stream.linear.scatter [tilespmem:s20], [sflag:$0x5], $0x2000, $0x38;
	[tilespmem:$0x14200] =	vst v63  }
0x59: {  	_ =	swait.ge [sflag:s18], $0x2000  }
0x5a: {  	[sflag:s18] =	ssyncset.done $0x0  }
0x5b: {  	[sflag:s18] =	ssyncadd.s32 $0xFFFFE000  }
0x5c: {  	[spmem:s9] =	stream.linear.scatter [tilespmem:s20], [sflag:$0x5], $0x2000, $0x38;
	[tilespmem:$0x14200] =	vst v63  }
0x5d: {  	_ =	swait.ge [sflag:s18], $0x2000  }
0x5e: {  	[sflag:s18] =	ssyncset.done $0x0  }
0x5f: {  	[sflag:s18] =	ssyncadd.s32 $0xFFFFE000  }
0x60: {  	[spmem:s10] =	stream.linear.scatter [tilespmem:s20], [sflag:$0x5], $0x2000, $0x38;
	[tilespmem:$0x14200] =	vst v63  }
0x61: {  	_ =	swait.ge [sflag:s18], $0x2000  }
0x62: {  	[sflag:s18] =	ssyncset.done $0x0  }
0x63: {  	[sflag:s18] =	ssyncadd.s32 $0xFFFFE000  }
0x64: {  	[spmem:s11] =	stream.linear.scatter [tilespmem:s20], [sflag:$0x5], $0x2000, $0x38;
	[tilespmem:$0x14200] =	vst v63  }
0x65: {  	_ =	swait.ge [sflag:s18], $0x2000  }
0x66: {  	[sflag:s18] =	ssyncset.done $0x0  }
0x67: {  	[sflag:s18] =	ssyncadd.s32 $0xFFFFE000  }
0x68: {  	[bflag:$0x0] =	sbarrier.arrive $0xFFFF  }
0x69: {  	[tilespmem:s20], [sflag:$0x1] =	stream.indirect.gather [hbm4b:s4+s21], $0x40, s3, s21, $0xb8;
	[tilespmem:$0x14200] =	vst v63  }
.Ltmp3:
0x6a: {  	_ = 	snop;
	(pc) =	sbr.rel @p0 .LBB2_7-.Ltmp3, $4  }
0x6b: {  	_ =	swait.ge [sflag:s22], $0x2000  }
0x6c: {  	[sflag:s22] =	ssyncset.done $0x0  }
0x6d: {  	[sflag:s22] =	ssyncadd.s32 $0xFFFFE000  }
0x6e: {  	[spmem:s2] =	stream.indirect.scatter.add.f32 [tilespmem:s20], [sflag:$0x3], $0x40, s19, s21, $0xb8;
	[tilespmem:$0x14200] =	vst v63  }
0x6f: {  	[tilespmem:s23], [sflag:$0x2] =	stream.indirect.gather [hbm4b:s4+s21], $0x40, s21, s21, $0xb8;
	[tilespmem:$0x14200] =	vst v63  }
0x70: {  	_ =	swait.ge [sflag:s24], $0x2000  }
0x71: {  	[sflag:s24] =	ssyncset.done $0x0  }
0x72: {  	[sflag:s24] =	ssyncadd.s32 $0xFFFFE000  }
0x73: {  	[spmem:s2] =	stream.indirect.scatter.add.f32 [tilespmem:s23], [sflag:$0x4], $0x40, s25, s21, $0xb8;
	[tilespmem:$0x14200] =	vst v63  }
0x74: {  	_ =	swait.ge [sflag:s26], $0x2000  }
0x75: {  	[sflag:s26] =	ssyncset.done $0x0  }
0x76: {  	s31 =	simm.s32 $0xFFFF4400;
	[sflag:s26] =	ssyncadd.s32 $0xFFFFE000  }
0x77: {  	[tilespmem:s20], [sflag:$0x1] =	stream.indirect.gather [hbm4b:s4+s21], $0x40, s28, s21, $0xb8;
	[tilespmem:$0x14200] =	vst v63  }
.LBB2_5:
0x78: {  	_ =	swait.ge [sflag:s22], $0x2000  }
0x79: {  	s1 =	sshra.s32 s31, $0x2;
	[sflag:s22] =	ssyncset.done $0x0  }
0x7a: {  	s0 =	sadd.s32 $0x6100, s1;
	[sflag:s22] =	ssyncadd.s32 $0xFFFFE000  }
0x7b: {  	[spmem:s2] =	stream.indirect.scatter.add.f32 [tilespmem:s20], [sflag:$0x3], $0x40, s0, s21, $0xb8;
	[tilespmem:$0x14200] =	vst v63  }
0x7c: {  	_ =	swait.ge [sflag:s29], $0x2000  }
0x7d: {  	[sflag:s29] =	ssyncset.done $0x0  }
0x7e: {  	s0 =	sadd.s32 $0x3080, s1;
	[sflag:s29] =	ssyncadd.s32 $0xFFFFE000  }
0x7f: {  	[tilespmem:s23], [sflag:$0x2] =	stream.indirect.gather [hbm4b:s4+s21], $0x40, s0, s21, $0xb8;
	[tilespmem:$0x14200] =	vst v63  }
0x80: {  	_ =	swait.ge [sflag:s24], $0x2000  }
0x81: {  	p1 =	seq.s32 s31, $0x0;
	[sflag:s24] =	ssyncset.done $0x0  }
.Ltmp4:
0x82: {  	s0 =	sadd.s32 $0x6180, s1;
	[sflag:s24] =	ssyncadd.s32 $0xFFFFE000;
	(pc) =	sbr.rel @p1 .LBB2_10-.Ltmp4, $4  }
0x83: {  	[spmem:s2] =	stream.indirect.scatter.add.f32 [tilespmem:s23], [sflag:$0x4], $0x40, s0, s21, $0xb8;
	[tilespmem:$0x14200] =	vst v63  }
0x84: {  	_ =	swait.ge [sflag:s26], $0x2000  }
0x85: {  	[sflag:s26] =	ssyncset.done $0x0  }
0x86: {  	[sflag:s26] =	ssyncadd.s32 $0xFFFFE000  }
.Ltmp5:
0x87: {  	(pc) =	sbr.rel .LBB2_5-.Ltmp5, $3  }
0x88: {  	_ =	sdelay $0x1  }
0x89: {  	s0 =	sadd.s32 $0x3100, s1;
	s31 =	sadd.s32 $0x400, s31  }
0x8a: {  	[tilespmem:s20], [sflag:$0x1] =	stream.indirect.gather [hbm4b:s4+s21], $0x40, s0, s21, $0xb8;
	[tilespmem:$0x14200] =	vst v63  }
.LBB2_7:
0x8b: {  	[tilespmem:s23], [sflag:$0x2] =	stream.indirect.gather [hbm4b:s4+s21], $0x40, s21, s21, $0xb8;
	[tilespmem:$0x14200] =	vst v63  }
0x8c: {  	_ =	swait.ge [sflag:s24], $0x2000  }
0x8d: {  	[sflag:s24] =	ssyncset.done $0x0  }
0x8e: {  	[sflag:s24] =	ssyncadd.s32 $0xFFFFE000  }
0x8f: {  	[spmem:s2] =	stream.indirect.scatter.add.f32 [tilespmem:s23], [sflag:$0x4], $0x40, s25, s21, $0xb8;
	[tilespmem:$0x14200] =	vst v63  }
0x90: {  	_ =	swait.ge [sflag:s26], $0x2000  }
0x91: {  	[sflag:s26] =	ssyncset.done $0x0  }
0x92: {  	s31 =	simm.s32 $0xFFFF9000;
	[sflag:s26] =	ssyncadd.s32 $0xFFFFE000  }
0x93: {  	[tilespmem:s20], [sflag:$0x1] =	stream.indirect.gather [hbm4b:s4+s21], $0x40, s28, s21, $0xb8;
	[tilespmem:$0x14200] =	vst v63  }
.LBB2_8:
0x94: {  	_ =	swait.ge [sflag:s22], $0x2000  }
0x95: {  	s1 =	sshra.s32 s31, $0x2;
	[sflag:s22] =	ssyncset.done $0x0  }
0x96: {  	s0 =	sadd.s32 $0x4E00, s1;
	[sflag:s22] =	ssyncadd.s32 $0xFFFFE000  }
0x97: {  	[spmem:s2] =	stream.indirect.scatter.add.f32 [tilespmem:s20], [sflag:$0x3], $0x40, s0, s21, $0xb8;
	[tilespmem:$0x14200] =	vst v63  }
0x98: {  	_ =	swait.ge [sflag:s29], $0x2000  }
0x99: {  	[sflag:s29] =	ssyncset.done $0x0  }
0x9a: {  	s0 =	sadd.s32 $0x1D80, s1;
	[sflag:s29] =	ssyncadd.s32 $0xFFFFE000  }
0x9b: {  	[tilespmem:s23], [sflag:$0x2] =	stream.indirect.gather [hbm4b:s4+s21], $0x40, s0, s21, $0xb8;
	[tilespmem:$0x14200] =	vst v63  }
0x9c: {  	_ =	swait.ge [sflag:s24], $0x2000  }
0x9d: {  	p1 =	seq.s32 s31, $0x0;
	[sflag:s24] =	ssyncset.done $0x0  }
.Ltmp6:
0x9e: {  	s0 =	sadd.s32 $0x4E80, s1;
	[sflag:s24] =	ssyncadd.s32 $0xFFFFE000;
	(pc) =	sbr.rel @p1 .LBB2_10-.Ltmp6, $4  }
0x9f: {  	[spmem:s2] =	stream.indirect.scatter.add.f32 [tilespmem:s23], [sflag:$0x4], $0x40, s0, s21, $0xb8;
	[tilespmem:$0x14200] =	vst v63  }
0xa0: {  	_ =	swait.ge [sflag:s26], $0x2000  }
0xa1: {  	[sflag:s26] =	ssyncset.done $0x0  }
0xa2: {  	[sflag:s26] =	ssyncadd.s32 $0xFFFFE000  }
.Ltmp7:
0xa3: {  	(pc) =	sbr.rel .LBB2_8-.Ltmp7, $3  }
0xa4: {  	_ =	sdelay $0x1  }
0xa5: {  	s0 =	sadd.s32 $0x1E00, s1;
	s31 =	sadd.s32 $0x400, s31  }
0xa6: {  	[tilespmem:s20], [sflag:$0x1] =	stream.indirect.gather [hbm4b:s4+s21], $0x40, s0, s21, $0xb8;
	[tilespmem:$0x14200] =	vst v63  }
.LBB2_11:
0xa7: {  	_ =	sfence.sel $0x180000  }
0xa8: {  	[bflag:$0x0] =	sbarrier.arrive $0xFFFF  }
0xa9: {  	_ =	strace $0x9000004A  }
0xaa: {  	s0 =	stileid.u32;
	[bflag:$0x2] =	sbarrier.arrive $0xFFFF  }
0xab: {  	p0 =	sne.s32 s0, $0x0;
	s0 =	rddreg [dreg:$0x2]  }
0xac: {  	s0 =	sadd.s32 @!p0 $0x100000, s0  }
0xad: {  	[sflag:s0] =	ssyncadd.tile.s32 @!p0 $0x1;
	_ =	shalt  }
.Lfunc_end2:
_tile_overlayer_lowered:
.L_overlay_start_2:
0xae: {  	(tag) =	ssettag $0x2  }
0xaf: {  	s0 =	rddreg [dreg:$0x0];
	s2 =	stileid.u32  }
0xb0: {  	s1 =	rddreg [dreg:$0x1];
	p0 =	sne.s32 s2, $0x0  }
0xb1: {  	s3 =	rddreg [dreg:$0x2];
	[bflag:$0x3] =	sbarrier.arrive $0xFFFF;
	s2 =	simm.s32 @!p0 $0x1C05  }
0xb2: {  	[timem:s3], [sflag:s2] =	dma.local @!p0 [hbm:s0], s1  }
0xb3: {  	s0 =	simm.s32 @!p0 $0x5  }
0xb4: {  	_ =	swait.ge @!p0 [sflag:s0], s1  }
0xb5: {  	s1 =	ssub.s32 @!p0 $0x0, s1;
	[sflag:s0] =	ssyncset.done @!p0 $0x0  }
0xb6: {  	[sflag:s0] =	ssyncadd.s32 @!p0 s1  }
0xb7: {  	[bflag:$0x3] =	sbarrier.arrive $0xFFFF  }
0xb8: {  	_ =	shalt  }

// kernel: kernel.14.cloned.1.call-start
scs
__scs_entry_jumppad:
0x0: {  	(pc) =	sbr.rel $0x88, $3  }
0x1: {  	(tag) =	ssettag $0x0;
	lr =	simm.s32 $0x1  }
0x2: {  	[smem:$0x3F9B] =	sst lr;
	_ =	strace $0xD0000000  }
0x3: {  	_ = 	snop  }
0x4: {  	_ = 	snop  }
0x5: {  	_ = 	snop  }
0x6: {  	_ = 	snop  }
0x7: {  	_ = 	snop  }
__scs_overlays_trampoline_lowered:
0x8: {  	[smem:$0x3FAA] =	sst s0  }
0x9: {  	[smem:$0x3FAB] =	sst s1  }
0xa: {  	[smem:$0x3FAC] =	sst s2  }
0xb: {  	[smem:$0x3FAD] =	sst s3  }
0xc: {  	[smem:$0x3FAE] =	sst s4  }
0xd: {  	[smem:$0x3FAF] =	sst s5  }
0xe: {  	[smem:$0x3FB0] =	sst s6  }
0xf: {  	[smem:$0x3FB1] =	sst s7  }
0x10: {  	[smem:$0x3FB2] =	sst s8  }
0x11: {  	[smem:$0x3FB3] =	sst s9;
	s0 =	simm.s32 @!p0 $0x0  }
0x12: {  	s1 =	sld [smem:$0x3F99];
	s0 =	simm.s32 @p0 $0x1  }
0x13: {  	[smem:$0x3FB4] =	sst s0;
	s0 =	simm.s32 @!p1 $0x0  }
0x14: {  	s2 =	sld [smem:$0x3F98];
	s0 =	simm.s32 @p1 $0x1  }
0x15: {  	[smem:$0x3FB5] =	sst s0;
	s0 =	simm.s32 @!p2 $0x0  }
0x16: {  	s3 =	sld [smem:$0x3FDB];
	s0 =	simm.s32 @p2 $0x1  }
0x17: {  	s4 =	simm.s32 $0x1BF5;
	[smem:$0x3FB7] =	sst s0  }
0x18: {  	s0 =	sld [smem:$0x3F9A];
	_ =	swait.ge [sflag:s4], $0x0  }
0x19: {  	s7 =	sld [smem:$0x3F9B]  }
0x1a: {  	s8 =	sadd.s32 $0xFFFFE003, lr  }
0x1b: {  	s9 =	sadd.s32 $0xFFFFFEF7, lr;
	s5 =	simm.s32 $0xFFFFFFFF;
	p2 =	slt.u32 s8, $0xFFFFF086  }
0x1c: {  	p1 =	slt.u32 s9, $0xF7A;
	s5 =	simm.s32 @!p2 $0x0  }
0x1d: {  	s5 =	simm.s32 @p1 $0x1;
	p0 =	seq.s32 s7, s2  }
0x1e: {  	s7 =	smul.u32 @!p0 $0xF7A, s2;
	p2 =	seq.s32 @!p0 s5, $0x0  }
0x1f: {  	s9 =	smul.u32 $0xF7A, s1;
	s8 =	simm.s32 @!p0 $0x1BF5;
	p2 =	por !p2, p0  }
0x20: {  	[sflag:s8] =	ssyncset.s32 @!p0 $0xFFFFF086;
	s6 =	sadd.s32 @!p0 s3, s7;
	s7 =	simm.s32 @!p0 $0x108  }
0x21: {  	s3 =	sadd.s32 s3, s9;
	s6 =	sadd.s32 @!p0 $0x88, s6;
	s7 =	simm.s32 @p2 $0x1082  }
0x22: {  	[simem:s7], [sflag:s8] =	dma.local @!p0 [hbm:s6], $0xF7A  }
0x23: {  	s9 =	sor.u32 $0xD0000000, s2;
	s6 =	simm.s32 $0x108;
	_ =	swait.ge @!p0 [sflag:s8], $0x0  }
0x24: {  	s3 =	sadd.s32 $0x88, s3;
	s6 =	simm.s32 @!p1 $0x1082;
	[sflag:s4] =	ssyncset.s32 $0xFFFFF086  }
0x25: {  	[simem:s6], [sflag:s4] =	dma.local [hbm:s3], $0xF7A  }
0x26: {  	[smem:$0x3F9B] =	sst s1;
	(tag) =	ssettag s2;
	_ =	strace s9  }
0x27: {  	s1 =	sld [smem:$0x3FAB]  }
0x28: {  	s2 =	sld [smem:$0x3FAC]  }
0x29: {  	s4 =	sld [smem:$0x3FAE]  }
0x2a: {  	p0 =	seq.s32 s5, $0x0;
	s5 =	sld [smem:$0x3FAF]  }
0x2b: {  	s6 =	sld [smem:$0x3FB0]  }
0x2c: {  	s7 =	sld [smem:$0x3FB1]  }
0x2d: {  	s3 =	simm.s32 $0x108;
	s8 =	sld [smem:$0x3FB2]  }
0x2e: {  	s3 =	simm.s32 @!p0 $0x1082;
	s9 =	sld [smem:$0x3FB3]  }
0x2f: {  	lr =	sadd.s32 s0, s3;
	s0 =	sld [smem:$0x3FAA]  }
0x30: {  	s3 =	sld [smem:$0x3FAD]  }
0x31: {  	[smem:$0x3FB6] =	sst s10  }
0x32: {  	s10 =	sld [smem:$0x3FB4];
	_ =	sdelay $0x3  }
0x33: {  	p0 =	seq.s32 s10, $0x1;
	s10 =	sld [smem:$0x3FB6];
	_ =	sdelay $0x3  }
0x34: {  	[smem:$0x3FB6] =	sst s10  }
0x35: {  	s10 =	sld [smem:$0x3FB5];
	_ =	sdelay $0x3  }
0x36: {  	p1 =	seq.s32 s10, $0x1;
	s10 =	sld [smem:$0x3FB6];
	_ =	sdelay $0x3  }
0x37: {  	[smem:$0x3FB6] =	sst s10  }
0x38: {  	s10 =	sld [smem:$0x3FB7]  }
0x39: {  	_ = 	snop;
	(pc) =	sbr.ind lr, $3  }
0x3a: {  	_ = 	snop  }
0x3b: {  	_ = 	snop  }
0x3c: {  	p2 =	seq.s32 s10, $0x1;
	s10 =	sld [smem:$0x3FB6]  }
0x3d: {  	_ =	shalt  }
0x3e: {  	_ =	shalt  }
0x3f: {  	_ =	shalt  }
0x40: {  	_ =	shalt  }
0x41: {  	_ =	shalt  }
0x42: {  	_ =	shalt  }
0x43: {  	_ =	shalt  }
0x44: {  	_ =	shalt  }
0x45: {  	_ =	shalt  }
0x46: {  	_ =	shalt  }
0x47: {  	_ =	shalt  }
0x48: {  	_ =	shalt  }
0x49: {  	_ =	shalt  }
0x4a: {  	_ =	shalt  }
0x4b: {  	_ =	shalt  }
0x4c: {  	_ =	shalt  }
0x4d: {  	_ =	shalt  }
0x4e: {  	_ =	shalt  }
0x4f: {  	_ =	shalt  }
0x50: {  	_ =	shalt  }
0x51: {  	_ =	shalt  }
0x52: {  	_ =	shalt  }
0x53: {  	_ =	shalt  }
0x54: {  	_ =	shalt  }
0x55: {  	_ =	shalt  }
0x56: {  	_ =	shalt  }
0x57: {  	_ =	shalt  }
0x58: {  	_ =	shalt  }
0x59: {  	_ =	shalt  }
0x5a: {  	_ =	shalt  }
0x5b: {  	_ =	shalt  }
0x5c: {  	_ =	shalt  }
0x5d: {  	_ =	shalt  }
0x5e: {  	_ =	shalt  }
0x5f: {  	_ =	shalt  }
0x60: {  	_ =	shalt  }
0x61: {  	_ =	shalt  }
0x62: {  	_ =	shalt  }
0x63: {  	_ =	shalt  }
0x64: {  	_ =	shalt  }
0x65: {  	_ =	shalt  }
0x66: {  	_ =	shalt  }
0x67: {  	_ =	shalt  }
0x68: {  	_ =	shalt  }
0x69: {  	_ =	shalt  }
0x6a: {  	_ =	shalt  }
0x6b: {  	_ =	shalt  }
0x6c: {  	_ =	shalt  }
0x6d: {  	_ =	shalt  }
0x6e: {  	_ =	shalt  }
0x6f: {  	_ =	shalt  }
0x70: {  	_ =	shalt  }
0x71: {  	_ =	shalt  }
0x72: {  	_ =	shalt  }
0x73: {  	_ =	shalt  }
0x74: {  	_ =	shalt  }
0x75: {  	_ =	shalt  }
0x76: {  	_ =	shalt  }
0x77: {  	_ =	shalt  }
0x78: {  	_ =	shalt  }
0x79: {  	_ =	shalt  }
0x7a: {  	_ =	shalt  }
0x7b: {  	_ =	shalt  }
0x7c: {  	_ =	shalt  }
0x7d: {  	_ =	shalt  }
0x7e: {  	_ =	shalt  }
0x7f: {  	_ =	shalt  }
0x80: {  	_ =	shalt  }
0x81: {  	_ =	shalt  }
0x82: {  	_ =	shalt  }
0x83: {  	_ =	shalt  }
0x84: {  	_ =	shalt  }
0x85: {  	_ =	shalt  }
0x86: {  	_ =	shalt  }
0x87: {  	_ =	shalt  }
.Lfunc_end0:
.L_simem_size_0:
called_computation.2_lowered:
.L_overlay_start_0:
0x88: {  	s2 =	sld [smem:$0x3FD9]  }
0x89: {  	s3 =	sld [smem:$0x3FFE];
	_ =	sdelay $0x1  }
0x8a: {  	s1 =	srdreg.scid  }
0x8b: {  	s0 =	sand.u32 $0x1, s1  }
0x8c: {  	s16 =	sshll.u32 s0, $0xA;
	s2 =	sadd.s32 s3, s2  }
0x8d: {  	s2 =	sadd.s32 s2, s16  }
0x8e: {  	[smem:$0x3FC2] =	sst s2  }
0x8f: {  	_ = 	snop  }
0x90: {  	(tm) =	ssettm $0x1  }
0x91: {  	s17 =	sld [smem:$0x3FFB];
	_ =	sdelay $0x3  }
0x92: {  	_ =	strace s17  }
0x93: {  	s2 =	sld [smem:$0x3FFC];
	_ =	sdelay $0x3  }
0x94: {  	_ =	strace s2  }
0x95: {  	s2 =	sld [smem:$0x3FFD];
	_ =	sdelay $0x3  }
0x96: {  	_ =	strace s2  }
0x97: {  	_ =	strace $0x8FFFFFFF  }
0x98: {  	s18 =	sld [smem:$0x3FDB];
	_ =	sdelay $0x1  }
0x99: {  	s19 =	simm.s32 $_scs_section_size  }
0x9a: {  	s4 =	simm.s32 $_size__tile_overlayer_lowered;
	s5 =	simm.s32 $_tile_overlayer_lowered  }
0x9b: {  	s22 =	simm.s32 $0x1BFF;
	s21 =	sshll.u32 s5, $0x1;
	s2 =	sadd.s32 s19, s18  }
0x9c: {  	s6 =	simm.s32 $0x0;
	s20 =	sshll.u32 s4, $0x1;
	s4 =	sadd.s32 s21, s2  }
0x9d: {  	[timem:s6], [sflag:s22] =	dma.local [hbm:s4], s20  }
0x9e: {  	_ =	swait.ge [sflag:s22], s20  }
0x9f: {  	s3 =	ssub.s32 $0x0, s20;
	[sflag:s22] =	ssyncset.done $0x0  }
0xa0: {  	[sflag:s22] =	ssyncadd.s32 s3;
	_ =	sdelay $0x1  }
0xa1: {  	s23 =	simm.s32 $0x1B8B  }
0xa2: {  	_ =	swait.ge [sflag:s23], $0x1  }
0xa3: {  	[sflag:s23] =	ssyncset.done $0x0  }
0xa4: {  	s25 =	simm.s32 $0x1B8E;
	s24 =	sld [smem:$0x3FFE];
	[sflag:s23] =	ssyncadd.s32 $0xFFFFFFFF  }
0xa5: {  	s26 =	simm.s32 $execute0_lowered;
	[smem:$0x3FD2] =	sst s25  }
0xa6: {  	s4 =	sshll.u32 s26, $0x1;
	_ =	strace $0x8000004C;
	[dreg:$0x1] =	wrdreg $0xFFFFFFFF  }
0xa7: {  	s28 =	simm.s32 $_size_execute0_lowered;
	s2 =	sadd.s32 s2, s4;
	[dreg:$0x0] =	wrdreg $0x0  }
0xa8: {  	s4 =	sshll.u32 s28, $0x1;
	[dreg:$0x2] =	wrdreg s2  }
0xa9: {  	[dreg:$0x3] =	wrdreg s4  }
0xaa: {  	[dreg:$0x4] =	wrdreg $0xC0  }
0xab: {  	_ =	task [dreg:s6], $0x5FFFF  }
0xac: {  	[dreg:$0x1] =	wrdreg $0xFFFFFFFF  }
0xad: {  	[dreg:$0x0] =	wrdreg $0x60  }
0xae: {  	[dreg:$0x2] =	wrdreg s24  }
0xaf: {  	[dreg:$0x3] =	wrdreg $0xD9800  }
0xb0: {  	[dreg:$0x4] =	wrdreg $0x9  }
0xb1: {  	_ =	task.clear_ibuf [dreg:s6], $0x5FFFF;
	_ =	strace $0x9000004C  }
0xb2: {  	s29 =	simm.s32 $0x9;
	_ =	strace $0x8000004E  }
0xb3: {  	_ =	swait.ge [sflag:s29], $0x1  }
0xb4: {  	[sflag:s29] =	ssyncadd.s32 $0xFFFFFFFF  }
0xb5: {  	_ =	strace $0x9000004E  }
0xb6: {  	_ =	sfence  }
0xb7: {  	s30 =	sld [smem:$0x0];
	_ =	sdelay $0x2  }
0xb8: {  	s31 =	sshll.u32 s1, $0xD;
	s1 =	sshrl.u32 s1, $0x2  }
0xb9: {  	s3 =	sand.u32 $0x4000, s31;
	s1 =	sadd.s32 s1, s30  }
0xba: {  	s0 =	sor.u32 s3, s0;
	s1 =	sshll.u32 s1, $0x11  }
0xbb: {  	s0 =	sor.u32 s1, s0  }
0xbc: {  	s0 =	sadd.s32 $0x8F2B, s0  }
0xbd: {  	[sflag:s0] =	ssyncadd.remote.s32 $0x1  }
0xbe: {  	_ =	sfence.sel $0xFFFF  }
0xbf: {  	[dreg:$0x0] =	wrdreg $0xFFFFFFFF;
	(pc) =	sbr.abs _section_cstart, $3  }
0xc0: {  	[dreg:$0x1] =	wrdreg $0xFFFFFFFF  }
0xc1: {  	_ =	task.clear_ibuf [dreg:s6], $0x2FFFF;
	_ =	strace $0x9FFFFFFF  }
0xc2: {  	(tm) =	ssettm $0x7FFFFFFF  }
0xc3: {  	_ =	shalt  }
tec
execute0_lowered:
.L_overlay_start_1:
0x0: {  	(tag) =	ssettag $0x1  }
0x1: {  	s0 =	rddreg [dreg:$0x0]  }
0x2: {  	s1 =	rddreg [dreg:$0x1];
	s9 =	stileid.u32  }
0x3: {  	s4 =	simm.s32 $0x0;
	s2 =	srdreg.scid;
	s3 =	smul.u32 $0x3F, s9  }
0x4: {  	[smem:$0x7FF] =	sst s4;
	s4 =	smul.u32 $0x5F, s9  }
0x5: {  	s28 =	simm.s32 $0x5F00;
	s2 =	sand.u32 $0x1, s2;
	s5 =	smul.u32 $0x280, s9  }
0x6: {  	s29 =	simm.s32 $0x8700;
	s9 =	smul.u32 $0xA000, s9;
	p0 =	seq.s32 s2, $0x0  }
0x7: {  	s25 =	smul.u32 $0x2800, s2;
	_ =	strace $0x8000004D;
	s30 =	ssub.s32 $0x2, s2  }
0x8: {  	s3 =	sadd.s32 $0x5F0, s3;
	s8 =	sshrl.u32 s30, $0x1;
	s31 =	sshrl.u32 s9, $0x2  }
0x9: {  	s3 =	smov.u32 @p0 s4;
	s26 =	sadd.s32 s5, s25;
	s24 =	ssub.s32 s30, s8  }
0xa: {  	s5 =	sadd.s32 s5, s1;
	p0 =	sne.s32 s2, $0x0;
	s2 =	simm.s32 $0xD700  }
0xb: {  	s25 =	simm.s32 $0x0;
	s3 =	sshll.u32 s3, $0x4;
	s7 =	sshrl.u32 s26, $0x3  }
0xc: {  	s8 =	sadd.s32 $0x2800, s5;
	s9 =	sadd.s32 $0x5000, s5;
	s10 =	sadd.s32 $0x7800, s5  }
0xd: {  	s11 =	sadd.s32 $0xA000, s5;
	s12 =	sadd.s32 $0xC800, s5;
	s13 =	sadd.s32 $0xF000, s5  }
0xe: {  	s14 =	sadd.s32 $0x11800, s5;
	s15 =	sadd.s32 $0x14000, s5;
	s16 =	sadd.s32 $0x16800, s5  }
0xf: {  	s17 =	sadd.s32 $0x19000, s5;
	s18 =	sadd.s32 $0x1B800, s5;
	s19 =	sadd.s32 $0x1E000, s5  }
0x10: {  	s20 =	sadd.s32 $0x20800, s5;
	s21 =	sadd.s32 $0x23000, s5;
	s22 =	sadd.s32 $0x25800, s5  }
0x11: {  	s24 =	smax.u32 s24, $0x1;
	s26 =	simm.s32 $0x1;
	s6 =	sadd.s32 s3, s0  }
0x12: {  	s3 =	sadd.s32 $0xAA00, s0;
	s0 =	sadd.s32 s7, s0;
	s7 =	sadd.s32 s31, s1  }
0x13: {  	v0 =	vimm.f32 $0.0e+00;
	s4 =	sadd.s32 $0xC00, s6;
	s6 =	sadd.s32 $0xB400, s6;
	s23 =	sadd.s32 $0x15200, s0  }
.LBB2_1:
0x14: {  	s0 =	simm.s32 $0x40;
	s1 =	simm.s32 $0x0  }
.LBB2_2:
0x15: {  	p1 =	sne.s32 s0, $0x9FC0;
	[tilespmem:s1+$0x8700] =	vst v0;
	s1 =	smov.u32 s0;
	s0 =	sadd.s32 $0x40, s0  }
.Ltmp0:
0x16: {  	(pc) =	sbr.rel @p1 .LBB2_2-.Ltmp0, $2  }
0x17: {  	_ =	sdelay $0x2  }
0x18: {  	s1 =	sshra.s32 s1, $0x2  }
0x19: {  	[tilespmem:s1+$0x8700] =	vst v0;
	s30 =	simm.s32 $0x0;
	s0 =	simm.s32 $0x2F80  }
0x1a: {  	[tilespmem:s0], [sflag:$0x1] =	stream.linear.gather [hbm4b:s4+s30], $0x2F80, $0x38;
	[tilespmem:$0x10180] =	vst v63  }
0x1b: {  	_ =	swait.ge [sflag:s26], $0x2F80  }
0x1c: {  	[sflag:s26] =	ssyncset.done $0x0  }
0x1d: {  	[sflag:s26] =	ssyncadd.s32 $0xFFFFD080  }
0x1e: {  	[tilespmem:s30], [sflag:$0x1] =	stream.linear.gather [hbm4b:s6+s30], $0x2F80, $0x38;
	[tilespmem:$0x10180] =	vst v63  }
0x1f: {  	_ =	swait.ge [sflag:s26], $0x2F80  }
0x20: {  	[sflag:s26] =	ssyncset.done $0x0  }
.Ltmp1:
0x21: {  	[sflag:s26] =	ssyncadd.s32 $0xFFFFD080;
	(pc) =	sbr.rel @p0 .LBB2_5-.Ltmp1, $4  }
0x22: {  	[tilespmem:s28], [sflag:$0x1] =	stream.linear.gather [hbm4b:s3+s30], $0x2800, $0x38;
	[tilespmem:$0x10180] =	vst v63  }
0x23: {  	_ =	swait.ge [sflag:s26], $0x2800  }
0x24: {  	[sflag:s26] =	ssyncset.done $0x0  }
0x25: {  	[sflag:s26] =	ssyncadd.s32 $0xFFFFD800  }
.LBB2_4:
0x26: {  	s0 =	sshra.s32 s30, $0x2  }
0x27: {  	v1 =	vld [tilespmem:s0+$0x0];
	_ =	sdelay $0x4  }
0x28: {  	v2 =	vld [tilespmem:s0+$0x2F80];
	_ =	sdelay $0x2  }
0x29: {  	v1 =	vld.idx.msk [tilespmem:v1+s28+$0x0], $0xffff;
	_ =	sdelay $0x4  }
0x2a: {  	[tilespmem:v2+s29+$0x0] =	vst.idx.add.f32.msk $0xffff, v1  }
0x2b: {  	v1 =	vld [tilespmem:s0+$0x10];
	_ =	sdelay $0x4  }
0x2c: {  	v2 =	vld [tilespmem:s0+$0x2F90];
	_ =	sdelay $0x2  }
0x2d: {  	v1 =	vld.idx.msk [tilespmem:v1+s28+$0x0], $0xffff;
	_ =	sdelay $0x4  }
0x2e: {  	[tilespmem:v2+s29+$0x0] =	vst.idx.add.f32.msk $0xffff, v1  }
0x2f: {  	v1 =	vld [tilespmem:s0+$0x20];
	_ =	sdelay $0x4  }
0x30: {  	v2 =	vld [tilespmem:s0+$0x2FA0];
	_ =	sdelay $0x2  }
0x31: {  	v1 =	vld.idx.msk [tilespmem:v1+s28+$0x0], $0xffff;
	_ =	sdelay $0x4  }
0x32: {  	[tilespmem:v2+s29+$0x0] =	vst.idx.add.f32.msk $0xffff, v1  }
0x33: {  	v1 =	vld [tilespmem:s0+$0x30];
	_ =	sdelay $0x4  }
0x34: {  	v2 =	vld [tilespmem:s0+$0x2FB0];
	_ =	sdelay $0x2  }
0x35: {  	v1 =	vld.idx.msk [tilespmem:v1+s28+$0x0], $0xffff;
	_ =	sdelay $0x4  }
0x36: {  	[tilespmem:v2+s29+$0x0] =	vst.idx.add.f32.msk $0xffff, v1  }
0x37: {  	v1 =	vld [tilespmem:s0+$0x40];
	_ =	sdelay $0x4  }
0x38: {  	v2 =	vld [tilespmem:s0+$0x2FC0];
	_ =	sdelay $0x2  }
0x39: {  	v1 =	vld.idx.msk [tilespmem:v1+s28+$0x0], $0xffff;
	_ =	sdelay $0x4  }
0x3a: {  	[tilespmem:v2+s29+$0x0] =	vst.idx.add.f32.msk $0xffff, v1  }
0x3b: {  	v1 =	vld [tilespmem:s0+$0x50];
	_ =	sdelay $0x4  }
0x3c: {  	v2 =	vld [tilespmem:s0+$0x2FD0];
	_ =	sdelay $0x2  }
0x3d: {  	v1 =	vld.idx.msk [tilespmem:v1+s28+$0x0], $0xffff;
	_ =	sdelay $0x4  }
0x3e: {  	[tilespmem:v2+s29+$0x0] =	vst.idx.add.f32.msk $0xffff, v1  }
0x3f: {  	v1 =	vld [tilespmem:s0+$0x60];
	_ =	sdelay $0x4  }
0x40: {  	v2 =	vld [tilespmem:s0+$0x2FE0];
	_ =	sdelay $0x2  }
0x41: {  	v1 =	vld.idx.msk [tilespmem:v1+s28+$0x0], $0xffff;
	_ =	sdelay $0x4  }
0x42: {  	[tilespmem:v2+s29+$0x0] =	vst.idx.add.f32.msk $0xffff, v1  }
0x43: {  	v1 =	vld [tilespmem:s0+$0x70];
	_ =	sdelay $0x4  }
0x44: {  	v2 =	vld [tilespmem:s0+$0x2FF0];
	_ =	sdelay $0x2  }
0x45: {  	p1 =	seq.s32 s30, $0xBC00;
	v1 =	vld.idx.msk [tilespmem:v1+s28+$0x0], $0xffff  }
.Ltmp2:
0x46: {  	_ = 	snop;
	(pc) =	sbr.rel @!p1 .LBB2_4-.Ltmp2, $2  }
0x47: {  	_ =	sdelay $0x2  }
0x48: {  	s30 =	sadd.s32 $0x200, s30;
	[tilespmem:v2+s29+$0x0] =	vst.idx.add.f32.msk $0xffff, v1  }
.Ltmp3:
0x49: {  	_ = 	snop;
	(pc) =	sbr.rel .LBB2_6-.Ltmp3, $1  }
0x4a: {  	_ =	sdelay $0x3  }
.LBB2_5:
0x4b: {  	s0 =	sshra.s32 s30, $0x2  }
0x4c: {  	v1 =	vld [tilespmem:s0+$0x0];
	_ =	sdelay $0x4  }
0x4d: {  	v2 =	vld [tilespmem:s0+$0x2F80];
	_ =	sdelay $0x2  }
0x4e: {  	v1 =	vld.idx.msk [tilespmem:v1+s28+$0x0], $0xffff;
	_ =	sdelay $0x4  }
0x4f: {  	[tilespmem:v2+s29+$0x0] =	vst.idx.add.f32.msk $0xffff, v1  }
0x50: {  	v1 =	vld [tilespmem:s0+$0x10];
	_ =	sdelay $0x4  }
0x51: {  	v2 =	vld [tilespmem:s0+$0x2F90];
	_ =	sdelay $0x2  }
0x52: {  	v1 =	vld.idx.msk [tilespmem:v1+s28+$0x0], $0xffff;
	_ =	sdelay $0x4  }
0x53: {  	[tilespmem:v2+s29+$0x0] =	vst.idx.add.f32.msk $0xffff, v1  }
0x54: {  	v1 =	vld [tilespmem:s0+$0x20];
	_ =	sdelay $0x4  }
0x55: {  	v2 =	vld [tilespmem:s0+$0x2FA0];
	_ =	sdelay $0x2  }
0x56: {  	v1 =	vld.idx.msk [tilespmem:v1+s28+$0x0], $0xffff;
	_ =	sdelay $0x4  }
0x57: {  	[tilespmem:v2+s29+$0x0] =	vst.idx.add.f32.msk $0xffff, v1  }
0x58: {  	v1 =	vld [tilespmem:s0+$0x30];
	_ =	sdelay $0x4  }
0x59: {  	v2 =	vld [tilespmem:s0+$0x2FB0];
	_ =	sdelay $0x2  }
0x5a: {  	v1 =	vld.idx.msk [tilespmem:v1+s28+$0x0], $0xffff;
	_ =	sdelay $0x4  }
0x5b: {  	[tilespmem:v2+s29+$0x0] =	vst.idx.add.f32.msk $0xffff, v1  }
0x5c: {  	v1 =	vld [tilespmem:s0+$0x40];
	_ =	sdelay $0x4  }
0x5d: {  	v2 =	vld [tilespmem:s0+$0x2FC0];
	_ =	sdelay $0x2  }
0x5e: {  	v1 =	vld.idx.msk [tilespmem:v1+s28+$0x0], $0xffff;
	_ =	sdelay $0x4  }
0x5f: {  	[tilespmem:v2+s29+$0x0] =	vst.idx.add.f32.msk $0xffff, v1  }
0x60: {  	v1 =	vld [tilespmem:s0+$0x50];
	_ =	sdelay $0x4  }
0x61: {  	v2 =	vld [tilespmem:s0+$0x2FD0];
	_ =	sdelay $0x2  }
0x62: {  	v1 =	vld.idx.msk [tilespmem:v1+s28+$0x0], $0xffff;
	_ =	sdelay $0x4  }
0x63: {  	[tilespmem:v2+s29+$0x0] =	vst.idx.add.f32.msk $0xffff, v1  }
0x64: {  	v1 =	vld [tilespmem:s0+$0x60];
	_ =	sdelay $0x4  }
0x65: {  	v2 =	vld [tilespmem:s0+$0x2FE0];
	_ =	sdelay $0x2  }
0x66: {  	v1 =	vld.idx.msk [tilespmem:v1+s28+$0x0], $0xffff;
	_ =	sdelay $0x4  }
0x67: {  	[tilespmem:v2+s29+$0x0] =	vst.idx.add.f32.msk $0xffff, v1  }
0x68: {  	v1 =	vld [tilespmem:s0+$0x70];
	_ =	sdelay $0x4  }
0x69: {  	v2 =	vld [tilespmem:s0+$0x2FF0];
	_ =	sdelay $0x2  }
0x6a: {  	p1 =	sne.s32 s30, $0x7C00;
	v1 =	vld.idx.msk [tilespmem:v1+s28+$0x0], $0xffff  }
.Ltmp4:
0x6b: {  	_ = 	snop;
	(pc) =	sbr.rel @p1 .LBB2_5-.Ltmp4, $2  }
0x6c: {  	_ =	sdelay $0x2  }
0x6d: {  	s30 =	sadd.s32 $0x200, s30;
	[tilespmem:v2+s29+$0x0] =	vst.idx.add.f32.msk $0xffff, v1  }
.LBB2_6:
0x6e: {  	[spmem:s7] =	stream.linear.scatter [tilespmem:s29], [sflag:$0x1], $0x2800, $0x38;
	[tilespmem:$0x10180] =	vst v63  }
0x6f: {  	_ =	swait.ge [sflag:s26], $0x2800  }
0x70: {  	[sflag:s26] =	ssyncset.done $0x0  }
0x71: {  	[sflag:s26] =	ssyncadd.s32 $0xFFFFD800  }
0x72: {  	s0 =	simm.s32 $0xAF00;
	[bflag:$0x0] =	sbarrier.arrive $0xFFFF  }
0x73: {  	[tilespmem:s0], [sflag:$0x1] =	stream.linear.gather [spmem:s5], $0x280, $0x38;
	[tilespmem:$0x10180] =	vst v63  }
0x74: {  	_ =	swait.ge [sflag:s26], $0x280  }
0x75: {  	[sflag:s26] =	ssyncset.done $0x0  }
0x76: {  	s1 =	simm.s32 $0xB180;
	[sflag:s26] =	ssyncadd.s32 $0xFFFFFD80  }
0x77: {  	[tilespmem:s1], [sflag:$0x1] =	stream.linear.gather [spmem:s8], $0x280, $0x38;
	[tilespmem:$0x10180] =	vst v63  }
0x78: {  	_ =	swait.ge [sflag:s26], $0x280  }
0x79: {  	[sflag:s26] =	ssyncset.done $0x0  }
0x7a: {  	s1 =	simm.s32 $0xB400;
	[sflag:s26] =	ssyncadd.s32 $0xFFFFFD80  }
0x7b: {  	[tilespmem:s1], [sflag:$0x1] =	stream.linear.gather [spmem:s9], $0x280, $0x38;
	[tilespmem:$0x10180] =	vst v63  }
0x7c: {  	_ =	swait.ge [sflag:s26], $0x280  }
0x7d: {  	[sflag:s26] =	ssyncset.done $0x0  }
0x7e: {  	s1 =	simm.s32 $0xB680;
	[sflag:s26] =	ssyncadd.s32 $0xFFFFFD80  }
0x7f: {  	[tilespmem:s1], [sflag:$0x1] =	stream.linear.gather [spmem:s10], $0x280, $0x38;
	[tilespmem:$0x10180] =	vst v63  }
0x80: {  	_ =	swait.ge [sflag:s26], $0x280  }
0x81: {  	[sflag:s26] =	ssyncset.done $0x0  }
0x82: {  	s1 =	simm.s32 $0xB900;
	[sflag:s26] =	ssyncadd.s32 $0xFFFFFD80  }
0x83: {  	[tilespmem:s1], [sflag:$0x1] =	stream.linear.gather [spmem:s11], $0x280, $0x38;
	[tilespmem:$0x10180] =	vst v63  }
0x84: {  	_ =	swait.ge [sflag:s26], $0x280  }
0x85: {  	[sflag:s26] =	ssyncset.done $0x0  }
0x86: {  	s1 =	simm.s32 $0xBB80;
	[sflag:s26] =	ssyncadd.s32 $0xFFFFFD80  }
0x87: {  	[tilespmem:s1], [sflag:$0x1] =	stream.linear.gather [spmem:s12], $0x280, $0x38;
	[tilespmem:$0x10180] =	vst v63  }
0x88: {  	_ =	swait.ge [sflag:s26], $0x280  }
0x89: {  	[sflag:s26] =	ssyncset.done $0x0  }
0x8a: {  	s1 =	simm.s32 $0xBE00;
	[sflag:s26] =	ssyncadd.s32 $0xFFFFFD80  }
0x8b: {  	[tilespmem:s1], [sflag:$0x1] =	stream.linear.gather [spmem:s13], $0x280, $0x38;
	[tilespmem:$0x10180] =	vst v63  }
0x8c: {  	_ =	swait.ge [sflag:s26], $0x280  }
0x8d: {  	[sflag:s26] =	ssyncset.done $0x0  }
0x8e: {  	s1 =	simm.s32 $0xC080;
	[sflag:s26] =	ssyncadd.s32 $0xFFFFFD80  }
0x8f: {  	[tilespmem:s1], [sflag:$0x1] =	stream.linear.gather [spmem:s14], $0x280, $0x38;
	[tilespmem:$0x10180] =	vst v63  }
0x90: {  	_ =	swait.ge [sflag:s26], $0x280  }
0x91: {  	[sflag:s26] =	ssyncset.done $0x0  }
0x92: {  	s1 =	simm.s32 $0xC300;
	[sflag:s26] =	ssyncadd.s32 $0xFFFFFD80  }
0x93: {  	[tilespmem:s1], [sflag:$0x1] =	stream.linear.gather [spmem:s15], $0x280, $0x38;
	[tilespmem:$0x10180] =	vst v63  }
0x94: {  	_ =	swait.ge [sflag:s26], $0x280  }
0x95: {  	[sflag:s26] =	ssyncset.done $0x0  }
0x96: {  	s1 =	simm.s32 $0xC580;
	[sflag:s26] =	ssyncadd.s32 $0xFFFFFD80  }
0x97: {  	[tilespmem:s1], [sflag:$0x1] =	stream.linear.gather [spmem:s16], $0x280, $0x38;
	[tilespmem:$0x10180] =	vst v63  }
0x98: {  	_ =	swait.ge [sflag:s26], $0x280  }
0x99: {  	[sflag:s26] =	ssyncset.done $0x0  }
0x9a: {  	s1 =	simm.s32 $0xC800;
	[sflag:s26] =	ssyncadd.s32 $0xFFFFFD80  }
0x9b: {  	[tilespmem:s1], [sflag:$0x1] =	stream.linear.gather [spmem:s17], $0x280, $0x38;
	[tilespmem:$0x10180] =	vst v63  }
0x9c: {  	_ =	swait.ge [sflag:s26], $0x280  }
0x9d: {  	[sflag:s26] =	ssyncset.done $0x0  }
0x9e: {  	s1 =	simm.s32 $0xCA80;
	[sflag:s26] =	ssyncadd.s32 $0xFFFFFD80  }
0x9f: {  	[tilespmem:s1], [sflag:$0x1] =	stream.linear.gather [spmem:s18], $0x280, $0x38;
	[tilespmem:$0x10180] =	vst v63  }
0xa0: {  	_ =	swait.ge [sflag:s26], $0x280  }
0xa1: {  	[sflag:s26] =	ssyncset.done $0x0  }
0xa2: {  	s1 =	simm.s32 $0xCD00;
	[sflag:s26] =	ssyncadd.s32 $0xFFFFFD80  }
0xa3: {  	[tilespmem:s1], [sflag:$0x1] =	stream.linear.gather [spmem:s19], $0x280, $0x38;
	[tilespmem:$0x10180] =	vst v63  }
0xa4: {  	_ =	swait.ge [sflag:s26], $0x280  }
0xa5: {  	[sflag:s26] =	ssyncset.done $0x0  }
0xa6: {  	s1 =	simm.s32 $0xCF80;
	[sflag:s26] =	ssyncadd.s32 $0xFFFFFD80  }
0xa7: {  	[tilespmem:s1], [sflag:$0x1] =	stream.linear.gather [spmem:s20], $0x280, $0x38;
	[tilespmem:$0x10180] =	vst v63  }
0xa8: {  	_ =	swait.ge [sflag:s26], $0x280  }
0xa9: {  	[sflag:s26] =	ssyncset.done $0x0  }
0xaa: {  	s1 =	simm.s32 $0xD200;
	[sflag:s26] =	ssyncadd.s32 $0xFFFFFD80  }
0xab: {  	[tilespmem:s1], [sflag:$0x1] =	stream.linear.gather [spmem:s21], $0x280, $0x38;
	[tilespmem:$0x10180] =	vst v63  }
0xac: {  	_ =	swait.ge [sflag:s26], $0x280  }
0xad: {  	[sflag:s26] =	ssyncset.done $0x0  }
0xae: {  	s1 =	simm.s32 $0xD480;
	[sflag:s26] =	ssyncadd.s32 $0xFFFFFD80  }
0xaf: {  	[tilespmem:s1], [sflag:$0x1] =	stream.linear.gather [spmem:s22], $0x280, $0x38;
	[tilespmem:$0x10180] =	vst v63  }
0xb0: {  	_ =	swait.ge [sflag:s26], $0x280  }
0xb1: {  	[sflag:s26] =	ssyncset.done $0x0  }
0xb2: {  	s31 =	simm.s32 $0x0;
	[sflag:s26] =	ssyncadd.s32 $0xFFFFFD80  }
0xb3: {  	v1 =	vld [tilespmem:s31+$0xAF00]  }
0xb4: {  	v2 =	vld [tilespmem:s31+$0xB180];
	_ =	sdelay $0x1  }
0xb5: {  	v3 =	vld [tilespmem:s31+$0xB400];
	_ =	sdelay $0x1  }
0xb6: {  	v4 =	vld [tilespmem:s31+$0xB680]  }
0xb7: {  	v1 =	vadd.f32 v2, v1  }
0xb8: {  	v2 =	vld [tilespmem:s31+$0xB900]  }
0xb9: {  	v1 =	vadd.f32 v3, v1  }
0xba: {  	v3 =	vld [tilespmem:s31+$0xBB80]  }
0xbb: {  	v1 =	vadd.f32 v4, v1  }
0xbc: {  	v4 =	vld [tilespmem:s31+$0xBE00]  }
0xbd: {  	v1 =	vadd.f32 v2, v1  }
0xbe: {  	v2 =	vld [tilespmem:s31+$0xC080]  }
0xbf: {  	s30 =	simm.s32 $0x10;
	v5 =	vld [tilespmem:s31+$0xC300];
	v1 =	vadd.f32 v3, v1  }
0xc0: {  	v6 =	vld [tilespmem:s30+$0xAF00]  }
0xc1: {  	v3 =	vld [tilespmem:s31+$0xC580];
	v1 =	vadd.f32 v4, v1  }
0xc2: {  	v4 =	vld [tilespmem:s30+$0xB180]  }
0xc3: {  	v7 =	vld [tilespmem:s30+$0xB400];
	v1 =	vadd.f32 v2, v1  }
0xc4: {  	v2 =	vld [tilespmem:s31+$0xC800]  }
0xc5: {  	v8 =	vld [tilespmem:s30+$0xB680];
	v1 =	vadd.f32 v5, v1  }
0xc6: {  	v5 =	vld [tilespmem:s31+$0xCA80]  }
0xc7: {  	v4 =	vadd.f32 v4, v6;
	v6 =	vld [tilespmem:s30+$0xB900];
	v1 =	vadd.f32 v3, v1  }
0xc8: {  	v3 =	vld [tilespmem:s31+$0xCD00]  }
0xc9: {  	v4 =	vadd.f32 v7, v4;
	v7 =	vld [tilespmem:s30+$0xBB80];
	v1 =	vadd.f32 v2, v1  }
0xca: {  	v2 =	vld [tilespmem:s31+$0xCF80]  }
0xcb: {  	v9 =	vld [tilespmem:s30+$0xBE00];
	v4 =	vadd.f32 v8, v4;
	v1 =	vadd.f32 v5, v1  }
0xcc: {  	v8 =	vld [tilespmem:s31+$0xD200]  }
0xcd: {  	v5 =	vadd.f32 v6, v4;
	v4 =	vld [tilespmem:s30+$0xC080];
	v6 =	vadd.f32 v3, v1  }
0xce: {  	v3 =	vld [tilespmem:s31+$0xD480]  }
0xcf: {  	v1 =	vld [tilespmem:s30+$0xC580];
	v7 =	vadd.f32 v7, v5;
	v10 =	vadd.f32 v2, v6  }
0xd0: {  	s0 =	simm.s32 $0x20;
	v5 =	vld [tilespmem:s30+$0xC300]  }
0xd1: {  	s1 =	simm.s32 $0xC0;
	v2 =	vld [tilespmem:s0+$0xAF00];
	v6 =	vadd.f32 v9, v7;
	v7 =	vadd.f32 v8, v10  }
.LBB2_7:
0xd2: {  	p1 =	sne.s32 s1, $0x9C0;
	v8 =	vld [tilespmem:s0+$0xB180]  }
0xd3: {  	v4 =	vadd.f32 v4, v6;
	v6 =	vld [tilespmem:s30+$0xC800];
	v3 =	vadd.f32 v3, v7  }
0xd4: {  	v7 =	vld [tilespmem:s0+$0xB400]  }
0xd5: {  	v4 =	vadd.f32 v5, v4;
	v5 =	vld [tilespmem:s30+$0xCA80];
	[tilespmem:s31+$0xD700] =	vst v3;
	s31 =	smov.u32 s30;
	s30 =	smov.u32 s0  }
0xd6: {  	v3 =	vld [tilespmem:s30+$0xB680]  }
0xd7: {  	v2 =	vadd.f32 v8, v2;
	v1 =	vadd.f32 v1, v4;
	v4 =	vld [tilespmem:s31+$0xCD00]  }
0xd8: {  	v8 =	vld [tilespmem:s30+$0xB900]  }
0xd9: {  	v2 =	vadd.f32 v7, v2;
	v1 =	vadd.f32 v6, v1;
	v6 =	vld [tilespmem:s31+$0xCF80]  }
0xda: {  	v7 =	vld [tilespmem:s30+$0xBB80]  }
0xdb: {  	v2 =	vadd.f32 v3, v2;
	v1 =	vadd.f32 v5, v1;
	v9 =	vld [tilespmem:s31+$0xD200]  }
0xdc: {  	v10 =	vld [tilespmem:s30+$0xBE00]  }
.Ltmp5:
0xdd: {  	v2 =	vadd.f32 v8, v2;
	v5 =	vadd.f32 v4, v1;
	v3 =	vld [tilespmem:s31+$0xD480];
	(pc) =	sbr.rel @p1 .LBB2_7-.Ltmp5, $4  }
0xde: {  	v4 =	vld [tilespmem:s30+$0xC080]  }
0xdf: {  	v7 =	vadd.f32 v7, v2;
	v1 =	vld [tilespmem:s30+$0xC580];
	v8 =	vadd.f32 v6, v5  }
0xe0: {  	s0 =	sshra.s32 s1, $0x2;
	v5 =	vld [tilespmem:s30+$0xC300]  }
0xe1: {  	s1 =	sadd.s32 $0x40, s1;
	v2 =	vld [tilespmem:s0+$0xAF00];
	v6 =	vadd.f32 v10, v7;
	v7 =	vadd.f32 v9, v8  }
0xe2: {  	v8 =	vld [tilespmem:s0+$0xB180]  }
0xe3: {  	v9 =	vld [tilespmem:s30+$0xC800];
	v3 =	vadd.f32 v3, v7  }
0xe4: {  	v52 =	vld [tilespmem:s0+$0xB400]  }
0xe5: {  	v10 =	vld [tilespmem:s30+$0xCA80];
	v4 =	vadd.f32 v4, v6;
	[tilespmem:s31+$0xD700] =	vst v3  }
0xe6: {  	v3 =	vld [tilespmem:s0+$0xB680]  }
0xe7: {  	v4 =	vadd.f32 v5, v4;
	v2 =	vadd.f32 v8, v2  }
0xe8: {  	v53 =	vld [tilespmem:s0+$0xB900]  }
0xe9: {  	v54 =	vld [tilespmem:s30+$0xCD00];
	v1 =	vadd.f32 v1, v4;
	v2 =	vadd.f32 v52, v2  }
0xea: {  	v55 =	vld [tilespmem:s0+$0xBB80]  }
0xeb: {  	v56 =	vld [tilespmem:s30+$0xCF80];
	v1 =	vadd.f32 v9, v1;
	v2 =	vadd.f32 v3, v2  }
0xec: {  	v3 =	vld [tilespmem:s0+$0xBE00]  }
0xed: {  	v57 =	vld [tilespmem:s30+$0xD200];
	v1 =	vadd.f32 v10, v1;
	v2 =	vadd.f32 v53, v2  }
0xee: {  	v58 =	vld [tilespmem:s0+$0xC080]  }
0xef: {  	v59 =	vld [tilespmem:s30+$0xD480];
	v1 =	vadd.f32 v54, v1;
	v2 =	vadd.f32 v55, v2  }
0xf0: {  	v60 =	vld [tilespmem:s0+$0xC300]  }
0xf1: {  	v1 =	vadd.f32 v56, v1;
	v2 =	vadd.f32 v3, v2  }
0xf2: {  	v3 =	vld [tilespmem:s0+$0xC580]  }
0xf3: {  	v1 =	vadd.f32 v57, v1;
	v2 =	vadd.f32 v58, v2  }
0xf4: {  	v61 =	vld [tilespmem:s0+$0xC800]  }
0xf5: {  	v1 =	vadd.f32 v59, v1;
	v2 =	vadd.f32 v60, v2  }
0xf6: {  	v62 =	vld [tilespmem:s0+$0xCA80]  }
0xf7: {  	[tilespmem:s30+$0xD700] =	vst v1;
	v1 =	vadd.f32 v3, v2  }
0xf8: {  	v2 =	vld [tilespmem:s0+$0xCD00]  }
0xf9: {  	v1 =	vadd.f32 v61, v1  }
0xfa: {  	v3 =	vld [tilespmem:s0+$0xCF80]  }
0xfb: {  	v1 =	vadd.f32 v62, v1  }
0xfc: {  	v63 =	vld [tilespmem:s0+$0xD200]  }
0xfd: {  	v1 =	vadd.f32 v2, v1  }
0xfe: {  	v2 =	vld [tilespmem:s0+$0xD480]  }
0xff: {  	v1 =	vadd.f32 v3, v1;
	_ =	sdelay $0x1  }
0x100: {  	v1 =	vadd.f32 v63, v1;
	_ =	sdelay $0x1  }
0x101: {  	s25 =	sadd.s32 $0x1, s25;
	v1 =	vadd.f32 v2, v1  }
0x102: {  	p1 =	sne.s32 s25, s24  }
.Ltmp6:
0x103: {  	s31 =	simm.s32 $0x0;
	[tilespmem:s0+$0xD700] =	vst v1;
	(pc) =	sbr.rel @p1 .LBB2_1-.Ltmp6, $4  }
0x104: {  	[hbm4b:s23+s31] =	stream.linear.scatter [tilespmem:s2], [sflag:$0x1], $0x280, $0x38;
	[tilespmem:$0x10180] =	vst v63  }
0x105: {  	_ =	swait.ge [sflag:s26], $0x280  }
0x106: {  	[sflag:s26] =	ssyncset.done $0x0  }
0x107: {  	[sflag:s26] =	ssyncadd.s32 $0xFFFFFD80  }
0x108: {  	_ =	sfence.sel $0x180000  }
0x109: {  	[bflag:$0x0] =	sbarrier.arrive $0xFFFF  }
0x10a: {  	_ =	strace $0x9000004D  }
0x10b: {  	s0 =	stileid.u32;
	[bflag:$0x2] =	sbarrier.arrive $0xFFFF  }
0x10c: {  	p0 =	sne.s32 s0, $0x0;
	s0 =	rddreg [dreg:$0x2]  }
0x10d: {  	s0 =	sadd.s32 @!p0 $0x100000, s0  }
0x10e: {  	[sflag:s0] =	ssyncadd.tile.s32 @!p0 $0x1;
	_ =	shalt  }
.Lfunc_end2:
_tile_overlayer_lowered:
.L_overlay_start_2:
0x10f: {  	(tag) =	ssettag $0x2  }
0x110: {  	s0 =	rddreg [dreg:$0x0];
	s2 =	stileid.u32  }
0x111: {  	s1 =	rddreg [dreg:$0x1];
	p0 =	sne.s32 s2, $0x0  }
0x112: {  	s3 =	rddreg [dreg:$0x2];
	[bflag:$0x3] =	sbarrier.arrive $0xFFFF;
	s2 =	simm.s32 @!p0 $0x1C01  }
0x113: {  	[timem:s3], [sflag:s2] =	dma.local @!p0 [hbm:s0], s1  }
0x114: {  	s0 =	simm.s32 @!p0 $0x1  }
0x115: {  	_ =	swait.ge @!p0 [sflag:s0], s1  }
0x116: {  	s1 =	ssub.s32 @!p0 $0x0, s1;
	[sflag:s0] =	ssyncset.done @!p0 $0x0  }
0x117: {  	[sflag:s0] =	ssyncadd.s32 @!p0 s1  }
0x118: {  	[bflag:$0x3] =	sbarrier.arrive $0xFFFF  }
0x119: {  	_ =	shalt  }

// kernel: kernel.8.cloned.1.call-start
scs
__scs_entry_jumppad:
0x0: {  	(pc) =	sbr.rel $0x88, $3  }
0x1: {  	(tag) =	ssettag $0x0;
	lr =	simm.s32 $0x1  }
0x2: {  	[smem:$0x3F9B] =	sst lr;
	_ =	strace $0xD0000000  }
0x3: {  	_ = 	snop  }
0x4: {  	_ = 	snop  }
0x5: {  	_ = 	snop  }
0x6: {  	_ = 	snop  }
0x7: {  	_ = 	snop  }
__scs_overlays_trampoline_lowered:
0x8: {  	[smem:$0x3FAA] =	sst s0  }
0x9: {  	[smem:$0x3FAB] =	sst s1  }
0xa: {  	[smem:$0x3FAC] =	sst s2  }
0xb: {  	[smem:$0x3FAD] =	sst s3  }
0xc: {  	[smem:$0x3FAE] =	sst s4  }
0xd: {  	[smem:$0x3FAF] =	sst s5  }
0xe: {  	[smem:$0x3FB0] =	sst s6  }
0xf: {  	[smem:$0x3FB1] =	sst s7  }
0x10: {  	[smem:$0x3FB2] =	sst s8  }
0x11: {  	[smem:$0x3FB3] =	sst s9;
	s0 =	simm.s32 @!p0 $0x0  }
0x12: {  	s1 =	sld [smem:$0x3F99];
	s0 =	simm.s32 @p0 $0x1  }
0x13: {  	[smem:$0x3FB4] =	sst s0;
	s0 =	simm.s32 @!p1 $0x0  }
0x14: {  	s2 =	sld [smem:$0x3F98];
	s0 =	simm.s32 @p1 $0x1  }
0x15: {  	[smem:$0x3FB5] =	sst s0;
	s0 =	simm.s32 @!p2 $0x0  }
0x16: {  	s3 =	sld [smem:$0x3FDB];
	s0 =	simm.s32 @p2 $0x1  }
0x17: {  	s4 =	simm.s32 $0x1BF5;
	[smem:$0x3FB7] =	sst s0  }
0x18: {  	s0 =	sld [smem:$0x3F9A];
	_ =	swait.ge [sflag:s4], $0x0  }
0x19: {  	s7 =	sld [smem:$0x3F9B]  }
0x1a: {  	s8 =	sadd.s32 $0xFFFFE003, lr  }
0x1b: {  	s9 =	sadd.s32 $0xFFFFFEF7, lr;
	s5 =	simm.s32 $0xFFFFFFFF;
	p2 =	slt.u32 s8, $0xFFFFF086  }
0x1c: {  	p1 =	slt.u32 s9, $0xF7A;
	s5 =	simm.s32 @!p2 $0x0  }
0x1d: {  	s5 =	simm.s32 @p1 $0x1;
	p0 =	seq.s32 s7, s2  }
0x1e: {  	s7 =	smul.u32 @!p0 $0xF7A, s2;
	p2 =	seq.s32 @!p0 s5, $0x0  }
0x1f: {  	s9 =	smul.u32 $0xF7A, s1;
	s8 =	simm.s32 @!p0 $0x1BF5;
	p2 =	por !p2, p0  }
0x20: {  	[sflag:s8] =	ssyncset.s32 @!p0 $0xFFFFF086;
	s6 =	sadd.s32 @!p0 s3, s7;
	s7 =	simm.s32 @!p0 $0x108  }
0x21: {  	s3 =	sadd.s32 s3, s9;
	s6 =	sadd.s32 @!p0 $0x88, s6;
	s7 =	simm.s32 @p2 $0x1082  }
0x22: {  	[simem:s7], [sflag:s8] =	dma.local @!p0 [hbm:s6], $0xF7A  }
0x23: {  	s9 =	sor.u32 $0xD0000000, s2;
	s6 =	simm.s32 $0x108;
	_ =	swait.ge @!p0 [sflag:s8], $0x0  }
0x24: {  	s3 =	sadd.s32 $0x88, s3;
	s6 =	simm.s32 @!p1 $0x1082;
	[sflag:s4] =	ssyncset.s32 $0xFFFFF086  }
0x25: {  	[simem:s6], [sflag:s4] =	dma.local [hbm:s3], $0xF7A  }
0x26: {  	[smem:$0x3F9B] =	sst s1;
	(tag) =	ssettag s2;
	_ =	strace s9  }
0x27: {  	s1 =	sld [smem:$0x3FAB]  }
0x28: {  	s2 =	sld [smem:$0x3FAC]  }
0x29: {  	s4 =	sld [smem:$0x3FAE]  }
0x2a: {  	p0 =	seq.s32 s5, $0x0;
	s5 =	sld [smem:$0x3FAF]  }
0x2b: {  	s6 =	sld [smem:$0x3FB0]  }
0x2c: {  	s7 =	sld [smem:$0x3FB1]  }
0x2d: {  	s3 =	simm.s32 $0x108;
	s8 =	sld [smem:$0x3FB2]  }
0x2e: {  	s3 =	simm.s32 @!p0 $0x1082;
	s9 =	sld [smem:$0x3FB3]  }
0x2f: {  	lr =	sadd.s32 s0, s3;
	s0 =	sld [smem:$0x3FAA]  }
0x30: {  	s3 =	sld [smem:$0x3FAD]  }
0x31: {  	[smem:$0x3FB6] =	sst s10  }
0x32: {  	s10 =	sld [smem:$0x3FB4];
	_ =	sdelay $0x3  }
0x33: {  	p0 =	seq.s32 s10, $0x1;
	s10 =	sld [smem:$0x3FB6];
	_ =	sdelay $0x3  }
0x34: {  	[smem:$0x3FB6] =	sst s10  }
0x35: {  	s10 =	sld [smem:$0x3FB5];
	_ =	sdelay $0x3  }
0x36: {  	p1 =	seq.s32 s10, $0x1;
	s10 =	sld [smem:$0x3FB6];
	_ =	sdelay $0x3  }
0x37: {  	[smem:$0x3FB6] =	sst s10  }
0x38: {  	s10 =	sld [smem:$0x3FB7]  }
0x39: {  	_ = 	snop;
	(pc) =	sbr.ind lr, $3  }
0x3a: {  	_ = 	snop  }
0x3b: {  	_ = 	snop  }
0x3c: {  	p2 =	seq.s32 s10, $0x1;
	s10 =	sld [smem:$0x3FB6]  }
0x3d: {  	_ =	shalt  }
0x3e: {  	_ =	shalt  }
0x3f: {  	_ =	shalt  }
0x40: {  	_ =	shalt  }
0x41: {  	_ =	shalt  }
0x42: {  	_ =	shalt  }
0x43: {  	_ =	shalt  }
0x44: {  	_ =	shalt  }
0x45: {  	_ =	shalt  }
0x46: {  	_ =	shalt  }
0x47: {  	_ =	shalt  }
0x48: {  	_ =	shalt  }
0x49: {  	_ =	shalt  }
0x4a: {  	_ =	shalt  }
0x4b: {  	_ =	shalt  }
0x4c: {  	_ =	shalt  }
0x4d: {  	_ =	shalt  }
0x4e: {  	_ =	shalt  }
0x4f: {  	_ =	shalt  }
0x50: {  	_ =	shalt  }
0x51: {  	_ =	shalt  }
0x52: {  	_ =	shalt  }
0x53: {  	_ =	shalt  }
0x54: {  	_ =	shalt  }
0x55: {  	_ =	shalt  }
0x56: {  	_ =	shalt  }
0x57: {  	_ =	shalt  }
0x58: {  	_ =	shalt  }
0x59: {  	_ =	shalt  }
0x5a: {  	_ =	shalt  }
0x5b: {  	_ =	shalt  }
0x5c: {  	_ =	shalt  }
0x5d: {  	_ =	shalt  }
0x5e: {  	_ =	shalt  }
0x5f: {  	_ =	shalt  }
0x60: {  	_ =	shalt  }
0x61: {  	_ =	shalt  }
0x62: {  	_ =	shalt  }
0x63: {  	_ =	shalt  }
0x64: {  	_ =	shalt  }
0x65: {  	_ =	shalt  }
0x66: {  	_ =	shalt  }
0x67: {  	_ =	shalt  }
0x68: {  	_ =	shalt  }
0x69: {  	_ =	shalt  }
0x6a: {  	_ =	shalt  }
0x6b: {  	_ =	shalt  }
0x6c: {  	_ =	shalt  }
0x6d: {  	_ =	shalt  }
0x6e: {  	_ =	shalt  }
0x6f: {  	_ =	shalt  }
0x70: {  	_ =	shalt  }
0x71: {  	_ =	shalt  }
0x72: {  	_ =	shalt  }
0x73: {  	_ =	shalt  }
0x74: {  	_ =	shalt  }
0x75: {  	_ =	shalt  }
0x76: {  	_ =	shalt  }
0x77: {  	_ =	shalt  }
0x78: {  	_ =	shalt  }
0x79: {  	_ =	shalt  }
0x7a: {  	_ =	shalt  }
0x7b: {  	_ =	shalt  }
0x7c: {  	_ =	shalt  }
0x7d: {  	_ =	shalt  }
0x7e: {  	_ =	shalt  }
0x7f: {  	_ =	shalt  }
0x80: {  	_ =	shalt  }
0x81: {  	_ =	shalt  }
0x82: {  	_ =	shalt  }
0x83: {  	_ =	shalt  }
0x84: {  	_ =	shalt  }
0x85: {  	_ =	shalt  }
0x86: {  	_ =	shalt  }
0x87: {  	_ =	shalt  }
.Lfunc_end0:
.L_simem_size_0:
called_computation_lowered:
.L_overlay_start_0:
0x88: {  	s2 =	sld [smem:$0x3FD9]  }
0x89: {  	s3 =	sld [smem:$0x3FFE];
	_ =	sdelay $0x1  }
0x8a: {  	s1 =	srdreg.scid  }
0x8b: {  	s0 =	sand.u32 $0x1, s1  }
0x8c: {  	s16 =	sshll.u32 s0, $0xA;
	s2 =	sadd.s32 s3, s2  }
0x8d: {  	s2 =	sadd.s32 s2, s16  }
0x8e: {  	[smem:$0x3FC2] =	sst s2  }
0x8f: {  	_ = 	snop  }
0x90: {  	(tm) =	ssettm $0x1  }
0x91: {  	s17 =	sld [smem:$0x3FFB];
	_ =	sdelay $0x3  }
0x92: {  	_ =	strace s17  }
0x93: {  	s2 =	sld [smem:$0x3FFC];
	_ =	sdelay $0x3  }
0x94: {  	_ =	strace s2  }
0x95: {  	s2 =	sld [smem:$0x3FFD];
	_ =	sdelay $0x3  }
0x96: {  	_ =	strace s2  }
0x97: {  	_ =	strace $0x8FFFFFFF  }
0x98: {  	s18 =	sld [smem:$0x3FDB];
	_ =	sdelay $0x1  }
0x99: {  	s19 =	simm.s32 $_scs_section_size  }
0x9a: {  	s4 =	simm.s32 $_size__tile_overlayer_lowered;
	s5 =	simm.s32 $_tile_overlayer_lowered  }
0x9b: {  	s22 =	simm.s32 $0x1BFF;
	s21 =	sshll.u32 s5, $0x1;
	s2 =	sadd.s32 s19, s18  }
0x9c: {  	s6 =	simm.s32 $0x0;
	s20 =	sshll.u32 s4, $0x1;
	s4 =	sadd.s32 s21, s2  }
0x9d: {  	[timem:s6], [sflag:s22] =	dma.local [hbm:s4], s20  }
0x9e: {  	_ =	swait.ge [sflag:s22], s20  }
0x9f: {  	s3 =	ssub.s32 $0x0, s20;
	[sflag:s22] =	ssyncset.done $0x0  }
0xa0: {  	[sflag:s22] =	ssyncadd.s32 s3;
	_ =	sdelay $0x1  }
0xa1: {  	s23 =	simm.s32 $0x1B8B  }
0xa2: {  	_ =	swait.ge [sflag:s23], $0x1  }
0xa3: {  	[sflag:s23] =	ssyncset.done $0x0  }
0xa4: {  	s25 =	simm.s32 $0x1B8E;
	s24 =	sld [smem:$0x3FFE];
	[sflag:s23] =	ssyncadd.s32 $0xFFFFFFFF  }
0xa5: {  	s26 =	simm.s32 $execute0_lowered;
	[smem:$0x3FD2] =	sst s25  }
0xa6: {  	s4 =	sshll.u32 s26, $0x1;
	_ =	strace $0x80000046;
	[dreg:$0x1] =	wrdreg $0xFFFFFFFF  }
0xa7: {  	s28 =	simm.s32 $_size_execute0_lowered;
	s2 =	sadd.s32 s2, s4;
	[dreg:$0x0] =	wrdreg $0x0  }
0xa8: {  	s4 =	sshll.u32 s28, $0x1;
	[dreg:$0x2] =	wrdreg s2  }
0xa9: {  	[dreg:$0x3] =	wrdreg s4  }
0xaa: {  	[dreg:$0x4] =	wrdreg $0xC0  }
0xab: {  	_ =	task [dreg:s6], $0x5FFFF  }
0xac: {  	[dreg:$0x1] =	wrdreg $0xFFFFFFFF  }
0xad: {  	[dreg:$0x0] =	wrdreg $0x60  }
0xae: {  	[dreg:$0x2] =	wrdreg s24  }
0xaf: {  	[dreg:$0x3] =	wrdreg $0x82000  }
0xb0: {  	[dreg:$0x4] =	wrdreg $0x9  }
0xb1: {  	_ =	task.clear_ibuf [dreg:s6], $0x5FFFF;
	_ =	strace $0x90000046  }
0xb2: {  	s29 =	simm.s32 $0x9;
	_ =	strace $0x80000048  }
0xb3: {  	_ =	swait.ge [sflag:s29], $0x1  }
0xb4: {  	[sflag:s29] =	ssyncadd.s32 $0xFFFFFFFF  }
0xb5: {  	_ =	strace $0x90000048  }
0xb6: {  	_ =	sfence  }
0xb7: {  	s30 =	sld [smem:$0x0];
	_ =	sdelay $0x2  }
0xb8: {  	s31 =	sshll.u32 s1, $0xD;
	s1 =	sshrl.u32 s1, $0x2  }
0xb9: {  	s3 =	sand.u32 $0x4000, s31;
	s1 =	sadd.s32 s1, s30  }
0xba: {  	s0 =	sor.u32 s3, s0;
	s1 =	sshll.u32 s1, $0x11  }
0xbb: {  	s0 =	sor.u32 s1, s0  }
0xbc: {  	s0 =	sadd.s32 $0x8F2B, s0  }
0xbd: {  	[sflag:s0] =	ssyncadd.remote.s32 $0x1  }
0xbe: {  	_ =	sfence.sel $0xFFFF  }
0xbf: {  	[dreg:$0x0] =	wrdreg $0xFFFFFFFF;
	(pc) =	sbr.abs _section_cstart, $3  }
0xc0: {  	[dreg:$0x1] =	wrdreg $0xFFFFFFFF  }
0xc1: {  	_ =	task.clear_ibuf [dreg:s6], $0x2FFFF;
	_ =	strace $0x9FFFFFFF  }
0xc2: {  	(tm) =	ssettm $0x7FFFFFFF  }
0xc3: {  	_ =	shalt  }
tec
execute0_lowered:
.L_overlay_start_1:
0x0: {  	(tag) =	ssettag $0x1  }
0x1: {  	s0 =	rddreg [dreg:$0x0];
	s7 =	stileid.u32  }
0x2: {  	s1 =	rddreg [dreg:$0x1];
	s5 =	simm.s32 $0x0;
	s2 =	smul.u32 $0x5F, s7  }
0x3: {  	s3 =	srdreg.scid;
	s30 =	simm.s32 $0x7800;
	s4 =	smul.u32 $0x3F, s7  }
0x4: {  	s31 =	simm.s32 $0x7A80;
	s23 =	sand.u32 $0x1, s3;
	s24 =	smul.u32 $0x280, s7  }
0x5: {  	[smem:$0x7FF] =	sst s5;
	s7 =	smul.u32 $0xA000, s7;
	p0 =	seq.s32 s23, $0x0  }
0x6: {  	s25 =	smul.u32 $0x2800, s23;
	_ =	strace $0x80000047;
	s28 =	ssub.s32 $0x2, s23  }
0x7: {  	s3 =	sadd.s32 $0x5F0, s4;
	s6 =	sshrl.u32 s28, $0x1;
	s29 =	sshrl.u32 s7, $0x2  }
0x8: {  	s4 =	sadd.s32 s24, s1;
	s3 =	smov.u32 @p0 s2;
	s26 =	sadd.s32 s24, s25  }
0x9: {  	s22 =	ssub.s32 s28, s6;
	s5 =	sadd.s32 s29, s1;
	s6 =	sadd.s32 $0x2800, s4  }
0xa: {  	s7 =	sadd.s32 $0x5000, s4;
	s8 =	sadd.s32 $0x7800, s4;
	s9 =	sadd.s32 $0xA000, s4  }
0xb: {  	s10 =	sadd.s32 $0xC800, s4;
	s11 =	sadd.s32 $0xF000, s4;
	s12 =	sadd.s32 $0x11800, s4  }
0xc: {  	s13 =	sadd.s32 $0x14000, s4;
	s14 =	sadd.s32 $0x16800, s4;
	s15 =	sadd.s32 $0x19000, s4  }
0xd: {  	s16 =	sadd.s32 $0x1B800, s4;
	s17 =	sadd.s32 $0x1E000, s4;
	s18 =	sadd.s32 $0x20800, s4  }
0xe: {  	s19 =	sadd.s32 $0x23000, s4;
	s20 =	sadd.s32 $0x25800, s4;
	p0 =	sne.s32 s23, $0x0  }
0xf: {  	s23 =	simm.s32 $0x1;
	s24 =	simm.s32 $0x2F80;
	s2 =	sshll.u32 s3, $0x4  }
0x10: {  	s1 =	simm.s32 $0x7F80;
	s3 =	sshrl.u32 s26, $0x3;
	s2 =	sadd.s32 s2, s0  }
0x11: {  	s22 =	smax.u32 s22, $0x1;
	s0 =	sadd.s32 s3, s0;
	s3 =	sadd.s32 $0xC00, s2  }
0x12: {  	v0 =	vimm.f32 $0.0e+00;
	v1 =	vimm.f32 $1.000000000e+00;
	s21 =	sadd.s32 $0xAA00, s0;
	s0 =	simm.s32 $0x7D00;
	s2 =	simm.s32 $0x0  }
.LBB2_1:
0x13: {  	s25 =	simm.s32 $0x40;
	s26 =	simm.s32 $0x0  }
.LBB2_2:
0x14: {  	p1 =	sne.s32 s25, $0x9FC0;
	[tilespmem:s26+$0x2F80] =	vst v0;
	s26 =	smov.u32 s25;
	s25 =	sadd.s32 $0x40, s25  }
.Ltmp0:
0x15: {  	(pc) =	sbr.rel @p1 .LBB2_2-.Ltmp0, $2  }
0x16: {  	_ =	sdelay $0x2  }
0x17: {  	s26 =	sshra.s32 s26, $0x2  }
.Ltmp1:
0x18: {  	[tilespmem:s26+$0x2F80] =	vst v0;
	s25 =	simm.s32 $0x0;
	(pc) =	sbr.rel @p0 .LBB2_5-.Ltmp1, $4  }
0x19: {  	[tilespmem:s25], [sflag:$0x1] =	stream.linear.gather [hbm4b:s3+s25], $0x2F80, $0x38;
	[tilespmem:$0xAA00] =	vst v63  }
0x1a: {  	_ =	swait.ge [sflag:s23], $0x2F80  }
0x1b: {  	[sflag:s23] =	ssyncset.done $0x0  }
0x1c: {  	[sflag:s23] =	ssyncadd.s32 $0xFFFFD080  }
.LBB2_4:
0x1d: {  	s26 =	sshra.s32 s25, $0x2  }
0x1e: {  	v2 =	vld [tilespmem:s26+$0x0];
	_ =	sdelay $0x7  }
0x1f: {  	[tilespmem:v2+s24+$0x0] =	vst.idx.add.f32.msk $0xffff, v1  }
0x20: {  	v2 =	vld [tilespmem:s26+$0x10];
	_ =	sdelay $0x7  }
0x21: {  	[tilespmem:v2+s24+$0x0] =	vst.idx.add.f32.msk $0xffff, v1  }
0x22: {  	v2 =	vld [tilespmem:s26+$0x20];
	_ =	sdelay $0x7  }
0x23: {  	[tilespmem:v2+s24+$0x0] =	vst.idx.add.f32.msk $0xffff, v1  }
0x24: {  	v2 =	vld [tilespmem:s26+$0x30];
	_ =	sdelay $0x7  }
0x25: {  	[tilespmem:v2+s24+$0x0] =	vst.idx.add.f32.msk $0xffff, v1  }
0x26: {  	v2 =	vld [tilespmem:s26+$0x40];
	_ =	sdelay $0x7  }
0x27: {  	[tilespmem:v2+s24+$0x0] =	vst.idx.add.f32.msk $0xffff, v1  }
0x28: {  	v2 =	vld [tilespmem:s26+$0x50];
	_ =	sdelay $0x7  }
0x29: {  	[tilespmem:v2+s24+$0x0] =	vst.idx.add.f32.msk $0xffff, v1  }
0x2a: {  	v2 =	vld [tilespmem:s26+$0x60];
	_ =	sdelay $0x7  }
0x2b: {  	[tilespmem:v2+s24+$0x0] =	vst.idx.add.f32.msk $0xffff, v1  }
0x2c: {  	v2 =	vld [tilespmem:s26+$0x70];
	_ =	sdelay $0x2  }
0x2d: {  	p1 =	seq.s32 s25, $0xBC00  }
.Ltmp2:
0x2e: {  	_ = 	snop;
	(pc) =	sbr.rel @!p1 .LBB2_4-.Ltmp2, $2  }
0x2f: {  	_ =	sdelay $0x2  }
0x30: {  	s25 =	sadd.s32 $0x200, s25;
	[tilespmem:v2+s24+$0x0] =	vst.idx.add.f32.msk $0xffff, v1  }
.Ltmp3:
0x31: {  	_ = 	snop;
	(pc) =	sbr.rel .LBB2_6-.Ltmp3, $1  }
0x32: {  	_ =	sdelay $0x3  }
.LBB2_5:
0x33: {  	s26 =	sshra.s32 s25, $0x2  }
0x34: {  	v2 =	vld [tilespmem:s26+$0x0];
	_ =	sdelay $0x7  }
0x35: {  	[tilespmem:v2+s24+$0x0] =	vst.idx.add.f32.msk $0xffff, v1  }
0x36: {  	v2 =	vld [tilespmem:s26+$0x10];
	_ =	sdelay $0x7  }
0x37: {  	[tilespmem:v2+s24+$0x0] =	vst.idx.add.f32.msk $0xffff, v1  }
0x38: {  	v2 =	vld [tilespmem:s26+$0x20];
	_ =	sdelay $0x7  }
0x39: {  	[tilespmem:v2+s24+$0x0] =	vst.idx.add.f32.msk $0xffff, v1  }
0x3a: {  	v2 =	vld [tilespmem:s26+$0x30];
	_ =	sdelay $0x7  }
0x3b: {  	[tilespmem:v2+s24+$0x0] =	vst.idx.add.f32.msk $0xffff, v1  }
0x3c: {  	v2 =	vld [tilespmem:s26+$0x40];
	_ =	sdelay $0x7  }
0x3d: {  	[tilespmem:v2+s24+$0x0] =	vst.idx.add.f32.msk $0xffff, v1  }
0x3e: {  	v2 =	vld [tilespmem:s26+$0x50];
	_ =	sdelay $0x7  }
0x3f: {  	[tilespmem:v2+s24+$0x0] =	vst.idx.add.f32.msk $0xffff, v1  }
0x40: {  	v2 =	vld [tilespmem:s26+$0x60];
	_ =	sdelay $0x7  }
0x41: {  	[tilespmem:v2+s24+$0x0] =	vst.idx.add.f32.msk $0xffff, v1  }
0x42: {  	v2 =	vld [tilespmem:s26+$0x70];
	_ =	sdelay $0x2  }
0x43: {  	p1 =	sne.s32 s25, $0x7C00  }
.Ltmp4:
0x44: {  	_ = 	snop;
	(pc) =	sbr.rel @p1 .LBB2_5-.Ltmp4, $2  }
0x45: {  	_ =	sdelay $0x2  }
0x46: {  	s25 =	sadd.s32 $0x200, s25;
	[tilespmem:v2+s24+$0x0] =	vst.idx.add.f32.msk $0xffff, v1  }
.LBB2_6:
0x47: {  	[spmem:s5] =	stream.linear.scatter [tilespmem:s24], [sflag:$0x1], $0x2800, $0x38;
	[tilespmem:$0xAA00] =	vst v63  }
0x48: {  	_ =	swait.ge [sflag:s23], $0x2800  }
0x49: {  	[sflag:s23] =	ssyncset.done $0x0  }
0x4a: {  	[sflag:s23] =	ssyncadd.s32 $0xFFFFD800  }
0x4b: {  	s25 =	simm.s32 $0x5780;
	[bflag:$0x0] =	sbarrier.arrive $0xFFFF  }
0x4c: {  	[tilespmem:s25], [sflag:$0x1] =	stream.linear.gather [spmem:s4], $0x280, $0x38;
	[tilespmem:$0xAA00] =	vst v63  }
0x4d: {  	_ =	swait.ge [sflag:s23], $0x280  }
0x4e: {  	[sflag:s23] =	ssyncset.done $0x0  }
0x4f: {  	s26 =	simm.s32 $0x5A00;
	[sflag:s23] =	ssyncadd.s32 $0xFFFFFD80  }
0x50: {  	[tilespmem:s26], [sflag:$0x1] =	stream.linear.gather [spmem:s6], $0x280, $0x38;
	[tilespmem:$0xAA00] =	vst v63  }
0x51: {  	_ =	swait.ge [sflag:s23], $0x280  }
0x52: {  	[sflag:s23] =	ssyncset.done $0x0  }
0x53: {  	s26 =	simm.s32 $0x5C80;
	[sflag:s23] =	ssyncadd.s32 $0xFFFFFD80  }
0x54: {  	[tilespmem:s26], [sflag:$0x1] =	stream.linear.gather [spmem:s7], $0x280, $0x38;
	[tilespmem:$0xAA00] =	vst v63  }
0x55: {  	_ =	swait.ge [sflag:s23], $0x280  }
0x56: {  	[sflag:s23] =	ssyncset.done $0x0  }
0x57: {  	s26 =	simm.s32 $0x5F00;
	[sflag:s23] =	ssyncadd.s32 $0xFFFFFD80  }
0x58: {  	[tilespmem:s26], [sflag:$0x1] =	stream.linear.gather [spmem:s8], $0x280, $0x38;
	[tilespmem:$0xAA00] =	vst v63  }
0x59: {  	_ =	swait.ge [sflag:s23], $0x280  }
0x5a: {  	[sflag:s23] =	ssyncset.done $0x0  }
0x5b: {  	s26 =	simm.s32 $0x6180;
	[sflag:s23] =	ssyncadd.s32 $0xFFFFFD80  }
0x5c: {  	[tilespmem:s26], [sflag:$0x1] =	stream.linear.gather [spmem:s9], $0x280, $0x38;
	[tilespmem:$0xAA00] =	vst v63  }
0x5d: {  	_ =	swait.ge [sflag:s23], $0x280  }
0x5e: {  	[sflag:s23] =	ssyncset.done $0x0  }
0x5f: {  	s26 =	simm.s32 $0x6400;
	[sflag:s23] =	ssyncadd.s32 $0xFFFFFD80  }
0x60: {  	[tilespmem:s26], [sflag:$0x1] =	stream.linear.gather [spmem:s10], $0x280, $0x38;
	[tilespmem:$0xAA00] =	vst v63  }
0x61: {  	_ =	swait.ge [sflag:s23], $0x280  }
0x62: {  	[sflag:s23] =	ssyncset.done $0x0  }
0x63: {  	s26 =	simm.s32 $0x6680;
	[sflag:s23] =	ssyncadd.s32 $0xFFFFFD80  }
0x64: {  	[tilespmem:s26], [sflag:$0x1] =	stream.linear.gather [spmem:s11], $0x280, $0x38;
	[tilespmem:$0xAA00] =	vst v63  }
0x65: {  	_ =	swait.ge [sflag:s23], $0x280  }
0x66: {  	[sflag:s23] =	ssyncset.done $0x0  }
0x67: {  	s26 =	simm.s32 $0x6900;
	[sflag:s23] =	ssyncadd.s32 $0xFFFFFD80  }
0x68: {  	[tilespmem:s26], [sflag:$0x1] =	stream.linear.gather [spmem:s12], $0x280, $0x38;
	[tilespmem:$0xAA00] =	vst v63  }
0x69: {  	_ =	swait.ge [sflag:s23], $0x280  }
0x6a: {  	[sflag:s23] =	ssyncset.done $0x0  }
0x6b: {  	s26 =	simm.s32 $0x6B80;
	[sflag:s23] =	ssyncadd.s32 $0xFFFFFD80  }
0x6c: {  	[tilespmem:s26], [sflag:$0x1] =	stream.linear.gather [spmem:s13], $0x280, $0x38;
	[tilespmem:$0xAA00] =	vst v63  }
0x6d: {  	_ =	swait.ge [sflag:s23], $0x280  }
0x6e: {  	[sflag:s23] =	ssyncset.done $0x0  }
0x6f: {  	s26 =	simm.s32 $0x6E00;
	[sflag:s23] =	ssyncadd.s32 $0xFFFFFD80  }
0x70: {  	[tilespmem:s26], [sflag:$0x1] =	stream.linear.gather [spmem:s14], $0x280, $0x38;
	[tilespmem:$0xAA00] =	vst v63  }
0x71: {  	_ =	swait.ge [sflag:s23], $0x280  }
0x72: {  	[sflag:s23] =	ssyncset.done $0x0  }
0x73: {  	s26 =	simm.s32 $0x7080;
	[sflag:s23] =	ssyncadd.s32 $0xFFFFFD80  }
0x74: {  	[tilespmem:s26], [sflag:$0x1] =	stream.linear.gather [spmem:s15], $0x280, $0x38;
	[tilespmem:$0xAA00] =	vst v63  }
0x75: {  	_ =	swait.ge [sflag:s23], $0x280  }
0x76: {  	[sflag:s23] =	ssyncset.done $0x0  }
0x77: {  	s26 =	simm.s32 $0x7300;
	[sflag:s23] =	ssyncadd.s32 $0xFFFFFD80  }
0x78: {  	[tilespmem:s26], [sflag:$0x1] =	stream.linear.gather [spmem:s16], $0x280, $0x38;
	[tilespmem:$0xAA00] =	vst v63  }
0x79: {  	_ =	swait.ge [sflag:s23], $0x280  }
0x7a: {  	[sflag:s23] =	ssyncset.done $0x0  }
0x7b: {  	s26 =	simm.s32 $0x7580;
	[sflag:s23] =	ssyncadd.s32 $0xFFFFFD80  }
0x7c: {  	[tilespmem:s26], [sflag:$0x1] =	stream.linear.gather [spmem:s17], $0x280, $0x38;
	[tilespmem:$0xAA00] =	vst v63  }
0x7d: {  	_ =	swait.ge [sflag:s23], $0x280  }
0x7e: {  	[sflag:s23] =	ssyncset.done $0x0  }
0x7f: {  	[sflag:s23] =	ssyncadd.s32 $0xFFFFFD80  }
0x80: {  	[tilespmem:s30], [sflag:$0x1] =	stream.linear.gather [spmem:s18], $0x280, $0x38;
	[tilespmem:$0xAA00] =	vst v63  }
0x81: {  	_ =	swait.ge [sflag:s23], $0x280  }
0x82: {  	[sflag:s23] =	ssyncset.done $0x0  }
0x83: {  	[sflag:s23] =	ssyncadd.s32 $0xFFFFFD80  }
0x84: {  	[tilespmem:s31], [sflag:$0x1] =	stream.linear.gather [spmem:s19], $0x280, $0x38;
	[tilespmem:$0xAA00] =	vst v63  }
0x85: {  	_ =	swait.ge [sflag:s23], $0x280  }
0x86: {  	[sflag:s23] =	ssyncset.done $0x0  }
0x87: {  	[sflag:s23] =	ssyncadd.s32 $0xFFFFFD80  }
0x88: {  	[tilespmem:s0], [sflag:$0x1] =	stream.linear.gather [spmem:s20], $0x280, $0x38;
	[tilespmem:$0xAA00] =	vst v63  }
0x89: {  	_ =	swait.ge [sflag:s23], $0x280  }
0x8a: {  	[sflag:s23] =	ssyncset.done $0x0  }
0x8b: {  	s26 =	simm.s32 $0x0;
	[sflag:s23] =	ssyncadd.s32 $0xFFFFFD80  }
0x8c: {  	v2 =	vld [tilespmem:s26+$0x5780]  }
0x8d: {  	v3 =	vld [tilespmem:s26+$0x5A00];
	_ =	sdelay $0x1  }
0x8e: {  	v4 =	vld [tilespmem:s26+$0x5C80];
	_ =	sdelay $0x1  }
0x8f: {  	v5 =	vld [tilespmem:s26+$0x5F00]  }
0x90: {  	v2 =	vadd.f32 v3, v2  }
0x91: {  	v3 =	vld [tilespmem:s26+$0x6180]  }
0x92: {  	v2 =	vadd.f32 v4, v2  }
0x93: {  	v4 =	vld [tilespmem:s26+$0x6400]  }
0x94: {  	v2 =	vadd.f32 v5, v2  }
0x95: {  	v5 =	vld [tilespmem:s26+$0x6680]  }
0x96: {  	v2 =	vadd.f32 v3, v2  }
0x97: {  	v3 =	vld [tilespmem:s26+$0x6900]  }
0x98: {  	s25 =	simm.s32 $0x10;
	v6 =	vld [tilespmem:s26+$0x6B80];
	v2 =	vadd.f32 v4, v2  }
0x99: {  	v7 =	vld [tilespmem:s25+$0x5780]  }
0x9a: {  	v4 =	vld [tilespmem:s26+$0x6E00];
	v2 =	vadd.f32 v5, v2  }
0x9b: {  	v5 =	vld [tilespmem:s25+$0x5A00]  }
0x9c: {  	v8 =	vld [tilespmem:s25+$0x5C80];
	v2 =	vadd.f32 v3, v2  }
0x9d: {  	v3 =	vld [tilespmem:s26+$0x7080]  }
0x9e: {  	v9 =	vld [tilespmem:s25+$0x5F00];
	v2 =	vadd.f32 v6, v2  }
0x9f: {  	v6 =	vld [tilespmem:s26+$0x7300]  }
0xa0: {  	v5 =	vadd.f32 v5, v7;
	v7 =	vld [tilespmem:s25+$0x6180];
	v2 =	vadd.f32 v4, v2  }
0xa1: {  	v4 =	vld [tilespmem:s26+$0x7580]  }
0xa2: {  	v5 =	vadd.f32 v8, v5;
	v8 =	vld [tilespmem:s25+$0x6400];
	v2 =	vadd.f32 v3, v2  }
0xa3: {  	v3 =	vld [tilespmem:s26+$0x7800]  }
0xa4: {  	v10 =	vld [tilespmem:s25+$0x6680];
	v5 =	vadd.f32 v9, v5;
	v2 =	vadd.f32 v6, v2  }
0xa5: {  	v9 =	vld [tilespmem:s26+$0x7A80]  }
0xa6: {  	v6 =	vadd.f32 v7, v5;
	v5 =	vld [tilespmem:s25+$0x6900];
	v7 =	vadd.f32 v4, v2  }
0xa7: {  	v4 =	vld [tilespmem:s26+$0x7D00]  }
0xa8: {  	v2 =	vld [tilespmem:s25+$0x6E00];
	v8 =	vadd.f32 v8, v6;
	v11 =	vadd.f32 v3, v7  }
0xa9: {  	s28 =	simm.s32 $0x20;
	v6 =	vld [tilespmem:s25+$0x6B80]  }
0xaa: {  	s29 =	simm.s32 $0xC0;
	v3 =	vld [tilespmem:s28+$0x5780];
	v7 =	vadd.f32 v10, v8;
	v8 =	vadd.f32 v9, v11  }
.LBB2_7:
0xab: {  	p1 =	sne.s32 s29, $0x9C0;
	v9 =	vld [tilespmem:s28+$0x5A00]  }
0xac: {  	v5 =	vadd.f32 v5, v7;
	v7 =	vld [tilespmem:s25+$0x7080];
	v4 =	vadd.f32 v4, v8  }
0xad: {  	v8 =	vld [tilespmem:s28+$0x5C80]  }
0xae: {  	v5 =	vadd.f32 v6, v5;
	v6 =	vld [tilespmem:s25+$0x7300];
	[tilespmem:s26+$0x7F80] =	vst v4;
	s26 =	smov.u32 s25;
	s25 =	smov.u32 s28  }
0xaf: {  	v4 =	vld [tilespmem:s25+$0x5F00]  }
0xb0: {  	v3 =	vadd.f32 v9, v3;
	v2 =	vadd.f32 v2, v5;
	v5 =	vld [tilespmem:s26+$0x7580]  }
0xb1: {  	v9 =	vld [tilespmem:s25+$0x6180]  }
0xb2: {  	v3 =	vadd.f32 v8, v3;
	v2 =	vadd.f32 v7, v2;
	v7 =	vld [tilespmem:s26+$0x7800]  }
0xb3: {  	v8 =	vld [tilespmem:s25+$0x6400]  }
0xb4: {  	v3 =	vadd.f32 v4, v3;
	v2 =	vadd.f32 v6, v2;
	v10 =	vld [tilespmem:s26+$0x7A80]  }
0xb5: {  	v11 =	vld [tilespmem:s25+$0x6680]  }
.Ltmp5:
0xb6: {  	v3 =	vadd.f32 v9, v3;
	v6 =	vadd.f32 v5, v2;
	v4 =	vld [tilespmem:s26+$0x7D00];
	(pc) =	sbr.rel @p1 .LBB2_7-.Ltmp5, $4  }
0xb7: {  	v5 =	vld [tilespmem:s25+$0x6900]  }
0xb8: {  	v8 =	vadd.f32 v8, v3;
	v2 =	vld [tilespmem:s25+$0x6E00];
	v9 =	vadd.f32 v7, v6  }
0xb9: {  	s28 =	sshra.s32 s29, $0x2;
	v6 =	vld [tilespmem:s25+$0x6B80]  }
0xba: {  	s29 =	sadd.s32 $0x40, s29;
	v3 =	vld [tilespmem:s28+$0x5780];
	v7 =	vadd.f32 v11, v8;
	v8 =	vadd.f32 v10, v9  }
0xbb: {  	v9 =	vld [tilespmem:s28+$0x5A00]  }
0xbc: {  	v10 =	vld [tilespmem:s25+$0x7080];
	v4 =	vadd.f32 v4, v8  }
0xbd: {  	v49 =	vld [tilespmem:s28+$0x5C80]  }
0xbe: {  	v11 =	vld [tilespmem:s25+$0x7300];
	v5 =	vadd.f32 v5, v7;
	[tilespmem:s26+$0x7F80] =	vst v4  }
0xbf: {  	v4 =	vld [tilespmem:s28+$0x5F00]  }
0xc0: {  	v5 =	vadd.f32 v6, v5;
	v3 =	vadd.f32 v9, v3  }
0xc1: {  	v50 =	vld [tilespmem:s28+$0x6180]  }
0xc2: {  	v51 =	vld [tilespmem:s25+$0x7580];
	v2 =	vadd.f32 v2, v5;
	v3 =	vadd.f32 v49, v3  }
0xc3: {  	v52 =	vld [tilespmem:s28+$0x6400]  }
0xc4: {  	v53 =	vld [tilespmem:s25+$0x7800];
	v2 =	vadd.f32 v10, v2;
	v3 =	vadd.f32 v4, v3  }
0xc5: {  	v54 =	vld [tilespmem:s28+$0x6680]  }
0xc6: {  	v55 =	vld [tilespmem:s25+$0x7A80];
	v2 =	vadd.f32 v11, v2;
	v3 =	vadd.f32 v50, v3  }
0xc7: {  	v56 =	vld [tilespmem:s28+$0x6900]  }
0xc8: {  	v57 =	vld [tilespmem:s25+$0x7D00];
	v2 =	vadd.f32 v51, v2;
	v3 =	vadd.f32 v52, v3  }
0xc9: {  	v58 =	vld [tilespmem:s28+$0x6B80]  }
0xca: {  	v2 =	vadd.f32 v53, v2;
	v3 =	vadd.f32 v54, v3  }
0xcb: {  	v59 =	vld [tilespmem:s28+$0x6E00]  }
0xcc: {  	v2 =	vadd.f32 v55, v2;
	v3 =	vadd.f32 v56, v3  }
0xcd: {  	v60 =	vld [tilespmem:s28+$0x7080]  }
0xce: {  	v2 =	vadd.f32 v57, v2;
	v3 =	vadd.f32 v58, v3  }
0xcf: {  	v61 =	vld [tilespmem:s28+$0x7300]  }
0xd0: {  	[tilespmem:s25+$0x7F80] =	vst v2;
	v2 =	vadd.f32 v59, v3  }
0xd1: {  	v3 =	vld [tilespmem:s28+$0x7580]  }
0xd2: {  	v2 =	vadd.f32 v60, v2  }
0xd3: {  	v62 =	vld [tilespmem:s28+$0x7800]  }
0xd4: {  	v2 =	vadd.f32 v61, v2  }
0xd5: {  	v63 =	vld [tilespmem:s28+$0x7A80]  }
0xd6: {  	v2 =	vadd.f32 v3, v2  }
0xd7: {  	v3 =	vld [tilespmem:s28+$0x7D00]  }
0xd8: {  	v2 =	vadd.f32 v62, v2;
	_ =	sdelay $0x1  }
0xd9: {  	v2 =	vadd.f32 v63, v2;
	_ =	sdelay $0x1  }
0xda: {  	s2 =	sadd.s32 $0x1, s2;
	v2 =	vadd.f32 v3, v2  }
0xdb: {  	p1 =	sne.s32 s2, s22  }
.Ltmp6:
0xdc: {  	s29 =	simm.s32 $0x0;
	[tilespmem:s28+$0x7F80] =	vst v2;
	(pc) =	sbr.rel @p1 .LBB2_1-.Ltmp6, $4  }
0xdd: {  	[hbm4b:s21+s29] =	stream.linear.scatter [tilespmem:s1], [sflag:$0x1], $0x280, $0x38;
	[tilespmem:$0xAA00] =	vst v63  }
0xde: {  	_ =	swait.ge [sflag:s23], $0x280  }
0xdf: {  	[sflag:s23] =	ssyncset.done $0x0  }
0xe0: {  	[sflag:s23] =	ssyncadd.s32 $0xFFFFFD80  }
0xe1: {  	_ =	sfence.sel $0x180000  }
0xe2: {  	[bflag:$0x0] =	sbarrier.arrive $0xFFFF  }
0xe3: {  	_ =	strace $0x90000047  }
0xe4: {  	s0 =	stileid.u32;
	[bflag:$0x2] =	sbarrier.arrive $0xFFFF  }
0xe5: {  	p0 =	sne.s32 s0, $0x0;
	s0 =	rddreg [dreg:$0x2]  }
0xe6: {  	s0 =	sadd.s32 @!p0 $0x100000, s0  }
0xe7: {  	[sflag:s0] =	ssyncadd.tile.s32 @!p0 $0x1;
	_ =	shalt  }
.Lfunc_end2:
_tile_overlayer_lowered:
.L_overlay_start_2:
0xe8: {  	(tag) =	ssettag $0x2  }
0xe9: {  	s0 =	rddreg [dreg:$0x0];
	s2 =	stileid.u32  }
0xea: {  	s1 =	rddreg [dreg:$0x1];
	p0 =	sne.s32 s2, $0x0  }
0xeb: {  	s3 =	rddreg [dreg:$0x2];
	[bflag:$0x3] =	sbarrier.arrive $0xFFFF;
	s2 =	simm.s32 @!p0 $0x1C01  }
0xec: {  	[timem:s3], [sflag:s2] =	dma.local @!p0 [hbm:s0], s1  }
0xed: {  	s0 =	simm.s32 @!p0 $0x1  }
0xee: {  	_ =	swait.ge @!p0 [sflag:s0], s1  }
0xef: {  	s1 =	ssub.s32 @!p0 $0x0, s1;
	[sflag:s0] =	ssyncset.done @!p0 $0x0  }
0xf0: {  	[sflag:s0] =	ssyncadd.s32 @!p0 s1  }
0xf1: {  	[bflag:$0x3] =	sbarrier.arrive $0xFFFF  }
0xf2: {  	_ =	shalt  }

</sc_bundles>
